<compile_context>
chip_gen: v7x
topology: tpu7x:2x2x1
jax: 0.10.2.dev20260603
libtpu: 0.0.44.dev20260713+nightly
codegen_flags: <defaults>
</compile_context>

<pallas_src>
import functools

import jax
import jax.numpy as jnp
from jax import lax
from jax.experimental import pallas as pl
from jax.experimental.pallas import tpu as pltpu, tpu_sc as plsc

N = 10000
NP = 10240
E = 320000
D = 128
G = 64
KSEL = N // 2
NCORES = 2
NSUB = 16
NTILES = NCORES * NSUB
EPT = E // NTILES
ECH = 128
NCH = (EPT + ECH - 1) // ECH
EPAD = NCH * ECH
DH = D // 2
EPT2 = E // NSUB
NCH2 = 158
EPAD2 = NCH2 * ECH
RPT = NP // NTILES
INT_MIN = -(2 ** 31)

_mesh = plsc.VectorSubcoreMesh(core_axis_name="c", subcore_axis_name="s")



@functools.partial(
    pl.kernel,
    out_type=jax.ShapeDtypeStruct((NTILES, NP), jnp.float32),
    mesh=_mesh,
    scratch_types=[
        pltpu.VMEM((EPAD,), jnp.int32),
        pltpu.VMEM((NP,), jnp.float32),
    ],
    compiler_params=pltpu.CompilerParams(needs_layout_passes=False),
)
def _sc_deg(dst_hbm, out_hbm, dstv, deg_l):
    c = lax.axis_index("c")
    s = lax.axis_index("s")
    wid = c * NSUB + s
    pltpu.sync_copy(dst_hbm.at[wid], dstv)
    def _zero(i, _):
        deg_l[pl.ds(i * 16, 16)] = jnp.zeros((16,), jnp.float32)
        return 0
    lax.fori_loop(0, NP // 16, _zero, 0)
    ones = jnp.ones((16,), jnp.float32)
    def _grp(g, _):
        ii = dstv[pl.ds(g * 16, 16)]
        plsc.addupdate_scatter(deg_l, [ii], ones)
        return 0
    lax.fori_loop(0, EPAD // 16, _grp, 0)
    pltpu.sync_copy(deg_l, out_hbm.at[wid])


@functools.partial(
    pl.kernel,
    out_type=jax.ShapeDtypeStruct((NCORES, NP, DH), jnp.float32),
    mesh=_mesh,
    scratch_types=[
        pltpu.VMEM((NCH2, ECH), jnp.int32),
        pltpu.VMEM((NCH2, ECH), jnp.int32),
        pltpu.VMEM((ECH, DH), jnp.float32),
        pltpu.VMEM((ECH, DH), jnp.float32),
        pltpu.VMEM_SHARED((NP, DH), jnp.float32),
        pltpu.SemaphoreType.DMA,
        pltpu.SemaphoreType.DMA,
        pltpu.SemaphoreType.DMA,
    ],
    compiler_params=pltpu.CompilerParams(use_tc_tiling_on_sc=False),
)
def _sc_agg(z_hbm, src_hbm, dst_hbm, zero_hbm, out_hbm,
            srcv, dstv, rows0, rows1, agg_sh, sem0, sem1, sem2):
    c = lax.axis_index("c")
    s = lax.axis_index("s")
    zc = z_hbm.at[c]
    a = pltpu.async_copy(src_hbm.at[s], srcv, sem0)
    b = pltpu.async_copy(dst_hbm.at[s], dstv, sem1)
    zi = pltpu.async_copy(
        zero_hbm, agg_sh.at[pl.ds(s * (NP // NSUB), NP // NSUB)], sem2)
    a.wait()
    pltpu.async_copy(zc.at[srcv.at[0]], rows0, sem0)
    b.wait()
    zi.wait()
    plsc.subcore_barrier()
    def _pair(k, _):
        i0 = 2 * k
        pltpu.async_copy(zc.at[srcv.at[i0 + 1]], rows1, sem1)
        pltpu.make_async_copy(zc.at[srcv.at[i0]], rows0, sem0).wait()
        pltpu.sync_copy(rows0, agg_sh.at[dstv.at[i0]], add=True)
        pltpu.async_copy(zc.at[srcv.at[i0 + 2]], rows0, sem0)
        pltpu.make_async_copy(zc.at[srcv.at[i0 + 1]], rows1, sem1).wait()
        pltpu.sync_copy(rows1, agg_sh.at[dstv.at[i0 + 1]], add=True)
        return 0
    lax.fori_loop(0, (NCH2 - 2) // 2, _pair, 0)
    pltpu.make_async_copy(zc.at[srcv.at[NCH2 - 2]], rows0, sem0).wait()
    pltpu.sync_copy(rows0, agg_sh.at[dstv.at[NCH2 - 2]], add=True)
    pltpu.async_copy(zc.at[srcv.at[NCH2 - 1]], rows1, sem1)
    pltpu.make_async_copy(zc.at[srcv.at[NCH2 - 1]], rows1, sem1).wait()
    pltpu.sync_copy(rows1, agg_sh.at[dstv.at[NCH2 - 1]], add=True)
    plsc.subcore_barrier()
    pltpu.sync_copy(
        agg_sh.at[pl.ds(s * (NP // NSUB), NP // NSUB)],
        out_hbm.at[c, pl.ds(s * (NP // NSUB), NP // NSUB)],
    )


@functools.partial(
    pl.kernel,
    out_type=jax.ShapeDtypeStruct((NTILES, G * D), jnp.float32),
    mesh=_mesh,
    scratch_types=[
        pltpu.VMEM((RPT * D,), jnp.float32),
        pltpu.VMEM((RPT,), jnp.int32),
        pltpu.VMEM((G * D,), jnp.float32),
    ],
    compiler_params=pltpu.CompilerParams(needs_layout_passes=False),
)
def _sc_max(xw_hbm, batch_hbm, out_hbm, rowsf, batchv, acc_m):
    c = lax.axis_index("c")
    s = lax.axis_index("s")
    wid = c * NSUB + s
    pltpu.sync_copy(xw_hbm.at[pl.ds(wid * RPT * D, RPT * D)], rowsf)
    pltpu.sync_copy(batch_hbm.at[wid], batchv)
    def _zero(i, _):
        acc_m[pl.ds(i * 16, 16)] = jnp.zeros((16,), jnp.float32)
        return 0
    lax.fori_loop(0, G * D // 16, _zero, 0)
    def _group(g, _):
        bb = batchv[pl.ds(g * 16, 16)]
        for r in range(16):
            base = bb[r] * D
            i = g * 16 + r
            for j in range(D // 16):
                ch = rowsf[pl.ds(i * D + j * 16, 16)]
                idx = base + j * 16 + lax.iota(jnp.int32, 16)
                cur = plsc.load_gather(acc_m, [idx])
                plsc.store_scatter(acc_m, [idx], jnp.maximum(cur, ch))
        return 0
    lax.fori_loop(0, RPT // 16, _group, 0)
    pltpu.sync_copy(acc_m, out_hbm.at[wid])



def _tc_pre(dt_ref, x_ref, rdeg_ref, z_ref):
    deg = jnp.sum(dt_ref[...], axis=1, keepdims=True)
    rdeg = lax.rsqrt(jnp.maximum(deg, 1.0))
    rdeg_ref[...] = rdeg
    z = x_ref[...] * rdeg
    z_ref[0] = z[:, :DH]
    z_ref[1] = z[:, DH:]


def _tc_conv(sp_ref, rdeg_ref, w_ref, b_ref, o_ref, *, scale_out):
    a = jnp.concatenate([sp_ref[0], sp_ref[1]], axis=1) * rdeg_ref[...]
    h = jnp.dot(a, w_ref[...], preferred_element_type=jnp.float32)
    f = jnp.maximum(h + b_ref[...], 0.0)
    if scale_out:
        f = f * rdeg_ref[...]
        o_ref[0] = f[:, :DH]
        o_ref[1] = f[:, DH:]
    else:
        o_ref[...] = f


def _tc_thresh(sp_ref, rdeg_ref, w_ref, b_ref, p_ref, batch_ref,
               xw_ref, sums_ref, cnts_ref):
    a = jnp.concatenate([sp_ref[0], sp_ref[1]], axis=1) * rdeg_ref[...]
    h = jnp.dot(a, w_ref[...], preferred_element_type=jnp.float32)
    f = jnp.maximum(h + b_ref[...], 0.0)
    p = p_ref[...]
    pn = p * lax.rsqrt(jnp.sum(p * p))
    score = jnp.sum(f * pn, axis=1, keepdims=True)
    u = lax.bitcast_convert_type(score, jnp.int32)
    key = jnp.where(u >= 0, u, u ^ jnp.int32(0x7FFFFFFF))
    ridx = lax.broadcasted_iota(jnp.int32, (NP, 1), 0)
    valid = ridx < N
    key = jnp.where(valid, key, jnp.int32(INT_MIN))

    def _bis(_, carry):
        lo, hi = carry
        mid = (lo & hi) + ((lo ^ hi) >> 1)
        cnt = jnp.sum((key >= mid).astype(jnp.int32))
        ge = cnt >= KSEL
        return (jnp.where(ge, mid, lo), jnp.where(ge, hi, mid))

    lo, _ = lax.fori_loop(0, 32, _bis, (jnp.int32(INT_MIN),
                                        jnp.int32(0x7F800000)))
    sel = jnp.logical_and(valid, key >= lo)
    w = jnp.where(sel, jnp.maximum(score, 0.0), 0.0)
    xw = f * w
    xw_ref[...] = xw
    gI = lax.broadcasted_iota(jnp.int32, (G, NP), 0)
    oh = (gI == batch_ref[...]).astype(jnp.float32)
    sums_ref[...] = jnp.dot(oh, xw, preferred_element_type=jnp.float32)
    cnts_ref[...] = jnp.dot(oh, sel.astype(jnp.float32),
                            preferred_element_type=jnp.float32)


def _tc_head(sums_ref, cnts_ref, maxp_ref, w1_ref, b1_ref, w2_ref, b2_ref,
             o_ref):
    m = maxp_ref[0]
    for i in range(1, NTILES):
        m = jnp.maximum(m, maxp_ref[i])
    m = jnp.maximum(m, 0.0)
    cnt = jnp.maximum(cnts_ref[...], 1.0)
    mean = jnp.maximum(sums_ref[...] / cnt, 0.0)
    readout = jnp.concatenate([mean, m], axis=1)
    h = jnp.dot(readout, w1_ref[...], preferred_element_type=jnp.float32)
    h = jnp.maximum(h + b1_ref[...], 0.0)
    o_ref[...] = jnp.dot(h, w2_ref[...],
                         preferred_element_type=jnp.float32) + b2_ref[...]


def _call_pre(degt, x_pad):
    return pl.pallas_call(
        _tc_pre,
        out_shape=(jax.ShapeDtypeStruct((NP, 1), jnp.float32),
                   jax.ShapeDtypeStruct((NCORES, NP, DH), jnp.float32)),
    )(degt, x_pad)


def _call_conv(sp, rdeg, w, b, scale_out):
    out_shape = (jax.ShapeDtypeStruct((NCORES, NP, DH), jnp.float32)
                 if scale_out else jax.ShapeDtypeStruct((NP, D), jnp.float32))
    return pl.pallas_call(
        functools.partial(_tc_conv, scale_out=scale_out),
        out_shape=out_shape,
    )(sp, rdeg, w, b.reshape(1, D))


def _call_thresh(sp, rdeg, w, b, p, batch_row):
    return pl.pallas_call(
        _tc_thresh,
        out_shape=(jax.ShapeDtypeStruct((NP, D), jnp.float32),
                   jax.ShapeDtypeStruct((G, D), jnp.float32),
                   jax.ShapeDtypeStruct((G, 1), jnp.float32)),
    )(sp, rdeg, w, b.reshape(1, D), p.reshape(1, D), batch_row)


def _call_head(sums, cnts, maxp, w1, b1, w2, b2):
    return pl.pallas_call(
        _tc_head,
        out_shape=jax.ShapeDtypeStruct((G, 10), jnp.float32),
    )(sums, cnts, maxp, w1, b1.reshape(1, D), w2, b2.reshape(1, 10))



def kernel(x, edge_index, batch, Wt0, bt0, Wt1, bt1, Wg00, bg00, Wg01, bg01,
           Wg10, bg10, Wg11, bg11, p_score, Wc1, bc1, Wc2, bc2):
    src = edge_index[0].reshape(NSUB, EPT2)
    dst = edge_index[1].reshape(NSUB, EPT2)
    pad_w = EPAD2 - EPT2
    pad_dst = (N + (jnp.arange(NSUB * pad_w, dtype=jnp.int32) % (NP - N))
               ).reshape(NSUB, pad_w)
    pad_src = (jnp.arange(NSUB * pad_w, dtype=jnp.int32) % N
               ).reshape(NSUB, pad_w)
    src_slab = jnp.concatenate([src, pad_src], axis=1).reshape(
        NSUB, NCH2, ECH)
    dst_slab = jnp.concatenate([dst, pad_dst], axis=1).reshape(
        NSUB, NCH2, ECH)
    x_pad = jnp.pad(x, ((0, NP - N), (0, 0)))
    zero_d = jnp.zeros((NP // NSUB, DH), jnp.float32)

    dst_deg = jnp.pad(edge_index[1].reshape(NTILES, EPT),
                      ((0, 0), (0, EPAD - EPT)), constant_values=N)
    degp = _sc_deg(dst_deg)
    rdeg, z = _call_pre(degp.T, x_pad)

    convs = ((Wt0, bt0), (Wt1, bt1), (Wg00, bg00))
    for w, b in convs:
        sp = _sc_agg(z, src_slab, dst_slab, zero_d)
        z = _call_conv(sp, rdeg, w, b, True)
    sp = _sc_agg(z, src_slab, dst_slab, zero_d)

    batch_pad = jnp.pad(batch, (0, NP - N), constant_values=G - 1)
    xw, sums, cnts = _call_thresh(sp, rdeg, Wg01, bg01, p_score,
                                  batch_pad.reshape(1, NP))
    maxp = _sc_max(xw.reshape(NP * D), batch_pad.reshape(NTILES, RPT))
    out = _call_head(sums, cnts, maxp.reshape(NTILES, G, D),
                     Wc1, bc1, Wc2, bc2)
    return out

# --- scband reference (transcript-rebuilt; emitter-appended) ---
"""Pipeline reference for scband-my-model-22754736735004 (READ-ONLY COPY).

The authoritative reference and input builder live on the scoring server;
editing this copy changes nothing except your own understanding.
"""

import jax, jax.numpy as jnp
import numpy as np

N = 10000
E = 320000
D = 128
H = 128
C = 10
G = 64
K = N // 2


def _gcn_conv(x, src, dst, W, b):
    n = x.shape[0]
    deg = jnp.zeros((n,), x.dtype).at[dst].add(1.0)
    deg = jnp.maximum(deg, 1.0)
    norm = jax.lax.rsqrt(deg[src]) * jax.lax.rsqrt(deg[dst])
    agg = jnp.zeros_like(x).at[dst].add(x[src] * norm[:, None])
    return agg @ W + b


def _gcn_block(x, src, dst, layers):
    for i, (W, b) in enumerate(layers):
        x = _gcn_conv(x, src, dst, W, b)
        if i < len(layers) - 1:
            x = jax.nn.relu(x)
    return x


def setup_inputs(seed: int = 0):
    key = jax.random.key(seed)
    ks = jax.random.split(key, 24)
    inp = {}
    inp["x"] = jax.random.normal(ks[0], (N, D), dtype=jnp.float32)
    inp["edge_index"] = jax.random.randint(ks[1], (2, E), 0, N, dtype=jnp.int32)
    inp["batch"] = jnp.sort(jax.random.randint(ks[2], (N,), 0, G, dtype=jnp.int32))

    def w(k, shape):
        return jax.random.normal(k, shape, dtype=jnp.float32) * 0.05

    inp["Wt0"] = w(ks[3], (D, H)); inp["bt0"] = jnp.zeros((H,), jnp.float32)
    inp["Wt1"] = w(ks[4], (H, H)); inp["bt1"] = jnp.zeros((H,), jnp.float32)
    inp["Wg00"] = w(ks[5], (H, H)); inp["bg00"] = jnp.zeros((H,), jnp.float32)
    inp["Wg01"] = w(ks[6], (H, H)); inp["bg01"] = jnp.zeros((H,), jnp.float32)
    inp["Wg10"] = w(ks[7], (H, H)); inp["bg10"] = jnp.zeros((H,), jnp.float32)
    inp["Wg11"] = w(ks[8], (H, H)); inp["bg11"] = jnp.zeros((H,), jnp.float32)
    inp["p_score"] = w(ks[9], (H,))
    inp["Wc1"] = w(ks[10], (2 * H, H)); inp["bc1"] = jnp.zeros((H,), jnp.float32)
    inp["Wc2"] = w(ks[11], (H, C)); inp["bc2"] = jnp.zeros((C,), jnp.float32)
    return inp


def reference(x, edge_index, batch, Wt0, bt0, Wt1, bt1, Wg00, bg00, Wg01, bg01, Wg10, bg10, Wg11, bg11, p_score, Wc1, bc1, Wc2, bc2):
    relu = jax.nn.relu
    src, dst = edge_index[0], edge_index[1]
    # transform GCN (num_layers=2) + activation
    x = relu(_gcn_block(x, src, dst, [(Wt0, bt0), (Wt1, bt1)]))
    # coarse layer 0: GCN block + activation
    x = relu(_gcn_block(x, src, dst, [(Wg00, bg00), (Wg01, bg01)]))
    # Pooling: TopK-style score pooling, ratio 0.5 (static K)
    score = x @ p_score / jnp.linalg.norm(p_score)
    topv, perm = jax.lax.top_k(score, K)
    x_p = x[perm] * relu(topv)[:, None]
    batch_p = batch[perm]
    node_map = jnp.full((N,), K, dtype=jnp.int32).at[perm].set(jnp.arange(K, dtype=jnp.int32))
    ns = node_map[src]
    nd = node_map[dst]
    valid = (ns < K) & (nd < K)
    src2 = jnp.where(valid, ns, K)
    dst2 = jnp.where(valid, nd, K)
    # readout: global mean / max pool over pooled graph, accumulated into zeros
    cnt = jnp.maximum(jnp.zeros((G,), x.dtype).at[batch_p].add(1.0), 1.0)
    mean = jax.ops.segment_sum(x_p, batch_p, num_segments=G) / cnt[:, None]
    mx = jax.ops.segment_max(x_p, batch_p, num_segments=G)
    readout_x = jnp.zeros((G, 2 * H), x.dtype) + jnp.concatenate([relu(mean), relu(mx)], axis=-1)
    # coarse layer 1 on pooled graph (result unused afterwards, mirrors original)
    x_pad = jnp.concatenate([x_p, jnp.zeros((1, H), x.dtype)], axis=0)
    _ = relu(_gcn_block(x_pad, src2, dst2, [(Wg10, bg10), (Wg11, bg11)]))[:K]
    # classifier head (dropout p=0.0 -> identity)
    out = relu(readout_x @ Wc1 + bc1)
    out = out @ Wc2 + bc2
    return out

if __name__ == "__main__":
    import jax
    _d = setup_inputs()
    print(jax.jit(kernel)(*tuple(_d.values())))

</pallas_src>

<mosaic_0001>
#map = affine_map<(d0, d1) -> (0, 0, 0)>
#map1 = affine_map<(d0, d1) -> (0, 0)>
module attributes {stable_mosaic.version = 14 : i64} {
  func.func @_sc_agg(%arg0: i32, %arg1: i32, %arg2: memref<2x10240x64xf32, #tpu.memory_space<hbm>>, %arg3: memref<16x158x128xi32, #tpu.memory_space<hbm>>, %arg4: memref<16x158x128xi32, #tpu.memory_space<hbm>>, %arg5: memref<640x64xf32, #tpu.memory_space<hbm>>, %arg6: memref<2x10240x64xf32, #tpu.memory_space<hbm>>, %arg7: memref<158x128xi32, #tpu.memory_space<vmem>>, %arg8: memref<158x128xi32, #tpu.memory_space<vmem>>, %arg9: memref<128x64xf32, #tpu.memory_space<vmem>>, %arg10: memref<128x64xf32, #tpu.memory_space<vmem>>, %arg11: memref<10240x64xf32, #tpu.memory_space<vmem_shared>>, %arg12: memref<!tpu.dma_semaphore, #tpu.memory_space<semaphore_mem>>, %arg13: memref<!tpu.dma_semaphore, #tpu.memory_space<semaphore_mem>>, %arg14: memref<!tpu.dma_semaphore, #tpu.memory_space<semaphore_mem>>) attributes {dimension_semantics = [#tpu.dimension_semantics<core_parallel>, #tpu.dimension_semantics<subcore_parallel>], iteration_bounds = array<i64: 2, 16>, scalar_prefetch = 0 : i64, scratch_operands = 8 : i64, tpu.core_type = #tpu.core_type<sc_vector_subcore>, window_params = [{transform_indices = #map}, {transform_indices = #map}, {transform_indices = #map}, {transform_indices = #map1}, {transform_indices = #map}]} {
    %dma_start3A = arith.constant 0 : i32
    %dma_start3A_0 = arith.constant 0 : i32
    %dma_start3A_1 = tpu.memref_slice %arg3[%arg1, %dma_start3A, %dma_start3A_0] : memref<16x158x128xi32, #tpu.memory_space<hbm>> -> memref<1x158x128xi32, #tpu.memory_space<hbm>>
    %dma_start3A_2 = tpu.memref_squeeze %dma_start3A_1 : memref<1x158x128xi32, #tpu.memory_space<hbm>> -> memref<158x128xi32, #tpu.memory_space<hbm>>
    %dma_start3A_3 = arith.constant 0 : i32
    %dma_start3A_4 = arith.constant 0 : i32
    %dma_start3A_5 = tpu.memref_slice %arg3[%arg1, %dma_start3A_3, %dma_start3A_4] : memref<16x158x128xi32, #tpu.memory_space<hbm>> -> memref<1x158x128xi32, #tpu.memory_space<hbm>>
    %dma_start3A_6 = tpu.memref_squeeze %dma_start3A_5 : memref<1x158x128xi32, #tpu.memory_space<hbm>> -> memref<158x128xi32, #tpu.memory_space<hbm>>
    tpu.enqueue_dma source(%dma_start3A_6 : memref<158x128xi32, #tpu.memory_space<hbm>>) target(%arg7 : memref<158x128xi32, #tpu.memory_space<vmem>>) target_semaphore(%arg12 : memref<!tpu.dma_semaphore, #tpu.memory_space<semaphore_mem>>)
    %dma_start3A_7 = arith.constant 0 : i32
    %dma_start3A_8 = arith.constant 0 : i32
    %dma_start3A_9 = tpu.memref_slice %arg4[%arg1, %dma_start3A_7, %dma_start3A_8] : memref<16x158x128xi32, #tpu.memory_space<hbm>> -> memref<1x158x128xi32, #tpu.memory_space<hbm>>
    %dma_start3A_10 = tpu.memref_squeeze %dma_start3A_9 : memref<1x158x128xi32, #tpu.memory_space<hbm>> -> memref<158x128xi32, #tpu.memory_space<hbm>>
    %dma_start3A_11 = arith.constant 0 : i32
    %dma_start3A_12 = arith.constant 0 : i32
    %dma_start3A_13 = tpu.memref_slice %arg4[%arg1, %dma_start3A_11, %dma_start3A_12] : memref<16x158x128xi32, #tpu.memory_space<hbm>> -> memref<1x158x128xi32, #tpu.memory_space<hbm>>
    %dma_start3A_14 = tpu.memref_squeeze %dma_start3A_13 : memref<1x158x128xi32, #tpu.memory_space<hbm>> -> memref<158x128xi32, #tpu.memory_space<hbm>>
    tpu.enqueue_dma source(%dma_start3A_14 : memref<158x128xi32, #tpu.memory_space<hbm>>) target(%arg8 : memref<158x128xi32, #tpu.memory_space<vmem>>) target_semaphore(%arg13 : memref<!tpu.dma_semaphore, #tpu.memory_space<semaphore_mem>>)
    %mul3A = arith.constant 640 : i32
    %mul3A_15 = arith.muli %arg1, %mul3A : i32
    %dma_start3A_16 = arith.constant 0 : i32
    %dma_start3A_17 = tpu.memref_slice %arg11[%mul3A_15, %dma_start3A_16] : memref<10240x64xf32, #tpu.memory_space<vmem_shared>> -> memref<640x64xf32, #tpu.memory_space<vmem_shared>>
    tpu.enqueue_dma source(%arg5 : memref<640x64xf32, #tpu.memory_space<hbm>>) target(%dma_start3A_17 : memref<640x64xf32, #tpu.memory_space<vmem_shared>>) target_semaphore(%arg14 : memref<!tpu.dma_semaphore, #tpu.memory_space<semaphore_mem>>)
    %dma_wait3A = arith.constant 0 : i32
    %dma_wait3A_18 = arith.constant 0 : i32
    %dma_wait3A_19 = tpu.memref_slice %arg3[%arg1, %dma_wait3A, %dma_wait3A_18] : memref<16x158x128xi32, #tpu.memory_space<hbm>> -> memref<1x158x128xi32, #tpu.memory_space<hbm>>
    %dma_wait3A_20 = tpu.memref_squeeze %dma_wait3A_19 : memref<1x158x128xi32, #tpu.memory_space<hbm>> -> memref<158x128xi32, #tpu.memory_space<hbm>>
    %dma_wait3A_21 = arith.constant 0 : i32
    %dma_wait3A_22 = arith.constant 0 : i32
    %dma_wait3A_23 = tpu.memref_slice %arg3[%arg1, %dma_wait3A_21, %dma_wait3A_22] : memref<16x158x128xi32, #tpu.memory_space<hbm>> -> memref<1x158x128xi32, #tpu.memory_space<hbm>>
    %dma_wait3A_24 = tpu.memref_squeeze %dma_wait3A_23 : memref<1x158x128xi32, #tpu.memory_space<hbm>> -> memref<158x128xi32, #tpu.memory_space<hbm>>
    tpu.wait_dma2 semaphore(%arg12 : memref<!tpu.dma_semaphore, #tpu.memory_space<semaphore_mem>>) src(%dma_wait3A_24 : memref<158x128xi32, #tpu.memory_space<hbm>>) dst(%arg7 : memref<158x128xi32, #tpu.memory_space<vmem>>)
    %dma_start3A_25 = arith.constant 0 : i32
    %dma_start3A_26 = arith.constant 0 : i32
    %dma_start3A_27 = tpu.memref_slice %arg7[%dma_start3A_25, %dma_start3A_26] : memref<158x128xi32, #tpu.memory_space<vmem>> -> memref<1x128xi32, #tpu.memory_space<vmem>>
    %dma_start3A_28 = tpu.memref_squeeze %dma_start3A_27 : memref<1x128xi32, #tpu.memory_space<vmem>> -> memref<128xi32, #tpu.memory_space<vmem>>
    %dma_start3A_29 = arith.constant 0 : i32
    %dma_start3A_30 = arith.constant 0 : i32
    %dma_start3A_31 = tpu.memref_slice %arg2[%arg0, %dma_start3A_29, %dma_start3A_30] : memref<2x10240x64xf32, #tpu.memory_space<hbm>> -> memref<1x10240x64xf32, #tpu.memory_space<hbm>>
    %dma_start3A_32 = tpu.memref_squeeze %dma_start3A_31 : memref<1x10240x64xf32, #tpu.memory_space<hbm>> -> memref<10240x64xf32, #tpu.memory_space<hbm>>
    %dma_start3A_33 = arith.constant 0 : i32
    %dma_start3A_34 = arith.constant 0 : i32
    %dma_start3A_35 = tpu.memref_slice %dma_start3A_32[%dma_start3A_33, %dma_start3A_34] : memref<10240x64xf32, #tpu.memory_space<hbm>> -> memref<10240x64xf32, #tpu.memory_space<hbm>>
    tpu.enqueue_indirect_dma source(%dma_start3A_35 : memref<10240x64xf32, #tpu.memory_space<hbm>>) target(%arg9 : memref<128x64xf32, #tpu.memory_space<vmem>>) offsets(%dma_start3A_28 : memref<128xi32, #tpu.memory_space<vmem>>) semaphore(%arg12 : memref<!tpu.dma_semaphore, #tpu.memory_space<semaphore_mem>>)
    %dma_wait3A_36 = arith.constant 0 : i32
    %dma_wait3A_37 = arith.constant 0 : i32
    %dma_wait3A_38 = tpu.memref_slice %arg4[%arg1, %dma_wait3A_36, %dma_wait3A_37] : memref<16x158x128xi32, #tpu.memory_space<hbm>> -> memref<1x158x128xi32, #tpu.memory_space<hbm>>
    %dma_wait3A_39 = tpu.memref_squeeze %dma_wait3A_38 : memref<1x158x128xi32, #tpu.memory_space<hbm>> -> memref<158x128xi32, #tpu.memory_space<hbm>>
    %dma_wait3A_40 = arith.constant 0 : i32
    %dma_wait3A_41 = arith.constant 0 : i32
    %dma_wait3A_42 = tpu.memref_slice %arg4[%arg1, %dma_wait3A_40, %dma_wait3A_41] : memref<16x158x128xi32, #tpu.memory_space<hbm>> -> memref<1x158x128xi32, #tpu.memory_space<hbm>>
    %dma_wait3A_43 = tpu.memref_squeeze %dma_wait3A_42 : memref<1x158x128xi32, #tpu.memory_space<hbm>> -> memref<158x128xi32, #tpu.memory_space<hbm>>
    tpu.wait_dma2 semaphore(%arg13 : memref<!tpu.dma_semaphore, #tpu.memory_space<semaphore_mem>>) src(%dma_wait3A_43 : memref<158x128xi32, #tpu.memory_space<hbm>>) dst(%arg8 : memref<158x128xi32, #tpu.memory_space<vmem>>)
    %dma_wait3A_44 = arith.constant 0 : i32
    %dma_wait3A_45 = tpu.memref_slice %arg11[%mul3A_15, %dma_wait3A_44] : memref<10240x64xf32, #tpu.memory_space<vmem_shared>> -> memref<640x64xf32, #tpu.memory_space<vmem_shared>>
    tpu.wait_dma2 semaphore(%arg14 : memref<!tpu.dma_semaphore, #tpu.memory_space<semaphore_mem>>) src(%arg5 : memref<640x64xf32, #tpu.memory_space<hbm>>) dst(%dma_wait3A_45 : memref<640x64xf32, #tpu.memory_space<vmem_shared>>)
    %barrier3A = arith.constant 0 : index
    tpu.barrier barrier_id(%barrier3A)
    %scan3A = arith.constant 0 : i32
    %scan3A_46 = arith.constant 0 : i32
    %scan3A_47 = arith.constant 78 : i32
    %scan3A_48 = arith.addi %scan3A_46, %scan3A_47 : i32
    %scan3A_49 = arith.constant 1 : i32
    %scan3A_50 = scf.for %scan3A_91 = %scan3A_46 to %scan3A_48 step %scan3A_49 iter_args(%scan3A_92 = %scan3A) -> (i32)  : i32 {
      %mul3A_93 = arith.constant 2 : i32
      %mul3A_94 = arith.muli %mul3A_93, %scan3A_91 : i32
      %add3A = arith.constant 1 : i32
      %add3A_95 = arith.addi %mul3A_94, %add3A : i32
      %dma_start3A_96 = arith.constant 0 : i32
      %dma_start3A_97 = tpu.memref_slice %arg7[%add3A_95, %dma_start3A_96] : memref<158x128xi32, #tpu.memory_space<vmem>> -> memref<1x128xi32, #tpu.memory_space<vmem>>
      %dma_start3A_98 = tpu.memref_squeeze %dma_start3A_97 : memref<1x128xi32, #tpu.memory_space<vmem>> -> memref<128xi32, #tpu.memory_space<vmem>>
      %dma_start3A_99 = arith.constant 0 : i32
      %dma_start3A_100 = arith.constant 0 : i32
      %dma_start3A_101 = tpu.memref_slice %arg2[%arg0, %dma_start3A_99, %dma_start3A_100] : memref<2x10240x64xf32, #tpu.memory_space<hbm>> -> memref<1x10240x64xf32, #tpu.memory_space<hbm>>
      %dma_start3A_102 = tpu.memref_squeeze %dma_start3A_101 : memref<1x10240x64xf32, #tpu.memory_space<hbm>> -> memref<10240x64xf32, #tpu.memory_space<hbm>>
      %dma_start3A_103 = arith.constant 0 : i32
      %dma_start3A_104 = arith.constant 0 : i32
      %dma_start3A_105 = tpu.memref_slice %dma_start3A_102[%dma_start3A_103, %dma_start3A_104] : memref<10240x64xf32, #tpu.memory_space<hbm>> -> memref<10240x64xf32, #tpu.memory_space<hbm>>
      tpu.enqueue_indirect_dma source(%dma_start3A_105 : memref<10240x64xf32, #tpu.memory_space<hbm>>) target(%arg10 : memref<128x64xf32, #tpu.memory_space<vmem>>) offsets(%dma_start3A_98 : memref<128xi32, #tpu.memory_space<vmem>>) semaphore(%arg13 : memref<!tpu.dma_semaphore, #tpu.memory_space<semaphore_mem>>)
      %dma_wait3A_106 = arith.constant 0 : i32
      %dma_wait3A_107 = tpu.memref_slice %arg7[%mul3A_94, %dma_wait3A_106] : memref<158x128xi32, #tpu.memory_space<vmem>> -> memref<1x128xi32, #tpu.memory_space<vmem>>
      %dma_wait3A_108 = tpu.memref_squeeze %dma_wait3A_107 : memref<1x128xi32, #tpu.memory_space<vmem>> -> memref<128xi32, #tpu.memory_space<vmem>>
      %dma_wait3A_109 = arith.constant 0 : i32
      %dma_wait3A_110 = arith.constant 0 : i32
      %dma_wait3A_111 = tpu.memref_slice %arg2[%arg0, %dma_wait3A_109, %dma_wait3A_110] : memref<2x10240x64xf32, #tpu.memory_space<hbm>> -> memref<1x10240x64xf32, #tpu.memory_space<hbm>>
      %dma_wait3A_112 = tpu.memref_squeeze %dma_wait3A_111 : memref<1x10240x64xf32, #tpu.memory_space<hbm>> -> memref<10240x64xf32, #tpu.memory_space<hbm>>
      %dma_wait3A_113 = arith.constant 0 : i32
      %dma_wait3A_114 = arith.constant 0 : i32
      %dma_wait3A_115 = tpu.memref_slice %dma_wait3A_112[%dma_wait3A_113, %dma_wait3A_114] : memref<10240x64xf32, #tpu.memory_space<hbm>> -> memref<10240x64xf32, #tpu.memory_space<hbm>>
      tpu.wait_indirect_dma semaphore(%arg12 : memref<!tpu.dma_semaphore, #tpu.memory_space<semaphore_mem>>) src(%dma_wait3A_115 : memref<10240x64xf32, #tpu.memory_space<hbm>>) dst(%arg9 : memref<128x64xf32, #tpu.memory_space<vmem>>)
      "tpu.region"() ({
        %run_scoped3A_143 = tpu.sem_alloc : memref<!tpu.dma_semaphore, #tpu.memory_space<semaphore_mem>>
        %dma_start3A_144 = arith.constant 0 : i32
        %dma_start3A_145 = tpu.memref_slice %arg8[%mul3A_94, %dma_start3A_144] : memref<158x128xi32, #tpu.memory_space<vmem>> -> memref<1x128xi32, #tpu.memory_space<vmem>>
        %dma_start3A_146 = tpu.memref_squeeze %dma_start3A_145 : memref<1x128xi32, #tpu.memory_space<vmem>> -> memref<128xi32, #tpu.memory_space<vmem>>
        %dma_start3A_147 = arith.constant 0 : i32
        %dma_start3A_148 = arith.constant 0 : i32
        %dma_start3A_149 = tpu.memref_slice %arg11[%dma_start3A_147, %dma_start3A_148] : memref<10240x64xf32, #tpu.memory_space<vmem_shared>> -> memref<10240x64xf32, #tpu.memory_space<vmem_shared>>
        tpu.enqueue_indirect_dma source(%arg9 : memref<128x64xf32, #tpu.memory_space<vmem>>) target(%dma_start3A_149 : memref<10240x64xf32, #tpu.memory_space<vmem_shared>>) offsets(%dma_start3A_146 : memref<128xi32, #tpu.memory_space<vmem>>) semaphore(%run_scoped3A_143 : memref<!tpu.dma_semaphore, #tpu.memory_space<semaphore_mem>>) {add = true}
        %dma_wait3A_150 = arith.constant 0 : i32
        %dma_wait3A_151 = tpu.memref_slice %arg8[%mul3A_94, %dma_wait3A_150] : memref<158x128xi32, #tpu.memory_space<vmem>> -> memref<1x128xi32, #tpu.memory_space<vmem>>
        %dma_wait3A_152 = tpu.memref_squeeze %dma_wait3A_151 : memref<1x128xi32, #tpu.memory_space<vmem>> -> memref<128xi32, #tpu.memory_space<vmem>>
        %dma_wait3A_153 = arith.constant 0 : i32
        %dma_wait3A_154 = arith.constant 0 : i32
        %dma_wait3A_155 = tpu.memref_slice %arg11[%dma_wait3A_153, %dma_wait3A_154] : memref<10240x64xf32, #tpu.memory_space<vmem_shared>> -> memref<10240x64xf32, #tpu.memory_space<vmem_shared>>
        tpu.wait_indirect_dma semaphore(%run_scoped3A_143 : memref<!tpu.dma_semaphore, #tpu.memory_space<semaphore_mem>>) src(%arg9 : memref<128x64xf32, #tpu.memory_space<vmem>>) dst(%dma_wait3A_155 : memref<10240x64xf32, #tpu.memory_space<vmem_shared>>)
        tpu.yield
      }) : () -> ()
      %add3A_116 = arith.constant 2 : i32
      %add3A_117 = arith.addi %mul3A_94, %add3A_116 : i32
      %dma_start3A_118 = arith.constant 0 : i32
      %dma_start3A_119 = tpu.memref_slice %arg7[%add3A_117, %dma_start3A_118] : memref<158x128xi32, #tpu.memory_space<vmem>> -> memref<1x128xi32, #tpu.memory_space<vmem>>
      %dma_start3A_120 = tpu.memref_squeeze %dma_start3A_119 : memref<1x128xi32, #tpu.memory_space<vmem>> -> memref<128xi32, #tpu.memory_space<vmem>>
      %dma_start3A_121 = arith.constant 0 : i32
      %dma_start3A_122 = arith.constant 0 : i32
      %dma_start3A_123 = tpu.memref_slice %arg2[%arg0, %dma_start3A_121, %dma_start3A_122] : memref<2x10240x64xf32, #tpu.memory_space<hbm>> -> memref<1x10240x64xf32, #tpu.memory_space<hbm>>
      %dma_start3A_124 = tpu.memref_squeeze %dma_start3A_123 : memref<1x10240x64xf32, #tpu.memory_space<hbm>> -> memref<10240x64xf32, #tpu.memory_space<hbm>>
      %dma_start3A_125 = arith.constant 0 : i32
      %dma_start3A_126 = arith.constant 0 : i32
      %dma_start3A_127 = tpu.memref_slice %dma_start3A_124[%dma_start3A_125, %dma_start3A_126] : memref<10240x64xf32, #tpu.memory_space<hbm>> -> memref<10240x64xf32, #tpu.memory_space<hbm>>
      tpu.enqueue_indirect_dma source(%dma_start3A_127 : memref<10240x64xf32, #tpu.memory_space<hbm>>) target(%arg9 : memref<128x64xf32, #tpu.memory_space<vmem>>) offsets(%dma_start3A_120 : memref<128xi32, #tpu.memory_space<vmem>>) semaphore(%arg12 : memref<!tpu.dma_semaphore, #tpu.memory_space<semaphore_mem>>)
      %add3A_128 = arith.constant 1 : i32
      %add3A_129 = arith.addi %mul3A_94, %add3A_128 : i32
      %dma_wait3A_130 = arith.constant 0 : i32
      %dma_wait3A_131 = tpu.memref_slice %arg7[%add3A_129, %dma_wait3A_130] : memref<158x128xi32, #tpu.memory_space<vmem>> -> memref<1x128xi32, #tpu.memory_space<vmem>>
      %dma_wait3A_132 = tpu.memref_squeeze %dma_wait3A_131 : memref<1x128xi32, #tpu.memory_space<vmem>> -> memref<128xi32, #tpu.memory_space<vmem>>
      %dma_wait3A_133 = arith.constant 0 : i32
      %dma_wait3A_134 = arith.constant 0 : i32
      %dma_wait3A_135 = tpu.memref_slice %arg2[%arg0, %dma_wait3A_133, %dma_wait3A_134] : memref<2x10240x64xf32, #tpu.memory_space<hbm>> -> memref<1x10240x64xf32, #tpu.memory_space<hbm>>
      %dma_wait3A_136 = tpu.memref_squeeze %dma_wait3A_135 : memref<1x10240x64xf32, #tpu.memory_space<hbm>> -> memref<10240x64xf32, #tpu.memory_space<hbm>>
      %dma_wait3A_137 = arith.constant 0 : i32
      %dma_wait3A_138 = arith.constant 0 : i32
      %dma_wait3A_139 = tpu.memref_slice %dma_wait3A_136[%dma_wait3A_137, %dma_wait3A_138] : memref<10240x64xf32, #tpu.memory_space<hbm>> -> memref<10240x64xf32, #tpu.memory_space<hbm>>
      tpu.wait_indirect_dma semaphore(%arg13 : memref<!tpu.dma_semaphore, #tpu.memory_space<semaphore_mem>>) src(%dma_wait3A_139 : memref<10240x64xf32, #tpu.memory_space<hbm>>) dst(%arg10 : memref<128x64xf32, #tpu.memory_space<vmem>>)
      %add3A_140 = arith.constant 1 : i32
      %add3A_141 = arith.addi %mul3A_94, %add3A_140 : i32
      "tpu.region"() ({
        %run_scoped3A_143 = tpu.sem_alloc : memref<!tpu.dma_semaphore, #tpu.memory_space<semaphore_mem>>
        %dma_start3A_144 = arith.constant 0 : i32
        %dma_start3A_145 = tpu.memref_slice %arg8[%add3A_141, %dma_start3A_144] : memref<158x128xi32, #tpu.memory_space<vmem>> -> memref<1x128xi32, #tpu.memory_space<vmem>>
        %dma_start3A_146 = tpu.memref_squeeze %dma_start3A_145 : memref<1x128xi32, #tpu.memory_space<vmem>> -> memref<128xi32, #tpu.memory_space<vmem>>
        %dma_start3A_147 = arith.constant 0 : i32
        %dma_start3A_148 = arith.constant 0 : i32
        %dma_start3A_149 = tpu.memref_slice %arg11[%dma_start3A_147, %dma_start3A_148] : memref<10240x64xf32, #tpu.memory_space<vmem_shared>> -> memref<10240x64xf32, #tpu.memory_space<vmem_shared>>
        tpu.enqueue_indirect_dma source(%arg10 : memref<128x64xf32, #tpu.memory_space<vmem>>) target(%dma_start3A_149 : memref<10240x64xf32, #tpu.memory_space<vmem_shared>>) offsets(%dma_start3A_146 : memref<128xi32, #tpu.memory_space<vmem>>) semaphore(%run_scoped3A_143 : memref<!tpu.dma_semaphore, #tpu.memory_space<semaphore_mem>>) {add = true}
        %dma_wait3A_150 = arith.constant 0 : i32
        %dma_wait3A_151 = tpu.memref_slice %arg8[%add3A_141, %dma_wait3A_150] : memref<158x128xi32, #tpu.memory_space<vmem>> -> memref<1x128xi32, #tpu.memory_space<vmem>>
        %dma_wait3A_152 = tpu.memref_squeeze %dma_wait3A_151 : memref<1x128xi32, #tpu.memory_space<vmem>> -> memref<128xi32, #tpu.memory_space<vmem>>
        %dma_wait3A_153 = arith.constant 0 : i32
        %dma_wait3A_154 = arith.constant 0 : i32
        %dma_wait3A_155 = tpu.memref_slice %arg11[%dma_wait3A_153, %dma_wait3A_154] : memref<10240x64xf32, #tpu.memory_space<vmem_shared>> -> memref<10240x64xf32, #tpu.memory_space<vmem_shared>>
        tpu.wait_indirect_dma semaphore(%run_scoped3A_143 : memref<!tpu.dma_semaphore, #tpu.memory_space<semaphore_mem>>) src(%arg10 : memref<128x64xf32, #tpu.memory_space<vmem>>) dst(%dma_wait3A_155 : memref<10240x64xf32, #tpu.memory_space<vmem_shared>>)
        tpu.yield
      }) : () -> ()
      %scan3A_142 = arith.constant 0 : i32
      scf.yield %scan3A_142 : i32
    }
    %scan3A_51 = arith.constant 78 : i32
    %dma_wait3A_52 = arith.constant 156 : i32
    %dma_wait3A_53 = arith.constant 0 : i32
    %dma_wait3A_54 = tpu.memref_slice %arg7[%dma_wait3A_52, %dma_wait3A_53] : memref<158x128xi32, #tpu.memory_space<vmem>> -> memref<1x128xi32, #tpu.memory_space<vmem>>
    %dma_wait3A_55 = tpu.memref_squeeze %dma_wait3A_54 : memref<1x128xi32, #tpu.memory_space<vmem>> -> memref<128xi32, #tpu.memory_space<vmem>>
    %dma_wait3A_56 = arith.constant 0 : i32
    %dma_wait3A_57 = arith.constant 0 : i32
    %dma_wait3A_58 = tpu.memref_slice %arg2[%arg0, %dma_wait3A_56, %dma_wait3A_57] : memref<2x10240x64xf32, #tpu.memory_space<hbm>> -> memref<1x10240x64xf32, #tpu.memory_space<hbm>>
    %dma_wait3A_59 = tpu.memref_squeeze %dma_wait3A_58 : memref<1x10240x64xf32, #tpu.memory_space<hbm>> -> memref<10240x64xf32, #tpu.memory_space<hbm>>
    %dma_wait3A_60 = arith.constant 0 : i32
    %dma_wait3A_61 = arith.constant 0 : i32
    %dma_wait3A_62 = tpu.memref_slice %dma_wait3A_59[%dma_wait3A_60, %dma_wait3A_61] : memref<10240x64xf32, #tpu.memory_space<hbm>> -> memref<10240x64xf32, #tpu.memory_space<hbm>>
    tpu.wait_indirect_dma semaphore(%arg12 : memref<!tpu.dma_semaphore, #tpu.memory_space<semaphore_mem>>) src(%dma_wait3A_62 : memref<10240x64xf32, #tpu.memory_space<hbm>>) dst(%arg9 : memref<128x64xf32, #tpu.memory_space<vmem>>)
    %run_scoped3A = arith.constant 156 : i32
    "tpu.region"() ({
      %run_scoped3A_91 = tpu.sem_alloc : memref<!tpu.dma_semaphore, #tpu.memory_space<semaphore_mem>>
      %dma_start3A_92 = arith.constant 0 : i32
      %dma_start3A_93 = tpu.memref_slice %arg8[%run_scoped3A, %dma_start3A_92] : memref<158x128xi32, #tpu.memory_space<vmem>> -> memref<1x128xi32, #tpu.memory_space<vmem>>
      %dma_start3A_94 = tpu.memref_squeeze %dma_start3A_93 : memref<1x128xi32, #tpu.memory_space<vmem>> -> memref<128xi32, #tpu.memory_space<vmem>>
      %dma_start3A_95 = arith.constant 0 : i32
      %dma_start3A_96 = arith.constant 0 : i32
      %dma_start3A_97 = tpu.memref_slice %arg11[%dma_start3A_95, %dma_start3A_96] : memref<10240x64xf32, #tpu.memory_space<vmem_shared>> -> memref<10240x64xf32, #tpu.memory_space<vmem_shared>>
      tpu.enqueue_indirect_dma source(%arg9 : memref<128x64xf32, #tpu.memory_space<vmem>>) target(%dma_start3A_97 : memref<10240x64xf32, #tpu.memory_space<vmem_shared>>) offsets(%dma_start3A_94 : memref<128xi32, #tpu.memory_space<vmem>>) semaphore(%run_scoped3A_91 : memref<!tpu.dma_semaphore, #tpu.memory_space<semaphore_mem>>) {add = true}
      %dma_wait3A_98 = arith.constant 0 : i32
      %dma_wait3A_99 = tpu.memref_slice %arg8[%run_scoped3A, %dma_wait3A_98] : memref<158x128xi32, #tpu.memory_space<vmem>> -> memref<1x128xi32, #tpu.memory_space<vmem>>
      %dma_wait3A_100 = tpu.memref_squeeze %dma_wait3A_99 : memref<1x128xi32, #tpu.memory_space<vmem>> -> memref<128xi32, #tpu.memory_space<vmem>>
      %dma_wait3A_101 = arith.constant 0 : i32
      %dma_wait3A_102 = arith.constant 0 : i32
      %dma_wait3A_103 = tpu.memref_slice %arg11[%dma_wait3A_101, %dma_wait3A_102] : memref<10240x64xf32, #tpu.memory_space<vmem_shared>> -> memref<10240x64xf32, #tpu.memory_space<vmem_shared>>
      tpu.wait_indirect_dma semaphore(%run_scoped3A_91 : memref<!tpu.dma_semaphore, #tpu.memory_space<semaphore_mem>>) src(%arg9 : memref<128x64xf32, #tpu.memory_space<vmem>>) dst(%dma_wait3A_103 : memref<10240x64xf32, #tpu.memory_space<vmem_shared>>)
      tpu.yield
    }) : () -> ()
    %dma_start3A_63 = arith.constant 157 : i32
    %dma_start3A_64 = arith.constant 0 : i32
    %dma_start3A_65 = tpu.memref_slice %arg7[%dma_start3A_63, %dma_start3A_64] : memref<158x128xi32, #tpu.memory_space<vmem>> -> memref<1x128xi32, #tpu.memory_space<vmem>>
    %dma_start3A_66 = tpu.memref_squeeze %dma_start3A_65 : memref<1x128xi32, #tpu.memory_space<vmem>> -> memref<128xi32, #tpu.memory_space<vmem>>
    %dma_start3A_67 = arith.constant 0 : i32
    %dma_start3A_68 = arith.constant 0 : i32
    %dma_start3A_69 = tpu.memref_slice %arg2[%arg0, %dma_start3A_67, %dma_start3A_68] : memref<2x10240x64xf32, #tpu.memory_space<hbm>> -> memref<1x10240x64xf32, #tpu.memory_space<hbm>>
    %dma_start3A_70 = tpu.memref_squeeze %dma_start3A_69 : memref<1x10240x64xf32, #tpu.memory_space<hbm>> -> memref<10240x64xf32, #tpu.memory_space<hbm>>
    %dma_start3A_71 = arith.constant 0 : i32
    %dma_start3A_72 = arith.constant 0 : i32
    %dma_start3A_73 = tpu.memref_slice %dma_start3A_70[%dma_start3A_71, %dma_start3A_72] : memref<10240x64xf32, #tpu.memory_space<hbm>> -> memref<10240x64xf32, #tpu.memory_space<hbm>>
    tpu.enqueue_indirect_dma source(%dma_start3A_73 : memref<10240x64xf32, #tpu.memory_space<hbm>>) target(%arg10 : memref<128x64xf32, #tpu.memory_space<vmem>>) offsets(%dma_start3A_66 : memref<128xi32, #tpu.memory_space<vmem>>) semaphore(%arg13 : memref<!tpu.dma_semaphore, #tpu.memory_space<semaphore_mem>>)
    %dma_wait3A_74 = arith.constant 157 : i32
    %dma_wait3A_75 = arith.constant 0 : i32
    %dma_wait3A_76 = tpu.memref_slice %arg7[%dma_wait3A_74, %dma_wait3A_75] : memref<158x128xi32, #tpu.memory_space<vmem>> -> memref<1x128xi32, #tpu.memory_space<vmem>>
    %dma_wait3A_77 = tpu.memref_squeeze %dma_wait3A_76 : memref<1x128xi32, #tpu.memory_space<vmem>> -> memref<128xi32, #tpu.memory_space<vmem>>
    %dma_wait3A_78 = arith.constant 0 : i32
    %dma_wait3A_79 = arith.constant 0 : i32
    %dma_wait3A_80 = tpu.memref_slice %arg2[%arg0, %dma_wait3A_78, %dma_wait3A_79] : memref<2x10240x64xf32, #tpu.memory_space<hbm>> -> memref<1x10240x64xf32, #tpu.memory_space<hbm>>
    %dma_wait3A_81 = tpu.memref_squeeze %dma_wait3A_80 : memref<1x10240x64xf32, #tpu.memory_space<hbm>> -> memref<10240x64xf32, #tpu.memory_space<hbm>>
    %dma_wait3A_82 = arith.constant 0 : i32
    %dma_wait3A_83 = arith.constant 0 : i32
    %dma_wait3A_84 = tpu.memref_slice %dma_wait3A_81[%dma_wait3A_82, %dma_wait3A_83] : memref<10240x64xf32, #tpu.memory_space<hbm>> -> memref<10240x64xf32, #tpu.memory_space<hbm>>
    tpu.wait_indirect_dma semaphore(%arg13 : memref<!tpu.dma_semaphore, #tpu.memory_space<semaphore_mem>>) src(%dma_wait3A_84 : memref<10240x64xf32, #tpu.memory_space<hbm>>) dst(%arg10 : memref<128x64xf32, #tpu.memory_space<vmem>>)
    %run_scoped3A_85 = arith.constant 157 : i32
    "tpu.region"() ({
      %run_scoped3A_91 = tpu.sem_alloc : memref<!tpu.dma_semaphore, #tpu.memory_space<semaphore_mem>>
      %dma_start3A_92 = arith.constant 0 : i32
      %dma_start3A_93 = tpu.memref_slice %arg8[%run_scoped3A_85, %dma_start3A_92] : memref<158x128xi32, #tpu.memory_space<vmem>> -> memref<1x128xi32, #tpu.memory_space<vmem>>
      %dma_start3A_94 = tpu.memref_squeeze %dma_start3A_93 : memref<1x128xi32, #tpu.memory_space<vmem>> -> memref<128xi32, #tpu.memory_space<vmem>>
      %dma_start3A_95 = arith.constant 0 : i32
      %dma_start3A_96 = arith.constant 0 : i32
      %dma_start3A_97 = tpu.memref_slice %arg11[%dma_start3A_95, %dma_start3A_96] : memref<10240x64xf32, #tpu.memory_space<vmem_shared>> -> memref<10240x64xf32, #tpu.memory_space<vmem_shared>>
      tpu.enqueue_indirect_dma source(%arg10 : memref<128x64xf32, #tpu.memory_space<vmem>>) target(%dma_start3A_97 : memref<10240x64xf32, #tpu.memory_space<vmem_shared>>) offsets(%dma_start3A_94 : memref<128xi32, #tpu.memory_space<vmem>>) semaphore(%run_scoped3A_91 : memref<!tpu.dma_semaphore, #tpu.memory_space<semaphore_mem>>) {add = true}
      %dma_wait3A_98 = arith.constant 0 : i32
      %dma_wait3A_99 = tpu.memref_slice %arg8[%run_scoped3A_85, %dma_wait3A_98] : memref<158x128xi32, #tpu.memory_space<vmem>> -> memref<1x128xi32, #tpu.memory_space<vmem>>
      %dma_wait3A_100 = tpu.memref_squeeze %dma_wait3A_99 : memref<1x128xi32, #tpu.memory_space<vmem>> -> memref<128xi32, #tpu.memory_space<vmem>>
      %dma_wait3A_101 = arith.constant 0 : i32
      %dma_wait3A_102 = arith.constant 0 : i32
      %dma_wait3A_103 = tpu.memref_slice %arg11[%dma_wait3A_101, %dma_wait3A_102] : memref<10240x64xf32, #tpu.memory_space<vmem_shared>> -> memref<10240x64xf32, #tpu.memory_space<vmem_shared>>
      tpu.wait_indirect_dma semaphore(%run_scoped3A_91 : memref<!tpu.dma_semaphore, #tpu.memory_space<semaphore_mem>>) src(%arg10 : memref<128x64xf32, #tpu.memory_space<vmem>>) dst(%dma_wait3A_103 : memref<10240x64xf32, #tpu.memory_space<vmem_shared>>)
      tpu.yield
    }) : () -> ()
    %barrier3A_86 = arith.constant 0 : index
    tpu.barrier barrier_id(%barrier3A_86)
    %mul3A_87 = arith.constant 640 : i32
    %mul3A_88 = arith.muli %arg1, %mul3A_87 : i32
    %mul3A_89 = arith.constant 640 : i32
    %mul3A_90 = arith.muli %arg1, %mul3A_89 : i32
    "tpu.region"() ({
      %run_scoped3A_91 = tpu.sem_alloc : memref<!tpu.dma_semaphore, #tpu.memory_space<semaphore_mem>>
      %dma_start3A_92 = arith.constant 0 : i32
      %dma_start3A_93 = tpu.memref_slice %arg6[%arg0, %mul3A_90, %dma_start3A_92] : memref<2x10240x64xf32, #tpu.memory_space<hbm>> -> memref<1x640x64xf32, #tpu.memory_space<hbm>>
      %dma_start3A_94 = tpu.memref_squeeze %dma_start3A_93 : memref<1x640x64xf32, #tpu.memory_space<hbm>> -> memref<640x64xf32, #tpu.memory_space<hbm>>
      %dma_start3A_95 = arith.constant 0 : i32
      %dma_start3A_96 = tpu.memref_slice %arg11[%mul3A_88, %dma_start3A_95] : memref<10240x64xf32, #tpu.memory_space<vmem_shared>> -> memref<640x64xf32, #tpu.memory_space<vmem_shared>>
      tpu.enqueue_dma source(%dma_start3A_96 : memref<640x64xf32, #tpu.memory_space<vmem_shared>>) target(%dma_start3A_94 : memref<640x64xf32, #tpu.memory_space<hbm>>) target_semaphore(%run_scoped3A_91 : memref<!tpu.dma_semaphore, #tpu.memory_space<semaphore_mem>>)
      %dma_wait3A_97 = arith.constant 0 : i32
      %dma_wait3A_98 = tpu.memref_slice %arg6[%arg0, %mul3A_90, %dma_wait3A_97] : memref<2x10240x64xf32, #tpu.memory_space<hbm>> -> memref<1x640x64xf32, #tpu.memory_space<hbm>>
      %dma_wait3A_99 = tpu.memref_squeeze %dma_wait3A_98 : memref<1x640x64xf32, #tpu.memory_space<hbm>> -> memref<640x64xf32, #tpu.memory_space<hbm>>
      %dma_wait3A_100 = arith.constant 0 : i32
      %dma_wait3A_101 = tpu.memref_slice %arg11[%mul3A_88, %dma_wait3A_100] : memref<10240x64xf32, #tpu.memory_space<vmem_shared>> -> memref<640x64xf32, #tpu.memory_space<vmem_shared>>
      tpu.wait_dma2 semaphore(%run_scoped3A_91 : memref<!tpu.dma_semaphore, #tpu.memory_space<semaphore_mem>>) src(%dma_wait3A_101 : memref<640x64xf32, #tpu.memory_space<vmem_shared>>) dst(%dma_wait3A_99 : memref<640x64xf32, #tpu.memory_space<hbm>>)
      tpu.yield
    }) : () -> ()
    return
  }
}

#map = affine_map<(d0, d1) -> (0, 0)>
module attributes {stable_mosaic.version = 14 : i64} {
  func.func @_sc_deg(%arg0: i32, %arg1: i32, %arg2: memref<32x10112xi32, #tpu.memory_space<hbm>>, %arg3: memref<32x10240xf32, #tpu.memory_space<hbm>>, %arg4: memref<10112xi32, #tpu.memory_space<vmem>>, %arg5: memref<10240xf32, #tpu.memory_space<vmem>>) attributes {dimension_semantics = [#tpu.dimension_semantics<core_parallel>, #tpu.dimension_semantics<subcore_parallel>], iteration_bounds = array<i64: 2, 16>, scalar_prefetch = 0 : i64, scratch_operands = 2 : i64, tpu.core_type = #tpu.core_type<sc_vector_subcore>, window_params = [{transform_indices = #map}, {transform_indices = #map}]} {
    %mul3A = arith.constant 16 : i32
    %mul3A_0 = arith.muli %arg0, %mul3A : i32
    %add3A = arith.addi %mul3A_0, %arg1 : i32
    "tpu.region"() ({
      %run_scoped3A = tpu.sem_alloc : memref<!tpu.dma_semaphore, #tpu.memory_space<semaphore_mem>>
      %dma_start3A = arith.constant 0 : i32
      %dma_start3A_15 = tpu.memref_slice %arg2[%add3A, %dma_start3A] : memref<32x10112xi32, #tpu.memory_space<hbm>> -> memref<1x10112xi32, #tpu.memory_space<hbm>>
      %dma_start3A_16 = tpu.memref_squeeze %dma_start3A_15 : memref<1x10112xi32, #tpu.memory_space<hbm>> -> memref<10112xi32, #tpu.memory_space<hbm>>
      %dma_start3A_17 = arith.constant 0 : i32
      %dma_start3A_18 = tpu.memref_slice %arg2[%add3A, %dma_start3A_17] : memref<32x10112xi32, #tpu.memory_space<hbm>> -> memref<1x10112xi32, #tpu.memory_space<hbm>>
      %dma_start3A_19 = tpu.memref_squeeze %dma_start3A_18 : memref<1x10112xi32, #tpu.memory_space<hbm>> -> memref<10112xi32, #tpu.memory_space<hbm>>
      tpu.enqueue_dma source(%dma_start3A_19 : memref<10112xi32, #tpu.memory_space<hbm>>) target(%arg4 : memref<10112xi32, #tpu.memory_space<vmem>>) target_semaphore(%run_scoped3A : memref<!tpu.dma_semaphore, #tpu.memory_space<semaphore_mem>>)
      %dma_wait3A = arith.constant 0 : i32
      %dma_wait3A_20 = tpu.memref_slice %arg2[%add3A, %dma_wait3A] : memref<32x10112xi32, #tpu.memory_space<hbm>> -> memref<1x10112xi32, #tpu.memory_space<hbm>>
      %dma_wait3A_21 = tpu.memref_squeeze %dma_wait3A_20 : memref<1x10112xi32, #tpu.memory_space<hbm>> -> memref<10112xi32, #tpu.memory_space<hbm>>
      %dma_wait3A_22 = arith.constant 0 : i32
      %dma_wait3A_23 = tpu.memref_slice %arg2[%add3A, %dma_wait3A_22] : memref<32x10112xi32, #tpu.memory_space<hbm>> -> memref<1x10112xi32, #tpu.memory_space<hbm>>
      %dma_wait3A_24 = tpu.memref_squeeze %dma_wait3A_23 : memref<1x10112xi32, #tpu.memory_space<hbm>> -> memref<10112xi32, #tpu.memory_space<hbm>>
      tpu.wait_dma2 semaphore(%run_scoped3A : memref<!tpu.dma_semaphore, #tpu.memory_space<semaphore_mem>>) src(%dma_wait3A_24 : memref<10112xi32, #tpu.memory_space<hbm>>) dst(%arg4 : memref<10112xi32, #tpu.memory_space<vmem>>)
      tpu.yield
    }) : () -> ()
    %scan3A = arith.constant 0 : i32
    %scan3A_1 = arith.constant 0 : i32
    %scan3A_2 = arith.constant 640 : i32
    %scan3A_3 = arith.addi %scan3A_1, %scan3A_2 : i32
    %scan3A_4 = arith.constant 1 : i32
    %scan3A_5 = scf.for %scan3A_15 = %scan3A_1 to %scan3A_3 step %scan3A_4 iter_args(%scan3A_16 = %scan3A) -> (i32)  : i32 {
      %broadcast_in_dim3A_17 = arith.constant 0.000000e+00 : f32
      %broadcast_in_dim3A_18 = vector.broadcast %broadcast_in_dim3A_17 : f32 to vector<16xf32>
      %mul3A_19 = arith.constant 16 : i32
      %mul3A_20 = arith.muli %scan3A_15, %mul3A_19 : i32
      %swap3A = arith.index_cast %mul3A_20 : i32 to index
      %swap3A_21 = tpu.vector_load %arg5[%swap3A] {strides = array<i32>} : memref<10240xf32, #tpu.memory_space<vmem>>, vector<16xf32>,
      tpu.vector_store %arg5[%swap3A], %broadcast_in_dim3A_18 {strides = array<i32>} : memref<10240xf32, #tpu.memory_space<vmem>>, vector<16xf32>,
      %scan3A_22 = arith.constant 0 : i32
      scf.yield %scan3A_22 : i32
    }
    %scan3A_6 = arith.constant 640 : i32
    %broadcast_in_dim3A = arith.constant 1.000000e+00 : f32
    %broadcast_in_dim3A_7 = vector.broadcast %broadcast_in_dim3A : f32 to vector<16xf32>
    %scan3A_8 = arith.constant 0 : i32
    %scan3A_9 = arith.constant 0 : i32
    %scan3A_10 = arith.constant 632 : i32
    %scan3A_11 = arith.addi %scan3A_9, %scan3A_10 : i32
    %scan3A_12 = arith.constant 1 : i32
    %scan3A_13 = scf.for %scan3A_15 = %scan3A_9 to %scan3A_11 step %scan3A_12 iter_args(%scan3A_16 = %scan3A_8) -> (i32)  : i32 {
      %mul3A_17 = arith.constant 16 : i32
      %mul3A_18 = arith.muli %scan3A_15, %mul3A_17 : i32
      %get3A = arith.index_cast %mul3A_18 : i32 to index
      %get3A_19 = tpu.vector_load %arg4[%get3A] {strides = array<i32>} : memref<10112xi32, #tpu.memory_space<vmem>>, vector<16xi32>,
      tpu.vector_store_idx %arg5[%get3A_19], %broadcast_in_dim3A_7 {add = true} : memref<10240xf32, #tpu.memory_space<vmem>>[vector<16xi32>], vector<16xf32>,
      %scan3A_20 = arith.constant 0 : i32
      scf.yield %scan3A_20 : i32
    }
    %scan3A_14 = arith.constant 632 : i32
    "tpu.region"() ({
      %run_scoped3A = tpu.sem_alloc : memref<!tpu.dma_semaphore, #tpu.memory_space<semaphore_mem>>
      %dma_start3A = arith.constant 0 : i32
      %dma_start3A_15 = tpu.memref_slice %arg3[%add3A, %dma_start3A] : memref<32x10240xf32, #tpu.memory_space<hbm>> -> memref<1x10240xf32, #tpu.memory_space<hbm>>
      %dma_start3A_16 = tpu.memref_squeeze %dma_start3A_15 : memref<1x10240xf32, #tpu.memory_space<hbm>> -> memref<10240xf32, #tpu.memory_space<hbm>>
      %dma_start3A_17 = arith.constant 0 : i32
      %dma_start3A_18 = tpu.memref_slice %arg3[%add3A, %dma_start3A_17] : memref<32x10240xf32, #tpu.memory_space<hbm>> -> memref<1x10240xf32, #tpu.memory_space<hbm>>
      %dma_start3A_19 = tpu.memref_squeeze %dma_start3A_18 : memref<1x10240xf32, #tpu.memory_space<hbm>> -> memref<10240xf32, #tpu.memory_space<hbm>>
      tpu.enqueue_dma source(%arg5 : memref<10240xf32, #tpu.memory_space<vmem>>) target(%dma_start3A_19 : memref<10240xf32, #tpu.memory_space<hbm>>) target_semaphore(%run_scoped3A : memref<!tpu.dma_semaphore, #tpu.memory_space<semaphore_mem>>)
      %dma_wait3A = arith.constant 0 : i32
      %dma_wait3A_20 = tpu.memref_slice %arg3[%add3A, %dma_wait3A] : memref<32x10240xf32, #tpu.memory_space<hbm>> -> memref<1x10240xf32, #tpu.memory_space<hbm>>
      %dma_wait3A_21 = tpu.memref_squeeze %dma_wait3A_20 : memref<1x10240xf32, #tpu.memory_space<hbm>> -> memref<10240xf32, #tpu.memory_space<hbm>>
      %dma_wait3A_22 = arith.constant 0 : i32
      %dma_wait3A_23 = tpu.memref_slice %arg3[%add3A, %dma_wait3A_22] : memref<32x10240xf32, #tpu.memory_space<hbm>> -> memref<1x10240xf32, #tpu.memory_space<hbm>>
      %dma_wait3A_24 = tpu.memref_squeeze %dma_wait3A_23 : memref<1x10240xf32, #tpu.memory_space<hbm>> -> memref<10240xf32, #tpu.memory_space<hbm>>
      tpu.wait_dma2 semaphore(%run_scoped3A : memref<!tpu.dma_semaphore, #tpu.memory_space<semaphore_mem>>) src(%arg5 : memref<10240xf32, #tpu.memory_space<vmem>>) dst(%dma_wait3A_24 : memref<10240xf32, #tpu.memory_space<hbm>>)
      tpu.yield
    }) : () -> ()
    return
  }
}

#map = affine_map<(d0, d1) -> (0, 0, 0)>
#map1 = affine_map<(d0, d1) -> (0, 0)>
module attributes {stable_mosaic.version = 14 : i64} {
  func.func @_sc_agg(%arg0: i32, %arg1: i32, %arg2: memref<2x10240x64xf32, #tpu.memory_space<hbm>>, %arg3: memref<16x158x128xi32, #tpu.memory_space<hbm>>, %arg4: memref<16x158x128xi32, #tpu.memory_space<hbm>>, %arg5: memref<640x64xf32, #tpu.memory_space<hbm>>, %arg6: memref<2x10240x64xf32, #tpu.memory_space<hbm>>, %arg7: memref<158x128xi32, #tpu.memory_space<vmem>>, %arg8: memref<158x128xi32, #tpu.memory_space<vmem>>, %arg9: memref<128x64xf32, #tpu.memory_space<vmem>>, %arg10: memref<128x64xf32, #tpu.memory_space<vmem>>, %arg11: memref<10240x64xf32, #tpu.memory_space<vmem_shared>>, %arg12: memref<!tpu.dma_semaphore, #tpu.memory_space<semaphore_mem>>, %arg13: memref<!tpu.dma_semaphore, #tpu.memory_space<semaphore_mem>>, %arg14: memref<!tpu.dma_semaphore, #tpu.memory_space<semaphore_mem>>) attributes {dimension_semantics = [#tpu.dimension_semantics<core_parallel>, #tpu.dimension_semantics<subcore_parallel>], iteration_bounds = array<i64: 2, 16>, scalar_prefetch = 0 : i64, scratch_operands = 8 : i64, tpu.core_type = #tpu.core_type<sc_vector_subcore>, window_params = [{transform_indices = #map}, {transform_indices = #map}, {transform_indices = #map}, {transform_indices = #map1}, {transform_indices = #map}]} {
    %dma_start3A = arith.constant 0 : i32
    %dma_start3A_0 = arith.constant 0 : i32
    %dma_start3A_1 = tpu.memref_slice %arg3[%arg1, %dma_start3A, %dma_start3A_0] : memref<16x158x128xi32, #tpu.memory_space<hbm>> -> memref<1x158x128xi32, #tpu.memory_space<hbm>>
    %dma_start3A_2 = tpu.memref_squeeze %dma_start3A_1 : memref<1x158x128xi32, #tpu.memory_space<hbm>> -> memref<158x128xi32, #tpu.memory_space<hbm>>
    %dma_start3A_3 = arith.constant 0 : i32
    %dma_start3A_4 = arith.constant 0 : i32
    %dma_start3A_5 = tpu.memref_slice %arg3[%arg1, %dma_start3A_3, %dma_start3A_4] : memref<16x158x128xi32, #tpu.memory_space<hbm>> -> memref<1x158x128xi32, #tpu.memory_space<hbm>>
    %dma_start3A_6 = tpu.memref_squeeze %dma_start3A_5 : memref<1x158x128xi32, #tpu.memory_space<hbm>> -> memref<158x128xi32, #tpu.memory_space<hbm>>
    tpu.enqueue_dma source(%dma_start3A_6 : memref<158x128xi32, #tpu.memory_space<hbm>>) target(%arg7 : memref<158x128xi32, #tpu.memory_space<vmem>>) target_semaphore(%arg12 : memref<!tpu.dma_semaphore, #tpu.memory_space<semaphore_mem>>)
    %dma_start3A_7 = arith.constant 0 : i32
    %dma_start3A_8 = arith.constant 0 : i32
    %dma_start3A_9 = tpu.memref_slice %arg4[%arg1, %dma_start3A_7, %dma_start3A_8] : memref<16x158x128xi32, #tpu.memory_space<hbm>> -> memref<1x158x128xi32, #tpu.memory_space<hbm>>
    %dma_start3A_10 = tpu.memref_squeeze %dma_start3A_9 : memref<1x158x128xi32, #tpu.memory_space<hbm>> -> memref<158x128xi32, #tpu.memory_space<hbm>>
    %dma_start3A_11 = arith.constant 0 : i32
    %dma_start3A_12 = arith.constant 0 : i32
    %dma_start3A_13 = tpu.memref_slice %arg4[%arg1, %dma_start3A_11, %dma_start3A_12] : memref<16x158x128xi32, #tpu.memory_space<hbm>> -> memref<1x158x128xi32, #tpu.memory_space<hbm>>
    %dma_start3A_14 = tpu.memref_squeeze %dma_start3A_13 : memref<1x158x128xi32, #tpu.memory_space<hbm>> -> memref<158x128xi32, #tpu.memory_space<hbm>>
    tpu.enqueue_dma source(%dma_start3A_14 : memref<158x128xi32, #tpu.memory_space<hbm>>) target(%arg8 : memref<158x128xi32, #tpu.memory_space<vmem>>) target_semaphore(%arg13 : memref<!tpu.dma_semaphore, #tpu.memory_space<semaphore_mem>>)
    %mul3A = arith.constant 640 : i32
    %mul3A_15 = arith.muli %arg1, %mul3A : i32
    %dma_start3A_16 = arith.constant 0 : i32
    %dma_start3A_17 = tpu.memref_slice %arg11[%mul3A_15, %dma_start3A_16] : memref<10240x64xf32, #tpu.memory_space<vmem_shared>> -> memref<640x64xf32, #tpu.memory_space<vmem_shared>>
    tpu.enqueue_dma source(%arg5 : memref<640x64xf32, #tpu.memory_space<hbm>>) target(%dma_start3A_17 : memref<640x64xf32, #tpu.memory_space<vmem_shared>>) target_semaphore(%arg14 : memref<!tpu.dma_semaphore, #tpu.memory_space<semaphore_mem>>)
    %dma_wait3A = arith.constant 0 : i32
    %dma_wait3A_18 = arith.constant 0 : i32
    %dma_wait3A_19 = tpu.memref_slice %arg3[%arg1, %dma_wait3A, %dma_wait3A_18] : memref<16x158x128xi32, #tpu.memory_space<hbm>> -> memref<1x158x128xi32, #tpu.memory_space<hbm>>
    %dma_wait3A_20 = tpu.memref_squeeze %dma_wait3A_19 : memref<1x158x128xi32, #tpu.memory_space<hbm>> -> memref<158x128xi32, #tpu.memory_space<hbm>>
    %dma_wait3A_21 = arith.constant 0 : i32
    %dma_wait3A_22 = arith.constant 0 : i32
    %dma_wait3A_23 = tpu.memref_slice %arg3[%arg1, %dma_wait3A_21, %dma_wait3A_22] : memref<16x158x128xi32, #tpu.memory_space<hbm>> -> memref<1x158x128xi32, #tpu.memory_space<hbm>>
    %dma_wait3A_24 = tpu.memref_squeeze %dma_wait3A_23 : memref<1x158x128xi32, #tpu.memory_space<hbm>> -> memref<158x128xi32, #tpu.memory_space<hbm>>
    tpu.wait_dma2 semaphore(%arg12 : memref<!tpu.dma_semaphore, #tpu.memory_space<semaphore_mem>>) src(%dma_wait3A_24 : memref<158x128xi32, #tpu.memory_space<hbm>>) dst(%arg7 : memref<158x128xi32, #tpu.memory_space<vmem>>)
    %dma_start3A_25 = arith.constant 0 : i32
    %dma_start3A_26 = arith.constant 0 : i32
    %dma_start3A_27 = tpu.memref_slice %arg7[%dma_start3A_25, %dma_start3A_26] : memref<158x128xi32, #tpu.memory_space<vmem>> -> memref<1x128xi32, #tpu.memory_space<vmem>>
    %dma_start3A_28 = tpu.memref_squeeze %dma_start3A_27 : memref<1x128xi32, #tpu.memory_space<vmem>> -> memref<128xi32, #tpu.memory_space<vmem>>
    %dma_start3A_29 = arith.constant 0 : i32
    %dma_start3A_30 = arith.constant 0 : i32
    %dma_start3A_31 = tpu.memref_slice %arg2[%arg0, %dma_start3A_29, %dma_start3A_30] : memref<2x10240x64xf32, #tpu.memory_space<hbm>> -> memref<1x10240x64xf32, #tpu.memory_space<hbm>>
    %dma_start3A_32 = tpu.memref_squeeze %dma_start3A_31 : memref<1x10240x64xf32, #tpu.memory_space<hbm>> -> memref<10240x64xf32, #tpu.memory_space<hbm>>
    %dma_start3A_33 = arith.constant 0 : i32
    %dma_start3A_34 = arith.constant 0 : i32
    %dma_start3A_35 = tpu.memref_slice %dma_start3A_32[%dma_start3A_33, %dma_start3A_34] : memref<10240x64xf32, #tpu.memory_space<hbm>> -> memref<10240x64xf32, #tpu.memory_space<hbm>>
    tpu.enqueue_indirect_dma source(%dma_start3A_35 : memref<10240x64xf32, #tpu.memory_space<hbm>>) target(%arg9 : memref<128x64xf32, #tpu.memory_space<vmem>>) offsets(%dma_start3A_28 : memref<128xi32, #tpu.memory_space<vmem>>) semaphore(%arg12 : memref<!tpu.dma_semaphore, #tpu.memory_space<semaphore_mem>>)
    %dma_wait3A_36 = arith.constant 0 : i32
    %dma_wait3A_37 = arith.constant 0 : i32
    %dma_wait3A_38 = tpu.memref_slice %arg4[%arg1, %dma_wait3A_36, %dma_wait3A_37] : memref<16x158x128xi32, #tpu.memory_space<hbm>> -> memref<1x158x128xi32, #tpu.memory_space<hbm>>
    %dma_wait3A_39 = tpu.memref_squeeze %dma_wait3A_38 : memref<1x158x128xi32, #tpu.memory_space<hbm>> -> memref<158x128xi32, #tpu.memory_space<hbm>>
    %dma_wait3A_40 = arith.constant 0 : i32
    %dma_wait3A_41 = arith.constant 0 : i32
    %dma_wait3A_42 = tpu.memref_slice %arg4[%arg1, %dma_wait3A_40, %dma_wait3A_41] : memref<16x158x128xi32, #tpu.memory_space<hbm>> -> memref<1x158x128xi32, #tpu.memory_space<hbm>>
    %dma_wait3A_43 = tpu.memref_squeeze %dma_wait3A_42 : memref<1x158x128xi32, #tpu.memory_space<hbm>> -> memref<158x128xi32, #tpu.memory_space<hbm>>
    tpu.wait_dma2 semaphore(%arg13 : memref<!tpu.dma_semaphore, #tpu.memory_space<semaphore_mem>>) src(%dma_wait3A_43 : memref<158x128xi32, #tpu.memory_space<hbm>>) dst(%arg8 : memref<158x128xi32, #tpu.memory_space<vmem>>)
    %dma_wait3A_44 = arith.constant 0 : i32
    %dma_wait3A_45 = tpu.memref_slice %arg11[%mul3A_15, %dma_wait3A_44] : memref<10240x64xf32, #tpu.memory_space<vmem_shared>> -> memref<640x64xf32, #tpu.memory_space<vmem_shared>>
    tpu.wait_dma2 semaphore(%arg14 : memref<!tpu.dma_semaphore, #tpu.memory_space<semaphore_mem>>) src(%arg5 : memref<640x64xf32, #tpu.memory_space<hbm>>) dst(%dma_wait3A_45 : memref<640x64xf32, #tpu.memory_space<vmem_shared>>)
    %barrier3A = arith.constant 0 : index
    tpu.barrier barrier_id(%barrier3A)
    %scan3A = arith.constant 0 : i32
    %scan3A_46 = arith.constant 0 : i32
    %scan3A_47 = arith.constant 78 : i32
    %scan3A_48 = arith.addi %scan3A_46, %scan3A_47 : i32
    %scan3A_49 = arith.constant 1 : i32
    %scan3A_50 = scf.for %scan3A_91 = %scan3A_46 to %scan3A_48 step %scan3A_49 iter_args(%scan3A_92 = %scan3A) -> (i32)  : i32 {
      %mul3A_93 = arith.constant 2 : i32
      %mul3A_94 = arith.muli %mul3A_93, %scan3A_91 : i32
      %add3A = arith.constant 1 : i32
      %add3A_95 = arith.addi %mul3A_94, %add3A : i32
      %dma_start3A_96 = arith.constant 0 : i32
      %dma_start3A_97 = tpu.memref_slice %arg7[%add3A_95, %dma_start3A_96] : memref<158x128xi32, #tpu.memory_space<vmem>> -> memref<1x128xi32, #tpu.memory_space<vmem>>
      %dma_start3A_98 = tpu.memref_squeeze %dma_start3A_97 : memref<1x128xi32, #tpu.memory_space<vmem>> -> memref<128xi32, #tpu.memory_space<vmem>>
      %dma_start3A_99 = arith.constant 0 : i32
      %dma_start3A_100 = arith.constant 0 : i32
      %dma_start3A_101 = tpu.memref_slice %arg2[%arg0, %dma_start3A_99, %dma_start3A_100] : memref<2x10240x64xf32, #tpu.memory_space<hbm>> -> memref<1x10240x64xf32, #tpu.memory_space<hbm>>
      %dma_start3A_102 = tpu.memref_squeeze %dma_start3A_101 : memref<1x10240x64xf32, #tpu.memory_space<hbm>> -> memref<10240x64xf32, #tpu.memory_space<hbm>>
      %dma_start3A_103 = arith.constant 0 : i32
      %dma_start3A_104 = arith.constant 0 : i32
      %dma_start3A_105 = tpu.memref_slice %dma_start3A_102[%dma_start3A_103, %dma_start3A_104] : memref<10240x64xf32, #tpu.memory_space<hbm>> -> memref<10240x64xf32, #tpu.memory_space<hbm>>
      tpu.enqueue_indirect_dma source(%dma_start3A_105 : memref<10240x64xf32, #tpu.memory_space<hbm>>) target(%arg10 : memref<128x64xf32, #tpu.memory_space<vmem>>) offsets(%dma_start3A_98 : memref<128xi32, #tpu.memory_space<vmem>>) semaphore(%arg13 : memref<!tpu.dma_semaphore, #tpu.memory_space<semaphore_mem>>)
      %dma_wait3A_106 = arith.constant 0 : i32
      %dma_wait3A_107 = tpu.memref_slice %arg7[%mul3A_94, %dma_wait3A_106] : memref<158x128xi32, #tpu.memory_space<vmem>> -> memref<1x128xi32, #tpu.memory_space<vmem>>
      %dma_wait3A_108 = tpu.memref_squeeze %dma_wait3A_107 : memref<1x128xi32, #tpu.memory_space<vmem>> -> memref<128xi32, #tpu.memory_space<vmem>>
      %dma_wait3A_109 = arith.constant 0 : i32
      %dma_wait3A_110 = arith.constant 0 : i32
      %dma_wait3A_111 = tpu.memref_slice %arg2[%arg0, %dma_wait3A_109, %dma_wait3A_110] : memref<2x10240x64xf32, #tpu.memory_space<hbm>> -> memref<1x10240x64xf32, #tpu.memory_space<hbm>>
      %dma_wait3A_112 = tpu.memref_squeeze %dma_wait3A_111 : memref<1x10240x64xf32, #tpu.memory_space<hbm>> -> memref<10240x64xf32, #tpu.memory_space<hbm>>
      %dma_wait3A_113 = arith.constant 0 : i32
      %dma_wait3A_114 = arith.constant 0 : i32
      %dma_wait3A_115 = tpu.memref_slice %dma_wait3A_112[%dma_wait3A_113, %dma_wait3A_114] : memref<10240x64xf32, #tpu.memory_space<hbm>> -> memref<10240x64xf32, #tpu.memory_space<hbm>>
      tpu.wait_indirect_dma semaphore(%arg12 : memref<!tpu.dma_semaphore, #tpu.memory_space<semaphore_mem>>) src(%dma_wait3A_115 : memref<10240x64xf32, #tpu.memory_space<hbm>>) dst(%arg9 : memref<128x64xf32, #tpu.memory_space<vmem>>)
      "tpu.region"() ({
        %run_scoped3A_143 = tpu.sem_alloc : memref<!tpu.dma_semaphore, #tpu.memory_space<semaphore_mem>>
        %dma_start3A_144 = arith.constant 0 : i32
        %dma_start3A_145 = tpu.memref_slice %arg8[%mul3A_94, %dma_start3A_144] : memref<158x128xi32, #tpu.memory_space<vmem>> -> memref<1x128xi32, #tpu.memory_space<vmem>>
        %dma_start3A_146 = tpu.memref_squeeze %dma_start3A_145 : memref<1x128xi32, #tpu.memory_space<vmem>> -> memref<128xi32, #tpu.memory_space<vmem>>
        %dma_start3A_147 = arith.constant 0 : i32
        %dma_start3A_148 = arith.constant 0 : i32
        %dma_start3A_149 = tpu.memref_slice %arg11[%dma_start3A_147, %dma_start3A_148] : memref<10240x64xf32, #tpu.memory_space<vmem_shared>> -> memref<10240x64xf32, #tpu.memory_space<vmem_shared>>
        tpu.enqueue_indirect_dma source(%arg9 : memref<128x64xf32, #tpu.memory_space<vmem>>) target(%dma_start3A_149 : memref<10240x64xf32, #tpu.memory_space<vmem_shared>>) offsets(%dma_start3A_146 : memref<128xi32, #tpu.memory_space<vmem>>) semaphore(%run_scoped3A_143 : memref<!tpu.dma_semaphore, #tpu.memory_space<semaphore_mem>>) {add = true}
        %dma_wait3A_150 = arith.constant 0 : i32
        %dma_wait3A_151 = tpu.memref_slice %arg8[%mul3A_94, %dma_wait3A_150] : memref<158x128xi32, #tpu.memory_space<vmem>> -> memref<1x128xi32, #tpu.memory_space<vmem>>
        %dma_wait3A_152 = tpu.memref_squeeze %dma_wait3A_151 : memref<1x128xi32, #tpu.memory_space<vmem>> -> memref<128xi32, #tpu.memory_space<vmem>>
        %dma_wait3A_153 = arith.constant 0 : i32
        %dma_wait3A_154 = arith.constant 0 : i32
        %dma_wait3A_155 = tpu.memref_slice %arg11[%dma_wait3A_153, %dma_wait3A_154] : memref<10240x64xf32, #tpu.memory_space<vmem_shared>> -> memref<10240x64xf32, #tpu.memory_space<vmem_shared>>
        tpu.wait_indirect_dma semaphore(%run_scoped3A_143 : memref<!tpu.dma_semaphore, #tpu.memory_space<semaphore_mem>>) src(%arg9 : memref<128x64xf32, #tpu.memory_space<vmem>>) dst(%dma_wait3A_155 : memref<10240x64xf32, #tpu.memory_space<vmem_shared>>)
        tpu.yield
      }) : () -> ()
      %add3A_116 = arith.constant 2 : i32
      %add3A_117 = arith.addi %mul3A_94, %add3A_116 : i32
      %dma_start3A_118 = arith.constant 0 : i32
      %dma_start3A_119 = tpu.memref_slice %arg7[%add3A_117, %dma_start3A_118] : memref<158x128xi32, #tpu.memory_space<vmem>> -> memref<1x128xi32, #tpu.memory_space<vmem>>
      %dma_start3A_120 = tpu.memref_squeeze %dma_start3A_119 : memref<1x128xi32, #tpu.memory_space<vmem>> -> memref<128xi32, #tpu.memory_space<vmem>>
      %dma_start3A_121 = arith.constant 0 : i32
      %dma_start3A_122 = arith.constant 0 : i32
      %dma_start3A_123 = tpu.memref_slice %arg2[%arg0, %dma_start3A_121, %dma_start3A_122] : memref<2x10240x64xf32, #tpu.memory_space<hbm>> -> memref<1x10240x64xf32, #tpu.memory_space<hbm>>
      %dma_start3A_124 = tpu.memref_squeeze %dma_start3A_123 : memref<1x10240x64xf32, #tpu.memory_space<hbm>> -> memref<10240x64xf32, #tpu.memory_space<hbm>>
      %dma_start3A_125 = arith.constant 0 : i32
      %dma_start3A_126 = arith.constant 0 : i32
      %dma_start3A_127 = tpu.memref_slice %dma_start3A_124[%dma_start3A_125, %dma_start3A_126] : memref<10240x64xf32, #tpu.memory_space<hbm>> -> memref<10240x64xf32, #tpu.memory_space<hbm>>
      tpu.enqueue_indirect_dma source(%dma_start3A_127 : memref<10240x64xf32, #tpu.memory_space<hbm>>) target(%arg9 : memref<128x64xf32, #tpu.memory_space<vmem>>) offsets(%dma_start3A_120 : memref<128xi32, #tpu.memory_space<vmem>>) semaphore(%arg12 : memref<!tpu.dma_semaphore, #tpu.memory_space<semaphore_mem>>)
      %add3A_128 = arith.constant 1 : i32
      %add3A_129 = arith.addi %mul3A_94, %add3A_128 : i32
      %dma_wait3A_130 = arith.constant 0 : i32
      %dma_wait3A_131 = tpu.memref_slice %arg7[%add3A_129, %dma_wait3A_130] : memref<158x128xi32, #tpu.memory_space<vmem>> -> memref<1x128xi32, #tpu.memory_space<vmem>>
      %dma_wait3A_132 = tpu.memref_squeeze %dma_wait3A_131 : memref<1x128xi32, #tpu.memory_space<vmem>> -> memref<128xi32, #tpu.memory_space<vmem>>
      %dma_wait3A_133 = arith.constant 0 : i32
      %dma_wait3A_134 = arith.constant 0 : i32
      %dma_wait3A_135 = tpu.memref_slice %arg2[%arg0, %dma_wait3A_133, %dma_wait3A_134] : memref<2x10240x64xf32, #tpu.memory_space<hbm>> -> memref<1x10240x64xf32, #tpu.memory_space<hbm>>
      %dma_wait3A_136 = tpu.memref_squeeze %dma_wait3A_135 : memref<1x10240x64xf32, #tpu.memory_space<hbm>> -> memref<10240x64xf32, #tpu.memory_space<hbm>>
      %dma_wait3A_137 = arith.constant 0 : i32
      %dma_wait3A_138 = arith.constant 0 : i32
      %dma_wait3A_139 = tpu.memref_slice %dma_wait3A_136[%dma_wait3A_137, %dma_wait3A_138] : memref<10240x64xf32, #tpu.memory_space<hbm>> -> memref<10240x64xf32, #tpu.memory_space<hbm>>
      tpu.wait_indirect_dma semaphore(%arg13 : memref<!tpu.dma_semaphore, #tpu.memory_space<semaphore_mem>>) src(%dma_wait3A_139 : memref<10240x64xf32, #tpu.memory_space<hbm>>) dst(%arg10 : memref<128x64xf32, #tpu.memory_space<vmem>>)
      %add3A_140 = arith.constant 1 : i32
      %add3A_141 = arith.addi %mul3A_94, %add3A_140 : i32
      "tpu.region"() ({
        %run_scoped3A_143 = tpu.sem_alloc : memref<!tpu.dma_semaphore, #tpu.memory_space<semaphore_mem>>
        %dma_start3A_144 = arith.constant 0 : i32
        %dma_start3A_145 = tpu.memref_slice %arg8[%add3A_141, %dma_start3A_144] : memref<158x128xi32, #tpu.memory_space<vmem>> -> memref<1x128xi32, #tpu.memory_space<vmem>>
        %dma_start3A_146 = tpu.memref_squeeze %dma_start3A_145 : memref<1x128xi32, #tpu.memory_space<vmem>> -> memref<128xi32, #tpu.memory_space<vmem>>
        %dma_start3A_147 = arith.constant 0 : i32
        %dma_start3A_148 = arith.constant 0 : i32
        %dma_start3A_149 = tpu.memref_slice %arg11[%dma_start3A_147, %dma_start3A_148] : memref<10240x64xf32, #tpu.memory_space<vmem_shared>> -> memref<10240x64xf32, #tpu.memory_space<vmem_shared>>
        tpu.enqueue_indirect_dma source(%arg10 : memref<128x64xf32, #tpu.memory_space<vmem>>) target(%dma_start3A_149 : memref<10240x64xf32, #tpu.memory_space<vmem_shared>>) offsets(%dma_start3A_146 : memref<128xi32, #tpu.memory_space<vmem>>) semaphore(%run_scoped3A_143 : memref<!tpu.dma_semaphore, #tpu.memory_space<semaphore_mem>>) {add = true}
        %dma_wait3A_150 = arith.constant 0 : i32
        %dma_wait3A_151 = tpu.memref_slice %arg8[%add3A_141, %dma_wait3A_150] : memref<158x128xi32, #tpu.memory_space<vmem>> -> memref<1x128xi32, #tpu.memory_space<vmem>>
        %dma_wait3A_152 = tpu.memref_squeeze %dma_wait3A_151 : memref<1x128xi32, #tpu.memory_space<vmem>> -> memref<128xi32, #tpu.memory_space<vmem>>
        %dma_wait3A_153 = arith.constant 0 : i32
        %dma_wait3A_154 = arith.constant 0 : i32
        %dma_wait3A_155 = tpu.memref_slice %arg11[%dma_wait3A_153, %dma_wait3A_154] : memref<10240x64xf32, #tpu.memory_space<vmem_shared>> -> memref<10240x64xf32, #tpu.memory_space<vmem_shared>>
        tpu.wait_indirect_dma semaphore(%run_scoped3A_143 : memref<!tpu.dma_semaphore, #tpu.memory_space<semaphore_mem>>) src(%arg10 : memref<128x64xf32, #tpu.memory_space<vmem>>) dst(%dma_wait3A_155 : memref<10240x64xf32, #tpu.memory_space<vmem_shared>>)
        tpu.yield
      }) : () -> ()
      %scan3A_142 = arith.constant 0 : i32
      scf.yield %scan3A_142 : i32
    }
    %scan3A_51 = arith.constant 78 : i32
    %dma_wait3A_52 = arith.constant 156 : i32
    %dma_wait3A_53 = arith.constant 0 : i32
    %dma_wait3A_54 = tpu.memref_slice %arg7[%dma_wait3A_52, %dma_wait3A_53] : memref<158x128xi32, #tpu.memory_space<vmem>> -> memref<1x128xi32, #tpu.memory_space<vmem>>
    %dma_wait3A_55 = tpu.memref_squeeze %dma_wait3A_54 : memref<1x128xi32, #tpu.memory_space<vmem>> -> memref<128xi32, #tpu.memory_space<vmem>>
    %dma_wait3A_56 = arith.constant 0 : i32
    %dma_wait3A_57 = arith.constant 0 : i32
    %dma_wait3A_58 = tpu.memref_slice %arg2[%arg0, %dma_wait3A_56, %dma_wait3A_57] : memref<2x10240x64xf32, #tpu.memory_space<hbm>> -> memref<1x10240x64xf32, #tpu.memory_space<hbm>>
    %dma_wait3A_59 = tpu.memref_squeeze %dma_wait3A_58 : memref<1x10240x64xf32, #tpu.memory_space<hbm>> -> memref<10240x64xf32, #tpu.memory_space<hbm>>
    %dma_wait3A_60 = arith.constant 0 : i32
    %dma_wait3A_61 = arith.constant 0 : i32
    %dma_wait3A_62 = tpu.memref_slice %dma_wait3A_59[%dma_wait3A_60, %dma_wait3A_61] : memref<10240x64xf32, #tpu.memory_space<hbm>> -> memref<10240x64xf32, #tpu.memory_space<hbm>>
    tpu.wait_indirect_dma semaphore(%arg12 : memref<!tpu.dma_semaphore, #tpu.memory_space<semaphore_mem>>) src(%dma_wait3A_62 : memref<10240x64xf32, #tpu.memory_space<hbm>>) dst(%arg9 : memref<128x64xf32, #tpu.memory_space<vmem>>)
    %run_scoped3A = arith.constant 156 : i32
    "tpu.region"() ({
      %run_scoped3A_91 = tpu.sem_alloc : memref<!tpu.dma_semaphore, #tpu.memory_space<semaphore_mem>>
      %dma_start3A_92 = arith.constant 0 : i32
      %dma_start3A_93 = tpu.memref_slice %arg8[%run_scoped3A, %dma_start3A_92] : memref<158x128xi32, #tpu.memory_space<vmem>> -> memref<1x128xi32, #tpu.memory_space<vmem>>
      %dma_start3A_94 = tpu.memref_squeeze %dma_start3A_93 : memref<1x128xi32, #tpu.memory_space<vmem>> -> memref<128xi32, #tpu.memory_space<vmem>>
      %dma_start3A_95 = arith.constant 0 : i32
      %dma_start3A_96 = arith.constant 0 : i32
      %dma_start3A_97 = tpu.memref_slice %arg11[%dma_start3A_95, %dma_start3A_96] : memref<10240x64xf32, #tpu.memory_space<vmem_shared>> -> memref<10240x64xf32, #tpu.memory_space<vmem_shared>>
      tpu.enqueue_indirect_dma source(%arg9 : memref<128x64xf32, #tpu.memory_space<vmem>>) target(%dma_start3A_97 : memref<10240x64xf32, #tpu.memory_space<vmem_shared>>) offsets(%dma_start3A_94 : memref<128xi32, #tpu.memory_space<vmem>>) semaphore(%run_scoped3A_91 : memref<!tpu.dma_semaphore, #tpu.memory_space<semaphore_mem>>) {add = true}
      %dma_wait3A_98 = arith.constant 0 : i32
      %dma_wait3A_99 = tpu.memref_slice %arg8[%run_scoped3A, %dma_wait3A_98] : memref<158x128xi32, #tpu.memory_space<vmem>> -> memref<1x128xi32, #tpu.memory_space<vmem>>
      %dma_wait3A_100 = tpu.memref_squeeze %dma_wait3A_99 : memref<1x128xi32, #tpu.memory_space<vmem>> -> memref<128xi32, #tpu.memory_space<vmem>>
      %dma_wait3A_101 = arith.constant 0 : i32
      %dma_wait3A_102 = arith.constant 0 : i32
      %dma_wait3A_103 = tpu.memref_slice %arg11[%dma_wait3A_101, %dma_wait3A_102] : memref<10240x64xf32, #tpu.memory_space<vmem_shared>> -> memref<10240x64xf32, #tpu.memory_space<vmem_shared>>
      tpu.wait_indirect_dma semaphore(%run_scoped3A_91 : memref<!tpu.dma_semaphore, #tpu.memory_space<semaphore_mem>>) src(%arg9 : memref<128x64xf32, #tpu.memory_space<vmem>>) dst(%dma_wait3A_103 : memref<10240x64xf32, #tpu.memory_space<vmem_shared>>)
      tpu.yield
    }) : () -> ()
    %dma_start3A_63 = arith.constant 157 : i32
    %dma_start3A_64 = arith.constant 0 : i32
    %dma_start3A_65 = tpu.memref_slice %arg7[%dma_start3A_63, %dma_start3A_64] : memref<158x128xi32, #tpu.memory_space<vmem>> -> memref<1x128xi32, #tpu.memory_space<vmem>>
    %dma_start3A_66 = tpu.memref_squeeze %dma_start3A_65 : memref<1x128xi32, #tpu.memory_space<vmem>> -> memref<128xi32, #tpu.memory_space<vmem>>
    %dma_start3A_67 = arith.constant 0 : i32
    %dma_start3A_68 = arith.constant 0 : i32
    %dma_start3A_69 = tpu.memref_slice %arg2[%arg0, %dma_start3A_67, %dma_start3A_68] : memref<2x10240x64xf32, #tpu.memory_space<hbm>> -> memref<1x10240x64xf32, #tpu.memory_space<hbm>>
    %dma_start3A_70 = tpu.memref_squeeze %dma_start3A_69 : memref<1x10240x64xf32, #tpu.memory_space<hbm>> -> memref<10240x64xf32, #tpu.memory_space<hbm>>
    %dma_start3A_71 = arith.constant 0 : i32
    %dma_start3A_72 = arith.constant 0 : i32
    %dma_start3A_73 = tpu.memref_slice %dma_start3A_70[%dma_start3A_71, %dma_start3A_72] : memref<10240x64xf32, #tpu.memory_space<hbm>> -> memref<10240x64xf32, #tpu.memory_space<hbm>>
    tpu.enqueue_indirect_dma source(%dma_start3A_73 : memref<10240x64xf32, #tpu.memory_space<hbm>>) target(%arg10 : memref<128x64xf32, #tpu.memory_space<vmem>>) offsets(%dma_start3A_66 : memref<128xi32, #tpu.memory_space<vmem>>) semaphore(%arg13 : memref<!tpu.dma_semaphore, #tpu.memory_space<semaphore_mem>>)
    %dma_wait3A_74 = arith.constant 157 : i32
    %dma_wait3A_75 = arith.constant 0 : i32
    %dma_wait3A_76 = tpu.memref_slice %arg7[%dma_wait3A_74, %dma_wait3A_75] : memref<158x128xi32, #tpu.memory_space<vmem>> -> memref<1x128xi32, #tpu.memory_space<vmem>>
    %dma_wait3A_77 = tpu.memref_squeeze %dma_wait3A_76 : memref<1x128xi32, #tpu.memory_space<vmem>> -> memref<128xi32, #tpu.memory_space<vmem>>
    %dma_wait3A_78 = arith.constant 0 : i32
    %dma_wait3A_79 = arith.constant 0 : i32
    %dma_wait3A_80 = tpu.memref_slice %arg2[%arg0, %dma_wait3A_78, %dma_wait3A_79] : memref<2x10240x64xf32, #tpu.memory_space<hbm>> -> memref<1x10240x64xf32, #tpu.memory_space<hbm>>
    %dma_wait3A_81 = tpu.memref_squeeze %dma_wait3A_80 : memref<1x10240x64xf32, #tpu.memory_space<hbm>> -> memref<10240x64xf32, #tpu.memory_space<hbm>>
    %dma_wait3A_82 = arith.constant 0 : i32
    %dma_wait3A_83 = arith.constant 0 : i32
    %dma_wait3A_84 = tpu.memref_slice %dma_wait3A_81[%dma_wait3A_82, %dma_wait3A_83] : memref<10240x64xf32, #tpu.memory_space<hbm>> -> memref<10240x64xf32, #tpu.memory_space<hbm>>
    tpu.wait_indirect_dma semaphore(%arg13 : memref<!tpu.dma_semaphore, #tpu.memory_space<semaphore_mem>>) src(%dma_wait3A_84 : memref<10240x64xf32, #tpu.memory_space<hbm>>) dst(%arg10 : memref<128x64xf32, #tpu.memory_space<vmem>>)
    %run_scoped3A_85 = arith.constant 157 : i32
    "tpu.region"() ({
      %run_scoped3A_91 = tpu.sem_alloc : memref<!tpu.dma_semaphore, #tpu.memory_space<semaphore_mem>>
      %dma_start3A_92 = arith.constant 0 : i32
      %dma_start3A_93 = tpu.memref_slice %arg8[%run_scoped3A_85, %dma_start3A_92] : memref<158x128xi32, #tpu.memory_space<vmem>> -> memref<1x128xi32, #tpu.memory_space<vmem>>
      %dma_start3A_94 = tpu.memref_squeeze %dma_start3A_93 : memref<1x128xi32, #tpu.memory_space<vmem>> -> memref<128xi32, #tpu.memory_space<vmem>>
      %dma_start3A_95 = arith.constant 0 : i32
      %dma_start3A_96 = arith.constant 0 : i32
      %dma_start3A_97 = tpu.memref_slice %arg11[%dma_start3A_95, %dma_start3A_96] : memref<10240x64xf32, #tpu.memory_space<vmem_shared>> -> memref<10240x64xf32, #tpu.memory_space<vmem_shared>>
      tpu.enqueue_indirect_dma source(%arg10 : memref<128x64xf32, #tpu.memory_space<vmem>>) target(%dma_start3A_97 : memref<10240x64xf32, #tpu.memory_space<vmem_shared>>) offsets(%dma_start3A_94 : memref<128xi32, #tpu.memory_space<vmem>>) semaphore(%run_scoped3A_91 : memref<!tpu.dma_semaphore, #tpu.memory_space<semaphore_mem>>) {add = true}
      %dma_wait3A_98 = arith.constant 0 : i32
      %dma_wait3A_99 = tpu.memref_slice %arg8[%run_scoped3A_85, %dma_wait3A_98] : memref<158x128xi32, #tpu.memory_space<vmem>> -> memref<1x128xi32, #tpu.memory_space<vmem>>
      %dma_wait3A_100 = tpu.memref_squeeze %dma_wait3A_99 : memref<1x128xi32, #tpu.memory_space<vmem>> -> memref<128xi32, #tpu.memory_space<vmem>>
      %dma_wait3A_101 = arith.constant 0 : i32
      %dma_wait3A_102 = arith.constant 0 : i32
      %dma_wait3A_103 = tpu.memref_slice %arg11[%dma_wait3A_101, %dma_wait3A_102] : memref<10240x64xf32, #tpu.memory_space<vmem_shared>> -> memref<10240x64xf32, #tpu.memory_space<vmem_shared>>
      tpu.wait_indirect_dma semaphore(%run_scoped3A_91 : memref<!tpu.dma_semaphore, #tpu.memory_space<semaphore_mem>>) src(%arg10 : memref<128x64xf32, #tpu.memory_space<vmem>>) dst(%dma_wait3A_103 : memref<10240x64xf32, #tpu.memory_space<vmem_shared>>)
      tpu.yield
    }) : () -> ()
    %barrier3A_86 = arith.constant 0 : index
    tpu.barrier barrier_id(%barrier3A_86)
    %mul3A_87 = arith.constant 640 : i32
    %mul3A_88 = arith.muli %arg1, %mul3A_87 : i32
    %mul3A_89 = arith.constant 640 : i32
    %mul3A_90 = arith.muli %arg1, %mul3A_89 : i32
    "tpu.region"() ({
      %run_scoped3A_91 = tpu.sem_alloc : memref<!tpu.dma_semaphore, #tpu.memory_space<semaphore_mem>>
      %dma_start3A_92 = arith.constant 0 : i32
      %dma_start3A_93 = tpu.memref_slice %arg6[%arg0, %mul3A_90, %dma_start3A_92] : memref<2x10240x64xf32, #tpu.memory_space<hbm>> -> memref<1x640x64xf32, #tpu.memory_space<hbm>>
      %dma_start3A_94 = tpu.memref_squeeze %dma_start3A_93 : memref<1x640x64xf32, #tpu.memory_space<hbm>> -> memref<640x64xf32, #tpu.memory_space<hbm>>
      %dma_start3A_95 = arith.constant 0 : i32
      %dma_start3A_96 = tpu.memref_slice %arg11[%mul3A_88, %dma_start3A_95] : memref<10240x64xf32, #tpu.memory_space<vmem_shared>> -> memref<640x64xf32, #tpu.memory_space<vmem_shared>>
      tpu.enqueue_dma source(%dma_start3A_96 : memref<640x64xf32, #tpu.memory_space<vmem_shared>>) target(%dma_start3A_94 : memref<640x64xf32, #tpu.memory_space<hbm>>) target_semaphore(%run_scoped3A_91 : memref<!tpu.dma_semaphore, #tpu.memory_space<semaphore_mem>>)
      %dma_wait3A_97 = arith.constant 0 : i32
      %dma_wait3A_98 = tpu.memref_slice %arg6[%arg0, %mul3A_90, %dma_wait3A_97] : memref<2x10240x64xf32, #tpu.memory_space<hbm>> -> memref<1x640x64xf32, #tpu.memory_space<hbm>>
      %dma_wait3A_99 = tpu.memref_squeeze %dma_wait3A_98 : memref<1x640x64xf32, #tpu.memory_space<hbm>> -> memref<640x64xf32, #tpu.memory_space<hbm>>
      %dma_wait3A_100 = arith.constant 0 : i32
      %dma_wait3A_101 = tpu.memref_slice %arg11[%mul3A_88, %dma_wait3A_100] : memref<10240x64xf32, #tpu.memory_space<vmem_shared>> -> memref<640x64xf32, #tpu.memory_space<vmem_shared>>
      tpu.wait_dma2 semaphore(%run_scoped3A_91 : memref<!tpu.dma_semaphore, #tpu.memory_space<semaphore_mem>>) src(%dma_wait3A_101 : memref<640x64xf32, #tpu.memory_space<vmem_shared>>) dst(%dma_wait3A_99 : memref<640x64xf32, #tpu.memory_space<hbm>>)
      tpu.yield
    }) : () -> ()
    return
  }
}

#map = affine_map<(d0, d1) -> (0, 0, 0)>
#map1 = affine_map<(d0, d1) -> (0, 0)>
module attributes {stable_mosaic.version = 14 : i64} {
  func.func @_sc_agg(%arg0: i32, %arg1: i32, %arg2: memref<2x10240x64xf32, #tpu.memory_space<hbm>>, %arg3: memref<16x158x128xi32, #tpu.memory_space<hbm>>, %arg4: memref<16x158x128xi32, #tpu.memory_space<hbm>>, %arg5: memref<640x64xf32, #tpu.memory_space<hbm>>, %arg6: memref<2x10240x64xf32, #tpu.memory_space<hbm>>, %arg7: memref<158x128xi32, #tpu.memory_space<vmem>>, %arg8: memref<158x128xi32, #tpu.memory_space<vmem>>, %arg9: memref<128x64xf32, #tpu.memory_space<vmem>>, %arg10: memref<128x64xf32, #tpu.memory_space<vmem>>, %arg11: memref<10240x64xf32, #tpu.memory_space<vmem_shared>>, %arg12: memref<!tpu.dma_semaphore, #tpu.memory_space<semaphore_mem>>, %arg13: memref<!tpu.dma_semaphore, #tpu.memory_space<semaphore_mem>>, %arg14: memref<!tpu.dma_semaphore, #tpu.memory_space<semaphore_mem>>) attributes {dimension_semantics = [#tpu.dimension_semantics<core_parallel>, #tpu.dimension_semantics<subcore_parallel>], iteration_bounds = array<i64: 2, 16>, scalar_prefetch = 0 : i64, scratch_operands = 8 : i64, tpu.core_type = #tpu.core_type<sc_vector_subcore>, window_params = [{transform_indices = #map}, {transform_indices = #map}, {transform_indices = #map}, {transform_indices = #map1}, {transform_indices = #map}]} {
    %dma_start3A = arith.constant 0 : i32
    %dma_start3A_0 = arith.constant 0 : i32
    %dma_start3A_1 = tpu.memref_slice %arg3[%arg1, %dma_start3A, %dma_start3A_0] : memref<16x158x128xi32, #tpu.memory_space<hbm>> -> memref<1x158x128xi32, #tpu.memory_space<hbm>>
    %dma_start3A_2 = tpu.memref_squeeze %dma_start3A_1 : memref<1x158x128xi32, #tpu.memory_space<hbm>> -> memref<158x128xi32, #tpu.memory_space<hbm>>
    %dma_start3A_3 = arith.constant 0 : i32
    %dma_start3A_4 = arith.constant 0 : i32
    %dma_start3A_5 = tpu.memref_slice %arg3[%arg1, %dma_start3A_3, %dma_start3A_4] : memref<16x158x128xi32, #tpu.memory_space<hbm>> -> memref<1x158x128xi32, #tpu.memory_space<hbm>>
    %dma_start3A_6 = tpu.memref_squeeze %dma_start3A_5 : memref<1x158x128xi32, #tpu.memory_space<hbm>> -> memref<158x128xi32, #tpu.memory_space<hbm>>
    tpu.enqueue_dma source(%dma_start3A_6 : memref<158x128xi32, #tpu.memory_space<hbm>>) target(%arg7 : memref<158x128xi32, #tpu.memory_space<vmem>>) target_semaphore(%arg12 : memref<!tpu.dma_semaphore, #tpu.memory_space<semaphore_mem>>)
    %dma_start3A_7 = arith.constant 0 : i32
    %dma_start3A_8 = arith.constant 0 : i32
    %dma_start3A_9 = tpu.memref_slice %arg4[%arg1, %dma_start3A_7, %dma_start3A_8] : memref<16x158x128xi32, #tpu.memory_space<hbm>> -> memref<1x158x128xi32, #tpu.memory_space<hbm>>
    %dma_start3A_10 = tpu.memref_squeeze %dma_start3A_9 : memref<1x158x128xi32, #tpu.memory_space<hbm>> -> memref<158x128xi32, #tpu.memory_space<hbm>>
    %dma_start3A_11 = arith.constant 0 : i32
    %dma_start3A_12 = arith.constant 0 : i32
    %dma_start3A_13 = tpu.memref_slice %arg4[%arg1, %dma_start3A_11, %dma_start3A_12] : memref<16x158x128xi32, #tpu.memory_space<hbm>> -> memref<1x158x128xi32, #tpu.memory_space<hbm>>
    %dma_start3A_14 = tpu.memref_squeeze %dma_start3A_13 : memref<1x158x128xi32, #tpu.memory_space<hbm>> -> memref<158x128xi32, #tpu.memory_space<hbm>>
    tpu.enqueue_dma source(%dma_start3A_14 : memref<158x128xi32, #tpu.memory_space<hbm>>) target(%arg8 : memref<158x128xi32, #tpu.memory_space<vmem>>) target_semaphore(%arg13 : memref<!tpu.dma_semaphore, #tpu.memory_space<semaphore_mem>>)
    %mul3A = arith.constant 640 : i32
    %mul3A_15 = arith.muli %arg1, %mul3A : i32
    %dma_start3A_16 = arith.constant 0 : i32
    %dma_start3A_17 = tpu.memref_slice %arg11[%mul3A_15, %dma_start3A_16] : memref<10240x64xf32, #tpu.memory_space<vmem_shared>> -> memref<640x64xf32, #tpu.memory_space<vmem_shared>>
    tpu.enqueue_dma source(%arg5 : memref<640x64xf32, #tpu.memory_space<hbm>>) target(%dma_start3A_17 : memref<640x64xf32, #tpu.memory_space<vmem_shared>>) target_semaphore(%arg14 : memref<!tpu.dma_semaphore, #tpu.memory_space<semaphore_mem>>)
    %dma_wait3A = arith.constant 0 : i32
    %dma_wait3A_18 = arith.constant 0 : i32
    %dma_wait3A_19 = tpu.memref_slice %arg3[%arg1, %dma_wait3A, %dma_wait3A_18] : memref<16x158x128xi32, #tpu.memory_space<hbm>> -> memref<1x158x128xi32, #tpu.memory_space<hbm>>
    %dma_wait3A_20 = tpu.memref_squeeze %dma_wait3A_19 : memref<1x158x128xi32, #tpu.memory_space<hbm>> -> memref<158x128xi32, #tpu.memory_space<hbm>>
    %dma_wait3A_21 = arith.constant 0 : i32
    %dma_wait3A_22 = arith.constant 0 : i32
    %dma_wait3A_23 = tpu.memref_slice %arg3[%arg1, %dma_wait3A_21, %dma_wait3A_22] : memref<16x158x128xi32, #tpu.memory_space<hbm>> -> memref<1x158x128xi32, #tpu.memory_space<hbm>>
    %dma_wait3A_24 = tpu.memref_squeeze %dma_wait3A_23 : memref<1x158x128xi32, #tpu.memory_space<hbm>> -> memref<158x128xi32, #tpu.memory_space<hbm>>
    tpu.wait_dma2 semaphore(%arg12 : memref<!tpu.dma_semaphore, #tpu.memory_space<semaphore_mem>>) src(%dma_wait3A_24 : memref<158x128xi32, #tpu.memory_space<hbm>>) dst(%arg7 : memref<158x128xi32, #tpu.memory_space<vmem>>)
    %dma_start3A_25 = arith.constant 0 : i32
    %dma_start3A_26 = arith.constant 0 : i32
    %dma_start3A_27 = tpu.memref_slice %arg7[%dma_start3A_25, %dma_start3A_26] : memref<158x128xi32, #tpu.memory_space<vmem>> -> memref<1x128xi32, #tpu.memory_space<vmem>>
    %dma_start3A_28 = tpu.memref_squeeze %dma_start3A_27 : memref<1x128xi32, #tpu.memory_space<vmem>> -> memref<128xi32, #tpu.memory_space<vmem>>
    %dma_start3A_29 = arith.constant 0 : i32
    %dma_start3A_30 = arith.constant 0 : i32
    %dma_start3A_31 = tpu.memref_slice %arg2[%arg0, %dma_start3A_29, %dma_start3A_30] : memref<2x10240x64xf32, #tpu.memory_space<hbm>> -> memref<1x10240x64xf32, #tpu.memory_space<hbm>>
    %dma_start3A_32 = tpu.memref_squeeze %dma_start3A_31 : memref<1x10240x64xf32, #tpu.memory_space<hbm>> -> memref<10240x64xf32, #tpu.memory_space<hbm>>
    %dma_start3A_33 = arith.constant 0 : i32
    %dma_start3A_34 = arith.constant 0 : i32
    %dma_start3A_35 = tpu.memref_slice %dma_start3A_32[%dma_start3A_33, %dma_start3A_34] : memref<10240x64xf32, #tpu.memory_space<hbm>> -> memref<10240x64xf32, #tpu.memory_space<hbm>>
    tpu.enqueue_indirect_dma source(%dma_start3A_35 : memref<10240x64xf32, #tpu.memory_space<hbm>>) target(%arg9 : memref<128x64xf32, #tpu.memory_space<vmem>>) offsets(%dma_start3A_28 : memref<128xi32, #tpu.memory_space<vmem>>) semaphore(%arg12 : memref<!tpu.dma_semaphore, #tpu.memory_space<semaphore_mem>>)
    %dma_wait3A_36 = arith.constant 0 : i32
    %dma_wait3A_37 = arith.constant 0 : i32
    %dma_wait3A_38 = tpu.memref_slice %arg4[%arg1, %dma_wait3A_36, %dma_wait3A_37] : memref<16x158x128xi32, #tpu.memory_space<hbm>> -> memref<1x158x128xi32, #tpu.memory_space<hbm>>
    %dma_wait3A_39 = tpu.memref_squeeze %dma_wait3A_38 : memref<1x158x128xi32, #tpu.memory_space<hbm>> -> memref<158x128xi32, #tpu.memory_space<hbm>>
    %dma_wait3A_40 = arith.constant 0 : i32
    %dma_wait3A_41 = arith.constant 0 : i32
    %dma_wait3A_42 = tpu.memref_slice %arg4[%arg1, %dma_wait3A_40, %dma_wait3A_41] : memref<16x158x128xi32, #tpu.memory_space<hbm>> -> memref<1x158x128xi32, #tpu.memory_space<hbm>>
    %dma_wait3A_43 = tpu.memref_squeeze %dma_wait3A_42 : memref<1x158x128xi32, #tpu.memory_space<hbm>> -> memref<158x128xi32, #tpu.memory_space<hbm>>
    tpu.wait_dma2 semaphore(%arg13 : memref<!tpu.dma_semaphore, #tpu.memory_space<semaphore_mem>>) src(%dma_wait3A_43 : memref<158x128xi32, #tpu.memory_space<hbm>>) dst(%arg8 : memref<158x128xi32, #tpu.memory_space<vmem>>)
    %dma_wait3A_44 = arith.constant 0 : i32
    %dma_wait3A_45 = tpu.memref_slice %arg11[%mul3A_15, %dma_wait3A_44] : memref<10240x64xf32, #tpu.memory_space<vmem_shared>> -> memref<640x64xf32, #tpu.memory_space<vmem_shared>>
    tpu.wait_dma2 semaphore(%arg14 : memref<!tpu.dma_semaphore, #tpu.memory_space<semaphore_mem>>) src(%arg5 : memref<640x64xf32, #tpu.memory_space<hbm>>) dst(%dma_wait3A_45 : memref<640x64xf32, #tpu.memory_space<vmem_shared>>)
    %barrier3A = arith.constant 0 : index
    tpu.barrier barrier_id(%barrier3A)
    %scan3A = arith.constant 0 : i32
    %scan3A_46 = arith.constant 0 : i32
    %scan3A_47 = arith.constant 78 : i32
    %scan3A_48 = arith.addi %scan3A_46, %scan3A_47 : i32
    %scan3A_49 = arith.constant 1 : i32
    %scan3A_50 = scf.for %scan3A_91 = %scan3A_46 to %scan3A_48 step %scan3A_49 iter_args(%scan3A_92 = %scan3A) -> (i32)  : i32 {
      %mul3A_93 = arith.constant 2 : i32
      %mul3A_94 = arith.muli %mul3A_93, %scan3A_91 : i32
      %add3A = arith.constant 1 : i32
      %add3A_95 = arith.addi %mul3A_94, %add3A : i32
      %dma_start3A_96 = arith.constant 0 : i32
      %dma_start3A_97 = tpu.memref_slice %arg7[%add3A_95, %dma_start3A_96] : memref<158x128xi32, #tpu.memory_space<vmem>> -> memref<1x128xi32, #tpu.memory_space<vmem>>
      %dma_start3A_98 = tpu.memref_squeeze %dma_start3A_97 : memref<1x128xi32, #tpu.memory_space<vmem>> -> memref<128xi32, #tpu.memory_space<vmem>>
      %dma_start3A_99 = arith.constant 0 : i32
      %dma_start3A_100 = arith.constant 0 : i32
      %dma_start3A_101 = tpu.memref_slice %arg2[%arg0, %dma_start3A_99, %dma_start3A_100] : memref<2x10240x64xf32, #tpu.memory_space<hbm>> -> memref<1x10240x64xf32, #tpu.memory_space<hbm>>
      %dma_start3A_102 = tpu.memref_squeeze %dma_start3A_101 : memref<1x10240x64xf32, #tpu.memory_space<hbm>> -> memref<10240x64xf32, #tpu.memory_space<hbm>>
      %dma_start3A_103 = arith.constant 0 : i32
      %dma_start3A_104 = arith.constant 0 : i32
      %dma_start3A_105 = tpu.memref_slice %dma_start3A_102[%dma_start3A_103, %dma_start3A_104] : memref<10240x64xf32, #tpu.memory_space<hbm>> -> memref<10240x64xf32, #tpu.memory_space<hbm>>
      tpu.enqueue_indirect_dma source(%dma_start3A_105 : memref<10240x64xf32, #tpu.memory_space<hbm>>) target(%arg10 : memref<128x64xf32, #tpu.memory_space<vmem>>) offsets(%dma_start3A_98 : memref<128xi32, #tpu.memory_space<vmem>>) semaphore(%arg13 : memref<!tpu.dma_semaphore, #tpu.memory_space<semaphore_mem>>)
      %dma_wait3A_106 = arith.constant 0 : i32
      %dma_wait3A_107 = tpu.memref_slice %arg7[%mul3A_94, %dma_wait3A_106] : memref<158x128xi32, #tpu.memory_space<vmem>> -> memref<1x128xi32, #tpu.memory_space<vmem>>
      %dma_wait3A_108 = tpu.memref_squeeze %dma_wait3A_107 : memref<1x128xi32, #tpu.memory_space<vmem>> -> memref<128xi32, #tpu.memory_space<vmem>>
      %dma_wait3A_109 = arith.constant 0 : i32
      %dma_wait3A_110 = arith.constant 0 : i32
      %dma_wait3A_111 = tpu.memref_slice %arg2[%arg0, %dma_wait3A_109, %dma_wait3A_110] : memref<2x10240x64xf32, #tpu.memory_space<hbm>> -> memref<1x10240x64xf32, #tpu.memory_space<hbm>>
      %dma_wait3A_112 = tpu.memref_squeeze %dma_wait3A_111 : memref<1x10240x64xf32, #tpu.memory_space<hbm>> -> memref<10240x64xf32, #tpu.memory_space<hbm>>
      %dma_wait3A_113 = arith.constant 0 : i32
      %dma_wait3A_114 = arith.constant 0 : i32
      %dma_wait3A_115 = tpu.memref_slice %dma_wait3A_112[%dma_wait3A_113, %dma_wait3A_114] : memref<10240x64xf32, #tpu.memory_space<hbm>> -> memref<10240x64xf32, #tpu.memory_space<hbm>>
      tpu.wait_indirect_dma semaphore(%arg12 : memref<!tpu.dma_semaphore, #tpu.memory_space<semaphore_mem>>) src(%dma_wait3A_115 : memref<10240x64xf32, #tpu.memory_space<hbm>>) dst(%arg9 : memref<128x64xf32, #tpu.memory_space<vmem>>)
      "tpu.region"() ({
        %run_scoped3A_143 = tpu.sem_alloc : memref<!tpu.dma_semaphore, #tpu.memory_space<semaphore_mem>>
        %dma_start3A_144 = arith.constant 0 : i32
        %dma_start3A_145 = tpu.memref_slice %arg8[%mul3A_94, %dma_start3A_144] : memref<158x128xi32, #tpu.memory_space<vmem>> -> memref<1x128xi32, #tpu.memory_space<vmem>>
        %dma_start3A_146 = tpu.memref_squeeze %dma_start3A_145 : memref<1x128xi32, #tpu.memory_space<vmem>> -> memref<128xi32, #tpu.memory_space<vmem>>
        %dma_start3A_147 = arith.constant 0 : i32
        %dma_start3A_148 = arith.constant 0 : i32
        %dma_start3A_149 = tpu.memref_slice %arg11[%dma_start3A_147, %dma_start3A_148] : memref<10240x64xf32, #tpu.memory_space<vmem_shared>> -> memref<10240x64xf32, #tpu.memory_space<vmem_shared>>
        tpu.enqueue_indirect_dma source(%arg9 : memref<128x64xf32, #tpu.memory_space<vmem>>) target(%dma_start3A_149 : memref<10240x64xf32, #tpu.memory_space<vmem_shared>>) offsets(%dma_start3A_146 : memref<128xi32, #tpu.memory_space<vmem>>) semaphore(%run_scoped3A_143 : memref<!tpu.dma_semaphore, #tpu.memory_space<semaphore_mem>>) {add = true}
        %dma_wait3A_150 = arith.constant 0 : i32
        %dma_wait3A_151 = tpu.memref_slice %arg8[%mul3A_94, %dma_wait3A_150] : memref<158x128xi32, #tpu.memory_space<vmem>> -> memref<1x128xi32, #tpu.memory_space<vmem>>
        %dma_wait3A_152 = tpu.memref_squeeze %dma_wait3A_151 : memref<1x128xi32, #tpu.memory_space<vmem>> -> memref<128xi32, #tpu.memory_space<vmem>>
        %dma_wait3A_153 = arith.constant 0 : i32
        %dma_wait3A_154 = arith.constant 0 : i32
        %dma_wait3A_155 = tpu.memref_slice %arg11[%dma_wait3A_153, %dma_wait3A_154] : memref<10240x64xf32, #tpu.memory_space<vmem_shared>> -> memref<10240x64xf32, #tpu.memory_space<vmem_shared>>
        tpu.wait_indirect_dma semaphore(%run_scoped3A_143 : memref<!tpu.dma_semaphore, #tpu.memory_space<semaphore_mem>>) src(%arg9 : memref<128x64xf32, #tpu.memory_space<vmem>>) dst(%dma_wait3A_155 : memref<10240x64xf32, #tpu.memory_space<vmem_shared>>)
        tpu.yield
      }) : () -> ()
      %add3A_116 = arith.constant 2 : i32
      %add3A_117 = arith.addi %mul3A_94, %add3A_116 : i32
      %dma_start3A_118 = arith.constant 0 : i32
      %dma_start3A_119 = tpu.memref_slice %arg7[%add3A_117, %dma_start3A_118] : memref<158x128xi32, #tpu.memory_space<vmem>> -> memref<1x128xi32, #tpu.memory_space<vmem>>
      %dma_start3A_120 = tpu.memref_squeeze %dma_start3A_119 : memref<1x128xi32, #tpu.memory_space<vmem>> -> memref<128xi32, #tpu.memory_space<vmem>>
      %dma_start3A_121 = arith.constant 0 : i32
      %dma_start3A_122 = arith.constant 0 : i32
      %dma_start3A_123 = tpu.memref_slice %arg2[%arg0, %dma_start3A_121, %dma_start3A_122] : memref<2x10240x64xf32, #tpu.memory_space<hbm>> -> memref<1x10240x64xf32, #tpu.memory_space<hbm>>
      %dma_start3A_124 = tpu.memref_squeeze %dma_start3A_123 : memref<1x10240x64xf32, #tpu.memory_space<hbm>> -> memref<10240x64xf32, #tpu.memory_space<hbm>>
      %dma_start3A_125 = arith.constant 0 : i32
      %dma_start3A_126 = arith.constant 0 : i32
      %dma_start3A_127 = tpu.memref_slice %dma_start3A_124[%dma_start3A_125, %dma_start3A_126] : memref<10240x64xf32, #tpu.memory_space<hbm>> -> memref<10240x64xf32, #tpu.memory_space<hbm>>
      tpu.enqueue_indirect_dma source(%dma_start3A_127 : memref<10240x64xf32, #tpu.memory_space<hbm>>) target(%arg9 : memref<128x64xf32, #tpu.memory_space<vmem>>) offsets(%dma_start3A_120 : memref<128xi32, #tpu.memory_space<vmem>>) semaphore(%arg12 : memref<!tpu.dma_semaphore, #tpu.memory_space<semaphore_mem>>)
      %add3A_128 = arith.constant 1 : i32
      %add3A_129 = arith.addi %mul3A_94, %add3A_128 : i32
      %dma_wait3A_130 = arith.constant 0 : i32
      %dma_wait3A_131 = tpu.memref_slice %arg7[%add3A_129, %dma_wait3A_130] : memref<158x128xi32, #tpu.memory_space<vmem>> -> memref<1x128xi32, #tpu.memory_space<vmem>>
      %dma_wait3A_132 = tpu.memref_squeeze %dma_wait3A_131 : memref<1x128xi32, #tpu.memory_space<vmem>> -> memref<128xi32, #tpu.memory_space<vmem>>
      %dma_wait3A_133 = arith.constant 0 : i32
      %dma_wait3A_134 = arith.constant 0 : i32
      %dma_wait3A_135 = tpu.memref_slice %arg2[%arg0, %dma_wait3A_133, %dma_wait3A_134] : memref<2x10240x64xf32, #tpu.memory_space<hbm>> -> memref<1x10240x64xf32, #tpu.memory_space<hbm>>
      %dma_wait3A_136 = tpu.memref_squeeze %dma_wait3A_135 : memref<1x10240x64xf32, #tpu.memory_space<hbm>> -> memref<10240x64xf32, #tpu.memory_space<hbm>>
      %dma_wait3A_137 = arith.constant 0 : i32
      %dma_wait3A_138 = arith.constant 0 : i32
      %dma_wait3A_139 = tpu.memref_slice %dma_wait3A_136[%dma_wait3A_137, %dma_wait3A_138] : memref<10240x64xf32, #tpu.memory_space<hbm>> -> memref<10240x64xf32, #tpu.memory_space<hbm>>
      tpu.wait_indirect_dma semaphore(%arg13 : memref<!tpu.dma_semaphore, #tpu.memory_space<semaphore_mem>>) src(%dma_wait3A_139 : memref<10240x64xf32, #tpu.memory_space<hbm>>) dst(%arg10 : memref<128x64xf32, #tpu.memory_space<vmem>>)
      %add3A_140 = arith.constant 1 : i32
      %add3A_141 = arith.addi %mul3A_94, %add3A_140 : i32
      "tpu.region"() ({
        %run_scoped3A_143 = tpu.sem_alloc : memref<!tpu.dma_semaphore, #tpu.memory_space<semaphore_mem>>
        %dma_start3A_144 = arith.constant 0 : i32
        %dma_start3A_145 = tpu.memref_slice %arg8[%add3A_141, %dma_start3A_144] : memref<158x128xi32, #tpu.memory_space<vmem>> -> memref<1x128xi32, #tpu.memory_space<vmem>>
        %dma_start3A_146 = tpu.memref_squeeze %dma_start3A_145 : memref<1x128xi32, #tpu.memory_space<vmem>> -> memref<128xi32, #tpu.memory_space<vmem>>
        %dma_start3A_147 = arith.constant 0 : i32
        %dma_start3A_148 = arith.constant 0 : i32
        %dma_start3A_149 = tpu.memref_slice %arg11[%dma_start3A_147, %dma_start3A_148] : memref<10240x64xf32, #tpu.memory_space<vmem_shared>> -> memref<10240x64xf32, #tpu.memory_space<vmem_shared>>
        tpu.enqueue_indirect_dma source(%arg10 : memref<128x64xf32, #tpu.memory_space<vmem>>) target(%dma_start3A_149 : memref<10240x64xf32, #tpu.memory_space<vmem_shared>>) offsets(%dma_start3A_146 : memref<128xi32, #tpu.memory_space<vmem>>) semaphore(%run_scoped3A_143 : memref<!tpu.dma_semaphore, #tpu.memory_space<semaphore_mem>>) {add = true}
        %dma_wait3A_150 = arith.constant 0 : i32
        %dma_wait3A_151 = tpu.memref_slice %arg8[%add3A_141, %dma_wait3A_150] : memref<158x128xi32, #tpu.memory_space<vmem>> -> memref<1x128xi32, #tpu.memory_space<vmem>>
        %dma_wait3A_152 = tpu.memref_squeeze %dma_wait3A_151 : memref<1x128xi32, #tpu.memory_space<vmem>> -> memref<128xi32, #tpu.memory_space<vmem>>
        %dma_wait3A_153 = arith.constant 0 : i32
        %dma_wait3A_154 = arith.constant 0 : i32
        %dma_wait3A_155 = tpu.memref_slice %arg11[%dma_wait3A_153, %dma_wait3A_154] : memref<10240x64xf32, #tpu.memory_space<vmem_shared>> -> memref<10240x64xf32, #tpu.memory_space<vmem_shared>>
        tpu.wait_indirect_dma semaphore(%run_scoped3A_143 : memref<!tpu.dma_semaphore, #tpu.memory_space<semaphore_mem>>) src(%arg10 : memref<128x64xf32, #tpu.memory_space<vmem>>) dst(%dma_wait3A_155 : memref<10240x64xf32, #tpu.memory_space<vmem_shared>>)
        tpu.yield
      }) : () -> ()
      %scan3A_142 = arith.constant 0 : i32
      scf.yield %scan3A_142 : i32
    }
    %scan3A_51 = arith.constant 78 : i32
    %dma_wait3A_52 = arith.constant 156 : i32
    %dma_wait3A_53 = arith.constant 0 : i32
    %dma_wait3A_54 = tpu.memref_slice %arg7[%dma_wait3A_52, %dma_wait3A_53] : memref<158x128xi32, #tpu.memory_space<vmem>> -> memref<1x128xi32, #tpu.memory_space<vmem>>
    %dma_wait3A_55 = tpu.memref_squeeze %dma_wait3A_54 : memref<1x128xi32, #tpu.memory_space<vmem>> -> memref<128xi32, #tpu.memory_space<vmem>>
    %dma_wait3A_56 = arith.constant 0 : i32
    %dma_wait3A_57 = arith.constant 0 : i32
    %dma_wait3A_58 = tpu.memref_slice %arg2[%arg0, %dma_wait3A_56, %dma_wait3A_57] : memref<2x10240x64xf32, #tpu.memory_space<hbm>> -> memref<1x10240x64xf32, #tpu.memory_space<hbm>>
    %dma_wait3A_59 = tpu.memref_squeeze %dma_wait3A_58 : memref<1x10240x64xf32, #tpu.memory_space<hbm>> -> memref<10240x64xf32, #tpu.memory_space<hbm>>
    %dma_wait3A_60 = arith.constant 0 : i32
    %dma_wait3A_61 = arith.constant 0 : i32
    %dma_wait3A_62 = tpu.memref_slice %dma_wait3A_59[%dma_wait3A_60, %dma_wait3A_61] : memref<10240x64xf32, #tpu.memory_space<hbm>> -> memref<10240x64xf32, #tpu.memory_space<hbm>>
    tpu.wait_indirect_dma semaphore(%arg12 : memref<!tpu.dma_semaphore, #tpu.memory_space<semaphore_mem>>) src(%dma_wait3A_62 : memref<10240x64xf32, #tpu.memory_space<hbm>>) dst(%arg9 : memref<128x64xf32, #tpu.memory_space<vmem>>)
    %run_scoped3A = arith.constant 156 : i32
    "tpu.region"() ({
      %run_scoped3A_91 = tpu.sem_alloc : memref<!tpu.dma_semaphore, #tpu.memory_space<semaphore_mem>>
      %dma_start3A_92 = arith.constant 0 : i32
      %dma_start3A_93 = tpu.memref_slice %arg8[%run_scoped3A, %dma_start3A_92] : memref<158x128xi32, #tpu.memory_space<vmem>> -> memref<1x128xi32, #tpu.memory_space<vmem>>
      %dma_start3A_94 = tpu.memref_squeeze %dma_start3A_93 : memref<1x128xi32, #tpu.memory_space<vmem>> -> memref<128xi32, #tpu.memory_space<vmem>>
      %dma_start3A_95 = arith.constant 0 : i32
      %dma_start3A_96 = arith.constant 0 : i32
      %dma_start3A_97 = tpu.memref_slice %arg11[%dma_start3A_95, %dma_start3A_96] : memref<10240x64xf32, #tpu.memory_space<vmem_shared>> -> memref<10240x64xf32, #tpu.memory_space<vmem_shared>>
      tpu.enqueue_indirect_dma source(%arg9 : memref<128x64xf32, #tpu.memory_space<vmem>>) target(%dma_start3A_97 : memref<10240x64xf32, #tpu.memory_space<vmem_shared>>) offsets(%dma_start3A_94 : memref<128xi32, #tpu.memory_space<vmem>>) semaphore(%run_scoped3A_91 : memref<!tpu.dma_semaphore, #tpu.memory_space<semaphore_mem>>) {add = true}
      %dma_wait3A_98 = arith.constant 0 : i32
      %dma_wait3A_99 = tpu.memref_slice %arg8[%run_scoped3A, %dma_wait3A_98] : memref<158x128xi32, #tpu.memory_space<vmem>> -> memref<1x128xi32, #tpu.memory_space<vmem>>
      %dma_wait3A_100 = tpu.memref_squeeze %dma_wait3A_99 : memref<1x128xi32, #tpu.memory_space<vmem>> -> memref<128xi32, #tpu.memory_space<vmem>>
      %dma_wait3A_101 = arith.constant 0 : i32
      %dma_wait3A_102 = arith.constant 0 : i32
      %dma_wait3A_103 = tpu.memref_slice %arg11[%dma_wait3A_101, %dma_wait3A_102] : memref<10240x64xf32, #tpu.memory_space<vmem_shared>> -> memref<10240x64xf32, #tpu.memory_space<vmem_shared>>
      tpu.wait_indirect_dma semaphore(%run_scoped3A_91 : memref<!tpu.dma_semaphore, #tpu.memory_space<semaphore_mem>>) src(%arg9 : memref<128x64xf32, #tpu.memory_space<vmem>>) dst(%dma_wait3A_103 : memref<10240x64xf32, #tpu.memory_space<vmem_shared>>)
      tpu.yield
    }) : () -> ()
    %dma_start3A_63 = arith.constant 157 : i32
    %dma_start3A_64 = arith.constant 0 : i32
    %dma_start3A_65 = tpu.memref_slice %arg7[%dma_start3A_63, %dma_start3A_64] : memref<158x128xi32, #tpu.memory_space<vmem>> -> memref<1x128xi32, #tpu.memory_space<vmem>>
    %dma_start3A_66 = tpu.memref_squeeze %dma_start3A_65 : memref<1x128xi32, #tpu.memory_space<vmem>> -> memref<128xi32, #tpu.memory_space<vmem>>
    %dma_start3A_67 = arith.constant 0 : i32
    %dma_start3A_68 = arith.constant 0 : i32
    %dma_start3A_69 = tpu.memref_slice %arg2[%arg0, %dma_start3A_67, %dma_start3A_68] : memref<2x10240x64xf32, #tpu.memory_space<hbm>> -> memref<1x10240x64xf32, #tpu.memory_space<hbm>>
    %dma_start3A_70 = tpu.memref_squeeze %dma_start3A_69 : memref<1x10240x64xf32, #tpu.memory_space<hbm>> -> memref<10240x64xf32, #tpu.memory_space<hbm>>
    %dma_start3A_71 = arith.constant 0 : i32
    %dma_start3A_72 = arith.constant 0 : i32
    %dma_start3A_73 = tpu.memref_slice %dma_start3A_70[%dma_start3A_71, %dma_start3A_72] : memref<10240x64xf32, #tpu.memory_space<hbm>> -> memref<10240x64xf32, #tpu.memory_space<hbm>>
    tpu.enqueue_indirect_dma source(%dma_start3A_73 : memref<10240x64xf32, #tpu.memory_space<hbm>>) target(%arg10 : memref<128x64xf32, #tpu.memory_space<vmem>>) offsets(%dma_start3A_66 : memref<128xi32, #tpu.memory_space<vmem>>) semaphore(%arg13 : memref<!tpu.dma_semaphore, #tpu.memory_space<semaphore_mem>>)
    %dma_wait3A_74 = arith.constant 157 : i32
    %dma_wait3A_75 = arith.constant 0 : i32
    %dma_wait3A_76 = tpu.memref_slice %arg7[%dma_wait3A_74, %dma_wait3A_75] : memref<158x128xi32, #tpu.memory_space<vmem>> -> memref<1x128xi32, #tpu.memory_space<vmem>>
    %dma_wait3A_77 = tpu.memref_squeeze %dma_wait3A_76 : memref<1x128xi32, #tpu.memory_space<vmem>> -> memref<128xi32, #tpu.memory_space<vmem>>
    %dma_wait3A_78 = arith.constant 0 : i32
    %dma_wait3A_79 = arith.constant 0 : i32
    %dma_wait3A_80 = tpu.memref_slice %arg2[%arg0, %dma_wait3A_78, %dma_wait3A_79] : memref<2x10240x64xf32, #tpu.memory_space<hbm>> -> memref<1x10240x64xf32, #tpu.memory_space<hbm>>
    %dma_wait3A_81 = tpu.memref_squeeze %dma_wait3A_80 : memref<1x10240x64xf32, #tpu.memory_space<hbm>> -> memref<10240x64xf32, #tpu.memory_space<hbm>>
    %dma_wait3A_82 = arith.constant 0 : i32
    %dma_wait3A_83 = arith.constant 0 : i32
    %dma_wait3A_84 = tpu.memref_slice %dma_wait3A_81[%dma_wait3A_82, %dma_wait3A_83] : memref<10240x64xf32, #tpu.memory_space<hbm>> -> memref<10240x64xf32, #tpu.memory_space<hbm>>
    tpu.wait_indirect_dma semaphore(%arg13 : memref<!tpu.dma_semaphore, #tpu.memory_space<semaphore_mem>>) src(%dma_wait3A_84 : memref<10240x64xf32, #tpu.memory_space<hbm>>) dst(%arg10 : memref<128x64xf32, #tpu.memory_space<vmem>>)
    %run_scoped3A_85 = arith.constant 157 : i32
    "tpu.region"() ({
      %run_scoped3A_91 = tpu.sem_alloc : memref<!tpu.dma_semaphore, #tpu.memory_space<semaphore_mem>>
      %dma_start3A_92 = arith.constant 0 : i32
      %dma_start3A_93 = tpu.memref_slice %arg8[%run_scoped3A_85, %dma_start3A_92] : memref<158x128xi32, #tpu.memory_space<vmem>> -> memref<1x128xi32, #tpu.memory_space<vmem>>
      %dma_start3A_94 = tpu.memref_squeeze %dma_start3A_93 : memref<1x128xi32, #tpu.memory_space<vmem>> -> memref<128xi32, #tpu.memory_space<vmem>>
      %dma_start3A_95 = arith.constant 0 : i32
      %dma_start3A_96 = arith.constant 0 : i32
      %dma_start3A_97 = tpu.memref_slice %arg11[%dma_start3A_95, %dma_start3A_96] : memref<10240x64xf32, #tpu.memory_space<vmem_shared>> -> memref<10240x64xf32, #tpu.memory_space<vmem_shared>>
      tpu.enqueue_indirect_dma source(%arg10 : memref<128x64xf32, #tpu.memory_space<vmem>>) target(%dma_start3A_97 : memref<10240x64xf32, #tpu.memory_space<vmem_shared>>) offsets(%dma_start3A_94 : memref<128xi32, #tpu.memory_space<vmem>>) semaphore(%run_scoped3A_91 : memref<!tpu.dma_semaphore, #tpu.memory_space<semaphore_mem>>) {add = true}
      %dma_wait3A_98 = arith.constant 0 : i32
      %dma_wait3A_99 = tpu.memref_slice %arg8[%run_scoped3A_85, %dma_wait3A_98] : memref<158x128xi32, #tpu.memory_space<vmem>> -> memref<1x128xi32, #tpu.memory_space<vmem>>
      %dma_wait3A_100 = tpu.memref_squeeze %dma_wait3A_99 : memref<1x128xi32, #tpu.memory_space<vmem>> -> memref<128xi32, #tpu.memory_space<vmem>>
      %dma_wait3A_101 = arith.constant 0 : i32
      %dma_wait3A_102 = arith.constant 0 : i32
      %dma_wait3A_103 = tpu.memref_slice %arg11[%dma_wait3A_101, %dma_wait3A_102] : memref<10240x64xf32, #tpu.memory_space<vmem_shared>> -> memref<10240x64xf32, #tpu.memory_space<vmem_shared>>
      tpu.wait_indirect_dma semaphore(%run_scoped3A_91 : memref<!tpu.dma_semaphore, #tpu.memory_space<semaphore_mem>>) src(%arg10 : memref<128x64xf32, #tpu.memory_space<vmem>>) dst(%dma_wait3A_103 : memref<10240x64xf32, #tpu.memory_space<vmem_shared>>)
      tpu.yield
    }) : () -> ()
    %barrier3A_86 = arith.constant 0 : index
    tpu.barrier barrier_id(%barrier3A_86)
    %mul3A_87 = arith.constant 640 : i32
    %mul3A_88 = arith.muli %arg1, %mul3A_87 : i32
    %mul3A_89 = arith.constant 640 : i32
    %mul3A_90 = arith.muli %arg1, %mul3A_89 : i32
    "tpu.region"() ({
      %run_scoped3A_91 = tpu.sem_alloc : memref<!tpu.dma_semaphore, #tpu.memory_space<semaphore_mem>>
      %dma_start3A_92 = arith.constant 0 : i32
      %dma_start3A_93 = tpu.memref_slice %arg6[%arg0, %mul3A_90, %dma_start3A_92] : memref<2x10240x64xf32, #tpu.memory_space<hbm>> -> memref<1x640x64xf32, #tpu.memory_space<hbm>>
      %dma_start3A_94 = tpu.memref_squeeze %dma_start3A_93 : memref<1x640x64xf32, #tpu.memory_space<hbm>> -> memref<640x64xf32, #tpu.memory_space<hbm>>
      %dma_start3A_95 = arith.constant 0 : i32
      %dma_start3A_96 = tpu.memref_slice %arg11[%mul3A_88, %dma_start3A_95] : memref<10240x64xf32, #tpu.memory_space<vmem_shared>> -> memref<640x64xf32, #tpu.memory_space<vmem_shared>>
      tpu.enqueue_dma source(%dma_start3A_96 : memref<640x64xf32, #tpu.memory_space<vmem_shared>>) target(%dma_start3A_94 : memref<640x64xf32, #tpu.memory_space<hbm>>) target_semaphore(%run_scoped3A_91 : memref<!tpu.dma_semaphore, #tpu.memory_space<semaphore_mem>>)
      %dma_wait3A_97 = arith.constant 0 : i32
      %dma_wait3A_98 = tpu.memref_slice %arg6[%arg0, %mul3A_90, %dma_wait3A_97] : memref<2x10240x64xf32, #tpu.memory_space<hbm>> -> memref<1x640x64xf32, #tpu.memory_space<hbm>>
      %dma_wait3A_99 = tpu.memref_squeeze %dma_wait3A_98 : memref<1x640x64xf32, #tpu.memory_space<hbm>> -> memref<640x64xf32, #tpu.memory_space<hbm>>
      %dma_wait3A_100 = arith.constant 0 : i32
      %dma_wait3A_101 = tpu.memref_slice %arg11[%mul3A_88, %dma_wait3A_100] : memref<10240x64xf32, #tpu.memory_space<vmem_shared>> -> memref<640x64xf32, #tpu.memory_space<vmem_shared>>
      tpu.wait_dma2 semaphore(%run_scoped3A_91 : memref<!tpu.dma_semaphore, #tpu.memory_space<semaphore_mem>>) src(%dma_wait3A_101 : memref<640x64xf32, #tpu.memory_space<vmem_shared>>) dst(%dma_wait3A_99 : memref<640x64xf32, #tpu.memory_space<hbm>>)
      tpu.yield
    }) : () -> ()
    return
  }
}

#map = affine_map<(d0, d1) -> (0, 0, 0)>
#map1 = affine_map<(d0, d1) -> (0, 0)>
module attributes {stable_mosaic.version = 14 : i64} {
  func.func @_sc_agg(%arg0: i32, %arg1: i32, %arg2: memref<2x10240x64xf32, #tpu.memory_space<hbm>>, %arg3: memref<16x158x128xi32, #tpu.memory_space<hbm>>, %arg4: memref<16x158x128xi32, #tpu.memory_space<hbm>>, %arg5: memref<640x64xf32, #tpu.memory_space<hbm>>, %arg6: memref<2x10240x64xf32, #tpu.memory_space<hbm>>, %arg7: memref<158x128xi32, #tpu.memory_space<vmem>>, %arg8: memref<158x128xi32, #tpu.memory_space<vmem>>, %arg9: memref<128x64xf32, #tpu.memory_space<vmem>>, %arg10: memref<128x64xf32, #tpu.memory_space<vmem>>, %arg11: memref<10240x64xf32, #tpu.memory_space<vmem_shared>>, %arg12: memref<!tpu.dma_semaphore, #tpu.memory_space<semaphore_mem>>, %arg13: memref<!tpu.dma_semaphore, #tpu.memory_space<semaphore_mem>>, %arg14: memref<!tpu.dma_semaphore, #tpu.memory_space<semaphore_mem>>) attributes {dimension_semantics = [#tpu.dimension_semantics<core_parallel>, #tpu.dimension_semantics<subcore_parallel>], iteration_bounds = array<i64: 2, 16>, scalar_prefetch = 0 : i64, scratch_operands = 8 : i64, tpu.core_type = #tpu.core_type<sc_vector_subcore>, window_params = [{transform_indices = #map}, {transform_indices = #map}, {transform_indices = #map}, {transform_indices = #map1}, {transform_indices = #map}]} {
    %dma_start3A = arith.constant 0 : i32
    %dma_start3A_0 = arith.constant 0 : i32
    %dma_start3A_1 = tpu.memref_slice %arg3[%arg1, %dma_start3A, %dma_start3A_0] : memref<16x158x128xi32, #tpu.memory_space<hbm>> -> memref<1x158x128xi32, #tpu.memory_space<hbm>>
    %dma_start3A_2 = tpu.memref_squeeze %dma_start3A_1 : memref<1x158x128xi32, #tpu.memory_space<hbm>> -> memref<158x128xi32, #tpu.memory_space<hbm>>
    %dma_start3A_3 = arith.constant 0 : i32
    %dma_start3A_4 = arith.constant 0 : i32
    %dma_start3A_5 = tpu.memref_slice %arg3[%arg1, %dma_start3A_3, %dma_start3A_4] : memref<16x158x128xi32, #tpu.memory_space<hbm>> -> memref<1x158x128xi32, #tpu.memory_space<hbm>>
    %dma_start3A_6 = tpu.memref_squeeze %dma_start3A_5 : memref<1x158x128xi32, #tpu.memory_space<hbm>> -> memref<158x128xi32, #tpu.memory_space<hbm>>
    tpu.enqueue_dma source(%dma_start3A_6 : memref<158x128xi32, #tpu.memory_space<hbm>>) target(%arg7 : memref<158x128xi32, #tpu.memory_space<vmem>>) target_semaphore(%arg12 : memref<!tpu.dma_semaphore, #tpu.memory_space<semaphore_mem>>)
    %dma_start3A_7 = arith.constant 0 : i32
    %dma_start3A_8 = arith.constant 0 : i32
    %dma_start3A_9 = tpu.memref_slice %arg4[%arg1, %dma_start3A_7, %dma_start3A_8] : memref<16x158x128xi32, #tpu.memory_space<hbm>> -> memref<1x158x128xi32, #tpu.memory_space<hbm>>
    %dma_start3A_10 = tpu.memref_squeeze %dma_start3A_9 : memref<1x158x128xi32, #tpu.memory_space<hbm>> -> memref<158x128xi32, #tpu.memory_space<hbm>>
    %dma_start3A_11 = arith.constant 0 : i32
    %dma_start3A_12 = arith.constant 0 : i32
    %dma_start3A_13 = tpu.memref_slice %arg4[%arg1, %dma_start3A_11, %dma_start3A_12] : memref<16x158x128xi32, #tpu.memory_space<hbm>> -> memref<1x158x128xi32, #tpu.memory_space<hbm>>
    %dma_start3A_14 = tpu.memref_squeeze %dma_start3A_13 : memref<1x158x128xi32, #tpu.memory_space<hbm>> -> memref<158x128xi32, #tpu.memory_space<hbm>>
    tpu.enqueue_dma source(%dma_start3A_14 : memref<158x128xi32, #tpu.memory_space<hbm>>) target(%arg8 : memref<158x128xi32, #tpu.memory_space<vmem>>) target_semaphore(%arg13 : memref<!tpu.dma_semaphore, #tpu.memory_space<semaphore_mem>>)
    %mul3A = arith.constant 640 : i32
    %mul3A_15 = arith.muli %arg1, %mul3A : i32
    %dma_start3A_16 = arith.constant 0 : i32
    %dma_start3A_17 = tpu.memref_slice %arg11[%mul3A_15, %dma_start3A_16] : memref<10240x64xf32, #tpu.memory_space<vmem_shared>> -> memref<640x64xf32, #tpu.memory_space<vmem_shared>>
    tpu.enqueue_dma source(%arg5 : memref<640x64xf32, #tpu.memory_space<hbm>>) target(%dma_start3A_17 : memref<640x64xf32, #tpu.memory_space<vmem_shared>>) target_semaphore(%arg14 : memref<!tpu.dma_semaphore, #tpu.memory_space<semaphore_mem>>)
    %dma_wait3A = arith.constant 0 : i32
    %dma_wait3A_18 = arith.constant 0 : i32
    %dma_wait3A_19 = tpu.memref_slice %arg3[%arg1, %dma_wait3A, %dma_wait3A_18] : memref<16x158x128xi32, #tpu.memory_space<hbm>> -> memref<1x158x128xi32, #tpu.memory_space<hbm>>
    %dma_wait3A_20 = tpu.memref_squeeze %dma_wait3A_19 : memref<1x158x128xi32, #tpu.memory_space<hbm>> -> memref<158x128xi32, #tpu.memory_space<hbm>>
    %dma_wait3A_21 = arith.constant 0 : i32
    %dma_wait3A_22 = arith.constant 0 : i32
    %dma_wait3A_23 = tpu.memref_slice %arg3[%arg1, %dma_wait3A_21, %dma_wait3A_22] : memref<16x158x128xi32, #tpu.memory_space<hbm>> -> memref<1x158x128xi32, #tpu.memory_space<hbm>>
    %dma_wait3A_24 = tpu.memref_squeeze %dma_wait3A_23 : memref<1x158x128xi32, #tpu.memory_space<hbm>> -> memref<158x128xi32, #tpu.memory_space<hbm>>
    tpu.wait_dma2 semaphore(%arg12 : memref<!tpu.dma_semaphore, #tpu.memory_space<semaphore_mem>>) src(%dma_wait3A_24 : memref<158x128xi32, #tpu.memory_space<hbm>>) dst(%arg7 : memref<158x128xi32, #tpu.memory_space<vmem>>)
    %dma_start3A_25 = arith.constant 0 : i32
    %dma_start3A_26 = arith.constant 0 : i32
    %dma_start3A_27 = tpu.memref_slice %arg7[%dma_start3A_25, %dma_start3A_26] : memref<158x128xi32, #tpu.memory_space<vmem>> -> memref<1x128xi32, #tpu.memory_space<vmem>>
    %dma_start3A_28 = tpu.memref_squeeze %dma_start3A_27 : memref<1x128xi32, #tpu.memory_space<vmem>> -> memref<128xi32, #tpu.memory_space<vmem>>
    %dma_start3A_29 = arith.constant 0 : i32
    %dma_start3A_30 = arith.constant 0 : i32
    %dma_start3A_31 = tpu.memref_slice %arg2[%arg0, %dma_start3A_29, %dma_start3A_30] : memref<2x10240x64xf32, #tpu.memory_space<hbm>> -> memref<1x10240x64xf32, #tpu.memory_space<hbm>>
    %dma_start3A_32 = tpu.memref_squeeze %dma_start3A_31 : memref<1x10240x64xf32, #tpu.memory_space<hbm>> -> memref<10240x64xf32, #tpu.memory_space<hbm>>
    %dma_start3A_33 = arith.constant 0 : i32
    %dma_start3A_34 = arith.constant 0 : i32
    %dma_start3A_35 = tpu.memref_slice %dma_start3A_32[%dma_start3A_33, %dma_start3A_34] : memref<10240x64xf32, #tpu.memory_space<hbm>> -> memref<10240x64xf32, #tpu.memory_space<hbm>>
    tpu.enqueue_indirect_dma source(%dma_start3A_35 : memref<10240x64xf32, #tpu.memory_space<hbm>>) target(%arg9 : memref<128x64xf32, #tpu.memory_space<vmem>>) offsets(%dma_start3A_28 : memref<128xi32, #tpu.memory_space<vmem>>) semaphore(%arg12 : memref<!tpu.dma_semaphore, #tpu.memory_space<semaphore_mem>>)
    %dma_wait3A_36 = arith.constant 0 : i32
    %dma_wait3A_37 = arith.constant 0 : i32
    %dma_wait3A_38 = tpu.memref_slice %arg4[%arg1, %dma_wait3A_36, %dma_wait3A_37] : memref<16x158x128xi32, #tpu.memory_space<hbm>> -> memref<1x158x128xi32, #tpu.memory_space<hbm>>
    %dma_wait3A_39 = tpu.memref_squeeze %dma_wait3A_38 : memref<1x158x128xi32, #tpu.memory_space<hbm>> -> memref<158x128xi32, #tpu.memory_space<hbm>>
    %dma_wait3A_40 = arith.constant 0 : i32
    %dma_wait3A_41 = arith.constant 0 : i32
    %dma_wait3A_42 = tpu.memref_slice %arg4[%arg1, %dma_wait3A_40, %dma_wait3A_41] : memref<16x158x128xi32, #tpu.memory_space<hbm>> -> memref<1x158x128xi32, #tpu.memory_space<hbm>>
    %dma_wait3A_43 = tpu.memref_squeeze %dma_wait3A_42 : memref<1x158x128xi32, #tpu.memory_space<hbm>> -> memref<158x128xi32, #tpu.memory_space<hbm>>
    tpu.wait_dma2 semaphore(%arg13 : memref<!tpu.dma_semaphore, #tpu.memory_space<semaphore_mem>>) src(%dma_wait3A_43 : memref<158x128xi32, #tpu.memory_space<hbm>>) dst(%arg8 : memref<158x128xi32, #tpu.memory_space<vmem>>)
    %dma_wait3A_44 = arith.constant 0 : i32
    %dma_wait3A_45 = tpu.memref_slice %arg11[%mul3A_15, %dma_wait3A_44] : memref<10240x64xf32, #tpu.memory_space<vmem_shared>> -> memref<640x64xf32, #tpu.memory_space<vmem_shared>>
    tpu.wait_dma2 semaphore(%arg14 : memref<!tpu.dma_semaphore, #tpu.memory_space<semaphore_mem>>) src(%arg5 : memref<640x64xf32, #tpu.memory_space<hbm>>) dst(%dma_wait3A_45 : memref<640x64xf32, #tpu.memory_space<vmem_shared>>)
    %barrier3A = arith.constant 0 : index
    tpu.barrier barrier_id(%barrier3A)
    %scan3A = arith.constant 0 : i32
    %scan3A_46 = arith.constant 0 : i32
    %scan3A_47 = arith.constant 78 : i32
    %scan3A_48 = arith.addi %scan3A_46, %scan3A_47 : i32
    %scan3A_49 = arith.constant 1 : i32
    %scan3A_50 = scf.for %scan3A_91 = %scan3A_46 to %scan3A_48 step %scan3A_49 iter_args(%scan3A_92 = %scan3A) -> (i32)  : i32 {
      %mul3A_93 = arith.constant 2 : i32
      %mul3A_94 = arith.muli %mul3A_93, %scan3A_91 : i32
      %add3A = arith.constant 1 : i32
      %add3A_95 = arith.addi %mul3A_94, %add3A : i32
      %dma_start3A_96 = arith.constant 0 : i32
      %dma_start3A_97 = tpu.memref_slice %arg7[%add3A_95, %dma_start3A_96] : memref<158x128xi32, #tpu.memory_space<vmem>> -> memref<1x128xi32, #tpu.memory_space<vmem>>
      %dma_start3A_98 = tpu.memref_squeeze %dma_start3A_97 : memref<1x128xi32, #tpu.memory_space<vmem>> -> memref<128xi32, #tpu.memory_space<vmem>>
      %dma_start3A_99 = arith.constant 0 : i32
      %dma_start3A_100 = arith.constant 0 : i32
      %dma_start3A_101 = tpu.memref_slice %arg2[%arg0, %dma_start3A_99, %dma_start3A_100] : memref<2x10240x64xf32, #tpu.memory_space<hbm>> -> memref<1x10240x64xf32, #tpu.memory_space<hbm>>
      %dma_start3A_102 = tpu.memref_squeeze %dma_start3A_101 : memref<1x10240x64xf32, #tpu.memory_space<hbm>> -> memref<10240x64xf32, #tpu.memory_space<hbm>>
      %dma_start3A_103 = arith.constant 0 : i32
      %dma_start3A_104 = arith.constant 0 : i32
      %dma_start3A_105 = tpu.memref_slice %dma_start3A_102[%dma_start3A_103, %dma_start3A_104] : memref<10240x64xf32, #tpu.memory_space<hbm>> -> memref<10240x64xf32, #tpu.memory_space<hbm>>
      tpu.enqueue_indirect_dma source(%dma_start3A_105 : memref<10240x64xf32, #tpu.memory_space<hbm>>) target(%arg10 : memref<128x64xf32, #tpu.memory_space<vmem>>) offsets(%dma_start3A_98 : memref<128xi32, #tpu.memory_space<vmem>>) semaphore(%arg13 : memref<!tpu.dma_semaphore, #tpu.memory_space<semaphore_mem>>)
      %dma_wait3A_106 = arith.constant 0 : i32
      %dma_wait3A_107 = tpu.memref_slice %arg7[%mul3A_94, %dma_wait3A_106] : memref<158x128xi32, #tpu.memory_space<vmem>> -> memref<1x128xi32, #tpu.memory_space<vmem>>
      %dma_wait3A_108 = tpu.memref_squeeze %dma_wait3A_107 : memref<1x128xi32, #tpu.memory_space<vmem>> -> memref<128xi32, #tpu.memory_space<vmem>>
      %dma_wait3A_109 = arith.constant 0 : i32
      %dma_wait3A_110 = arith.constant 0 : i32
      %dma_wait3A_111 = tpu.memref_slice %arg2[%arg0, %dma_wait3A_109, %dma_wait3A_110] : memref<2x10240x64xf32, #tpu.memory_space<hbm>> -> memref<1x10240x64xf32, #tpu.memory_space<hbm>>
      %dma_wait3A_112 = tpu.memref_squeeze %dma_wait3A_111 : memref<1x10240x64xf32, #tpu.memory_space<hbm>> -> memref<10240x64xf32, #tpu.memory_space<hbm>>
      %dma_wait3A_113 = arith.constant 0 : i32
      %dma_wait3A_114 = arith.constant 0 : i32
      %dma_wait3A_115 = tpu.memref_slice %dma_wait3A_112[%dma_wait3A_113, %dma_wait3A_114] : memref<10240x64xf32, #tpu.memory_space<hbm>> -> memref<10240x64xf32, #tpu.memory_space<hbm>>
      tpu.wait_indirect_dma semaphore(%arg12 : memref<!tpu.dma_semaphore, #tpu.memory_space<semaphore_mem>>) src(%dma_wait3A_115 : memref<10240x64xf32, #tpu.memory_space<hbm>>) dst(%arg9 : memref<128x64xf32, #tpu.memory_space<vmem>>)
      "tpu.region"() ({
        %run_scoped3A_143 = tpu.sem_alloc : memref<!tpu.dma_semaphore, #tpu.memory_space<semaphore_mem>>
        %dma_start3A_144 = arith.constant 0 : i32
        %dma_start3A_145 = tpu.memref_slice %arg8[%mul3A_94, %dma_start3A_144] : memref<158x128xi32, #tpu.memory_space<vmem>> -> memref<1x128xi32, #tpu.memory_space<vmem>>
        %dma_start3A_146 = tpu.memref_squeeze %dma_start3A_145 : memref<1x128xi32, #tpu.memory_space<vmem>> -> memref<128xi32, #tpu.memory_space<vmem>>
        %dma_start3A_147 = arith.constant 0 : i32
        %dma_start3A_148 = arith.constant 0 : i32
        %dma_start3A_149 = tpu.memref_slice %arg11[%dma_start3A_147, %dma_start3A_148] : memref<10240x64xf32, #tpu.memory_space<vmem_shared>> -> memref<10240x64xf32, #tpu.memory_space<vmem_shared>>
        tpu.enqueue_indirect_dma source(%arg9 : memref<128x64xf32, #tpu.memory_space<vmem>>) target(%dma_start3A_149 : memref<10240x64xf32, #tpu.memory_space<vmem_shared>>) offsets(%dma_start3A_146 : memref<128xi32, #tpu.memory_space<vmem>>) semaphore(%run_scoped3A_143 : memref<!tpu.dma_semaphore, #tpu.memory_space<semaphore_mem>>) {add = true}
        %dma_wait3A_150 = arith.constant 0 : i32
        %dma_wait3A_151 = tpu.memref_slice %arg8[%mul3A_94, %dma_wait3A_150] : memref<158x128xi32, #tpu.memory_space<vmem>> -> memref<1x128xi32, #tpu.memory_space<vmem>>
        %dma_wait3A_152 = tpu.memref_squeeze %dma_wait3A_151 : memref<1x128xi32, #tpu.memory_space<vmem>> -> memref<128xi32, #tpu.memory_space<vmem>>
        %dma_wait3A_153 = arith.constant 0 : i32
        %dma_wait3A_154 = arith.constant 0 : i32
        %dma_wait3A_155 = tpu.memref_slice %arg11[%dma_wait3A_153, %dma_wait3A_154] : memref<10240x64xf32, #tpu.memory_space<vmem_shared>> -> memref<10240x64xf32, #tpu.memory_space<vmem_shared>>
        tpu.wait_indirect_dma semaphore(%run_scoped3A_143 : memref<!tpu.dma_semaphore, #tpu.memory_space<semaphore_mem>>) src(%arg9 : memref<128x64xf32, #tpu.memory_space<vmem>>) dst(%dma_wait3A_155 : memref<10240x64xf32, #tpu.memory_space<vmem_shared>>)
        tpu.yield
      }) : () -> ()
      %add3A_116 = arith.constant 2 : i32
      %add3A_117 = arith.addi %mul3A_94, %add3A_116 : i32
      %dma_start3A_118 = arith.constant 0 : i32
      %dma_start3A_119 = tpu.memref_slice %arg7[%add3A_117, %dma_start3A_118] : memref<158x128xi32, #tpu.memory_space<vmem>> -> memref<1x128xi32, #tpu.memory_space<vmem>>
      %dma_start3A_120 = tpu.memref_squeeze %dma_start3A_119 : memref<1x128xi32, #tpu.memory_space<vmem>> -> memref<128xi32, #tpu.memory_space<vmem>>
      %dma_start3A_121 = arith.constant 0 : i32
      %dma_start3A_122 = arith.constant 0 : i32
      %dma_start3A_123 = tpu.memref_slice %arg2[%arg0, %dma_start3A_121, %dma_start3A_122] : memref<2x10240x64xf32, #tpu.memory_space<hbm>> -> memref<1x10240x64xf32, #tpu.memory_space<hbm>>
      %dma_start3A_124 = tpu.memref_squeeze %dma_start3A_123 : memref<1x10240x64xf32, #tpu.memory_space<hbm>> -> memref<10240x64xf32, #tpu.memory_space<hbm>>
      %dma_start3A_125 = arith.constant 0 : i32
      %dma_start3A_126 = arith.constant 0 : i32
      %dma_start3A_127 = tpu.memref_slice %dma_start3A_124[%dma_start3A_125, %dma_start3A_126] : memref<10240x64xf32, #tpu.memory_space<hbm>> -> memref<10240x64xf32, #tpu.memory_space<hbm>>
      tpu.enqueue_indirect_dma source(%dma_start3A_127 : memref<10240x64xf32, #tpu.memory_space<hbm>>) target(%arg9 : memref<128x64xf32, #tpu.memory_space<vmem>>) offsets(%dma_start3A_120 : memref<128xi32, #tpu.memory_space<vmem>>) semaphore(%arg12 : memref<!tpu.dma_semaphore, #tpu.memory_space<semaphore_mem>>)
      %add3A_128 = arith.constant 1 : i32
      %add3A_129 = arith.addi %mul3A_94, %add3A_128 : i32
      %dma_wait3A_130 = arith.constant 0 : i32
      %dma_wait3A_131 = tpu.memref_slice %arg7[%add3A_129, %dma_wait3A_130] : memref<158x128xi32, #tpu.memory_space<vmem>> -> memref<1x128xi32, #tpu.memory_space<vmem>>
      %dma_wait3A_132 = tpu.memref_squeeze %dma_wait3A_131 : memref<1x128xi32, #tpu.memory_space<vmem>> -> memref<128xi32, #tpu.memory_space<vmem>>
      %dma_wait3A_133 = arith.constant 0 : i32
      %dma_wait3A_134 = arith.constant 0 : i32
      %dma_wait3A_135 = tpu.memref_slice %arg2[%arg0, %dma_wait3A_133, %dma_wait3A_134] : memref<2x10240x64xf32, #tpu.memory_space<hbm>> -> memref<1x10240x64xf32, #tpu.memory_space<hbm>>
      %dma_wait3A_136 = tpu.memref_squeeze %dma_wait3A_135 : memref<1x10240x64xf32, #tpu.memory_space<hbm>> -> memref<10240x64xf32, #tpu.memory_space<hbm>>
      %dma_wait3A_137 = arith.constant 0 : i32
      %dma_wait3A_138 = arith.constant 0 : i32
      %dma_wait3A_139 = tpu.memref_slice %dma_wait3A_136[%dma_wait3A_137, %dma_wait3A_138] : memref<10240x64xf32, #tpu.memory_space<hbm>> -> memref<10240x64xf32, #tpu.memory_space<hbm>>
      tpu.wait_indirect_dma semaphore(%arg13 : memref<!tpu.dma_semaphore, #tpu.memory_space<semaphore_mem>>) src(%dma_wait3A_139 : memref<10240x64xf32, #tpu.memory_space<hbm>>) dst(%arg10 : memref<128x64xf32, #tpu.memory_space<vmem>>)
      %add3A_140 = arith.constant 1 : i32
      %add3A_141 = arith.addi %mul3A_94, %add3A_140 : i32
      "tpu.region"() ({
        %run_scoped3A_143 = tpu.sem_alloc : memref<!tpu.dma_semaphore, #tpu.memory_space<semaphore_mem>>
        %dma_start3A_144 = arith.constant 0 : i32
        %dma_start3A_145 = tpu.memref_slice %arg8[%add3A_141, %dma_start3A_144] : memref<158x128xi32, #tpu.memory_space<vmem>> -> memref<1x128xi32, #tpu.memory_space<vmem>>
        %dma_start3A_146 = tpu.memref_squeeze %dma_start3A_145 : memref<1x128xi32, #tpu.memory_space<vmem>> -> memref<128xi32, #tpu.memory_space<vmem>>
        %dma_start3A_147 = arith.constant 0 : i32
        %dma_start3A_148 = arith.constant 0 : i32
        %dma_start3A_149 = tpu.memref_slice %arg11[%dma_start3A_147, %dma_start3A_148] : memref<10240x64xf32, #tpu.memory_space<vmem_shared>> -> memref<10240x64xf32, #tpu.memory_space<vmem_shared>>
        tpu.enqueue_indirect_dma source(%arg10 : memref<128x64xf32, #tpu.memory_space<vmem>>) target(%dma_start3A_149 : memref<10240x64xf32, #tpu.memory_space<vmem_shared>>) offsets(%dma_start3A_146 : memref<128xi32, #tpu.memory_space<vmem>>) semaphore(%run_scoped3A_143 : memref<!tpu.dma_semaphore, #tpu.memory_space<semaphore_mem>>) {add = true}
        %dma_wait3A_150 = arith.constant 0 : i32
        %dma_wait3A_151 = tpu.memref_slice %arg8[%add3A_141, %dma_wait3A_150] : memref<158x128xi32, #tpu.memory_space<vmem>> -> memref<1x128xi32, #tpu.memory_space<vmem>>
        %dma_wait3A_152 = tpu.memref_squeeze %dma_wait3A_151 : memref<1x128xi32, #tpu.memory_space<vmem>> -> memref<128xi32, #tpu.memory_space<vmem>>
        %dma_wait3A_153 = arith.constant 0 : i32
        %dma_wait3A_154 = arith.constant 0 : i32
        %dma_wait3A_155 = tpu.memref_slice %arg11[%dma_wait3A_153, %dma_wait3A_154] : memref<10240x64xf32, #tpu.memory_space<vmem_shared>> -> memref<10240x64xf32, #tpu.memory_space<vmem_shared>>
        tpu.wait_indirect_dma semaphore(%run_scoped3A_143 : memref<!tpu.dma_semaphore, #tpu.memory_space<semaphore_mem>>) src(%arg10 : memref<128x64xf32, #tpu.memory_space<vmem>>) dst(%dma_wait3A_155 : memref<10240x64xf32, #tpu.memory_space<vmem_shared>>)
        tpu.yield
      }) : () -> ()
      %scan3A_142 = arith.constant 0 : i32
      scf.yield %scan3A_142 : i32
    }
    %scan3A_51 = arith.constant 78 : i32
    %dma_wait3A_52 = arith.constant 156 : i32
    %dma_wait3A_53 = arith.constant 0 : i32
    %dma_wait3A_54 = tpu.memref_slice %arg7[%dma_wait3A_52, %dma_wait3A_53] : memref<158x128xi32, #tpu.memory_space<vmem>> -> memref<1x128xi32, #tpu.memory_space<vmem>>
    %dma_wait3A_55 = tpu.memref_squeeze %dma_wait3A_54 : memref<1x128xi32, #tpu.memory_space<vmem>> -> memref<128xi32, #tpu.memory_space<vmem>>
    %dma_wait3A_56 = arith.constant 0 : i32
    %dma_wait3A_57 = arith.constant 0 : i32
    %dma_wait3A_58 = tpu.memref_slice %arg2[%arg0, %dma_wait3A_56, %dma_wait3A_57] : memref<2x10240x64xf32, #tpu.memory_space<hbm>> -> memref<1x10240x64xf32, #tpu.memory_space<hbm>>
    %dma_wait3A_59 = tpu.memref_squeeze %dma_wait3A_58 : memref<1x10240x64xf32, #tpu.memory_space<hbm>> -> memref<10240x64xf32, #tpu.memory_space<hbm>>
    %dma_wait3A_60 = arith.constant 0 : i32
    %dma_wait3A_61 = arith.constant 0 : i32
    %dma_wait3A_62 = tpu.memref_slice %dma_wait3A_59[%dma_wait3A_60, %dma_wait3A_61] : memref<10240x64xf32, #tpu.memory_space<hbm>> -> memref<10240x64xf32, #tpu.memory_space<hbm>>
    tpu.wait_indirect_dma semaphore(%arg12 : memref<!tpu.dma_semaphore, #tpu.memory_space<semaphore_mem>>) src(%dma_wait3A_62 : memref<10240x64xf32, #tpu.memory_space<hbm>>) dst(%arg9 : memref<128x64xf32, #tpu.memory_space<vmem>>)
    %run_scoped3A = arith.constant 156 : i32
    "tpu.region"() ({
      %run_scoped3A_91 = tpu.sem_alloc : memref<!tpu.dma_semaphore, #tpu.memory_space<semaphore_mem>>
      %dma_start3A_92 = arith.constant 0 : i32
      %dma_start3A_93 = tpu.memref_slice %arg8[%run_scoped3A, %dma_start3A_92] : memref<158x128xi32, #tpu.memory_space<vmem>> -> memref<1x128xi32, #tpu.memory_space<vmem>>
      %dma_start3A_94 = tpu.memref_squeeze %dma_start3A_93 : memref<1x128xi32, #tpu.memory_space<vmem>> -> memref<128xi32, #tpu.memory_space<vmem>>
      %dma_start3A_95 = arith.constant 0 : i32
      %dma_start3A_96 = arith.constant 0 : i32
      %dma_start3A_97 = tpu.memref_slice %arg11[%dma_start3A_95, %dma_start3A_96] : memref<10240x64xf32, #tpu.memory_space<vmem_shared>> -> memref<10240x64xf32, #tpu.memory_space<vmem_shared>>
      tpu.enqueue_indirect_dma source(%arg9 : memref<128x64xf32, #tpu.memory_space<vmem>>) target(%dma_start3A_97 : memref<10240x64xf32, #tpu.memory_space<vmem_shared>>) offsets(%dma_start3A_94 : memref<128xi32, #tpu.memory_space<vmem>>) semaphore(%run_scoped3A_91 : memref<!tpu.dma_semaphore, #tpu.memory_space<semaphore_mem>>) {add = true}
      %dma_wait3A_98 = arith.constant 0 : i32
      %dma_wait3A_99 = tpu.memref_slice %arg8[%run_scoped3A, %dma_wait3A_98] : memref<158x128xi32, #tpu.memory_space<vmem>> -> memref<1x128xi32, #tpu.memory_space<vmem>>
      %dma_wait3A_100 = tpu.memref_squeeze %dma_wait3A_99 : memref<1x128xi32, #tpu.memory_space<vmem>> -> memref<128xi32, #tpu.memory_space<vmem>>
      %dma_wait3A_101 = arith.constant 0 : i32
      %dma_wait3A_102 = arith.constant 0 : i32
      %dma_wait3A_103 = tpu.memref_slice %arg11[%dma_wait3A_101, %dma_wait3A_102] : memref<10240x64xf32, #tpu.memory_space<vmem_shared>> -> memref<10240x64xf32, #tpu.memory_space<vmem_shared>>
      tpu.wait_indirect_dma semaphore(%run_scoped3A_91 : memref<!tpu.dma_semaphore, #tpu.memory_space<semaphore_mem>>) src(%arg9 : memref<128x64xf32, #tpu.memory_space<vmem>>) dst(%dma_wait3A_103 : memref<10240x64xf32, #tpu.memory_space<vmem_shared>>)
      tpu.yield
    }) : () -> ()
    %dma_start3A_63 = arith.constant 157 : i32
    %dma_start3A_64 = arith.constant 0 : i32
    %dma_start3A_65 = tpu.memref_slice %arg7[%dma_start3A_63, %dma_start3A_64] : memref<158x128xi32, #tpu.memory_space<vmem>> -> memref<1x128xi32, #tpu.memory_space<vmem>>
    %dma_start3A_66 = tpu.memref_squeeze %dma_start3A_65 : memref<1x128xi32, #tpu.memory_space<vmem>> -> memref<128xi32, #tpu.memory_space<vmem>>
    %dma_start3A_67 = arith.constant 0 : i32
    %dma_start3A_68 = arith.constant 0 : i32
    %dma_start3A_69 = tpu.memref_slice %arg2[%arg0, %dma_start3A_67, %dma_start3A_68] : memref<2x10240x64xf32, #tpu.memory_space<hbm>> -> memref<1x10240x64xf32, #tpu.memory_space<hbm>>
    %dma_start3A_70 = tpu.memref_squeeze %dma_start3A_69 : memref<1x10240x64xf32, #tpu.memory_space<hbm>> -> memref<10240x64xf32, #tpu.memory_space<hbm>>
    %dma_start3A_71 = arith.constant 0 : i32
    %dma_start3A_72 = arith.constant 0 : i32
    %dma_start3A_73 = tpu.memref_slice %dma_start3A_70[%dma_start3A_71, %dma_start3A_72] : memref<10240x64xf32, #tpu.memory_space<hbm>> -> memref<10240x64xf32, #tpu.memory_space<hbm>>
    tpu.enqueue_indirect_dma source(%dma_start3A_73 : memref<10240x64xf32, #tpu.memory_space<hbm>>) target(%arg10 : memref<128x64xf32, #tpu.memory_space<vmem>>) offsets(%dma_start3A_66 : memref<128xi32, #tpu.memory_space<vmem>>) semaphore(%arg13 : memref<!tpu.dma_semaphore, #tpu.memory_space<semaphore_mem>>)
    %dma_wait3A_74 = arith.constant 157 : i32
    %dma_wait3A_75 = arith.constant 0 : i32
    %dma_wait3A_76 = tpu.memref_slice %arg7[%dma_wait3A_74, %dma_wait3A_75] : memref<158x128xi32, #tpu.memory_space<vmem>> -> memref<1x128xi32, #tpu.memory_space<vmem>>
    %dma_wait3A_77 = tpu.memref_squeeze %dma_wait3A_76 : memref<1x128xi32, #tpu.memory_space<vmem>> -> memref<128xi32, #tpu.memory_space<vmem>>
    %dma_wait3A_78 = arith.constant 0 : i32
    %dma_wait3A_79 = arith.constant 0 : i32
    %dma_wait3A_80 = tpu.memref_slice %arg2[%arg0, %dma_wait3A_78, %dma_wait3A_79] : memref<2x10240x64xf32, #tpu.memory_space<hbm>> -> memref<1x10240x64xf32, #tpu.memory_space<hbm>>
    %dma_wait3A_81 = tpu.memref_squeeze %dma_wait3A_80 : memref<1x10240x64xf32, #tpu.memory_space<hbm>> -> memref<10240x64xf32, #tpu.memory_space<hbm>>
    %dma_wait3A_82 = arith.constant 0 : i32
    %dma_wait3A_83 = arith.constant 0 : i32
    %dma_wait3A_84 = tpu.memref_slice %dma_wait3A_81[%dma_wait3A_82, %dma_wait3A_83] : memref<10240x64xf32, #tpu.memory_space<hbm>> -> memref<10240x64xf32, #tpu.memory_space<hbm>>
    tpu.wait_indirect_dma semaphore(%arg13 : memref<!tpu.dma_semaphore, #tpu.memory_space<semaphore_mem>>) src(%dma_wait3A_84 : memref<10240x64xf32, #tpu.memory_space<hbm>>) dst(%arg10 : memref<128x64xf32, #tpu.memory_space<vmem>>)
    %run_scoped3A_85 = arith.constant 157 : i32
    "tpu.region"() ({
      %run_scoped3A_91 = tpu.sem_alloc : memref<!tpu.dma_semaphore, #tpu.memory_space<semaphore_mem>>
      %dma_start3A_92 = arith.constant 0 : i32
      %dma_start3A_93 = tpu.memref_slice %arg8[%run_scoped3A_85, %dma_start3A_92] : memref<158x128xi32, #tpu.memory_space<vmem>> -> memref<1x128xi32, #tpu.memory_space<vmem>>
      %dma_start3A_94 = tpu.memref_squeeze %dma_start3A_93 : memref<1x128xi32, #tpu.memory_space<vmem>> -> memref<128xi32, #tpu.memory_space<vmem>>
      %dma_start3A_95 = arith.constant 0 : i32
      %dma_start3A_96 = arith.constant 0 : i32
      %dma_start3A_97 = tpu.memref_slice %arg11[%dma_start3A_95, %dma_start3A_96] : memref<10240x64xf32, #tpu.memory_space<vmem_shared>> -> memref<10240x64xf32, #tpu.memory_space<vmem_shared>>
      tpu.enqueue_indirect_dma source(%arg10 : memref<128x64xf32, #tpu.memory_space<vmem>>) target(%dma_start3A_97 : memref<10240x64xf32, #tpu.memory_space<vmem_shared>>) offsets(%dma_start3A_94 : memref<128xi32, #tpu.memory_space<vmem>>) semaphore(%run_scoped3A_91 : memref<!tpu.dma_semaphore, #tpu.memory_space<semaphore_mem>>) {add = true}
      %dma_wait3A_98 = arith.constant 0 : i32
      %dma_wait3A_99 = tpu.memref_slice %arg8[%run_scoped3A_85, %dma_wait3A_98] : memref<158x128xi32, #tpu.memory_space<vmem>> -> memref<1x128xi32, #tpu.memory_space<vmem>>
      %dma_wait3A_100 = tpu.memref_squeeze %dma_wait3A_99 : memref<1x128xi32, #tpu.memory_space<vmem>> -> memref<128xi32, #tpu.memory_space<vmem>>
      %dma_wait3A_101 = arith.constant 0 : i32
      %dma_wait3A_102 = arith.constant 0 : i32
      %dma_wait3A_103 = tpu.memref_slice %arg11[%dma_wait3A_101, %dma_wait3A_102] : memref<10240x64xf32, #tpu.memory_space<vmem_shared>> -> memref<10240x64xf32, #tpu.memory_space<vmem_shared>>
      tpu.wait_indirect_dma semaphore(%run_scoped3A_91 : memref<!tpu.dma_semaphore, #tpu.memory_space<semaphore_mem>>) src(%arg10 : memref<128x64xf32, #tpu.memory_space<vmem>>) dst(%dma_wait3A_103 : memref<10240x64xf32, #tpu.memory_space<vmem_shared>>)
      tpu.yield
    }) : () -> ()
    %barrier3A_86 = arith.constant 0 : index
    tpu.barrier barrier_id(%barrier3A_86)
    %mul3A_87 = arith.constant 640 : i32
    %mul3A_88 = arith.muli %arg1, %mul3A_87 : i32
    %mul3A_89 = arith.constant 640 : i32
    %mul3A_90 = arith.muli %arg1, %mul3A_89 : i32
    "tpu.region"() ({
      %run_scoped3A_91 = tpu.sem_alloc : memref<!tpu.dma_semaphore, #tpu.memory_space<semaphore_mem>>
      %dma_start3A_92 = arith.constant 0 : i32
      %dma_start3A_93 = tpu.memref_slice %arg6[%arg0, %mul3A_90, %dma_start3A_92] : memref<2x10240x64xf32, #tpu.memory_space<hbm>> -> memref<1x640x64xf32, #tpu.memory_space<hbm>>
      %dma_start3A_94 = tpu.memref_squeeze %dma_start3A_93 : memref<1x640x64xf32, #tpu.memory_space<hbm>> -> memref<640x64xf32, #tpu.memory_space<hbm>>
      %dma_start3A_95 = arith.constant 0 : i32
      %dma_start3A_96 = tpu.memref_slice %arg11[%mul3A_88, %dma_start3A_95] : memref<10240x64xf32, #tpu.memory_space<vmem_shared>> -> memref<640x64xf32, #tpu.memory_space<vmem_shared>>
      tpu.enqueue_dma source(%dma_start3A_96 : memref<640x64xf32, #tpu.memory_space<vmem_shared>>) target(%dma_start3A_94 : memref<640x64xf32, #tpu.memory_space<hbm>>) target_semaphore(%run_scoped3A_91 : memref<!tpu.dma_semaphore, #tpu.memory_space<semaphore_mem>>)
      %dma_wait3A_97 = arith.constant 0 : i32
      %dma_wait3A_98 = tpu.memref_slice %arg6[%arg0, %mul3A_90, %dma_wait3A_97] : memref<2x10240x64xf32, #tpu.memory_space<hbm>> -> memref<1x640x64xf32, #tpu.memory_space<hbm>>
      %dma_wait3A_99 = tpu.memref_squeeze %dma_wait3A_98 : memref<1x640x64xf32, #tpu.memory_space<hbm>> -> memref<640x64xf32, #tpu.memory_space<hbm>>
      %dma_wait3A_100 = arith.constant 0 : i32
      %dma_wait3A_101 = tpu.memref_slice %arg11[%mul3A_88, %dma_wait3A_100] : memref<10240x64xf32, #tpu.memory_space<vmem_shared>> -> memref<640x64xf32, #tpu.memory_space<vmem_shared>>
      tpu.wait_dma2 semaphore(%run_scoped3A_91 : memref<!tpu.dma_semaphore, #tpu.memory_space<semaphore_mem>>) src(%dma_wait3A_101 : memref<640x64xf32, #tpu.memory_space<vmem_shared>>) dst(%dma_wait3A_99 : memref<640x64xf32, #tpu.memory_space<hbm>>)
      tpu.yield
    }) : () -> ()
    return
  }
}

#map = affine_map<(d0, d1) -> (0)>
#map1 = affine_map<(d0, d1) -> (0, 0)>
module attributes {stable_mosaic.version = 14 : i64} {
  func.func @_sc_max(%arg0: i32, %arg1: i32, %arg2: memref<1310720xf32, #tpu.memory_space<hbm>>, %arg3: memref<32x320xi32, #tpu.memory_space<hbm>>, %arg4: memref<32x8192xf32, #tpu.memory_space<hbm>>, %arg5: memref<40960xf32, #tpu.memory_space<vmem>>, %arg6: memref<320xi32, #tpu.memory_space<vmem>>, %arg7: memref<8192xf32, #tpu.memory_space<vmem>>) attributes {dimension_semantics = [#tpu.dimension_semantics<core_parallel>, #tpu.dimension_semantics<subcore_parallel>], iteration_bounds = array<i64: 2, 16>, scalar_prefetch = 0 : i64, scratch_operands = 3 : i64, tpu.core_type = #tpu.core_type<sc_vector_subcore>, window_params = [{transform_indices = #map}, {transform_indices = #map1}, {transform_indices = #map1}]} {
    %mul3A = arith.constant 16 : i32
    %mul3A_0 = arith.muli %arg0, %mul3A : i32
    %add3A = arith.addi %mul3A_0, %arg1 : i32
    %mul3A_1 = arith.constant 320 : i32
    %mul3A_2 = arith.muli %add3A, %mul3A_1 : i32
    %mul3A_3 = arith.constant 128 : i32
    %mul3A_4 = arith.muli %mul3A_2, %mul3A_3 : i32
    "tpu.region"() ({
      %run_scoped3A = tpu.sem_alloc : memref<!tpu.dma_semaphore, #tpu.memory_space<semaphore_mem>>
      %dma_start3A = tpu.memref_slice %arg2[%mul3A_4] : memref<1310720xf32, #tpu.memory_space<hbm>> -> memref<40960xf32, #tpu.memory_space<hbm>>
      %dma_start3A_18 = tpu.memref_slice %arg2[%mul3A_4] : memref<1310720xf32, #tpu.memory_space<hbm>> -> memref<40960xf32, #tpu.memory_space<hbm>>
      tpu.enqueue_dma source(%dma_start3A_18 : memref<40960xf32, #tpu.memory_space<hbm>>) target(%arg5 : memref<40960xf32, #tpu.memory_space<vmem>>) target_semaphore(%run_scoped3A : memref<!tpu.dma_semaphore, #tpu.memory_space<semaphore_mem>>)
      %dma_wait3A = tpu.memref_slice %arg2[%mul3A_4] : memref<1310720xf32, #tpu.memory_space<hbm>> -> memref<40960xf32, #tpu.memory_space<hbm>>
      %dma_wait3A_19 = tpu.memref_slice %arg2[%mul3A_4] : memref<1310720xf32, #tpu.memory_space<hbm>> -> memref<40960xf32, #tpu.memory_space<hbm>>
      tpu.wait_dma2 semaphore(%run_scoped3A : memref<!tpu.dma_semaphore, #tpu.memory_space<semaphore_mem>>) src(%dma_wait3A_19 : memref<40960xf32, #tpu.memory_space<hbm>>) dst(%arg5 : memref<40960xf32, #tpu.memory_space<vmem>>)
      tpu.yield
    }) : () -> ()
    "tpu.region"() ({
      %run_scoped3A = tpu.sem_alloc : memref<!tpu.dma_semaphore, #tpu.memory_space<semaphore_mem>>
      %dma_start3A = arith.constant 0 : i32
      %dma_start3A_18 = tpu.memref_slice %arg3[%add3A, %dma_start3A] : memref<32x320xi32, #tpu.memory_space<hbm>> -> memref<1x320xi32, #tpu.memory_space<hbm>>
      %dma_start3A_19 = tpu.memref_squeeze %dma_start3A_18 : memref<1x320xi32, #tpu.memory_space<hbm>> -> memref<320xi32, #tpu.memory_space<hbm>>
      %dma_start3A_20 = arith.constant 0 : i32
      %dma_start3A_21 = tpu.memref_slice %arg3[%add3A, %dma_start3A_20] : memref<32x320xi32, #tpu.memory_space<hbm>> -> memref<1x320xi32, #tpu.memory_space<hbm>>
      %dma_start3A_22 = tpu.memref_squeeze %dma_start3A_21 : memref<1x320xi32, #tpu.memory_space<hbm>> -> memref<320xi32, #tpu.memory_space<hbm>>
      tpu.enqueue_dma source(%dma_start3A_22 : memref<320xi32, #tpu.memory_space<hbm>>) target(%arg6 : memref<320xi32, #tpu.memory_space<vmem>>) target_semaphore(%run_scoped3A : memref<!tpu.dma_semaphore, #tpu.memory_space<semaphore_mem>>)
      %dma_wait3A = arith.constant 0 : i32
      %dma_wait3A_23 = tpu.memref_slice %arg3[%add3A, %dma_wait3A] : memref<32x320xi32, #tpu.memory_space<hbm>> -> memref<1x320xi32, #tpu.memory_space<hbm>>
      %dma_wait3A_24 = tpu.memref_squeeze %dma_wait3A_23 : memref<1x320xi32, #tpu.memory_space<hbm>> -> memref<320xi32, #tpu.memory_space<hbm>>
      %dma_wait3A_25 = arith.constant 0 : i32
      %dma_wait3A_26 = tpu.memref_slice %arg3[%add3A, %dma_wait3A_25] : memref<32x320xi32, #tpu.memory_space<hbm>> -> memref<1x320xi32, #tpu.memory_space<hbm>>
      %dma_wait3A_27 = tpu.memref_squeeze %dma_wait3A_26 : memref<1x320xi32, #tpu.memory_space<hbm>> -> memref<320xi32, #tpu.memory_space<hbm>>
      tpu.wait_dma2 semaphore(%run_scoped3A : memref<!tpu.dma_semaphore, #tpu.memory_space<semaphore_mem>>) src(%dma_wait3A_27 : memref<320xi32, #tpu.memory_space<hbm>>) dst(%arg6 : memref<320xi32, #tpu.memory_space<vmem>>)
      tpu.yield
    }) : () -> ()
    %scan3A = arith.constant 0 : i32
    %scan3A_5 = arith.constant 0 : i32
    %scan3A_6 = arith.constant 512 : i32
    %scan3A_7 = arith.addi %scan3A_5, %scan3A_6 : i32
    %scan3A_8 = arith.constant 1 : i32
    %scan3A_9 = scf.for %scan3A_18 = %scan3A_5 to %scan3A_7 step %scan3A_8 iter_args(%scan3A_19 = %scan3A) -> (i32)  : i32 {
      %broadcast_in_dim3A = arith.constant 0.000000e+00 : f32
      %broadcast_in_dim3A_20 = vector.broadcast %broadcast_in_dim3A : f32 to vector<16xf32>
      %mul3A_21 = arith.constant 16 : i32
      %mul3A_22 = arith.muli %scan3A_18, %mul3A_21 : i32
      %swap3A = arith.index_cast %mul3A_22 : i32 to index
      %swap3A_23 = tpu.vector_load %arg7[%swap3A] {strides = array<i32>} : memref<8192xf32, #tpu.memory_space<vmem>>, vector<16xf32>,
      tpu.vector_store %arg7[%swap3A], %broadcast_in_dim3A_20 {strides = array<i32>} : memref<8192xf32, #tpu.memory_space<vmem>>, vector<16xf32>,
      %scan3A_24 = arith.constant 0 : i32
      scf.yield %scan3A_24 : i32
    }
    %scan3A_10 = arith.constant 512 : i32
    %scan3A_11 = arith.constant 0 : i32
    %scan3A_12 = arith.constant 0 : i32
    %scan3A_13 = arith.constant 20 : i32
    %scan3A_14 = arith.addi %scan3A_12, %scan3A_13 : i32
    %scan3A_15 = arith.constant 1 : i32
    %scan3A_16 = scf.for %scan3A_18 = %scan3A_12 to %scan3A_14 step %scan3A_15 iter_args(%scan3A_19 = %scan3A_11) -> (i32)  : i32 {
      %mul3A_20 = arith.constant 16 : i32
      %mul3A_21 = arith.muli %scan3A_18, %mul3A_20 : i32
      %get3A = arith.index_cast %mul3A_21 : i32 to index
      %get3A_22 = tpu.vector_load %arg6[%get3A] {strides = array<i32>} : memref<320xi32, #tpu.memory_space<vmem>>, vector<16xi32>,
      %slice3A = vector.extract_strided_slice %get3A_22 {offsets = [0], sizes = [1], strides = [1]} : vector<16xi32> to vector<1xi32>
      %squeeze3A = vector.extract %slice3A[0] : i32 from vector<1xi32>
      %mul3A_23 = arith.constant 128 : i32
      %mul3A_24 = arith.muli %squeeze3A, %mul3A_23 : i32
      %mul3A_25 = arith.constant 16 : i32
      %mul3A_26 = arith.muli %scan3A_18, %mul3A_25 : i32
      %add3A_27 = arith.constant 0 : i32
      %add3A_28 = arith.addi %mul3A_26, %add3A_27 : i32
      %mul3A_29 = arith.constant 128 : i32
      %mul3A_30 = arith.muli %add3A_28, %mul3A_29 : i32
      %add3A_31 = arith.constant 0 : i32
      %add3A_32 = arith.addi %mul3A_30, %add3A_31 : i32
      %get3A_33 = arith.index_cast %add3A_32 : i32 to index
      %get3A_34 = tpu.vector_load %arg5[%get3A_33] {strides = array<i32>} : memref<40960xf32, #tpu.memory_space<vmem>>, vector<16xf32>,
      %add3A_35 = arith.constant 0 : i32
      %add3A_36 = arith.addi %mul3A_24, %add3A_35 : i32
      %iota3A = tpu.iota {dimensions = array<i32: 0>} : vector<16xi32>
      %add3A_37 = vector.broadcast %add3A_36 : i32 to vector<16xi32>
      %add3A_38 = arith.addi %add3A_37, %iota3A : vector<16xi32>
      %gather3A = tpu.vector_load_idx %arg7[%add3A_38] : memref<8192xf32, #tpu.memory_space<vmem>>[vector<16xi32>], vector<16xf32>,
      %max3A = arith.maximumf %gather3A, %get3A_34 : vector<16xf32>
      tpu.vector_store_idx %arg7[%add3A_38], %max3A : memref<8192xf32, #tpu.memory_space<vmem>>[vector<16xi32>], vector<16xf32>,
      %mul3A_39 = arith.constant 128 : i32
      %mul3A_40 = arith.muli %add3A_28, %mul3A_39 : i32
      %add3A_41 = arith.constant 16 : i32
      %add3A_42 = arith.addi %mul3A_40, %add3A_41 : i32
      %get3A_43 = arith.index_cast %add3A_42 : i32 to index
      %get3A_44 = tpu.vector_load %arg5[%get3A_43] {strides = array<i32>} : memref<40960xf32, #tpu.memory_space<vmem>>, vector<16xf32>,
      %add3A_45 = arith.constant 16 : i32
      %add3A_46 = arith.addi %mul3A_24, %add3A_45 : i32
      %iota3A_47 = tpu.iota {dimensions = array<i32: 0>} : vector<16xi32>
      %add3A_48 = vector.broadcast %add3A_46 : i32 to vector<16xi32>
      %add3A_49 = arith.addi %add3A_48, %iota3A_47 : vector<16xi32>
      %gather3A_50 = tpu.vector_load_idx %arg7[%add3A_49] : memref<8192xf32, #tpu.memory_space<vmem>>[vector<16xi32>], vector<16xf32>,
      %max3A_51 = arith.maximumf %gather3A_50, %get3A_44 : vector<16xf32>
      tpu.vector_store_idx %arg7[%add3A_49], %max3A_51 : memref<8192xf32, #tpu.memory_space<vmem>>[vector<16xi32>], vector<16xf32>,
      %mul3A_52 = arith.constant 128 : i32
      %mul3A_53 = arith.muli %add3A_28, %mul3A_52 : i32
      %add3A_54 = arith.constant 32 : i32
      %add3A_55 = arith.addi %mul3A_53, %add3A_54 : i32
      %get3A_56 = arith.index_cast %add3A_55 : i32 to index
      %get3A_57 = tpu.vector_load %arg5[%get3A_56] {strides = array<i32>} : memref<40960xf32, #tpu.memory_space<vmem>>, vector<16xf32>,
      %add3A_58 = arith.constant 32 : i32
      %add3A_59 = arith.addi %mul3A_24, %add3A_58 : i32
      %iota3A_60 = tpu.iota {dimensions = array<i32: 0>} : vector<16xi32>
      %add3A_61 = vector.broadcast %add3A_59 : i32 to vector<16xi32>
      %add3A_62 = arith.addi %add3A_61, %iota3A_60 : vector<16xi32>
      %gather3A_63 = tpu.vector_load_idx %arg7[%add3A_62] : memref<8192xf32, #tpu.memory_space<vmem>>[vector<16xi32>], vector<16xf32>,
      %max3A_64 = arith.maximumf %gather3A_63, %get3A_57 : vector<16xf32>
      tpu.vector_store_idx %arg7[%add3A_62], %max3A_64 : memref<8192xf32, #tpu.memory_space<vmem>>[vector<16xi32>], vector<16xf32>,
      %mul3A_65 = arith.constant 128 : i32
      %mul3A_66 = arith.muli %add3A_28, %mul3A_65 : i32
      %add3A_67 = arith.constant 48 : i32
      %add3A_68 = arith.addi %mul3A_66, %add3A_67 : i32
      %get3A_69 = arith.index_cast %add3A_68 : i32 to index
      %get3A_70 = tpu.vector_load %arg5[%get3A_69] {strides = array<i32>} : memref<40960xf32, #tpu.memory_space<vmem>>, vector<16xf32>,
      %add3A_71 = arith.constant 48 : i32
      %add3A_72 = arith.addi %mul3A_24, %add3A_71 : i32
      %iota3A_73 = tpu.iota {dimensions = array<i32: 0>} : vector<16xi32>
      %add3A_74 = vector.broadcast %add3A_72 : i32 to vector<16xi32>
      %add3A_75 = arith.addi %add3A_74, %iota3A_73 : vector<16xi32>
      %gather3A_76 = tpu.vector_load_idx %arg7[%add3A_75] : memref<8192xf32, #tpu.memory_space<vmem>>[vector<16xi32>], vector<16xf32>,
      %max3A_77 = arith.maximumf %gather3A_76, %get3A_70 : vector<16xf32>
      tpu.vector_store_idx %arg7[%add3A_75], %max3A_77 : memref<8192xf32, #tpu.memory_space<vmem>>[vector<16xi32>], vector<16xf32>,
      %mul3A_78 = arith.constant 128 : i32
      %mul3A_79 = arith.muli %add3A_28, %mul3A_78 : i32
      %add3A_80 = arith.constant 64 : i32
      %add3A_81 = arith.addi %mul3A_79, %add3A_80 : i32
      %get3A_82 = arith.index_cast %add3A_81 : i32 to index
      %get3A_83 = tpu.vector_load %arg5[%get3A_82] {strides = array<i32>} : memref<40960xf32, #tpu.memory_space<vmem>>, vector<16xf32>,
      %add3A_84 = arith.constant 64 : i32
      %add3A_85 = arith.addi %mul3A_24, %add3A_84 : i32
      %iota3A_86 = tpu.iota {dimensions = array<i32: 0>} : vector<16xi32>
      %add3A_87 = vector.broadcast %add3A_85 : i32 to vector<16xi32>
      %add3A_88 = arith.addi %add3A_87, %iota3A_86 : vector<16xi32>
      %gather3A_89 = tpu.vector_load_idx %arg7[%add3A_88] : memref<8192xf32, #tpu.memory_space<vmem>>[vector<16xi32>], vector<16xf32>,
      %max3A_90 = arith.maximumf %gather3A_89, %get3A_83 : vector<16xf32>
      tpu.vector_store_idx %arg7[%add3A_88], %max3A_90 : memref<8192xf32, #tpu.memory_space<vmem>>[vector<16xi32>], vector<16xf32>,
      %mul3A_91 = arith.constant 128 : i32
      %mul3A_92 = arith.muli %add3A_28, %mul3A_91 : i32
      %add3A_93 = arith.constant 80 : i32
      %add3A_94 = arith.addi %mul3A_92, %add3A_93 : i32
      %get3A_95 = arith.index_cast %add3A_94 : i32 to index
      %get3A_96 = tpu.vector_load %arg5[%get3A_95] {strides = array<i32>} : memref<40960xf32, #tpu.memory_space<vmem>>, vector<16xf32>,
      %add3A_97 = arith.constant 80 : i32
      %add3A_98 = arith.addi %mul3A_24, %add3A_97 : i32
      %iota3A_99 = tpu.iota {dimensions = array<i32: 0>} : vector<16xi32>
      %add3A_100 = vector.broadcast %add3A_98 : i32 to vector<16xi32>
      %add3A_101 = arith.addi %add3A_100, %iota3A_99 : vector<16xi32>
      %gather3A_102 = tpu.vector_load_idx %arg7[%add3A_101] : memref<8192xf32, #tpu.memory_space<vmem>>[vector<16xi32>], vector<16xf32>,
      %max3A_103 = arith.maximumf %gather3A_102, %get3A_96 : vector<16xf32>
      tpu.vector_store_idx %arg7[%add3A_101], %max3A_103 : memref<8192xf32, #tpu.memory_space<vmem>>[vector<16xi32>], vector<16xf32>,
      %mul3A_104 = arith.constant 128 : i32
      %mul3A_105 = arith.muli %add3A_28, %mul3A_104 : i32
      %add3A_106 = arith.constant 96 : i32
      %add3A_107 = arith.addi %mul3A_105, %add3A_106 : i32
      %get3A_108 = arith.index_cast %add3A_107 : i32 to index
      %get3A_109 = tpu.vector_load %arg5[%get3A_108] {strides = array<i32>} : memref<40960xf32, #tpu.memory_space<vmem>>, vector<16xf32>,
      %add3A_110 = arith.constant 96 : i32
      %add3A_111 = arith.addi %mul3A_24, %add3A_110 : i32
      %iota3A_112 = tpu.iota {dimensions = array<i32: 0>} : vector<16xi32>
      %add3A_113 = vector.broadcast %add3A_111 : i32 to vector<16xi32>
      %add3A_114 = arith.addi %add3A_113, %iota3A_112 : vector<16xi32>
      %gather3A_115 = tpu.vector_load_idx %arg7[%add3A_114] : memref<8192xf32, #tpu.memory_space<vmem>>[vector<16xi32>], vector<16xf32>,
      %max3A_116 = arith.maximumf %gather3A_115, %get3A_109 : vector<16xf32>
      tpu.vector_store_idx %arg7[%add3A_114], %max3A_116 : memref<8192xf32, #tpu.memory_space<vmem>>[vector<16xi32>], vector<16xf32>,
      %mul3A_117 = arith.constant 128 : i32
      %mul3A_118 = arith.muli %add3A_28, %mul3A_117 : i32
      %add3A_119 = arith.constant 112 : i32
      %add3A_120 = arith.addi %mul3A_118, %add3A_119 : i32
      %get3A_121 = arith.index_cast %add3A_120 : i32 to index
      %get3A_122 = tpu.vector_load %arg5[%get3A_121] {strides = array<i32>} : memref<40960xf32, #tpu.memory_space<vmem>>, vector<16xf32>,
      %add3A_123 = arith.constant 112 : i32
      %add3A_124 = arith.addi %mul3A_24, %add3A_123 : i32
      %iota3A_125 = tpu.iota {dimensions = array<i32: 0>} : vector<16xi32>
      %add3A_126 = vector.broadcast %add3A_124 : i32 to vector<16xi32>
      %add3A_127 = arith.addi %add3A_126, %iota3A_125 : vector<16xi32>
      %gather3A_128 = tpu.vector_load_idx %arg7[%add3A_127] : memref<8192xf32, #tpu.memory_space<vmem>>[vector<16xi32>], vector<16xf32>,
      %max3A_129 = arith.maximumf %gather3A_128, %get3A_122 : vector<16xf32>
      tpu.vector_store_idx %arg7[%add3A_127], %max3A_129 : memref<8192xf32, #tpu.memory_space<vmem>>[vector<16xi32>], vector<16xf32>,
      %slice3A_130 = vector.extract_strided_slice %get3A_22 {offsets = [1], sizes = [1], strides = [1]} : vector<16xi32> to vector<1xi32>
      %squeeze3A_131 = vector.extract %slice3A_130[0] : i32 from vector<1xi32>
      %mul3A_132 = arith.constant 128 : i32
      %mul3A_133 = arith.muli %squeeze3A_131, %mul3A_132 : i32
      %mul3A_134 = arith.constant 16 : i32
      %mul3A_135 = arith.muli %scan3A_18, %mul3A_134 : i32
      %add3A_136 = arith.constant 1 : i32
      %add3A_137 = arith.addi %mul3A_135, %add3A_136 : i32
      %mul3A_138 = arith.constant 128 : i32
      %mul3A_139 = arith.muli %add3A_137, %mul3A_138 : i32
      %add3A_140 = arith.constant 0 : i32
      %add3A_141 = arith.addi %mul3A_139, %add3A_140 : i32
      %get3A_142 = arith.index_cast %add3A_141 : i32 to index
      %get3A_143 = tpu.vector_load %arg5[%get3A_142] {strides = array<i32>} : memref<40960xf32, #tpu.memory_space<vmem>>, vector<16xf32>,
      %add3A_144 = arith.constant 0 : i32
      %add3A_145 = arith.addi %mul3A_133, %add3A_144 : i32
      %iota3A_146 = tpu.iota {dimensions = array<i32: 0>} : vector<16xi32>
      %add3A_147 = vector.broadcast %add3A_145 : i32 to vector<16xi32>
      %add3A_148 = arith.addi %add3A_147, %iota3A_146 : vector<16xi32>
      %gather3A_149 = tpu.vector_load_idx %arg7[%add3A_148] : memref<8192xf32, #tpu.memory_space<vmem>>[vector<16xi32>], vector<16xf32>,
      %max3A_150 = arith.maximumf %gather3A_149, %get3A_143 : vector<16xf32>
      tpu.vector_store_idx %arg7[%add3A_148], %max3A_150 : memref<8192xf32, #tpu.memory_space<vmem>>[vector<16xi32>], vector<16xf32>,
      %mul3A_151 = arith.constant 128 : i32
      %mul3A_152 = arith.muli %add3A_137, %mul3A_151 : i32
      %add3A_153 = arith.constant 16 : i32
      %add3A_154 = arith.addi %mul3A_152, %add3A_153 : i32
      %get3A_155 = arith.index_cast %add3A_154 : i32 to index
      %get3A_156 = tpu.vector_load %arg5[%get3A_155] {strides = array<i32>} : memref<40960xf32, #tpu.memory_space<vmem>>, vector<16xf32>,
      %add3A_157 = arith.constant 16 : i32
      %add3A_158 = arith.addi %mul3A_133, %add3A_157 : i32
      %iota3A_159 = tpu.iota {dimensions = array<i32: 0>} : vector<16xi32>
      %add3A_160 = vector.broadcast %add3A_158 : i32 to vector<16xi32>
      %add3A_161 = arith.addi %add3A_160, %iota3A_159 : vector<16xi32>
      %gather3A_162 = tpu.vector_load_idx %arg7[%add3A_161] : memref<8192xf32, #tpu.memory_space<vmem>>[vector<16xi32>], vector<16xf32>,
      %max3A_163 = arith.maximumf %gather3A_162, %get3A_156 : vector<16xf32>
      tpu.vector_store_idx %arg7[%add3A_161], %max3A_163 : memref<8192xf32, #tpu.memory_space<vmem>>[vector<16xi32>], vector<16xf32>,
      %mul3A_164 = arith.constant 128 : i32
      %mul3A_165 = arith.muli %add3A_137, %mul3A_164 : i32
      %add3A_166 = arith.constant 32 : i32
      %add3A_167 = arith.addi %mul3A_165, %add3A_166 : i32
      %get3A_168 = arith.index_cast %add3A_167 : i32 to index
      %get3A_169 = tpu.vector_load %arg5[%get3A_168] {strides = array<i32>} : memref<40960xf32, #tpu.memory_space<vmem>>, vector<16xf32>,
      %add3A_170 = arith.constant 32 : i32
      %add3A_171 = arith.addi %mul3A_133, %add3A_170 : i32
      %iota3A_172 = tpu.iota {dimensions = array<i32: 0>} : vector<16xi32>
      %add3A_173 = vector.broadcast %add3A_171 : i32 to vector<16xi32>
      %add3A_174 = arith.addi %add3A_173, %iota3A_172 : vector<16xi32>
      %gather3A_175 = tpu.vector_load_idx %arg7[%add3A_174] : memref<8192xf32, #tpu.memory_space<vmem>>[vector<16xi32>], vector<16xf32>,
      %max3A_176 = arith.maximumf %gather3A_175, %get3A_169 : vector<16xf32>
      tpu.vector_store_idx %arg7[%add3A_174], %max3A_176 : memref<8192xf32, #tpu.memory_space<vmem>>[vector<16xi32>], vector<16xf32>,
      %mul3A_177 = arith.constant 128 : i32
      %mul3A_178 = arith.muli %add3A_137, %mul3A_177 : i32
      %add3A_179 = arith.constant 48 : i32
      %add3A_180 = arith.addi %mul3A_178, %add3A_179 : i32
      %get3A_181 = arith.index_cast %add3A_180 : i32 to index
      %get3A_182 = tpu.vector_load %arg5[%get3A_181] {strides = array<i32>} : memref<40960xf32, #tpu.memory_space<vmem>>, vector<16xf32>,
      %add3A_183 = arith.constant 48 : i32
      %add3A_184 = arith.addi %mul3A_133, %add3A_183 : i32
      %iota3A_185 = tpu.iota {dimensions = array<i32: 0>} : vector<16xi32>
      %add3A_186 = vector.broadcast %add3A_184 : i32 to vector<16xi32>
      %add3A_187 = arith.addi %add3A_186, %iota3A_185 : vector<16xi32>
      %gather3A_188 = tpu.vector_load_idx %arg7[%add3A_187] : memref<8192xf32, #tpu.memory_space<vmem>>[vector<16xi32>], vector<16xf32>,
      %max3A_189 = arith.maximumf %gather3A_188, %get3A_182 : vector<16xf32>
      tpu.vector_store_idx %arg7[%add3A_187], %max3A_189 : memref<8192xf32, #tpu.memory_space<vmem>>[vector<16xi32>], vector<16xf32>,
      %mul3A_190 = arith.constant 128 : i32
      %mul3A_191 = arith.muli %add3A_137, %mul3A_190 : i32
      %add3A_192 = arith.constant 64 : i32
      %add3A_193 = arith.addi %mul3A_191, %add3A_192 : i32
      %get3A_194 = arith.index_cast %add3A_193 : i32 to index
      %get3A_195 = tpu.vector_load %arg5[%get3A_194] {strides = array<i32>} : memref<40960xf32, #tpu.memory_space<vmem>>, vector<16xf32>,
      %add3A_196 = arith.constant 64 : i32
      %add3A_197 = arith.addi %mul3A_133, %add3A_196 : i32
      %iota3A_198 = tpu.iota {dimensions = array<i32: 0>} : vector<16xi32>
      %add3A_199 = vector.broadcast %add3A_197 : i32 to vector<16xi32>
      %add3A_200 = arith.addi %add3A_199, %iota3A_198 : vector<16xi32>
      %gather3A_201 = tpu.vector_load_idx %arg7[%add3A_200] : memref<8192xf32, #tpu.memory_space<vmem>>[vector<16xi32>], vector<16xf32>,
      %max3A_202 = arith.maximumf %gather3A_201, %get3A_195 : vector<16xf32>
      tpu.vector_store_idx %arg7[%add3A_200], %max3A_202 : memref<8192xf32, #tpu.memory_space<vmem>>[vector<16xi32>], vector<16xf32>,
      %mul3A_203 = arith.constant 128 : i32
      %mul3A_204 = arith.muli %add3A_137, %mul3A_203 : i32
      %add3A_205 = arith.constant 80 : i32
      %add3A_206 = arith.addi %mul3A_204, %add3A_205 : i32
      %get3A_207 = arith.index_cast %add3A_206 : i32 to index
      %get3A_208 = tpu.vector_load %arg5[%get3A_207] {strides = array<i32>} : memref<40960xf32, #tpu.memory_space<vmem>>, vector<16xf32>,
      %add3A_209 = arith.constant 80 : i32
      %add3A_210 = arith.addi %mul3A_133, %add3A_209 : i32
      %iota3A_211 = tpu.iota {dimensions = array<i32: 0>} : vector<16xi32>
      %add3A_212 = vector.broadcast %add3A_210 : i32 to vector<16xi32>
      %add3A_213 = arith.addi %add3A_212, %iota3A_211 : vector<16xi32>
      %gather3A_214 = tpu.vector_load_idx %arg7[%add3A_213] : memref<8192xf32, #tpu.memory_space<vmem>>[vector<16xi32>], vector<16xf32>,
      %max3A_215 = arith.maximumf %gather3A_214, %get3A_208 : vector<16xf32>
      tpu.vector_store_idx %arg7[%add3A_213], %max3A_215 : memref<8192xf32, #tpu.memory_space<vmem>>[vector<16xi32>], vector<16xf32>,
      %mul3A_216 = arith.constant 128 : i32
      %mul3A_217 = arith.muli %add3A_137, %mul3A_216 : i32
      %add3A_218 = arith.constant 96 : i32
      %add3A_219 = arith.addi %mul3A_217, %add3A_218 : i32
      %get3A_220 = arith.index_cast %add3A_219 : i32 to index
      %get3A_221 = tpu.vector_load %arg5[%get3A_220] {strides = array<i32>} : memref<40960xf32, #tpu.memory_space<vmem>>, vector<16xf32>,
      %add3A_222 = arith.constant 96 : i32
      %add3A_223 = arith.addi %mul3A_133, %add3A_222 : i32
      %iota3A_224 = tpu.iota {dimensions = array<i32: 0>} : vector<16xi32>
      %add3A_225 = vector.broadcast %add3A_223 : i32 to vector<16xi32>
      %add3A_226 = arith.addi %add3A_225, %iota3A_224 : vector<16xi32>
      %gather3A_227 = tpu.vector_load_idx %arg7[%add3A_226] : memref<8192xf32, #tpu.memory_space<vmem>>[vector<16xi32>], vector<16xf32>,
      %max3A_228 = arith.maximumf %gather3A_227, %get3A_221 : vector<16xf32>
      tpu.vector_store_idx %arg7[%add3A_226], %max3A_228 : memref<8192xf32, #tpu.memory_space<vmem>>[vector<16xi32>], vector<16xf32>,
      %mul3A_229 = arith.constant 128 : i32
      %mul3A_230 = arith.muli %add3A_137, %mul3A_229 : i32
      %add3A_231 = arith.constant 112 : i32
      %add3A_232 = arith.addi %mul3A_230, %add3A_231 : i32
      %get3A_233 = arith.index_cast %add3A_232 : i32 to index
      %get3A_234 = tpu.vector_load %arg5[%get3A_233] {strides = array<i32>} : memref<40960xf32, #tpu.memory_space<vmem>>, vector<16xf32>,
      %add3A_235 = arith.constant 112 : i32
      %add3A_236 = arith.addi %mul3A_133, %add3A_235 : i32
      %iota3A_237 = tpu.iota {dimensions = array<i32: 0>} : vector<16xi32>
      %add3A_238 = vector.broadcast %add3A_236 : i32 to vector<16xi32>
      %add3A_239 = arith.addi %add3A_238, %iota3A_237 : vector<16xi32>
      %gather3A_240 = tpu.vector_load_idx %arg7[%add3A_239] : memref<8192xf32, #tpu.memory_space<vmem>>[vector<16xi32>], vector<16xf32>,
      %max3A_241 = arith.maximumf %gather3A_240, %get3A_234 : vector<16xf32>
      tpu.vector_store_idx %arg7[%add3A_239], %max3A_241 : memref<8192xf32, #tpu.memory_space<vmem>>[vector<16xi32>], vector<16xf32>,
      %slice3A_242 = vector.extract_strided_slice %get3A_22 {offsets = [2], sizes = [1], strides = [1]} : vector<16xi32> to vector<1xi32>
      %squeeze3A_243 = vector.extract %slice3A_242[0] : i32 from vector<1xi32>
      %mul3A_244 = arith.constant 128 : i32
      %mul3A_245 = arith.muli %squeeze3A_243, %mul3A_244 : i32
      %mul3A_246 = arith.constant 16 : i32
      %mul3A_247 = arith.muli %scan3A_18, %mul3A_246 : i32
      %add3A_248 = arith.constant 2 : i32
      %add3A_249 = arith.addi %mul3A_247, %add3A_248 : i32
      %mul3A_250 = arith.constant 128 : i32
      %mul3A_251 = arith.muli %add3A_249, %mul3A_250 : i32
      %add3A_252 = arith.constant 0 : i32
      %add3A_253 = arith.addi %mul3A_251, %add3A_252 : i32
      %get3A_254 = arith.index_cast %add3A_253 : i32 to index
      %get3A_255 = tpu.vector_load %arg5[%get3A_254] {strides = array<i32>} : memref<40960xf32, #tpu.memory_space<vmem>>, vector<16xf32>,
      %add3A_256 = arith.constant 0 : i32
      %add3A_257 = arith.addi %mul3A_245, %add3A_256 : i32
      %iota3A_258 = tpu.iota {dimensions = array<i32: 0>} : vector<16xi32>
      %add3A_259 = vector.broadcast %add3A_257 : i32 to vector<16xi32>
      %add3A_260 = arith.addi %add3A_259, %iota3A_258 : vector<16xi32>
      %gather3A_261 = tpu.vector_load_idx %arg7[%add3A_260] : memref<8192xf32, #tpu.memory_space<vmem>>[vector<16xi32>], vector<16xf32>,
      %max3A_262 = arith.maximumf %gather3A_261, %get3A_255 : vector<16xf32>
      tpu.vector_store_idx %arg7[%add3A_260], %max3A_262 : memref<8192xf32, #tpu.memory_space<vmem>>[vector<16xi32>], vector<16xf32>,
      %mul3A_263 = arith.constant 128 : i32
      %mul3A_264 = arith.muli %add3A_249, %mul3A_263 : i32
      %add3A_265 = arith.constant 16 : i32
      %add3A_266 = arith.addi %mul3A_264, %add3A_265 : i32
      %get3A_267 = arith.index_cast %add3A_266 : i32 to index
      %get3A_268 = tpu.vector_load %arg5[%get3A_267] {strides = array<i32>} : memref<40960xf32, #tpu.memory_space<vmem>>, vector<16xf32>,
      %add3A_269 = arith.constant 16 : i32
      %add3A_270 = arith.addi %mul3A_245, %add3A_269 : i32
      %iota3A_271 = tpu.iota {dimensions = array<i32: 0>} : vector<16xi32>
      %add3A_272 = vector.broadcast %add3A_270 : i32 to vector<16xi32>
      %add3A_273 = arith.addi %add3A_272, %iota3A_271 : vector<16xi32>
      %gather3A_274 = tpu.vector_load_idx %arg7[%add3A_273] : memref<8192xf32, #tpu.memory_space<vmem>>[vector<16xi32>], vector<16xf32>,
      %max3A_275 = arith.maximumf %gather3A_274, %get3A_268 : vector<16xf32>
      tpu.vector_store_idx %arg7[%add3A_273], %max3A_275 : memref<8192xf32, #tpu.memory_space<vmem>>[vector<16xi32>], vector<16xf32>,
      %mul3A_276 = arith.constant 128 : i32
      %mul3A_277 = arith.muli %add3A_249, %mul3A_276 : i32
      %add3A_278 = arith.constant 32 : i32
      %add3A_279 = arith.addi %mul3A_277, %add3A_278 : i32
      %get3A_280 = arith.index_cast %add3A_279 : i32 to index
      %get3A_281 = tpu.vector_load %arg5[%get3A_280] {strides = array<i32>} : memref<40960xf32, #tpu.memory_space<vmem>>, vector<16xf32>,
      %add3A_282 = arith.constant 32 : i32
      %add3A_283 = arith.addi %mul3A_245, %add3A_282 : i32
      %iota3A_284 = tpu.iota {dimensions = array<i32: 0>} : vector<16xi32>
      %add3A_285 = vector.broadcast %add3A_283 : i32 to vector<16xi32>
      %add3A_286 = arith.addi %add3A_285, %iota3A_284 : vector<16xi32>
      %gather3A_287 = tpu.vector_load_idx %arg7[%add3A_286] : memref<8192xf32, #tpu.memory_space<vmem>>[vector<16xi32>], vector<16xf32>,
      %max3A_288 = arith.maximumf %gather3A_287, %get3A_281 : vector<16xf32>
      tpu.vector_store_idx %arg7[%add3A_286], %max3A_288 : memref<8192xf32, #tpu.memory_space<vmem>>[vector<16xi32>], vector<16xf32>,
      %mul3A_289 = arith.constant 128 : i32
      %mul3A_290 = arith.muli %add3A_249, %mul3A_289 : i32
      %add3A_291 = arith.constant 48 : i32
      %add3A_292 = arith.addi %mul3A_290, %add3A_291 : i32
      %get3A_293 = arith.index_cast %add3A_292 : i32 to index
      %get3A_294 = tpu.vector_load %arg5[%get3A_293] {strides = array<i32>} : memref<40960xf32, #tpu.memory_space<vmem>>, vector<16xf32>,
      %add3A_295 = arith.constant 48 : i32
      %add3A_296 = arith.addi %mul3A_245, %add3A_295 : i32
      %iota3A_297 = tpu.iota {dimensions = array<i32: 0>} : vector<16xi32>
      %add3A_298 = vector.broadcast %add3A_296 : i32 to vector<16xi32>
      %add3A_299 = arith.addi %add3A_298, %iota3A_297 : vector<16xi32>
      %gather3A_300 = tpu.vector_load_idx %arg7[%add3A_299] : memref<8192xf32, #tpu.memory_space<vmem>>[vector<16xi32>], vector<16xf32>,
      %max3A_301 = arith.maximumf %gather3A_300, %get3A_294 : vector<16xf32>
      tpu.vector_store_idx %arg7[%add3A_299], %max3A_301 : memref<8192xf32, #tpu.memory_space<vmem>>[vector<16xi32>], vector<16xf32>,
      %mul3A_302 = arith.constant 128 : i32
      %mul3A_303 = arith.muli %add3A_249, %mul3A_302 : i32
      %add3A_304 = arith.constant 64 : i32
      %add3A_305 = arith.addi %mul3A_303, %add3A_304 : i32
      %get3A_306 = arith.index_cast %add3A_305 : i32 to index
      %get3A_307 = tpu.vector_load %arg5[%get3A_306] {strides = array<i32>} : memref<40960xf32, #tpu.memory_space<vmem>>, vector<16xf32>,
      %add3A_308 = arith.constant 64 : i32
      %add3A_309 = arith.addi %mul3A_245, %add3A_308 : i32
      %iota3A_310 = tpu.iota {dimensions = array<i32: 0>} : vector<16xi32>
      %add3A_311 = vector.broadcast %add3A_309 : i32 to vector<16xi32>
      %add3A_312 = arith.addi %add3A_311, %iota3A_310 : vector<16xi32>
      %gather3A_313 = tpu.vector_load_idx %arg7[%add3A_312] : memref<8192xf32, #tpu.memory_space<vmem>>[vector<16xi32>], vector<16xf32>,
      %max3A_314 = arith.maximumf %gather3A_313, %get3A_307 : vector<16xf32>
      tpu.vector_store_idx %arg7[%add3A_312], %max3A_314 : memref<8192xf32, #tpu.memory_space<vmem>>[vector<16xi32>], vector<16xf32>,
      %mul3A_315 = arith.constant 128 : i32
      %mul3A_316 = arith.muli %add3A_249, %mul3A_315 : i32
      %add3A_317 = arith.constant 80 : i32
      %add3A_318 = arith.addi %mul3A_316, %add3A_317 : i32
      %get3A_319 = arith.index_cast %add3A_318 : i32 to index
      %get3A_320 = tpu.vector_load %arg5[%get3A_319] {strides = array<i32>} : memref<40960xf32, #tpu.memory_space<vmem>>, vector<16xf32>,
      %add3A_321 = arith.constant 80 : i32
      %add3A_322 = arith.addi %mul3A_245, %add3A_321 : i32
      %iota3A_323 = tpu.iota {dimensions = array<i32: 0>} : vector<16xi32>
      %add3A_324 = vector.broadcast %add3A_322 : i32 to vector<16xi32>
      %add3A_325 = arith.addi %add3A_324, %iota3A_323 : vector<16xi32>
      %gather3A_326 = tpu.vector_load_idx %arg7[%add3A_325] : memref<8192xf32, #tpu.memory_space<vmem>>[vector<16xi32>], vector<16xf32>,
      %max3A_327 = arith.maximumf %gather3A_326, %get3A_320 : vector<16xf32>
      tpu.vector_store_idx %arg7[%add3A_325], %max3A_327 : memref<8192xf32, #tpu.memory_space<vmem>>[vector<16xi32>], vector<16xf32>,
      %mul3A_328 = arith.constant 128 : i32
      %mul3A_329 = arith.muli %add3A_249, %mul3A_328 : i32
      %add3A_330 = arith.constant 96 : i32
      %add3A_331 = arith.addi %mul3A_329, %add3A_330 : i32
      %get3A_332 = arith.index_cast %add3A_331 : i32 to index
      %get3A_333 = tpu.vector_load %arg5[%get3A_332] {strides = array<i32>} : memref<40960xf32, #tpu.memory_space<vmem>>, vector<16xf32>,
      %add3A_334 = arith.constant 96 : i32
      %add3A_335 = arith.addi %mul3A_245, %add3A_334 : i32
      %iota3A_336 = tpu.iota {dimensions = array<i32: 0>} : vector<16xi32>
      %add3A_337 = vector.broadcast %add3A_335 : i32 to vector<16xi32>
      %add3A_338 = arith.addi %add3A_337, %iota3A_336 : vector<16xi32>
      %gather3A_339 = tpu.vector_load_idx %arg7[%add3A_338] : memref<8192xf32, #tpu.memory_space<vmem>>[vector<16xi32>], vector<16xf32>,
      %max3A_340 = arith.maximumf %gather3A_339, %get3A_333 : vector<16xf32>
      tpu.vector_store_idx %arg7[%add3A_338], %max3A_340 : memref<8192xf32, #tpu.memory_space<vmem>>[vector<16xi32>], vector<16xf32>,
      %mul3A_341 = arith.constant 128 : i32
      %mul3A_342 = arith.muli %add3A_249, %mul3A_341 : i32
      %add3A_343 = arith.constant 112 : i32
      %add3A_344 = arith.addi %mul3A_342, %add3A_343 : i32
      %get3A_345 = arith.index_cast %add3A_344 : i32 to index
      %get3A_346 = tpu.vector_load %arg5[%get3A_345] {strides = array<i32>} : memref<40960xf32, #tpu.memory_space<vmem>>, vector<16xf32>,
      %add3A_347 = arith.constant 112 : i32
      %add3A_348 = arith.addi %mul3A_245, %add3A_347 : i32
      %iota3A_349 = tpu.iota {dimensions = array<i32: 0>} : vector<16xi32>
      %add3A_350 = vector.broadcast %add3A_348 : i32 to vector<16xi32>
      %add3A_351 = arith.addi %add3A_350, %iota3A_349 : vector<16xi32>
      %gather3A_352 = tpu.vector_load_idx %arg7[%add3A_351] : memref<8192xf32, #tpu.memory_space<vmem>>[vector<16xi32>], vector<16xf32>,
      %max3A_353 = arith.maximumf %gather3A_352, %get3A_346 : vector<16xf32>
      tpu.vector_store_idx %arg7[%add3A_351], %max3A_353 : memref<8192xf32, #tpu.memory_space<vmem>>[vector<16xi32>], vector<16xf32>,
      %slice3A_354 = vector.extract_strided_slice %get3A_22 {offsets = [3], sizes = [1], strides = [1]} : vector<16xi32> to vector<1xi32>
      %squeeze3A_355 = vector.extract %slice3A_354[0] : i32 from vector<1xi32>
      %mul3A_356 = arith.constant 128 : i32
      %mul3A_357 = arith.muli %squeeze3A_355, %mul3A_356 : i32
      %mul3A_358 = arith.constant 16 : i32
      %mul3A_359 = arith.muli %scan3A_18, %mul3A_358 : i32
      %add3A_360 = arith.constant 3 : i32
      %add3A_361 = arith.addi %mul3A_359, %add3A_360 : i32
      %mul3A_362 = arith.constant 128 : i32
      %mul3A_363 = arith.muli %add3A_361, %mul3A_362 : i32
      %add3A_364 = arith.constant 0 : i32
      %add3A_365 = arith.addi %mul3A_363, %add3A_364 : i32
      %get3A_366 = arith.index_cast %add3A_365 : i32 to index
      %get3A_367 = tpu.vector_load %arg5[%get3A_366] {strides = array<i32>} : memref<40960xf32, #tpu.memory_space<vmem>>, vector<16xf32>,
      %add3A_368 = arith.constant 0 : i32
      %add3A_369 = arith.addi %mul3A_357, %add3A_368 : i32
      %iota3A_370 = tpu.iota {dimensions = array<i32: 0>} : vector<16xi32>
      %add3A_371 = vector.broadcast %add3A_369 : i32 to vector<16xi32>
      %add3A_372 = arith.addi %add3A_371, %iota3A_370 : vector<16xi32>
      %gather3A_373 = tpu.vector_load_idx %arg7[%add3A_372] : memref<8192xf32, #tpu.memory_space<vmem>>[vector<16xi32>], vector<16xf32>,
      %max3A_374 = arith.maximumf %gather3A_373, %get3A_367 : vector<16xf32>
      tpu.vector_store_idx %arg7[%add3A_372], %max3A_374 : memref<8192xf32, #tpu.memory_space<vmem>>[vector<16xi32>], vector<16xf32>,
      %mul3A_375 = arith.constant 128 : i32
      %mul3A_376 = arith.muli %add3A_361, %mul3A_375 : i32
      %add3A_377 = arith.constant 16 : i32
      %add3A_378 = arith.addi %mul3A_376, %add3A_377 : i32
      %get3A_379 = arith.index_cast %add3A_378 : i32 to index
      %get3A_380 = tpu.vector_load %arg5[%get3A_379] {strides = array<i32>} : memref<40960xf32, #tpu.memory_space<vmem>>, vector<16xf32>,
      %add3A_381 = arith.constant 16 : i32
      %add3A_382 = arith.addi %mul3A_357, %add3A_381 : i32
      %iota3A_383 = tpu.iota {dimensions = array<i32: 0>} : vector<16xi32>
      %add3A_384 = vector.broadcast %add3A_382 : i32 to vector<16xi32>
      %add3A_385 = arith.addi %add3A_384, %iota3A_383 : vector<16xi32>
      %gather3A_386 = tpu.vector_load_idx %arg7[%add3A_385] : memref<8192xf32, #tpu.memory_space<vmem>>[vector<16xi32>], vector<16xf32>,
      %max3A_387 = arith.maximumf %gather3A_386, %get3A_380 : vector<16xf32>
      tpu.vector_store_idx %arg7[%add3A_385], %max3A_387 : memref<8192xf32, #tpu.memory_space<vmem>>[vector<16xi32>], vector<16xf32>,
      %mul3A_388 = arith.constant 128 : i32
      %mul3A_389 = arith.muli %add3A_361, %mul3A_388 : i32
      %add3A_390 = arith.constant 32 : i32
      %add3A_391 = arith.addi %mul3A_389, %add3A_390 : i32
      %get3A_392 = arith.index_cast %add3A_391 : i32 to index
      %get3A_393 = tpu.vector_load %arg5[%get3A_392] {strides = array<i32>} : memref<40960xf32, #tpu.memory_space<vmem>>, vector<16xf32>,
      %add3A_394 = arith.constant 32 : i32
      %add3A_395 = arith.addi %mul3A_357, %add3A_394 : i32
      %iota3A_396 = tpu.iota {dimensions = array<i32: 0>} : vector<16xi32>
      %add3A_397 = vector.broadcast %add3A_395 : i32 to vector<16xi32>
      %add3A_398 = arith.addi %add3A_397, %iota3A_396 : vector<16xi32>
      %gather3A_399 = tpu.vector_load_idx %arg7[%add3A_398] : memref<8192xf32, #tpu.memory_space<vmem>>[vector<16xi32>], vector<16xf32>,
      %max3A_400 = arith.maximumf %gather3A_399, %get3A_393 : vector<16xf32>
      tpu.vector_store_idx %arg7[%add3A_398], %max3A_400 : memref<8192xf32, #tpu.memory_space<vmem>>[vector<16xi32>], vector<16xf32>,
      %mul3A_401 = arith.constant 128 : i32
      %mul3A_402 = arith.muli %add3A_361, %mul3A_401 : i32
      %add3A_403 = arith.constant 48 : i32
      %add3A_404 = arith.addi %mul3A_402, %add3A_403 : i32
      %get3A_405 = arith.index_cast %add3A_404 : i32 to index
      %get3A_406 = tpu.vector_load %arg5[%get3A_405] {strides = array<i32>} : memref<40960xf32, #tpu.memory_space<vmem>>, vector<16xf32>,
      %add3A_407 = arith.constant 48 : i32
      %add3A_408 = arith.addi %mul3A_357, %add3A_407 : i32
      %iota3A_409 = tpu.iota {dimensions = array<i32: 0>} : vector<16xi32>
      %add3A_410 = vector.broadcast %add3A_408 : i32 to vector<16xi32>
      %add3A_411 = arith.addi %add3A_410, %iota3A_409 : vector<16xi32>
      %gather3A_412 = tpu.vector_load_idx %arg7[%add3A_411] : memref<8192xf32, #tpu.memory_space<vmem>>[vector<16xi32>], vector<16xf32>,
      %max3A_413 = arith.maximumf %gather3A_412, %get3A_406 : vector<16xf32>
      tpu.vector_store_idx %arg7[%add3A_411], %max3A_413 : memref<8192xf32, #tpu.memory_space<vmem>>[vector<16xi32>], vector<16xf32>,
      %mul3A_414 = arith.constant 128 : i32
      %mul3A_415 = arith.muli %add3A_361, %mul3A_414 : i32
      %add3A_416 = arith.constant 64 : i32
      %add3A_417 = arith.addi %mul3A_415, %add3A_416 : i32
      %get3A_418 = arith.index_cast %add3A_417 : i32 to index
      %get3A_419 = tpu.vector_load %arg5[%get3A_418] {strides = array<i32>} : memref<40960xf32, #tpu.memory_space<vmem>>, vector<16xf32>,
      %add3A_420 = arith.constant 64 : i32
      %add3A_421 = arith.addi %mul3A_357, %add3A_420 : i32
      %iota3A_422 = tpu.iota {dimensions = array<i32: 0>} : vector<16xi32>
      %add3A_423 = vector.broadcast %add3A_421 : i32 to vector<16xi32>
      %add3A_424 = arith.addi %add3A_423, %iota3A_422 : vector<16xi32>
      %gather3A_425 = tpu.vector_load_idx %arg7[%add3A_424] : memref<8192xf32, #tpu.memory_space<vmem>>[vector<16xi32>], vector<16xf32>,
      %max3A_426 = arith.maximumf %gather3A_425, %get3A_419 : vector<16xf32>
      tpu.vector_store_idx %arg7[%add3A_424], %max3A_426 : memref<8192xf32, #tpu.memory_space<vmem>>[vector<16xi32>], vector<16xf32>,
      %mul3A_427 = arith.constant 128 : i32
      %mul3A_428 = arith.muli %add3A_361, %mul3A_427 : i32
      %add3A_429 = arith.constant 80 : i32
      %add3A_430 = arith.addi %mul3A_428, %add3A_429 : i32
      %get3A_431 = arith.index_cast %add3A_430 : i32 to index
      %get3A_432 = tpu.vector_load %arg5[%get3A_431] {strides = array<i32>} : memref<40960xf32, #tpu.memory_space<vmem>>, vector<16xf32>,
      %add3A_433 = arith.constant 80 : i32
      %add3A_434 = arith.addi %mul3A_357, %add3A_433 : i32
      %iota3A_435 = tpu.iota {dimensions = array<i32: 0>} : vector<16xi32>
      %add3A_436 = vector.broadcast %add3A_434 : i32 to vector<16xi32>
      %add3A_437 = arith.addi %add3A_436, %iota3A_435 : vector<16xi32>
      %gather3A_438 = tpu.vector_load_idx %arg7[%add3A_437] : memref<8192xf32, #tpu.memory_space<vmem>>[vector<16xi32>], vector<16xf32>,
      %max3A_439 = arith.maximumf %gather3A_438, %get3A_432 : vector<16xf32>
      tpu.vector_store_idx %arg7[%add3A_437], %max3A_439 : memref<8192xf32, #tpu.memory_space<vmem>>[vector<16xi32>], vector<16xf32>,
      %mul3A_440 = arith.constant 128 : i32
      %mul3A_441 = arith.muli %add3A_361, %mul3A_440 : i32
      %add3A_442 = arith.constant 96 : i32
      %add3A_443 = arith.addi %mul3A_441, %add3A_442 : i32
      %get3A_444 = arith.index_cast %add3A_443 : i32 to index
      %get3A_445 = tpu.vector_load %arg5[%get3A_444] {strides = array<i32>} : memref<40960xf32, #tpu.memory_space<vmem>>, vector<16xf32>,
      %add3A_446 = arith.constant 96 : i32
      %add3A_447 = arith.addi %mul3A_357, %add3A_446 : i32
      %iota3A_448 = tpu.iota {dimensions = array<i32: 0>} : vector<16xi32>
      %add3A_449 = vector.broadcast %add3A_447 : i32 to vector<16xi32>
      %add3A_450 = arith.addi %add3A_449, %iota3A_448 : vector<16xi32>
      %gather3A_451 = tpu.vector_load_idx %arg7[%add3A_450] : memref<8192xf32, #tpu.memory_space<vmem>>[vector<16xi32>], vector<16xf32>,
      %max3A_452 = arith.maximumf %gather3A_451, %get3A_445 : vector<16xf32>
      tpu.vector_store_idx %arg7[%add3A_450], %max3A_452 : memref<8192xf32, #tpu.memory_space<vmem>>[vector<16xi32>], vector<16xf32>,
      %mul3A_453 = arith.constant 128 : i32
      %mul3A_454 = arith.muli %add3A_361, %mul3A_453 : i32
      %add3A_455 = arith.constant 112 : i32
      %add3A_456 = arith.addi %mul3A_454, %add3A_455 : i32
      %get3A_457 = arith.index_cast %add3A_456 : i32 to index
      %get3A_458 = tpu.vector_load %arg5[%get3A_457] {strides = array<i32>} : memref<40960xf32, #tpu.memory_space<vmem>>, vector<16xf32>,
      %add3A_459 = arith.constant 112 : i32
      %add3A_460 = arith.addi %mul3A_357, %add3A_459 : i32
      %iota3A_461 = tpu.iota {dimensions = array<i32: 0>} : vector<16xi32>
      %add3A_462 = vector.broadcast %add3A_460 : i32 to vector<16xi32>
      %add3A_463 = arith.addi %add3A_462, %iota3A_461 : vector<16xi32>
      %gather3A_464 = tpu.vector_load_idx %arg7[%add3A_463] : memref<8192xf32, #tpu.memory_space<vmem>>[vector<16xi32>], vector<16xf32>,
      %max3A_465 = arith.maximumf %gather3A_464, %get3A_458 : vector<16xf32>
      tpu.vector_store_idx %arg7[%add3A_463], %max3A_465 : memref<8192xf32, #tpu.memory_space<vmem>>[vector<16xi32>], vector<16xf32>,
      %slice3A_466 = vector.extract_strided_slice %get3A_22 {offsets = [4], sizes = [1], strides = [1]} : vector<16xi32> to vector<1xi32>
      %squeeze3A_467 = vector.extract %slice3A_466[0] : i32 from vector<1xi32>
      %mul3A_468 = arith.constant 128 : i32
      %mul3A_469 = arith.muli %squeeze3A_467, %mul3A_468 : i32
      %mul3A_470 = arith.constant 16 : i32
      %mul3A_471 = arith.muli %scan3A_18, %mul3A_470 : i32
      %add3A_472 = arith.constant 4 : i32
      %add3A_473 = arith.addi %mul3A_471, %add3A_472 : i32
      %mul3A_474 = arith.constant 128 : i32
      %mul3A_475 = arith.muli %add3A_473, %mul3A_474 : i32
      %add3A_476 = arith.constant 0 : i32
      %add3A_477 = arith.addi %mul3A_475, %add3A_476 : i32
      %get3A_478 = arith.index_cast %add3A_477 : i32 to index
      %get3A_479 = tpu.vector_load %arg5[%get3A_478] {strides = array<i32>} : memref<40960xf32, #tpu.memory_space<vmem>>, vector<16xf32>,
      %add3A_480 = arith.constant 0 : i32
      %add3A_481 = arith.addi %mul3A_469, %add3A_480 : i32
      %iota3A_482 = tpu.iota {dimensions = array<i32: 0>} : vector<16xi32>
      %add3A_483 = vector.broadcast %add3A_481 : i32 to vector<16xi32>
      %add3A_484 = arith.addi %add3A_483, %iota3A_482 : vector<16xi32>
      %gather3A_485 = tpu.vector_load_idx %arg7[%add3A_484] : memref<8192xf32, #tpu.memory_space<vmem>>[vector<16xi32>], vector<16xf32>,
      %max3A_486 = arith.maximumf %gather3A_485, %get3A_479 : vector<16xf32>
      tpu.vector_store_idx %arg7[%add3A_484], %max3A_486 : memref<8192xf32, #tpu.memory_space<vmem>>[vector<16xi32>], vector<16xf32>,
      %mul3A_487 = arith.constant 128 : i32
      %mul3A_488 = arith.muli %add3A_473, %mul3A_487 : i32
      %add3A_489 = arith.constant 16 : i32
      %add3A_490 = arith.addi %mul3A_488, %add3A_489 : i32
      %get3A_491 = arith.index_cast %add3A_490 : i32 to index
      %get3A_492 = tpu.vector_load %arg5[%get3A_491] {strides = array<i32>} : memref<40960xf32, #tpu.memory_space<vmem>>, vector<16xf32>,
      %add3A_493 = arith.constant 16 : i32
      %add3A_494 = arith.addi %mul3A_469, %add3A_493 : i32
      %iota3A_495 = tpu.iota {dimensions = array<i32: 0>} : vector<16xi32>
      %add3A_496 = vector.broadcast %add3A_494 : i32 to vector<16xi32>
      %add3A_497 = arith.addi %add3A_496, %iota3A_495 : vector<16xi32>
      %gather3A_498 = tpu.vector_load_idx %arg7[%add3A_497] : memref<8192xf32, #tpu.memory_space<vmem>>[vector<16xi32>], vector<16xf32>,
      %max3A_499 = arith.maximumf %gather3A_498, %get3A_492 : vector<16xf32>
      tpu.vector_store_idx %arg7[%add3A_497], %max3A_499 : memref<8192xf32, #tpu.memory_space<vmem>>[vector<16xi32>], vector<16xf32>,
      %mul3A_500 = arith.constant 128 : i32
      %mul3A_501 = arith.muli %add3A_473, %mul3A_500 : i32
      %add3A_502 = arith.constant 32 : i32
      %add3A_503 = arith.addi %mul3A_501, %add3A_502 : i32
      %get3A_504 = arith.index_cast %add3A_503 : i32 to index
      %get3A_505 = tpu.vector_load %arg5[%get3A_504] {strides = array<i32>} : memref<40960xf32, #tpu.memory_space<vmem>>, vector<16xf32>,
      %add3A_506 = arith.constant 32 : i32
      %add3A_507 = arith.addi %mul3A_469, %add3A_506 : i32
      %iota3A_508 = tpu.iota {dimensions = array<i32: 0>} : vector<16xi32>
      %add3A_509 = vector.broadcast %add3A_507 : i32 to vector<16xi32>
      %add3A_510 = arith.addi %add3A_509, %iota3A_508 : vector<16xi32>
      %gather3A_511 = tpu.vector_load_idx %arg7[%add3A_510] : memref<8192xf32, #tpu.memory_space<vmem>>[vector<16xi32>], vector<16xf32>,
      %max3A_512 = arith.maximumf %gather3A_511, %get3A_505 : vector<16xf32>
      tpu.vector_store_idx %arg7[%add3A_510], %max3A_512 : memref<8192xf32, #tpu.memory_space<vmem>>[vector<16xi32>], vector<16xf32>,
      %mul3A_513 = arith.constant 128 : i32
      %mul3A_514 = arith.muli %add3A_473, %mul3A_513 : i32
      %add3A_515 = arith.constant 48 : i32
      %add3A_516 = arith.addi %mul3A_514, %add3A_515 : i32
      %get3A_517 = arith.index_cast %add3A_516 : i32 to index
      %get3A_518 = tpu.vector_load %arg5[%get3A_517] {strides = array<i32>} : memref<40960xf32, #tpu.memory_space<vmem>>, vector<16xf32>,
      %add3A_519 = arith.constant 48 : i32
      %add3A_520 = arith.addi %mul3A_469, %add3A_519 : i32
      %iota3A_521 = tpu.iota {dimensions = array<i32: 0>} : vector<16xi32>
      %add3A_522 = vector.broadcast %add3A_520 : i32 to vector<16xi32>
      %add3A_523 = arith.addi %add3A_522, %iota3A_521 : vector<16xi32>
      %gather3A_524 = tpu.vector_load_idx %arg7[%add3A_523] : memref<8192xf32, #tpu.memory_space<vmem>>[vector<16xi32>], vector<16xf32>,
      %max3A_525 = arith.maximumf %gather3A_524, %get3A_518 : vector<16xf32>
      tpu.vector_store_idx %arg7[%add3A_523], %max3A_525 : memref<8192xf32, #tpu.memory_space<vmem>>[vector<16xi32>], vector<16xf32>,
      %mul3A_526 = arith.constant 128 : i32
      %mul3A_527 = arith.muli %add3A_473, %mul3A_526 : i32
      %add3A_528 = arith.constant 64 : i32
      %add3A_529 = arith.addi %mul3A_527, %add3A_528 : i32
      %get3A_530 = arith.index_cast %add3A_529 : i32 to index
      %get3A_531 = tpu.vector_load %arg5[%get3A_530] {strides = array<i32>} : memref<40960xf32, #tpu.memory_space<vmem>>, vector<16xf32>,
      %add3A_532 = arith.constant 64 : i32
      %add3A_533 = arith.addi %mul3A_469, %add3A_532 : i32
      %iota3A_534 = tpu.iota {dimensions = array<i32: 0>} : vector<16xi32>
      %add3A_535 = vector.broadcast %add3A_533 : i32 to vector<16xi32>
      %add3A_536 = arith.addi %add3A_535, %iota3A_534 : vector<16xi32>
      %gather3A_537 = tpu.vector_load_idx %arg7[%add3A_536] : memref<8192xf32, #tpu.memory_space<vmem>>[vector<16xi32>], vector<16xf32>,
      %max3A_538 = arith.maximumf %gather3A_537, %get3A_531 : vector<16xf32>
      tpu.vector_store_idx %arg7[%add3A_536], %max3A_538 : memref<8192xf32, #tpu.memory_space<vmem>>[vector<16xi32>], vector<16xf32>,
      %mul3A_539 = arith.constant 128 : i32
      %mul3A_540 = arith.muli %add3A_473, %mul3A_539 : i32
      %add3A_541 = arith.constant 80 : i32
      %add3A_542 = arith.addi %mul3A_540, %add3A_541 : i32
      %get3A_543 = arith.index_cast %add3A_542 : i32 to index
      %get3A_544 = tpu.vector_load %arg5[%get3A_543] {strides = array<i32>} : memref<40960xf32, #tpu.memory_space<vmem>>, vector<16xf32>,
      %add3A_545 = arith.constant 80 : i32
      %add3A_546 = arith.addi %mul3A_469, %add3A_545 : i32
      %iota3A_547 = tpu.iota {dimensions = array<i32: 0>} : vector<16xi32>
      %add3A_548 = vector.broadcast %add3A_546 : i32 to vector<16xi32>
      %add3A_549 = arith.addi %add3A_548, %iota3A_547 : vector<16xi32>
      %gather3A_550 = tpu.vector_load_idx %arg7[%add3A_549] : memref<8192xf32, #tpu.memory_space<vmem>>[vector<16xi32>], vector<16xf32>,
      %max3A_551 = arith.maximumf %gather3A_550, %get3A_544 : vector<16xf32>
      tpu.vector_store_idx %arg7[%add3A_549], %max3A_551 : memref<8192xf32, #tpu.memory_space<vmem>>[vector<16xi32>], vector<16xf32>,
      %mul3A_552 = arith.constant 128 : i32
      %mul3A_553 = arith.muli %add3A_473, %mul3A_552 : i32
      %add3A_554 = arith.constant 96 : i32
      %add3A_555 = arith.addi %mul3A_553, %add3A_554 : i32
      %get3A_556 = arith.index_cast %add3A_555 : i32 to index
      %get3A_557 = tpu.vector_load %arg5[%get3A_556] {strides = array<i32>} : memref<40960xf32, #tpu.memory_space<vmem>>, vector<16xf32>,
      %add3A_558 = arith.constant 96 : i32
      %add3A_559 = arith.addi %mul3A_469, %add3A_558 : i32
      %iota3A_560 = tpu.iota {dimensions = array<i32: 0>} : vector<16xi32>
      %add3A_561 = vector.broadcast %add3A_559 : i32 to vector<16xi32>
      %add3A_562 = arith.addi %add3A_561, %iota3A_560 : vector<16xi32>
      %gather3A_563 = tpu.vector_load_idx %arg7[%add3A_562] : memref<8192xf32, #tpu.memory_space<vmem>>[vector<16xi32>], vector<16xf32>,
      %max3A_564 = arith.maximumf %gather3A_563, %get3A_557 : vector<16xf32>
      tpu.vector_store_idx %arg7[%add3A_562], %max3A_564 : memref<8192xf32, #tpu.memory_space<vmem>>[vector<16xi32>], vector<16xf32>,
      %mul3A_565 = arith.constant 128 : i32
      %mul3A_566 = arith.muli %add3A_473, %mul3A_565 : i32
      %add3A_567 = arith.constant 112 : i32
      %add3A_568 = arith.addi %mul3A_566, %add3A_567 : i32
      %get3A_569 = arith.index_cast %add3A_568 : i32 to index
      %get3A_570 = tpu.vector_load %arg5[%get3A_569] {strides = array<i32>} : memref<40960xf32, #tpu.memory_space<vmem>>, vector<16xf32>,
      %add3A_571 = arith.constant 112 : i32
      %add3A_572 = arith.addi %mul3A_469, %add3A_571 : i32
      %iota3A_573 = tpu.iota {dimensions = array<i32: 0>} : vector<16xi32>
      %add3A_574 = vector.broadcast %add3A_572 : i32 to vector<16xi32>
      %add3A_575 = arith.addi %add3A_574, %iota3A_573 : vector<16xi32>
      %gather3A_576 = tpu.vector_load_idx %arg7[%add3A_575] : memref<8192xf32, #tpu.memory_space<vmem>>[vector<16xi32>], vector<16xf32>,
      %max3A_577 = arith.maximumf %gather3A_576, %get3A_570 : vector<16xf32>
      tpu.vector_store_idx %arg7[%add3A_575], %max3A_577 : memref<8192xf32, #tpu.memory_space<vmem>>[vector<16xi32>], vector<16xf32>,
      %slice3A_578 = vector.extract_strided_slice %get3A_22 {offsets = [5], sizes = [1], strides = [1]} : vector<16xi32> to vector<1xi32>
      %squeeze3A_579 = vector.extract %slice3A_578[0] : i32 from vector<1xi32>
      %mul3A_580 = arith.constant 128 : i32
      %mul3A_581 = arith.muli %squeeze3A_579, %mul3A_580 : i32
      %mul3A_582 = arith.constant 16 : i32
      %mul3A_583 = arith.muli %scan3A_18, %mul3A_582 : i32
      %add3A_584 = arith.constant 5 : i32
      %add3A_585 = arith.addi %mul3A_583, %add3A_584 : i32
      %mul3A_586 = arith.constant 128 : i32
      %mul3A_587 = arith.muli %add3A_585, %mul3A_586 : i32
      %add3A_588 = arith.constant 0 : i32
      %add3A_589 = arith.addi %mul3A_587, %add3A_588 : i32
      %get3A_590 = arith.index_cast %add3A_589 : i32 to index
      %get3A_591 = tpu.vector_load %arg5[%get3A_590] {strides = array<i32>} : memref<40960xf32, #tpu.memory_space<vmem>>, vector<16xf32>,
      %add3A_592 = arith.constant 0 : i32
      %add3A_593 = arith.addi %mul3A_581, %add3A_592 : i32
      %iota3A_594 = tpu.iota {dimensions = array<i32: 0>} : vector<16xi32>
      %add3A_595 = vector.broadcast %add3A_593 : i32 to vector<16xi32>
      %add3A_596 = arith.addi %add3A_595, %iota3A_594 : vector<16xi32>
      %gather3A_597 = tpu.vector_load_idx %arg7[%add3A_596] : memref<8192xf32, #tpu.memory_space<vmem>>[vector<16xi32>], vector<16xf32>,
      %max3A_598 = arith.maximumf %gather3A_597, %get3A_591 : vector<16xf32>
      tpu.vector_store_idx %arg7[%add3A_596], %max3A_598 : memref<8192xf32, #tpu.memory_space<vmem>>[vector<16xi32>], vector<16xf32>,
      %mul3A_599 = arith.constant 128 : i32
      %mul3A_600 = arith.muli %add3A_585, %mul3A_599 : i32
      %add3A_601 = arith.constant 16 : i32
      %add3A_602 = arith.addi %mul3A_600, %add3A_601 : i32
      %get3A_603 = arith.index_cast %add3A_602 : i32 to index
      %get3A_604 = tpu.vector_load %arg5[%get3A_603] {strides = array<i32>} : memref<40960xf32, #tpu.memory_space<vmem>>, vector<16xf32>,
      %add3A_605 = arith.constant 16 : i32
      %add3A_606 = arith.addi %mul3A_581, %add3A_605 : i32
      %iota3A_607 = tpu.iota {dimensions = array<i32: 0>} : vector<16xi32>
      %add3A_608 = vector.broadcast %add3A_606 : i32 to vector<16xi32>
      %add3A_609 = arith.addi %add3A_608, %iota3A_607 : vector<16xi32>
      %gather3A_610 = tpu.vector_load_idx %arg7[%add3A_609] : memref<8192xf32, #tpu.memory_space<vmem>>[vector<16xi32>], vector<16xf32>,
      %max3A_611 = arith.maximumf %gather3A_610, %get3A_604 : vector<16xf32>
      tpu.vector_store_idx %arg7[%add3A_609], %max3A_611 : memref<8192xf32, #tpu.memory_space<vmem>>[vector<16xi32>], vector<16xf32>,
      %mul3A_612 = arith.constant 128 : i32
      %mul3A_613 = arith.muli %add3A_585, %mul3A_612 : i32
      %add3A_614 = arith.constant 32 : i32
      %add3A_615 = arith.addi %mul3A_613, %add3A_614 : i32
      %get3A_616 = arith.index_cast %add3A_615 : i32 to index
      %get3A_617 = tpu.vector_load %arg5[%get3A_616] {strides = array<i32>} : memref<40960xf32, #tpu.memory_space<vmem>>, vector<16xf32>,
      %add3A_618 = arith.constant 32 : i32
      %add3A_619 = arith.addi %mul3A_581, %add3A_618 : i32
      %iota3A_620 = tpu.iota {dimensions = array<i32: 0>} : vector<16xi32>
      %add3A_621 = vector.broadcast %add3A_619 : i32 to vector<16xi32>
      %add3A_622 = arith.addi %add3A_621, %iota3A_620 : vector<16xi32>
      %gather3A_623 = tpu.vector_load_idx %arg7[%add3A_622] : memref<8192xf32, #tpu.memory_space<vmem>>[vector<16xi32>], vector<16xf32>,
      %max3A_624 = arith.maximumf %gather3A_623, %get3A_617 : vector<16xf32>
      tpu.vector_store_idx %arg7[%add3A_622], %max3A_624 : memref<8192xf32, #tpu.memory_space<vmem>>[vector<16xi32>], vector<16xf32>,
      %mul3A_625 = arith.constant 128 : i32
      %mul3A_626 = arith.muli %add3A_585, %mul3A_625 : i32
      %add3A_627 = arith.constant 48 : i32
      %add3A_628 = arith.addi %mul3A_626, %add3A_627 : i32
      %get3A_629 = arith.index_cast %add3A_628 : i32 to index
      %get3A_630 = tpu.vector_load %arg5[%get3A_629] {strides = array<i32>} : memref<40960xf32, #tpu.memory_space<vmem>>, vector<16xf32>,
      %add3A_631 = arith.constant 48 : i32
      %add3A_632 = arith.addi %mul3A_581, %add3A_631 : i32
      %iota3A_633 = tpu.iota {dimensions = array<i32: 0>} : vector<16xi32>
      %add3A_634 = vector.broadcast %add3A_632 : i32 to vector<16xi32>
      %add3A_635 = arith.addi %add3A_634, %iota3A_633 : vector<16xi32>
      %gather3A_636 = tpu.vector_load_idx %arg7[%add3A_635] : memref<8192xf32, #tpu.memory_space<vmem>>[vector<16xi32>], vector<16xf32>,
      %max3A_637 = arith.maximumf %gather3A_636, %get3A_630 : vector<16xf32>
      tpu.vector_store_idx %arg7[%add3A_635], %max3A_637 : memref<8192xf32, #tpu.memory_space<vmem>>[vector<16xi32>], vector<16xf32>,
      %mul3A_638 = arith.constant 128 : i32
      %mul3A_639 = arith.muli %add3A_585, %mul3A_638 : i32
      %add3A_640 = arith.constant 64 : i32
      %add3A_641 = arith.addi %mul3A_639, %add3A_640 : i32
      %get3A_642 = arith.index_cast %add3A_641 : i32 to index
      %get3A_643 = tpu.vector_load %arg5[%get3A_642] {strides = array<i32>} : memref<40960xf32, #tpu.memory_space<vmem>>, vector<16xf32>,
      %add3A_644 = arith.constant 64 : i32
      %add3A_645 = arith.addi %mul3A_581, %add3A_644 : i32
      %iota3A_646 = tpu.iota {dimensions = array<i32: 0>} : vector<16xi32>
      %add3A_647 = vector.broadcast %add3A_645 : i32 to vector<16xi32>
      %add3A_648 = arith.addi %add3A_647, %iota3A_646 : vector<16xi32>
      %gather3A_649 = tpu.vector_load_idx %arg7[%add3A_648] : memref<8192xf32, #tpu.memory_space<vmem>>[vector<16xi32>], vector<16xf32>,
      %max3A_650 = arith.maximumf %gather3A_649, %get3A_643 : vector<16xf32>
      tpu.vector_store_idx %arg7[%add3A_648], %max3A_650 : memref<8192xf32, #tpu.memory_space<vmem>>[vector<16xi32>], vector<16xf32>,
      %mul3A_651 = arith.constant 128 : i32
      %mul3A_652 = arith.muli %add3A_585, %mul3A_651 : i32
      %add3A_653 = arith.constant 80 : i32
      %add3A_654 = arith.addi %mul3A_652, %add3A_653 : i32
      %get3A_655 = arith.index_cast %add3A_654 : i32 to index
      %get3A_656 = tpu.vector_load %arg5[%get3A_655] {strides = array<i32>} : memref<40960xf32, #tpu.memory_space<vmem>>, vector<16xf32>,
      %add3A_657 = arith.constant 80 : i32
      %add3A_658 = arith.addi %mul3A_581, %add3A_657 : i32
      %iota3A_659 = tpu.iota {dimensions = array<i32: 0>} : vector<16xi32>
      %add3A_660 = vector.broadcast %add3A_658 : i32 to vector<16xi32>
      %add3A_661 = arith.addi %add3A_660, %iota3A_659 : vector<16xi32>
      %gather3A_662 = tpu.vector_load_idx %arg7[%add3A_661] : memref<8192xf32, #tpu.memory_space<vmem>>[vector<16xi32>], vector<16xf32>,
      %max3A_663 = arith.maximumf %gather3A_662, %get3A_656 : vector<16xf32>
      tpu.vector_store_idx %arg7[%add3A_661], %max3A_663 : memref<8192xf32, #tpu.memory_space<vmem>>[vector<16xi32>], vector<16xf32>,
      %mul3A_664 = arith.constant 128 : i32
      %mul3A_665 = arith.muli %add3A_585, %mul3A_664 : i32
      %add3A_666 = arith.constant 96 : i32
      %add3A_667 = arith.addi %mul3A_665, %add3A_666 : i32
      %get3A_668 = arith.index_cast %add3A_667 : i32 to index
      %get3A_669 = tpu.vector_load %arg5[%get3A_668] {strides = array<i32>} : memref<40960xf32, #tpu.memory_space<vmem>>, vector<16xf32>,
      %add3A_670 = arith.constant 96 : i32
      %add3A_671 = arith.addi %mul3A_581, %add3A_670 : i32
      %iota3A_672 = tpu.iota {dimensions = array<i32: 0>} : vector<16xi32>
      %add3A_673 = vector.broadcast %add3A_671 : i32 to vector<16xi32>
      %add3A_674 = arith.addi %add3A_673, %iota3A_672 : vector<16xi32>
      %gather3A_675 = tpu.vector_load_idx %arg7[%add3A_674] : memref<8192xf32, #tpu.memory_space<vmem>>[vector<16xi32>], vector<16xf32>,
      %max3A_676 = arith.maximumf %gather3A_675, %get3A_669 : vector<16xf32>
      tpu.vector_store_idx %arg7[%add3A_674], %max3A_676 : memref<8192xf32, #tpu.memory_space<vmem>>[vector<16xi32>], vector<16xf32>,
      %mul3A_677 = arith.constant 128 : i32
      %mul3A_678 = arith.muli %add3A_585, %mul3A_677 : i32
      %add3A_679 = arith.constant 112 : i32
      %add3A_680 = arith.addi %mul3A_678, %add3A_679 : i32
      %get3A_681 = arith.index_cast %add3A_680 : i32 to index
      %get3A_682 = tpu.vector_load %arg5[%get3A_681] {strides = array<i32>} : memref<40960xf32, #tpu.memory_space<vmem>>, vector<16xf32>,
      %add3A_683 = arith.constant 112 : i32
      %add3A_684 = arith.addi %mul3A_581, %add3A_683 : i32
      %iota3A_685 = tpu.iota {dimensions = array<i32: 0>} : vector<16xi32>
      %add3A_686 = vector.broadcast %add3A_684 : i32 to vector<16xi32>
      %add3A_687 = arith.addi %add3A_686, %iota3A_685 : vector<16xi32>
      %gather3A_688 = tpu.vector_load_idx %arg7[%add3A_687] : memref<8192xf32, #tpu.memory_space<vmem>>[vector<16xi32>], vector<16xf32>,
      %max3A_689 = arith.maximumf %gather3A_688, %get3A_682 : vector<16xf32>
      tpu.vector_store_idx %arg7[%add3A_687], %max3A_689 : memref<8192xf32, #tpu.memory_space<vmem>>[vector<16xi32>], vector<16xf32>,
      %slice3A_690 = vector.extract_strided_slice %get3A_22 {offsets = [6], sizes = [1], strides = [1]} : vector<16xi32> to vector<1xi32>
      %squeeze3A_691 = vector.extract %slice3A_690[0] : i32 from vector<1xi32>
      %mul3A_692 = arith.constant 128 : i32
      %mul3A_693 = arith.muli %squeeze3A_691, %mul3A_692 : i32
      %mul3A_694 = arith.constant 16 : i32
      %mul3A_695 = arith.muli %scan3A_18, %mul3A_694 : i32
      %add3A_696 = arith.constant 6 : i32
      %add3A_697 = arith.addi %mul3A_695, %add3A_696 : i32
      %mul3A_698 = arith.constant 128 : i32
      %mul3A_699 = arith.muli %add3A_697, %mul3A_698 : i32
      %add3A_700 = arith.constant 0 : i32
      %add3A_701 = arith.addi %mul3A_699, %add3A_700 : i32
      %get3A_702 = arith.index_cast %add3A_701 : i32 to index
      %get3A_703 = tpu.vector_load %arg5[%get3A_702] {strides = array<i32>} : memref<40960xf32, #tpu.memory_space<vmem>>, vector<16xf32>,
      %add3A_704 = arith.constant 0 : i32
      %add3A_705 = arith.addi %mul3A_693, %add3A_704 : i32
      %iota3A_706 = tpu.iota {dimensions = array<i32: 0>} : vector<16xi32>
      %add3A_707 = vector.broadcast %add3A_705 : i32 to vector<16xi32>
      %add3A_708 = arith.addi %add3A_707, %iota3A_706 : vector<16xi32>
      %gather3A_709 = tpu.vector_load_idx %arg7[%add3A_708] : memref<8192xf32, #tpu.memory_space<vmem>>[vector<16xi32>], vector<16xf32>,
      %max3A_710 = arith.maximumf %gather3A_709, %get3A_703 : vector<16xf32>
      tpu.vector_store_idx %arg7[%add3A_708], %max3A_710 : memref<8192xf32, #tpu.memory_space<vmem>>[vector<16xi32>], vector<16xf32>,
      %mul3A_711 = arith.constant 128 : i32
      %mul3A_712 = arith.muli %add3A_697, %mul3A_711 : i32
      %add3A_713 = arith.constant 16 : i32
      %add3A_714 = arith.addi %mul3A_712, %add3A_713 : i32
      %get3A_715 = arith.index_cast %add3A_714 : i32 to index
      %get3A_716 = tpu.vector_load %arg5[%get3A_715] {strides = array<i32>} : memref<40960xf32, #tpu.memory_space<vmem>>, vector<16xf32>,
      %add3A_717 = arith.constant 16 : i32
      %add3A_718 = arith.addi %mul3A_693, %add3A_717 : i32
      %iota3A_719 = tpu.iota {dimensions = array<i32: 0>} : vector<16xi32>
      %add3A_720 = vector.broadcast %add3A_718 : i32 to vector<16xi32>
      %add3A_721 = arith.addi %add3A_720, %iota3A_719 : vector<16xi32>
      %gather3A_722 = tpu.vector_load_idx %arg7[%add3A_721] : memref<8192xf32, #tpu.memory_space<vmem>>[vector<16xi32>], vector<16xf32>,
      %max3A_723 = arith.maximumf %gather3A_722, %get3A_716 : vector<16xf32>
      tpu.vector_store_idx %arg7[%add3A_721], %max3A_723 : memref<8192xf32, #tpu.memory_space<vmem>>[vector<16xi32>], vector<16xf32>,
      %mul3A_724 = arith.constant 128 : i32
      %mul3A_725 = arith.muli %add3A_697, %mul3A_724 : i32
      %add3A_726 = arith.constant 32 : i32
      %add3A_727 = arith.addi %mul3A_725, %add3A_726 : i32
      %get3A_728 = arith.index_cast %add3A_727 : i32 to index
      %get3A_729 = tpu.vector_load %arg5[%get3A_728] {strides = array<i32>} : memref<40960xf32, #tpu.memory_space<vmem>>, vector<16xf32>,
      %add3A_730 = arith.constant 32 : i32
      %add3A_731 = arith.addi %mul3A_693, %add3A_730 : i32
      %iota3A_732 = tpu.iota {dimensions = array<i32: 0>} : vector<16xi32>
      %add3A_733 = vector.broadcast %add3A_731 : i32 to vector<16xi32>
      %add3A_734 = arith.addi %add3A_733, %iota3A_732 : vector<16xi32>
      %gather3A_735 = tpu.vector_load_idx %arg7[%add3A_734] : memref<8192xf32, #tpu.memory_space<vmem>>[vector<16xi32>], vector<16xf32>,
      %max3A_736 = arith.maximumf %gather3A_735, %get3A_729 : vector<16xf32>
      tpu.vector_store_idx %arg7[%add3A_734], %max3A_736 : memref<8192xf32, #tpu.memory_space<vmem>>[vector<16xi32>], vector<16xf32>,
      %mul3A_737 = arith.constant 128 : i32
      %mul3A_738 = arith.muli %add3A_697, %mul3A_737 : i32
      %add3A_739 = arith.constant 48 : i32
      %add3A_740 = arith.addi %mul3A_738, %add3A_739 : i32
      %get3A_741 = arith.index_cast %add3A_740 : i32 to index
      %get3A_742 = tpu.vector_load %arg5[%get3A_741] {strides = array<i32>} : memref<40960xf32, #tpu.memory_space<vmem>>, vector<16xf32>,
      %add3A_743 = arith.constant 48 : i32
      %add3A_744 = arith.addi %mul3A_693, %add3A_743 : i32
      %iota3A_745 = tpu.iota {dimensions = array<i32: 0>} : vector<16xi32>
      %add3A_746 = vector.broadcast %add3A_744 : i32 to vector<16xi32>
      %add3A_747 = arith.addi %add3A_746, %iota3A_745 : vector<16xi32>
      %gather3A_748 = tpu.vector_load_idx %arg7[%add3A_747] : memref<8192xf32, #tpu.memory_space<vmem>>[vector<16xi32>], vector<16xf32>,
      %max3A_749 = arith.maximumf %gather3A_748, %get3A_742 : vector<16xf32>
      tpu.vector_store_idx %arg7[%add3A_747], %max3A_749 : memref<8192xf32, #tpu.memory_space<vmem>>[vector<16xi32>], vector<16xf32>,
      %mul3A_750 = arith.constant 128 : i32
      %mul3A_751 = arith.muli %add3A_697, %mul3A_750 : i32
      %add3A_752 = arith.constant 64 : i32
      %add3A_753 = arith.addi %mul3A_751, %add3A_752 : i32
      %get3A_754 = arith.index_cast %add3A_753 : i32 to index
      %get3A_755 = tpu.vector_load %arg5[%get3A_754] {strides = array<i32>} : memref<40960xf32, #tpu.memory_space<vmem>>, vector<16xf32>,
      %add3A_756 = arith.constant 64 : i32
      %add3A_757 = arith.addi %mul3A_693, %add3A_756 : i32
      %iota3A_758 = tpu.iota {dimensions = array<i32: 0>} : vector<16xi32>
      %add3A_759 = vector.broadcast %add3A_757 : i32 to vector<16xi32>
      %add3A_760 = arith.addi %add3A_759, %iota3A_758 : vector<16xi32>
      %gather3A_761 = tpu.vector_load_idx %arg7[%add3A_760] : memref<8192xf32, #tpu.memory_space<vmem>>[vector<16xi32>], vector<16xf32>,
      %max3A_762 = arith.maximumf %gather3A_761, %get3A_755 : vector<16xf32>
      tpu.vector_store_idx %arg7[%add3A_760], %max3A_762 : memref<8192xf32, #tpu.memory_space<vmem>>[vector<16xi32>], vector<16xf32>,
      %mul3A_763 = arith.constant 128 : i32
      %mul3A_764 = arith.muli %add3A_697, %mul3A_763 : i32
      %add3A_765 = arith.constant 80 : i32
      %add3A_766 = arith.addi %mul3A_764, %add3A_765 : i32
      %get3A_767 = arith.index_cast %add3A_766 : i32 to index
      %get3A_768 = tpu.vector_load %arg5[%get3A_767] {strides = array<i32>} : memref<40960xf32, #tpu.memory_space<vmem>>, vector<16xf32>,
      %add3A_769 = arith.constant 80 : i32
      %add3A_770 = arith.addi %mul3A_693, %add3A_769 : i32
      %iota3A_771 = tpu.iota {dimensions = array<i32: 0>} : vector<16xi32>
      %add3A_772 = vector.broadcast %add3A_770 : i32 to vector<16xi32>
      %add3A_773 = arith.addi %add3A_772, %iota3A_771 : vector<16xi32>
      %gather3A_774 = tpu.vector_load_idx %arg7[%add3A_773] : memref<8192xf32, #tpu.memory_space<vmem>>[vector<16xi32>], vector<16xf32>,
      %max3A_775 = arith.maximumf %gather3A_774, %get3A_768 : vector<16xf32>
      tpu.vector_store_idx %arg7[%add3A_773], %max3A_775 : memref<8192xf32, #tpu.memory_space<vmem>>[vector<16xi32>], vector<16xf32>,
      %mul3A_776 = arith.constant 128 : i32
      %mul3A_777 = arith.muli %add3A_697, %mul3A_776 : i32
      %add3A_778 = arith.constant 96 : i32
      %add3A_779 = arith.addi %mul3A_777, %add3A_778 : i32
      %get3A_780 = arith.index_cast %add3A_779 : i32 to index
      %get3A_781 = tpu.vector_load %arg5[%get3A_780] {strides = array<i32>} : memref<40960xf32, #tpu.memory_space<vmem>>, vector<16xf32>,
      %add3A_782 = arith.constant 96 : i32
      %add3A_783 = arith.addi %mul3A_693, %add3A_782 : i32
      %iota3A_784 = tpu.iota {dimensions = array<i32: 0>} : vector<16xi32>
      %add3A_785 = vector.broadcast %add3A_783 : i32 to vector<16xi32>
      %add3A_786 = arith.addi %add3A_785, %iota3A_784 : vector<16xi32>
      %gather3A_787 = tpu.vector_load_idx %arg7[%add3A_786] : memref<8192xf32, #tpu.memory_space<vmem>>[vector<16xi32>], vector<16xf32>,
      %max3A_788 = arith.maximumf %gather3A_787, %get3A_781 : vector<16xf32>
      tpu.vector_store_idx %arg7[%add3A_786], %max3A_788 : memref<8192xf32, #tpu.memory_space<vmem>>[vector<16xi32>], vector<16xf32>,
      %mul3A_789 = arith.constant 128 : i32
      %mul3A_790 = arith.muli %add3A_697, %mul3A_789 : i32
      %add3A_791 = arith.constant 112 : i32
      %add3A_792 = arith.addi %mul3A_790, %add3A_791 : i32
      %get3A_793 = arith.index_cast %add3A_792 : i32 to index
      %get3A_794 = tpu.vector_load %arg5[%get3A_793] {strides = array<i32>} : memref<40960xf32, #tpu.memory_space<vmem>>, vector<16xf32>,
      %add3A_795 = arith.constant 112 : i32
      %add3A_796 = arith.addi %mul3A_693, %add3A_795 : i32
      %iota3A_797 = tpu.iota {dimensions = array<i32: 0>} : vector<16xi32>
      %add3A_798 = vector.broadcast %add3A_796 : i32 to vector<16xi32>
      %add3A_799 = arith.addi %add3A_798, %iota3A_797 : vector<16xi32>
      %gather3A_800 = tpu.vector_load_idx %arg7[%add3A_799] : memref<8192xf32, #tpu.memory_space<vmem>>[vector<16xi32>], vector<16xf32>,
      %max3A_801 = arith.maximumf %gather3A_800, %get3A_794 : vector<16xf32>
      tpu.vector_store_idx %arg7[%add3A_799], %max3A_801 : memref<8192xf32, #tpu.memory_space<vmem>>[vector<16xi32>], vector<16xf32>,
      %slice3A_802 = vector.extract_strided_slice %get3A_22 {offsets = [7], sizes = [1], strides = [1]} : vector<16xi32> to vector<1xi32>
      %squeeze3A_803 = vector.extract %slice3A_802[0] : i32 from vector<1xi32>
      %mul3A_804 = arith.constant 128 : i32
      %mul3A_805 = arith.muli %squeeze3A_803, %mul3A_804 : i32
      %mul3A_806 = arith.constant 16 : i32
      %mul3A_807 = arith.muli %scan3A_18, %mul3A_806 : i32
      %add3A_808 = arith.constant 7 : i32
      %add3A_809 = arith.addi %mul3A_807, %add3A_808 : i32
      %mul3A_810 = arith.constant 128 : i32
      %mul3A_811 = arith.muli %add3A_809, %mul3A_810 : i32
      %add3A_812 = arith.constant 0 : i32
      %add3A_813 = arith.addi %mul3A_811, %add3A_812 : i32
      %get3A_814 = arith.index_cast %add3A_813 : i32 to index
      %get3A_815 = tpu.vector_load %arg5[%get3A_814] {strides = array<i32>} : memref<40960xf32, #tpu.memory_space<vmem>>, vector<16xf32>,
      %add3A_816 = arith.constant 0 : i32
      %add3A_817 = arith.addi %mul3A_805, %add3A_816 : i32
      %iota3A_818 = tpu.iota {dimensions = array<i32: 0>} : vector<16xi32>
      %add3A_819 = vector.broadcast %add3A_817 : i32 to vector<16xi32>
      %add3A_820 = arith.addi %add3A_819, %iota3A_818 : vector<16xi32>
      %gather3A_821 = tpu.vector_load_idx %arg7[%add3A_820] : memref<8192xf32, #tpu.memory_space<vmem>>[vector<16xi32>], vector<16xf32>,
      %max3A_822 = arith.maximumf %gather3A_821, %get3A_815 : vector<16xf32>
      tpu.vector_store_idx %arg7[%add3A_820], %max3A_822 : memref<8192xf32, #tpu.memory_space<vmem>>[vector<16xi32>], vector<16xf32>,
      %mul3A_823 = arith.constant 128 : i32
      %mul3A_824 = arith.muli %add3A_809, %mul3A_823 : i32
      %add3A_825 = arith.constant 16 : i32
      %add3A_826 = arith.addi %mul3A_824, %add3A_825 : i32
      %get3A_827 = arith.index_cast %add3A_826 : i32 to index
      %get3A_828 = tpu.vector_load %arg5[%get3A_827] {strides = array<i32>} : memref<40960xf32, #tpu.memory_space<vmem>>, vector<16xf32>,
      %add3A_829 = arith.constant 16 : i32
      %add3A_830 = arith.addi %mul3A_805, %add3A_829 : i32
      %iota3A_831 = tpu.iota {dimensions = array<i32: 0>} : vector<16xi32>
      %add3A_832 = vector.broadcast %add3A_830 : i32 to vector<16xi32>
      %add3A_833 = arith.addi %add3A_832, %iota3A_831 : vector<16xi32>
      %gather3A_834 = tpu.vector_load_idx %arg7[%add3A_833] : memref<8192xf32, #tpu.memory_space<vmem>>[vector<16xi32>], vector<16xf32>,
      %max3A_835 = arith.maximumf %gather3A_834, %get3A_828 : vector<16xf32>
      tpu.vector_store_idx %arg7[%add3A_833], %max3A_835 : memref<8192xf32, #tpu.memory_space<vmem>>[vector<16xi32>], vector<16xf32>,
      %mul3A_836 = arith.constant 128 : i32
      %mul3A_837 = arith.muli %add3A_809, %mul3A_836 : i32
      %add3A_838 = arith.constant 32 : i32
      %add3A_839 = arith.addi %mul3A_837, %add3A_838 : i32
      %get3A_840 = arith.index_cast %add3A_839 : i32 to index
      %get3A_841 = tpu.vector_load %arg5[%get3A_840] {strides = array<i32>} : memref<40960xf32, #tpu.memory_space<vmem>>, vector<16xf32>,
      %add3A_842 = arith.constant 32 : i32
      %add3A_843 = arith.addi %mul3A_805, %add3A_842 : i32
      %iota3A_844 = tpu.iota {dimensions = array<i32: 0>} : vector<16xi32>
      %add3A_845 = vector.broadcast %add3A_843 : i32 to vector<16xi32>
      %add3A_846 = arith.addi %add3A_845, %iota3A_844 : vector<16xi32>
      %gather3A_847 = tpu.vector_load_idx %arg7[%add3A_846] : memref<8192xf32, #tpu.memory_space<vmem>>[vector<16xi32>], vector<16xf32>,
      %max3A_848 = arith.maximumf %gather3A_847, %get3A_841 : vector<16xf32>
      tpu.vector_store_idx %arg7[%add3A_846], %max3A_848 : memref<8192xf32, #tpu.memory_space<vmem>>[vector<16xi32>], vector<16xf32>,
      %mul3A_849 = arith.constant 128 : i32
      %mul3A_850 = arith.muli %add3A_809, %mul3A_849 : i32
      %add3A_851 = arith.constant 48 : i32
      %add3A_852 = arith.addi %mul3A_850, %add3A_851 : i32
      %get3A_853 = arith.index_cast %add3A_852 : i32 to index
      %get3A_854 = tpu.vector_load %arg5[%get3A_853] {strides = array<i32>} : memref<40960xf32, #tpu.memory_space<vmem>>, vector<16xf32>,
      %add3A_855 = arith.constant 48 : i32
      %add3A_856 = arith.addi %mul3A_805, %add3A_855 : i32
      %iota3A_857 = tpu.iota {dimensions = array<i32: 0>} : vector<16xi32>
      %add3A_858 = vector.broadcast %add3A_856 : i32 to vector<16xi32>
      %add3A_859 = arith.addi %add3A_858, %iota3A_857 : vector<16xi32>
      %gather3A_860 = tpu.vector_load_idx %arg7[%add3A_859] : memref<8192xf32, #tpu.memory_space<vmem>>[vector<16xi32>], vector<16xf32>,
      %max3A_861 = arith.maximumf %gather3A_860, %get3A_854 : vector<16xf32>
      tpu.vector_store_idx %arg7[%add3A_859], %max3A_861 : memref<8192xf32, #tpu.memory_space<vmem>>[vector<16xi32>], vector<16xf32>,
      %mul3A_862 = arith.constant 128 : i32
      %mul3A_863 = arith.muli %add3A_809, %mul3A_862 : i32
      %add3A_864 = arith.constant 64 : i32
      %add3A_865 = arith.addi %mul3A_863, %add3A_864 : i32
      %get3A_866 = arith.index_cast %add3A_865 : i32 to index
      %get3A_867 = tpu.vector_load %arg5[%get3A_866] {strides = array<i32>} : memref<40960xf32, #tpu.memory_space<vmem>>, vector<16xf32>,
      %add3A_868 = arith.constant 64 : i32
      %add3A_869 = arith.addi %mul3A_805, %add3A_868 : i32
      %iota3A_870 = tpu.iota {dimensions = array<i32: 0>} : vector<16xi32>
      %add3A_871 = vector.broadcast %add3A_869 : i32 to vector<16xi32>
      %add3A_872 = arith.addi %add3A_871, %iota3A_870 : vector<16xi32>
      %gather3A_873 = tpu.vector_load_idx %arg7[%add3A_872] : memref<8192xf32, #tpu.memory_space<vmem>>[vector<16xi32>], vector<16xf32>,
      %max3A_874 = arith.maximumf %gather3A_873, %get3A_867 : vector<16xf32>
      tpu.vector_store_idx %arg7[%add3A_872], %max3A_874 : memref<8192xf32, #tpu.memory_space<vmem>>[vector<16xi32>], vector<16xf32>,
      %mul3A_875 = arith.constant 128 : i32
      %mul3A_876 = arith.muli %add3A_809, %mul3A_875 : i32
      %add3A_877 = arith.constant 80 : i32
      %add3A_878 = arith.addi %mul3A_876, %add3A_877 : i32
      %get3A_879 = arith.index_cast %add3A_878 : i32 to index
      %get3A_880 = tpu.vector_load %arg5[%get3A_879] {strides = array<i32>} : memref<40960xf32, #tpu.memory_space<vmem>>, vector<16xf32>,
      %add3A_881 = arith.constant 80 : i32
      %add3A_882 = arith.addi %mul3A_805, %add3A_881 : i32
      %iota3A_883 = tpu.iota {dimensions = array<i32: 0>} : vector<16xi32>
      %add3A_884 = vector.broadcast %add3A_882 : i32 to vector<16xi32>
      %add3A_885 = arith.addi %add3A_884, %iota3A_883 : vector<16xi32>
      %gather3A_886 = tpu.vector_load_idx %arg7[%add3A_885] : memref<8192xf32, #tpu.memory_space<vmem>>[vector<16xi32>], vector<16xf32>,
      %max3A_887 = arith.maximumf %gather3A_886, %get3A_880 : vector<16xf32>
      tpu.vector_store_idx %arg7[%add3A_885], %max3A_887 : memref<8192xf32, #tpu.memory_space<vmem>>[vector<16xi32>], vector<16xf32>,
      %mul3A_888 = arith.constant 128 : i32
      %mul3A_889 = arith.muli %add3A_809, %mul3A_888 : i32
      %add3A_890 = arith.constant 96 : i32
      %add3A_891 = arith.addi %mul3A_889, %add3A_890 : i32
      %get3A_892 = arith.index_cast %add3A_891 : i32 to index
      %get3A_893 = tpu.vector_load %arg5[%get3A_892] {strides = array<i32>} : memref<40960xf32, #tpu.memory_space<vmem>>, vector<16xf32>,
      %add3A_894 = arith.constant 96 : i32
      %add3A_895 = arith.addi %mul3A_805, %add3A_894 : i32
      %iota3A_896 = tpu.iota {dimensions = array<i32: 0>} : vector<16xi32>
      %add3A_897 = vector.broadcast %add3A_895 : i32 to vector<16xi32>
      %add3A_898 = arith.addi %add3A_897, %iota3A_896 : vector<16xi32>
      %gather3A_899 = tpu.vector_load_idx %arg7[%add3A_898] : memref<8192xf32, #tpu.memory_space<vmem>>[vector<16xi32>], vector<16xf32>,
      %max3A_900 = arith.maximumf %gather3A_899, %get3A_893 : vector<16xf32>
      tpu.vector_store_idx %arg7[%add3A_898], %max3A_900 : memref<8192xf32, #tpu.memory_space<vmem>>[vector<16xi32>], vector<16xf32>,
      %mul3A_901 = arith.constant 128 : i32
      %mul3A_902 = arith.muli %add3A_809, %mul3A_901 : i32
      %add3A_903 = arith.constant 112 : i32
      %add3A_904 = arith.addi %mul3A_902, %add3A_903 : i32
      %get3A_905 = arith.index_cast %add3A_904 : i32 to index
      %get3A_906 = tpu.vector_load %arg5[%get3A_905] {strides = array<i32>} : memref<40960xf32, #tpu.memory_space<vmem>>, vector<16xf32>,
      %add3A_907 = arith.constant 112 : i32
      %add3A_908 = arith.addi %mul3A_805, %add3A_907 : i32
      %iota3A_909 = tpu.iota {dimensions = array<i32: 0>} : vector<16xi32>
      %add3A_910 = vector.broadcast %add3A_908 : i32 to vector<16xi32>
      %add3A_911 = arith.addi %add3A_910, %iota3A_909 : vector<16xi32>
      %gather3A_912 = tpu.vector_load_idx %arg7[%add3A_911] : memref<8192xf32, #tpu.memory_space<vmem>>[vector<16xi32>], vector<16xf32>,
      %max3A_913 = arith.maximumf %gather3A_912, %get3A_906 : vector<16xf32>
      tpu.vector_store_idx %arg7[%add3A_911], %max3A_913 : memref<8192xf32, #tpu.memory_space<vmem>>[vector<16xi32>], vector<16xf32>,
      %slice3A_914 = vector.extract_strided_slice %get3A_22 {offsets = [8], sizes = [1], strides = [1]} : vector<16xi32> to vector<1xi32>
      %squeeze3A_915 = vector.extract %slice3A_914[0] : i32 from vector<1xi32>
      %mul3A_916 = arith.constant 128 : i32
      %mul3A_917 = arith.muli %squeeze3A_915, %mul3A_916 : i32
      %mul3A_918 = arith.constant 16 : i32
      %mul3A_919 = arith.muli %scan3A_18, %mul3A_918 : i32
      %add3A_920 = arith.constant 8 : i32
      %add3A_921 = arith.addi %mul3A_919, %add3A_920 : i32
      %mul3A_922 = arith.constant 128 : i32
      %mul3A_923 = arith.muli %add3A_921, %mul3A_922 : i32
      %add3A_924 = arith.constant 0 : i32
      %add3A_925 = arith.addi %mul3A_923, %add3A_924 : i32
      %get3A_926 = arith.index_cast %add3A_925 : i32 to index
      %get3A_927 = tpu.vector_load %arg5[%get3A_926] {strides = array<i32>} : memref<40960xf32, #tpu.memory_space<vmem>>, vector<16xf32>,
      %add3A_928 = arith.constant 0 : i32
      %add3A_929 = arith.addi %mul3A_917, %add3A_928 : i32
      %iota3A_930 = tpu.iota {dimensions = array<i32: 0>} : vector<16xi32>
      %add3A_931 = vector.broadcast %add3A_929 : i32 to vector<16xi32>
      %add3A_932 = arith.addi %add3A_931, %iota3A_930 : vector<16xi32>
      %gather3A_933 = tpu.vector_load_idx %arg7[%add3A_932] : memref<8192xf32, #tpu.memory_space<vmem>>[vector<16xi32>], vector<16xf32>,
      %max3A_934 = arith.maximumf %gather3A_933, %get3A_927 : vector<16xf32>
      tpu.vector_store_idx %arg7[%add3A_932], %max3A_934 : memref<8192xf32, #tpu.memory_space<vmem>>[vector<16xi32>], vector<16xf32>,
      %mul3A_935 = arith.constant 128 : i32
      %mul3A_936 = arith.muli %add3A_921, %mul3A_935 : i32
      %add3A_937 = arith.constant 16 : i32
      %add3A_938 = arith.addi %mul3A_936, %add3A_937 : i32
      %get3A_939 = arith.index_cast %add3A_938 : i32 to index
      %get3A_940 = tpu.vector_load %arg5[%get3A_939] {strides = array<i32>} : memref<40960xf32, #tpu.memory_space<vmem>>, vector<16xf32>,
      %add3A_941 = arith.constant 16 : i32
      %add3A_942 = arith.addi %mul3A_917, %add3A_941 : i32
      %iota3A_943 = tpu.iota {dimensions = array<i32: 0>} : vector<16xi32>
      %add3A_944 = vector.broadcast %add3A_942 : i32 to vector<16xi32>
      %add3A_945 = arith.addi %add3A_944, %iota3A_943 : vector<16xi32>
      %gather3A_946 = tpu.vector_load_idx %arg7[%add3A_945] : memref<8192xf32, #tpu.memory_space<vmem>>[vector<16xi32>], vector<16xf32>,
      %max3A_947 = arith.maximumf %gather3A_946, %get3A_940 : vector<16xf32>
      tpu.vector_store_idx %arg7[%add3A_945], %max3A_947 : memref<8192xf32, #tpu.memory_space<vmem>>[vector<16xi32>], vector<16xf32>,
      %mul3A_948 = arith.constant 128 : i32
      %mul3A_949 = arith.muli %add3A_921, %mul3A_948 : i32
      %add3A_950 = arith.constant 32 : i32
      %add3A_951 = arith.addi %mul3A_949, %add3A_950 : i32
      %get3A_952 = arith.index_cast %add3A_951 : i32 to index
      %get3A_953 = tpu.vector_load %arg5[%get3A_952] {strides = array<i32>} : memref<40960xf32, #tpu.memory_space<vmem>>, vector<16xf32>,
      %add3A_954 = arith.constant 32 : i32
      %add3A_955 = arith.addi %mul3A_917, %add3A_954 : i32
      %iota3A_956 = tpu.iota {dimensions = array<i32: 0>} : vector<16xi32>
      %add3A_957 = vector.broadcast %add3A_955 : i32 to vector<16xi32>
      %add3A_958 = arith.addi %add3A_957, %iota3A_956 : vector<16xi32>
      %gather3A_959 = tpu.vector_load_idx %arg7[%add3A_958] : memref<8192xf32, #tpu.memory_space<vmem>>[vector<16xi32>], vector<16xf32>,
      %max3A_960 = arith.maximumf %gather3A_959, %get3A_953 : vector<16xf32>
      tpu.vector_store_idx %arg7[%add3A_958], %max3A_960 : memref<8192xf32, #tpu.memory_space<vmem>>[vector<16xi32>], vector<16xf32>,
      %mul3A_961 = arith.constant 128 : i32
      %mul3A_962 = arith.muli %add3A_921, %mul3A_961 : i32
      %add3A_963 = arith.constant 48 : i32
      %add3A_964 = arith.addi %mul3A_962, %add3A_963 : i32
      %get3A_965 = arith.index_cast %add3A_964 : i32 to index
      %get3A_966 = tpu.vector_load %arg5[%get3A_965] {strides = array<i32>} : memref<40960xf32, #tpu.memory_space<vmem>>, vector<16xf32>,
      %add3A_967 = arith.constant 48 : i32
      %add3A_968 = arith.addi %mul3A_917, %add3A_967 : i32
      %iota3A_969 = tpu.iota {dimensions = array<i32: 0>} : vector<16xi32>
      %add3A_970 = vector.broadcast %add3A_968 : i32 to vector<16xi32>
      %add3A_971 = arith.addi %add3A_970, %iota3A_969 : vector<16xi32>
      %gather3A_972 = tpu.vector_load_idx %arg7[%add3A_971] : memref<8192xf32, #tpu.memory_space<vmem>>[vector<16xi32>], vector<16xf32>,
      %max3A_973 = arith.maximumf %gather3A_972, %get3A_966 : vector<16xf32>
      tpu.vector_store_idx %arg7[%add3A_971], %max3A_973 : memref<8192xf32, #tpu.memory_space<vmem>>[vector<16xi32>], vector<16xf32>,
      %mul3A_974 = arith.constant 128 : i32
      %mul3A_975 = arith.muli %add3A_921, %mul3A_974 : i32
      %add3A_976 = arith.constant 64 : i32
      %add3A_977 = arith.addi %mul3A_975, %add3A_976 : i32
      %get3A_978 = arith.index_cast %add3A_977 : i32 to index
      %get3A_979 = tpu.vector_load %arg5[%get3A_978] {strides = array<i32>} : memref<40960xf32, #tpu.memory_space<vmem>>, vector<16xf32>,
      %add3A_980 = arith.constant 64 : i32
      %add3A_981 = arith.addi %mul3A_917, %add3A_980 : i32
      %iota3A_982 = tpu.iota {dimensions = array<i32: 0>} : vector<16xi32>
      %add3A_983 = vector.broadcast %add3A_981 : i32 to vector<16xi32>
      %add3A_984 = arith.addi %add3A_983, %iota3A_982 : vector<16xi32>
      %gather3A_985 = tpu.vector_load_idx %arg7[%add3A_984] : memref<8192xf32, #tpu.memory_space<vmem>>[vector<16xi32>], vector<16xf32>,
      %max3A_986 = arith.maximumf %gather3A_985, %get3A_979 : vector<16xf32>
      tpu.vector_store_idx %arg7[%add3A_984], %max3A_986 : memref<8192xf32, #tpu.memory_space<vmem>>[vector<16xi32>], vector<16xf32>,
      %mul3A_987 = arith.constant 128 : i32
      %mul3A_988 = arith.muli %add3A_921, %mul3A_987 : i32
      %add3A_989 = arith.constant 80 : i32
      %add3A_990 = arith.addi %mul3A_988, %add3A_989 : i32
      %get3A_991 = arith.index_cast %add3A_990 : i32 to index
      %get3A_992 = tpu.vector_load %arg5[%get3A_991] {strides = array<i32>} : memref<40960xf32, #tpu.memory_space<vmem>>, vector<16xf32>,
      %add3A_993 = arith.constant 80 : i32
      %add3A_994 = arith.addi %mul3A_917, %add3A_993 : i32
      %iota3A_995 = tpu.iota {dimensions = array<i32: 0>} : vector<16xi32>
      %add3A_996 = vector.broadcast %add3A_994 : i32 to vector<16xi32>
      %add3A_997 = arith.addi %add3A_996, %iota3A_995 : vector<16xi32>
      %gather3A_998 = tpu.vector_load_idx %arg7[%add3A_997] : memref<8192xf32, #tpu.memory_space<vmem>>[vector<16xi32>], vector<16xf32>,
      %max3A_999 = arith.maximumf %gather3A_998, %get3A_992 : vector<16xf32>
      tpu.vector_store_idx %arg7[%add3A_997], %max3A_999 : memref<8192xf32, #tpu.memory_space<vmem>>[vector<16xi32>], vector<16xf32>,
      %mul3A_1000 = arith.constant 128 : i32
      %mul3A_1001 = arith.muli %add3A_921, %mul3A_1000 : i32
      %add3A_1002 = arith.constant 96 : i32
      %add3A_1003 = arith.addi %mul3A_1001, %add3A_1002 : i32
      %get3A_1004 = arith.index_cast %add3A_1003 : i32 to index
      %get3A_1005 = tpu.vector_load %arg5[%get3A_1004] {strides = array<i32>} : memref<40960xf32, #tpu.memory_space<vmem>>, vector<16xf32>,
      %add3A_1006 = arith.constant 96 : i32
      %add3A_1007 = arith.addi %mul3A_917, %add3A_1006 : i32
      %iota3A_1008 = tpu.iota {dimensions = array<i32: 0>} : vector<16xi32>
      %add3A_1009 = vector.broadcast %add3A_1007 : i32 to vector<16xi32>
      %add3A_1010 = arith.addi %add3A_1009, %iota3A_1008 : vector<16xi32>
      %gather3A_1011 = tpu.vector_load_idx %arg7[%add3A_1010] : memref<8192xf32, #tpu.memory_space<vmem>>[vector<16xi32>], vector<16xf32>,
      %max3A_1012 = arith.maximumf %gather3A_1011, %get3A_1005 : vector<16xf32>
      tpu.vector_store_idx %arg7[%add3A_1010], %max3A_1012 : memref<8192xf32, #tpu.memory_space<vmem>>[vector<16xi32>], vector<16xf32>,
      %mul3A_1013 = arith.constant 128 : i32
      %mul3A_1014 = arith.muli %add3A_921, %mul3A_1013 : i32
      %add3A_1015 = arith.constant 112 : i32
      %add3A_1016 = arith.addi %mul3A_1014, %add3A_1015 : i32
      %get3A_1017 = arith.index_cast %add3A_1016 : i32 to index
      %get3A_1018 = tpu.vector_load %arg5[%get3A_1017] {strides = array<i32>} : memref<40960xf32, #tpu.memory_space<vmem>>, vector<16xf32>,
      %add3A_1019 = arith.constant 112 : i32
      %add3A_1020 = arith.addi %mul3A_917, %add3A_1019 : i32
      %iota3A_1021 = tpu.iota {dimensions = array<i32: 0>} : vector<16xi32>
      %add3A_1022 = vector.broadcast %add3A_1020 : i32 to vector<16xi32>
      %add3A_1023 = arith.addi %add3A_1022, %iota3A_1021 : vector<16xi32>
      %gather3A_1024 = tpu.vector_load_idx %arg7[%add3A_1023] : memref<8192xf32, #tpu.memory_space<vmem>>[vector<16xi32>], vector<16xf32>,
      %max3A_1025 = arith.maximumf %gather3A_1024, %get3A_1018 : vector<16xf32>
      tpu.vector_store_idx %arg7[%add3A_1023], %max3A_1025 : memref<8192xf32, #tpu.memory_space<vmem>>[vector<16xi32>], vector<16xf32>,
      %slice3A_1026 = vector.extract_strided_slice %get3A_22 {offsets = [9], sizes = [1], strides = [1]} : vector<16xi32> to vector<1xi32>
      %squeeze3A_1027 = vector.extract %slice3A_1026[0] : i32 from vector<1xi32>
      %mul3A_1028 = arith.constant 128 : i32
      %mul3A_1029 = arith.muli %squeeze3A_1027, %mul3A_1028 : i32
      %mul3A_1030 = arith.constant 16 : i32
      %mul3A_1031 = arith.muli %scan3A_18, %mul3A_1030 : i32
      %add3A_1032 = arith.constant 9 : i32
      %add3A_1033 = arith.addi %mul3A_1031, %add3A_1032 : i32
      %mul3A_1034 = arith.constant 128 : i32
      %mul3A_1035 = arith.muli %add3A_1033, %mul3A_1034 : i32
      %add3A_1036 = arith.constant 0 : i32
      %add3A_1037 = arith.addi %mul3A_1035, %add3A_1036 : i32
      %get3A_1038 = arith.index_cast %add3A_1037 : i32 to index
      %get3A_1039 = tpu.vector_load %arg5[%get3A_1038] {strides = array<i32>} : memref<40960xf32, #tpu.memory_space<vmem>>, vector<16xf32>,
      %add3A_1040 = arith.constant 0 : i32
      %add3A_1041 = arith.addi %mul3A_1029, %add3A_1040 : i32
      %iota3A_1042 = tpu.iota {dimensions = array<i32: 0>} : vector<16xi32>
      %add3A_1043 = vector.broadcast %add3A_1041 : i32 to vector<16xi32>
      %add3A_1044 = arith.addi %add3A_1043, %iota3A_1042 : vector<16xi32>
      %gather3A_1045 = tpu.vector_load_idx %arg7[%add3A_1044] : memref<8192xf32, #tpu.memory_space<vmem>>[vector<16xi32>], vector<16xf32>,
      %max3A_1046 = arith.maximumf %gather3A_1045, %get3A_1039 : vector<16xf32>
      tpu.vector_store_idx %arg7[%add3A_1044], %max3A_1046 : memref<8192xf32, #tpu.memory_space<vmem>>[vector<16xi32>], vector<16xf32>,
      %mul3A_1047 = arith.constant 128 : i32
      %mul3A_1048 = arith.muli %add3A_1033, %mul3A_1047 : i32
      %add3A_1049 = arith.constant 16 : i32
      %add3A_1050 = arith.addi %mul3A_1048, %add3A_1049 : i32
      %get3A_1051 = arith.index_cast %add3A_1050 : i32 to index
      %get3A_1052 = tpu.vector_load %arg5[%get3A_1051] {strides = array<i32>} : memref<40960xf32, #tpu.memory_space<vmem>>, vector<16xf32>,
      %add3A_1053 = arith.constant 16 : i32
      %add3A_1054 = arith.addi %mul3A_1029, %add3A_1053 : i32
      %iota3A_1055 = tpu.iota {dimensions = array<i32: 0>} : vector<16xi32>
      %add3A_1056 = vector.broadcast %add3A_1054 : i32 to vector<16xi32>
      %add3A_1057 = arith.addi %add3A_1056, %iota3A_1055 : vector<16xi32>
      %gather3A_1058 = tpu.vector_load_idx %arg7[%add3A_1057] : memref<8192xf32, #tpu.memory_space<vmem>>[vector<16xi32>], vector<16xf32>,
      %max3A_1059 = arith.maximumf %gather3A_1058, %get3A_1052 : vector<16xf32>
      tpu.vector_store_idx %arg7[%add3A_1057], %max3A_1059 : memref<8192xf32, #tpu.memory_space<vmem>>[vector<16xi32>], vector<16xf32>,
      %mul3A_1060 = arith.constant 128 : i32
      %mul3A_1061 = arith.muli %add3A_1033, %mul3A_1060 : i32
      %add3A_1062 = arith.constant 32 : i32
      %add3A_1063 = arith.addi %mul3A_1061, %add3A_1062 : i32
      %get3A_1064 = arith.index_cast %add3A_1063 : i32 to index
      %get3A_1065 = tpu.vector_load %arg5[%get3A_1064] {strides = array<i32>} : memref<40960xf32, #tpu.memory_space<vmem>>, vector<16xf32>,
      %add3A_1066 = arith.constant 32 : i32
      %add3A_1067 = arith.addi %mul3A_1029, %add3A_1066 : i32
      %iota3A_1068 = tpu.iota {dimensions = array<i32: 0>} : vector<16xi32>
      %add3A_1069 = vector.broadcast %add3A_1067 : i32 to vector<16xi32>
      %add3A_1070 = arith.addi %add3A_1069, %iota3A_1068 : vector<16xi32>
      %gather3A_1071 = tpu.vector_load_idx %arg7[%add3A_1070] : memref<8192xf32, #tpu.memory_space<vmem>>[vector<16xi32>], vector<16xf32>,
      %max3A_1072 = arith.maximumf %gather3A_1071, %get3A_1065 : vector<16xf32>
      tpu.vector_store_idx %arg7[%add3A_1070], %max3A_1072 : memref<8192xf32, #tpu.memory_space<vmem>>[vector<16xi32>], vector<16xf32>,
      %mul3A_1073 = arith.constant 128 : i32
      %mul3A_1074 = arith.muli %add3A_1033, %mul3A_1073 : i32
      %add3A_1075 = arith.constant 48 : i32
      %add3A_1076 = arith.addi %mul3A_1074, %add3A_1075 : i32
      %get3A_1077 = arith.index_cast %add3A_1076 : i32 to index
      %get3A_1078 = tpu.vector_load %arg5[%get3A_1077] {strides = array<i32>} : memref<40960xf32, #tpu.memory_space<vmem>>, vector<16xf32>,
      %add3A_1079 = arith.constant 48 : i32
      %add3A_1080 = arith.addi %mul3A_1029, %add3A_1079 : i32
      %iota3A_1081 = tpu.iota {dimensions = array<i32: 0>} : vector<16xi32>
      %add3A_1082 = vector.broadcast %add3A_1080 : i32 to vector<16xi32>
      %add3A_1083 = arith.addi %add3A_1082, %iota3A_1081 : vector<16xi32>
      %gather3A_1084 = tpu.vector_load_idx %arg7[%add3A_1083] : memref<8192xf32, #tpu.memory_space<vmem>>[vector<16xi32>], vector<16xf32>,
      %max3A_1085 = arith.maximumf %gather3A_1084, %get3A_1078 : vector<16xf32>
      tpu.vector_store_idx %arg7[%add3A_1083], %max3A_1085 : memref<8192xf32, #tpu.memory_space<vmem>>[vector<16xi32>], vector<16xf32>,
      %mul3A_1086 = arith.constant 128 : i32
      %mul3A_1087 = arith.muli %add3A_1033, %mul3A_1086 : i32
      %add3A_1088 = arith.constant 64 : i32
      %add3A_1089 = arith.addi %mul3A_1087, %add3A_1088 : i32
      %get3A_1090 = arith.index_cast %add3A_1089 : i32 to index
      %get3A_1091 = tpu.vector_load %arg5[%get3A_1090] {strides = array<i32>} : memref<40960xf32, #tpu.memory_space<vmem>>, vector<16xf32>,
      %add3A_1092 = arith.constant 64 : i32
      %add3A_1093 = arith.addi %mul3A_1029, %add3A_1092 : i32
      %iota3A_1094 = tpu.iota {dimensions = array<i32: 0>} : vector<16xi32>
      %add3A_1095 = vector.broadcast %add3A_1093 : i32 to vector<16xi32>
      %add3A_1096 = arith.addi %add3A_1095, %iota3A_1094 : vector<16xi32>
      %gather3A_1097 = tpu.vector_load_idx %arg7[%add3A_1096] : memref<8192xf32, #tpu.memory_space<vmem>>[vector<16xi32>], vector<16xf32>,
      %max3A_1098 = arith.maximumf %gather3A_1097, %get3A_1091 : vector<16xf32>
      tpu.vector_store_idx %arg7[%add3A_1096], %max3A_1098 : memref<8192xf32, #tpu.memory_space<vmem>>[vector<16xi32>], vector<16xf32>,
      %mul3A_1099 = arith.constant 128 : i32
      %mul3A_1100 = arith.muli %add3A_1033, %mul3A_1099 : i32
      %add3A_1101 = arith.constant 80 : i32
      %add3A_1102 = arith.addi %mul3A_1100, %add3A_1101 : i32
      %get3A_1103 = arith.index_cast %add3A_1102 : i32 to index
      %get3A_1104 = tpu.vector_load %arg5[%get3A_1103] {strides = array<i32>} : memref<40960xf32, #tpu.memory_space<vmem>>, vector<16xf32>,
      %add3A_1105 = arith.constant 80 : i32
      %add3A_1106 = arith.addi %mul3A_1029, %add3A_1105 : i32
      %iota3A_1107 = tpu.iota {dimensions = array<i32: 0>} : vector<16xi32>
      %add3A_1108 = vector.broadcast %add3A_1106 : i32 to vector<16xi32>
      %add3A_1109 = arith.addi %add3A_1108, %iota3A_1107 : vector<16xi32>
      %gather3A_1110 = tpu.vector_load_idx %arg7[%add3A_1109] : memref<8192xf32, #tpu.memory_space<vmem>>[vector<16xi32>], vector<16xf32>,
      %max3A_1111 = arith.maximumf %gather3A_1110, %get3A_1104 : vector<16xf32>
      tpu.vector_store_idx %arg7[%add3A_1109], %max3A_1111 : memref<8192xf32, #tpu.memory_space<vmem>>[vector<16xi32>], vector<16xf32>,
      %mul3A_1112 = arith.constant 128 : i32
      %mul3A_1113 = arith.muli %add3A_1033, %mul3A_1112 : i32
      %add3A_1114 = arith.constant 96 : i32
      %add3A_1115 = arith.addi %mul3A_1113, %add3A_1114 : i32
      %get3A_1116 = arith.index_cast %add3A_1115 : i32 to index
      %get3A_1117 = tpu.vector_load %arg5[%get3A_1116] {strides = array<i32>} : memref<40960xf32, #tpu.memory_space<vmem>>, vector<16xf32>,
      %add3A_1118 = arith.constant 96 : i32
      %add3A_1119 = arith.addi %mul3A_1029, %add3A_1118 : i32
      %iota3A_1120 = tpu.iota {dimensions = array<i32: 0>} : vector<16xi32>
      %add3A_1121 = vector.broadcast %add3A_1119 : i32 to vector<16xi32>
      %add3A_1122 = arith.addi %add3A_1121, %iota3A_1120 : vector<16xi32>
      %gather3A_1123 = tpu.vector_load_idx %arg7[%add3A_1122] : memref<8192xf32, #tpu.memory_space<vmem>>[vector<16xi32>], vector<16xf32>,
      %max3A_1124 = arith.maximumf %gather3A_1123, %get3A_1117 : vector<16xf32>
      tpu.vector_store_idx %arg7[%add3A_1122], %max3A_1124 : memref<8192xf32, #tpu.memory_space<vmem>>[vector<16xi32>], vector<16xf32>,
      %mul3A_1125 = arith.constant 128 : i32
      %mul3A_1126 = arith.muli %add3A_1033, %mul3A_1125 : i32
      %add3A_1127 = arith.constant 112 : i32
      %add3A_1128 = arith.addi %mul3A_1126, %add3A_1127 : i32
      %get3A_1129 = arith.index_cast %add3A_1128 : i32 to index
      %get3A_1130 = tpu.vector_load %arg5[%get3A_1129] {strides = array<i32>} : memref<40960xf32, #tpu.memory_space<vmem>>, vector<16xf32>,
      %add3A_1131 = arith.constant 112 : i32
      %add3A_1132 = arith.addi %mul3A_1029, %add3A_1131 : i32
      %iota3A_1133 = tpu.iota {dimensions = array<i32: 0>} : vector<16xi32>
      %add3A_1134 = vector.broadcast %add3A_1132 : i32 to vector<16xi32>
      %add3A_1135 = arith.addi %add3A_1134, %iota3A_1133 : vector<16xi32>
      %gather3A_1136 = tpu.vector_load_idx %arg7[%add3A_1135] : memref<8192xf32, #tpu.memory_space<vmem>>[vector<16xi32>], vector<16xf32>,
      %max3A_1137 = arith.maximumf %gather3A_1136, %get3A_1130 : vector<16xf32>
      tpu.vector_store_idx %arg7[%add3A_1135], %max3A_1137 : memref<8192xf32, #tpu.memory_space<vmem>>[vector<16xi32>], vector<16xf32>,
      %slice3A_1138 = vector.extract_strided_slice %get3A_22 {offsets = [10], sizes = [1], strides = [1]} : vector<16xi32> to vector<1xi32>
      %squeeze3A_1139 = vector.extract %slice3A_1138[0] : i32 from vector<1xi32>
      %mul3A_1140 = arith.constant 128 : i32
      %mul3A_1141 = arith.muli %squeeze3A_1139, %mul3A_1140 : i32
      %mul3A_1142 = arith.constant 16 : i32
      %mul3A_1143 = arith.muli %scan3A_18, %mul3A_1142 : i32
      %add3A_1144 = arith.constant 10 : i32
      %add3A_1145 = arith.addi %mul3A_1143, %add3A_1144 : i32
      %mul3A_1146 = arith.constant 128 : i32
      %mul3A_1147 = arith.muli %add3A_1145, %mul3A_1146 : i32
      %add3A_1148 = arith.constant 0 : i32
      %add3A_1149 = arith.addi %mul3A_1147, %add3A_1148 : i32
      %get3A_1150 = arith.index_cast %add3A_1149 : i32 to index
      %get3A_1151 = tpu.vector_load %arg5[%get3A_1150] {strides = array<i32>} : memref<40960xf32, #tpu.memory_space<vmem>>, vector<16xf32>,
      %add3A_1152 = arith.constant 0 : i32
      %add3A_1153 = arith.addi %mul3A_1141, %add3A_1152 : i32
      %iota3A_1154 = tpu.iota {dimensions = array<i32: 0>} : vector<16xi32>
      %add3A_1155 = vector.broadcast %add3A_1153 : i32 to vector<16xi32>
      %add3A_1156 = arith.addi %add3A_1155, %iota3A_1154 : vector<16xi32>
      %gather3A_1157 = tpu.vector_load_idx %arg7[%add3A_1156] : memref<8192xf32, #tpu.memory_space<vmem>>[vector<16xi32>], vector<16xf32>,
      %max3A_1158 = arith.maximumf %gather3A_1157, %get3A_1151 : vector<16xf32>
      tpu.vector_store_idx %arg7[%add3A_1156], %max3A_1158 : memref<8192xf32, #tpu.memory_space<vmem>>[vector<16xi32>], vector<16xf32>,
      %mul3A_1159 = arith.constant 128 : i32
      %mul3A_1160 = arith.muli %add3A_1145, %mul3A_1159 : i32
      %add3A_1161 = arith.constant 16 : i32
      %add3A_1162 = arith.addi %mul3A_1160, %add3A_1161 : i32
      %get3A_1163 = arith.index_cast %add3A_1162 : i32 to index
      %get3A_1164 = tpu.vector_load %arg5[%get3A_1163] {strides = array<i32>} : memref<40960xf32, #tpu.memory_space<vmem>>, vector<16xf32>,
      %add3A_1165 = arith.constant 16 : i32
      %add3A_1166 = arith.addi %mul3A_1141, %add3A_1165 : i32
      %iota3A_1167 = tpu.iota {dimensions = array<i32: 0>} : vector<16xi32>
      %add3A_1168 = vector.broadcast %add3A_1166 : i32 to vector<16xi32>
      %add3A_1169 = arith.addi %add3A_1168, %iota3A_1167 : vector<16xi32>
      %gather3A_1170 = tpu.vector_load_idx %arg7[%add3A_1169] : memref<8192xf32, #tpu.memory_space<vmem>>[vector<16xi32>], vector<16xf32>,
      %max3A_1171 = arith.maximumf %gather3A_1170, %get3A_1164 : vector<16xf32>
      tpu.vector_store_idx %arg7[%add3A_1169], %max3A_1171 : memref<8192xf32, #tpu.memory_space<vmem>>[vector<16xi32>], vector<16xf32>,
      %mul3A_1172 = arith.constant 128 : i32
      %mul3A_1173 = arith.muli %add3A_1145, %mul3A_1172 : i32
      %add3A_1174 = arith.constant 32 : i32
      %add3A_1175 = arith.addi %mul3A_1173, %add3A_1174 : i32
      %get3A_1176 = arith.index_cast %add3A_1175 : i32 to index
      %get3A_1177 = tpu.vector_load %arg5[%get3A_1176] {strides = array<i32>} : memref<40960xf32, #tpu.memory_space<vmem>>, vector<16xf32>,
      %add3A_1178 = arith.constant 32 : i32
      %add3A_1179 = arith.addi %mul3A_1141, %add3A_1178 : i32
      %iota3A_1180 = tpu.iota {dimensions = array<i32: 0>} : vector<16xi32>
      %add3A_1181 = vector.broadcast %add3A_1179 : i32 to vector<16xi32>
      %add3A_1182 = arith.addi %add3A_1181, %iota3A_1180 : vector<16xi32>
      %gather3A_1183 = tpu.vector_load_idx %arg7[%add3A_1182] : memref<8192xf32, #tpu.memory_space<vmem>>[vector<16xi32>], vector<16xf32>,
      %max3A_1184 = arith.maximumf %gather3A_1183, %get3A_1177 : vector<16xf32>
      tpu.vector_store_idx %arg7[%add3A_1182], %max3A_1184 : memref<8192xf32, #tpu.memory_space<vmem>>[vector<16xi32>], vector<16xf32>,
      %mul3A_1185 = arith.constant 128 : i32
      %mul3A_1186 = arith.muli %add3A_1145, %mul3A_1185 : i32
      %add3A_1187 = arith.constant 48 : i32
      %add3A_1188 = arith.addi %mul3A_1186, %add3A_1187 : i32
      %get3A_1189 = arith.index_cast %add3A_1188 : i32 to index
      %get3A_1190 = tpu.vector_load %arg5[%get3A_1189] {strides = array<i32>} : memref<40960xf32, #tpu.memory_space<vmem>>, vector<16xf32>,
      %add3A_1191 = arith.constant 48 : i32
      %add3A_1192 = arith.addi %mul3A_1141, %add3A_1191 : i32
      %iota3A_1193 = tpu.iota {dimensions = array<i32: 0>} : vector<16xi32>
      %add3A_1194 = vector.broadcast %add3A_1192 : i32 to vector<16xi32>
      %add3A_1195 = arith.addi %add3A_1194, %iota3A_1193 : vector<16xi32>
      %gather3A_1196 = tpu.vector_load_idx %arg7[%add3A_1195] : memref<8192xf32, #tpu.memory_space<vmem>>[vector<16xi32>], vector<16xf32>,
      %max3A_1197 = arith.maximumf %gather3A_1196, %get3A_1190 : vector<16xf32>
      tpu.vector_store_idx %arg7[%add3A_1195], %max3A_1197 : memref<8192xf32, #tpu.memory_space<vmem>>[vector<16xi32>], vector<16xf32>,
      %mul3A_1198 = arith.constant 128 : i32
      %mul3A_1199 = arith.muli %add3A_1145, %mul3A_1198 : i32
      %add3A_1200 = arith.constant 64 : i32
      %add3A_1201 = arith.addi %mul3A_1199, %add3A_1200 : i32
      %get3A_1202 = arith.index_cast %add3A_1201 : i32 to index
      %get3A_1203 = tpu.vector_load %arg5[%get3A_1202] {strides = array<i32>} : memref<40960xf32, #tpu.memory_space<vmem>>, vector<16xf32>,
      %add3A_1204 = arith.constant 64 : i32
      %add3A_1205 = arith.addi %mul3A_1141, %add3A_1204 : i32
      %iota3A_1206 = tpu.iota {dimensions = array<i32: 0>} : vector<16xi32>
      %add3A_1207 = vector.broadcast %add3A_1205 : i32 to vector<16xi32>
      %add3A_1208 = arith.addi %add3A_1207, %iota3A_1206 : vector<16xi32>
      %gather3A_1209 = tpu.vector_load_idx %arg7[%add3A_1208] : memref<8192xf32, #tpu.memory_space<vmem>>[vector<16xi32>], vector<16xf32>,
      %max3A_1210 = arith.maximumf %gather3A_1209, %get3A_1203 : vector<16xf32>
      tpu.vector_store_idx %arg7[%add3A_1208], %max3A_1210 : memref<8192xf32, #tpu.memory_space<vmem>>[vector<16xi32>], vector<16xf32>,
      %mul3A_1211 = arith.constant 128 : i32
      %mul3A_1212 = arith.muli %add3A_1145, %mul3A_1211 : i32
      %add3A_1213 = arith.constant 80 : i32
      %add3A_1214 = arith.addi %mul3A_1212, %add3A_1213 : i32
      %get3A_1215 = arith.index_cast %add3A_1214 : i32 to index
      %get3A_1216 = tpu.vector_load %arg5[%get3A_1215] {strides = array<i32>} : memref<40960xf32, #tpu.memory_space<vmem>>, vector<16xf32>,
      %add3A_1217 = arith.constant 80 : i32
      %add3A_1218 = arith.addi %mul3A_1141, %add3A_1217 : i32
      %iota3A_1219 = tpu.iota {dimensions = array<i32: 0>} : vector<16xi32>
      %add3A_1220 = vector.broadcast %add3A_1218 : i32 to vector<16xi32>
      %add3A_1221 = arith.addi %add3A_1220, %iota3A_1219 : vector<16xi32>
      %gather3A_1222 = tpu.vector_load_idx %arg7[%add3A_1221] : memref<8192xf32, #tpu.memory_space<vmem>>[vector<16xi32>], vector<16xf32>,
      %max3A_1223 = arith.maximumf %gather3A_1222, %get3A_1216 : vector<16xf32>
      tpu.vector_store_idx %arg7[%add3A_1221], %max3A_1223 : memref<8192xf32, #tpu.memory_space<vmem>>[vector<16xi32>], vector<16xf32>,
      %mul3A_1224 = arith.constant 128 : i32
      %mul3A_1225 = arith.muli %add3A_1145, %mul3A_1224 : i32
      %add3A_1226 = arith.constant 96 : i32
      %add3A_1227 = arith.addi %mul3A_1225, %add3A_1226 : i32
      %get3A_1228 = arith.index_cast %add3A_1227 : i32 to index
      %get3A_1229 = tpu.vector_load %arg5[%get3A_1228] {strides = array<i32>} : memref<40960xf32, #tpu.memory_space<vmem>>, vector<16xf32>,
      %add3A_1230 = arith.constant 96 : i32
      %add3A_1231 = arith.addi %mul3A_1141, %add3A_1230 : i32
      %iota3A_1232 = tpu.iota {dimensions = array<i32: 0>} : vector<16xi32>
      %add3A_1233 = vector.broadcast %add3A_1231 : i32 to vector<16xi32>
      %add3A_1234 = arith.addi %add3A_1233, %iota3A_1232 : vector<16xi32>
      %gather3A_1235 = tpu.vector_load_idx %arg7[%add3A_1234] : memref<8192xf32, #tpu.memory_space<vmem>>[vector<16xi32>], vector<16xf32>,
      %max3A_1236 = arith.maximumf %gather3A_1235, %get3A_1229 : vector<16xf32>
      tpu.vector_store_idx %arg7[%add3A_1234], %max3A_1236 : memref<8192xf32, #tpu.memory_space<vmem>>[vector<16xi32>], vector<16xf32>,
      %mul3A_1237 = arith.constant 128 : i32
      %mul3A_1238 = arith.muli %add3A_1145, %mul3A_1237 : i32
      %add3A_1239 = arith.constant 112 : i32
      %add3A_1240 = arith.addi %mul3A_1238, %add3A_1239 : i32
      %get3A_1241 = arith.index_cast %add3A_1240 : i32 to index
      %get3A_1242 = tpu.vector_load %arg5[%get3A_1241] {strides = array<i32>} : memref<40960xf32, #tpu.memory_space<vmem>>, vector<16xf32>,
      %add3A_1243 = arith.constant 112 : i32
      %add3A_1244 = arith.addi %mul3A_1141, %add3A_1243 : i32
      %iota3A_1245 = tpu.iota {dimensions = array<i32: 0>} : vector<16xi32>
      %add3A_1246 = vector.broadcast %add3A_1244 : i32 to vector<16xi32>
      %add3A_1247 = arith.addi %add3A_1246, %iota3A_1245 : vector<16xi32>
      %gather3A_1248 = tpu.vector_load_idx %arg7[%add3A_1247] : memref<8192xf32, #tpu.memory_space<vmem>>[vector<16xi32>], vector<16xf32>,
      %max3A_1249 = arith.maximumf %gather3A_1248, %get3A_1242 : vector<16xf32>
      tpu.vector_store_idx %arg7[%add3A_1247], %max3A_1249 : memref<8192xf32, #tpu.memory_space<vmem>>[vector<16xi32>], vector<16xf32>,
      %slice3A_1250 = vector.extract_strided_slice %get3A_22 {offsets = [11], sizes = [1], strides = [1]} : vector<16xi32> to vector<1xi32>
      %squeeze3A_1251 = vector.extract %slice3A_1250[0] : i32 from vector<1xi32>
      %mul3A_1252 = arith.constant 128 : i32
      %mul3A_1253 = arith.muli %squeeze3A_1251, %mul3A_1252 : i32
      %mul3A_1254 = arith.constant 16 : i32
      %mul3A_1255 = arith.muli %scan3A_18, %mul3A_1254 : i32
      %add3A_1256 = arith.constant 11 : i32
      %add3A_1257 = arith.addi %mul3A_1255, %add3A_1256 : i32
      %mul3A_1258 = arith.constant 128 : i32
      %mul3A_1259 = arith.muli %add3A_1257, %mul3A_1258 : i32
      %add3A_1260 = arith.constant 0 : i32
      %add3A_1261 = arith.addi %mul3A_1259, %add3A_1260 : i32
      %get3A_1262 = arith.index_cast %add3A_1261 : i32 to index
      %get3A_1263 = tpu.vector_load %arg5[%get3A_1262] {strides = array<i32>} : memref<40960xf32, #tpu.memory_space<vmem>>, vector<16xf32>,
      %add3A_1264 = arith.constant 0 : i32
      %add3A_1265 = arith.addi %mul3A_1253, %add3A_1264 : i32
      %iota3A_1266 = tpu.iota {dimensions = array<i32: 0>} : vector<16xi32>
      %add3A_1267 = vector.broadcast %add3A_1265 : i32 to vector<16xi32>
      %add3A_1268 = arith.addi %add3A_1267, %iota3A_1266 : vector<16xi32>
      %gather3A_1269 = tpu.vector_load_idx %arg7[%add3A_1268] : memref<8192xf32, #tpu.memory_space<vmem>>[vector<16xi32>], vector<16xf32>,
      %max3A_1270 = arith.maximumf %gather3A_1269, %get3A_1263 : vector<16xf32>
      tpu.vector_store_idx %arg7[%add3A_1268], %max3A_1270 : memref<8192xf32, #tpu.memory_space<vmem>>[vector<16xi32>], vector<16xf32>,
      %mul3A_1271 = arith.constant 128 : i32
      %mul3A_1272 = arith.muli %add3A_1257, %mul3A_1271 : i32
      %add3A_1273 = arith.constant 16 : i32
      %add3A_1274 = arith.addi %mul3A_1272, %add3A_1273 : i32
      %get3A_1275 = arith.index_cast %add3A_1274 : i32 to index
      %get3A_1276 = tpu.vector_load %arg5[%get3A_1275] {strides = array<i32>} : memref<40960xf32, #tpu.memory_space<vmem>>, vector<16xf32>,
      %add3A_1277 = arith.constant 16 : i32
      %add3A_1278 = arith.addi %mul3A_1253, %add3A_1277 : i32
      %iota3A_1279 = tpu.iota {dimensions = array<i32: 0>} : vector<16xi32>
      %add3A_1280 = vector.broadcast %add3A_1278 : i32 to vector<16xi32>
      %add3A_1281 = arith.addi %add3A_1280, %iota3A_1279 : vector<16xi32>
      %gather3A_1282 = tpu.vector_load_idx %arg7[%add3A_1281] : memref<8192xf32, #tpu.memory_space<vmem>>[vector<16xi32>], vector<16xf32>,
      %max3A_1283 = arith.maximumf %gather3A_1282, %get3A_1276 : vector<16xf32>
      tpu.vector_store_idx %arg7[%add3A_1281], %max3A_1283 : memref<8192xf32, #tpu.memory_space<vmem>>[vector<16xi32>], vector<16xf32>,
      %mul3A_1284 = arith.constant 128 : i32
      %mul3A_1285 = arith.muli %add3A_1257, %mul3A_1284 : i32
      %add3A_1286 = arith.constant 32 : i32
      %add3A_1287 = arith.addi %mul3A_1285, %add3A_1286 : i32
      %get3A_1288 = arith.index_cast %add3A_1287 : i32 to index
      %get3A_1289 = tpu.vector_load %arg5[%get3A_1288] {strides = array<i32>} : memref<40960xf32, #tpu.memory_space<vmem>>, vector<16xf32>,
      %add3A_1290 = arith.constant 32 : i32
      %add3A_1291 = arith.addi %mul3A_1253, %add3A_1290 : i32
      %iota3A_1292 = tpu.iota {dimensions = array<i32: 0>} : vector<16xi32>
      %add3A_1293 = vector.broadcast %add3A_1291 : i32 to vector<16xi32>
      %add3A_1294 = arith.addi %add3A_1293, %iota3A_1292 : vector<16xi32>
      %gather3A_1295 = tpu.vector_load_idx %arg7[%add3A_1294] : memref<8192xf32, #tpu.memory_space<vmem>>[vector<16xi32>], vector<16xf32>,
      %max3A_1296 = arith.maximumf %gather3A_1295, %get3A_1289 : vector<16xf32>
      tpu.vector_store_idx %arg7[%add3A_1294], %max3A_1296 : memref<8192xf32, #tpu.memory_space<vmem>>[vector<16xi32>], vector<16xf32>,
      %mul3A_1297 = arith.constant 128 : i32
      %mul3A_1298 = arith.muli %add3A_1257, %mul3A_1297 : i32
      %add3A_1299 = arith.constant 48 : i32
      %add3A_1300 = arith.addi %mul3A_1298, %add3A_1299 : i32
      %get3A_1301 = arith.index_cast %add3A_1300 : i32 to index
      %get3A_1302 = tpu.vector_load %arg5[%get3A_1301] {strides = array<i32>} : memref<40960xf32, #tpu.memory_space<vmem>>, vector<16xf32>,
      %add3A_1303 = arith.constant 48 : i32
      %add3A_1304 = arith.addi %mul3A_1253, %add3A_1303 : i32
      %iota3A_1305 = tpu.iota {dimensions = array<i32: 0>} : vector<16xi32>
      %add3A_1306 = vector.broadcast %add3A_1304 : i32 to vector<16xi32>
      %add3A_1307 = arith.addi %add3A_1306, %iota3A_1305 : vector<16xi32>
      %gather3A_1308 = tpu.vector_load_idx %arg7[%add3A_1307] : memref<8192xf32, #tpu.memory_space<vmem>>[vector<16xi32>], vector<16xf32>,
      %max3A_1309 = arith.maximumf %gather3A_1308, %get3A_1302 : vector<16xf32>
      tpu.vector_store_idx %arg7[%add3A_1307], %max3A_1309 : memref<8192xf32, #tpu.memory_space<vmem>>[vector<16xi32>], vector<16xf32>,
      %mul3A_1310 = arith.constant 128 : i32
      %mul3A_1311 = arith.muli %add3A_1257, %mul3A_1310 : i32
      %add3A_1312 = arith.constant 64 : i32
      %add3A_1313 = arith.addi %mul3A_1311, %add3A_1312 : i32
      %get3A_1314 = arith.index_cast %add3A_1313 : i32 to index
      %get3A_1315 = tpu.vector_load %arg5[%get3A_1314] {strides = array<i32>} : memref<40960xf32, #tpu.memory_space<vmem>>, vector<16xf32>,
      %add3A_1316 = arith.constant 64 : i32
      %add3A_1317 = arith.addi %mul3A_1253, %add3A_1316 : i32
      %iota3A_1318 = tpu.iota {dimensions = array<i32: 0>} : vector<16xi32>
      %add3A_1319 = vector.broadcast %add3A_1317 : i32 to vector<16xi32>
      %add3A_1320 = arith.addi %add3A_1319, %iota3A_1318 : vector<16xi32>
      %gather3A_1321 = tpu.vector_load_idx %arg7[%add3A_1320] : memref<8192xf32, #tpu.memory_space<vmem>>[vector<16xi32>], vector<16xf32>,
      %max3A_1322 = arith.maximumf %gather3A_1321, %get3A_1315 : vector<16xf32>
      tpu.vector_store_idx %arg7[%add3A_1320], %max3A_1322 : memref<8192xf32, #tpu.memory_space<vmem>>[vector<16xi32>], vector<16xf32>,
      %mul3A_1323 = arith.constant 128 : i32
      %mul3A_1324 = arith.muli %add3A_1257, %mul3A_1323 : i32
      %add3A_1325 = arith.constant 80 : i32
      %add3A_1326 = arith.addi %mul3A_1324, %add3A_1325 : i32
      %get3A_1327 = arith.index_cast %add3A_1326 : i32 to index
      %get3A_1328 = tpu.vector_load %arg5[%get3A_1327] {strides = array<i32>} : memref<40960xf32, #tpu.memory_space<vmem>>, vector<16xf32>,
      %add3A_1329 = arith.constant 80 : i32
      %add3A_1330 = arith.addi %mul3A_1253, %add3A_1329 : i32
      %iota3A_1331 = tpu.iota {dimensions = array<i32: 0>} : vector<16xi32>
      %add3A_1332 = vector.broadcast %add3A_1330 : i32 to vector<16xi32>
      %add3A_1333 = arith.addi %add3A_1332, %iota3A_1331 : vector<16xi32>
      %gather3A_1334 = tpu.vector_load_idx %arg7[%add3A_1333] : memref<8192xf32, #tpu.memory_space<vmem>>[vector<16xi32>], vector<16xf32>,
      %max3A_1335 = arith.maximumf %gather3A_1334, %get3A_1328 : vector<16xf32>
      tpu.vector_store_idx %arg7[%add3A_1333], %max3A_1335 : memref<8192xf32, #tpu.memory_space<vmem>>[vector<16xi32>], vector<16xf32>,
      %mul3A_1336 = arith.constant 128 : i32
      %mul3A_1337 = arith.muli %add3A_1257, %mul3A_1336 : i32
      %add3A_1338 = arith.constant 96 : i32
      %add3A_1339 = arith.addi %mul3A_1337, %add3A_1338 : i32
      %get3A_1340 = arith.index_cast %add3A_1339 : i32 to index
      %get3A_1341 = tpu.vector_load %arg5[%get3A_1340] {strides = array<i32>} : memref<40960xf32, #tpu.memory_space<vmem>>, vector<16xf32>,
      %add3A_1342 = arith.constant 96 : i32
      %add3A_1343 = arith.addi %mul3A_1253, %add3A_1342 : i32
      %iota3A_1344 = tpu.iota {dimensions = array<i32: 0>} : vector<16xi32>
      %add3A_1345 = vector.broadcast %add3A_1343 : i32 to vector<16xi32>
      %add3A_1346 = arith.addi %add3A_1345, %iota3A_1344 : vector<16xi32>
      %gather3A_1347 = tpu.vector_load_idx %arg7[%add3A_1346] : memref<8192xf32, #tpu.memory_space<vmem>>[vector<16xi32>], vector<16xf32>,
      %max3A_1348 = arith.maximumf %gather3A_1347, %get3A_1341 : vector<16xf32>
      tpu.vector_store_idx %arg7[%add3A_1346], %max3A_1348 : memref<8192xf32, #tpu.memory_space<vmem>>[vector<16xi32>], vector<16xf32>,
      %mul3A_1349 = arith.constant 128 : i32
      %mul3A_1350 = arith.muli %add3A_1257, %mul3A_1349 : i32
      %add3A_1351 = arith.constant 112 : i32
      %add3A_1352 = arith.addi %mul3A_1350, %add3A_1351 : i32
      %get3A_1353 = arith.index_cast %add3A_1352 : i32 to index
      %get3A_1354 = tpu.vector_load %arg5[%get3A_1353] {strides = array<i32>} : memref<40960xf32, #tpu.memory_space<vmem>>, vector<16xf32>,
      %add3A_1355 = arith.constant 112 : i32
      %add3A_1356 = arith.addi %mul3A_1253, %add3A_1355 : i32
      %iota3A_1357 = tpu.iota {dimensions = array<i32: 0>} : vector<16xi32>
      %add3A_1358 = vector.broadcast %add3A_1356 : i32 to vector<16xi32>
      %add3A_1359 = arith.addi %add3A_1358, %iota3A_1357 : vector<16xi32>
      %gather3A_1360 = tpu.vector_load_idx %arg7[%add3A_1359] : memref<8192xf32, #tpu.memory_space<vmem>>[vector<16xi32>], vector<16xf32>,
      %max3A_1361 = arith.maximumf %gather3A_1360, %get3A_1354 : vector<16xf32>
      tpu.vector_store_idx %arg7[%add3A_1359], %max3A_1361 : memref<8192xf32, #tpu.memory_space<vmem>>[vector<16xi32>], vector<16xf32>,
      %slice3A_1362 = vector.extract_strided_slice %get3A_22 {offsets = [12], sizes = [1], strides = [1]} : vector<16xi32> to vector<1xi32>
      %squeeze3A_1363 = vector.extract %slice3A_1362[0] : i32 from vector<1xi32>
      %mul3A_1364 = arith.constant 128 : i32
      %mul3A_1365 = arith.muli %squeeze3A_1363, %mul3A_1364 : i32
      %mul3A_1366 = arith.constant 16 : i32
      %mul3A_1367 = arith.muli %scan3A_18, %mul3A_1366 : i32
      %add3A_1368 = arith.constant 12 : i32
      %add3A_1369 = arith.addi %mul3A_1367, %add3A_1368 : i32
      %mul3A_1370 = arith.constant 128 : i32
      %mul3A_1371 = arith.muli %add3A_1369, %mul3A_1370 : i32
      %add3A_1372 = arith.constant 0 : i32
      %add3A_1373 = arith.addi %mul3A_1371, %add3A_1372 : i32
      %get3A_1374 = arith.index_cast %add3A_1373 : i32 to index
      %get3A_1375 = tpu.vector_load %arg5[%get3A_1374] {strides = array<i32>} : memref<40960xf32, #tpu.memory_space<vmem>>, vector<16xf32>,
      %add3A_1376 = arith.constant 0 : i32
      %add3A_1377 = arith.addi %mul3A_1365, %add3A_1376 : i32
      %iota3A_1378 = tpu.iota {dimensions = array<i32: 0>} : vector<16xi32>
      %add3A_1379 = vector.broadcast %add3A_1377 : i32 to vector<16xi32>
      %add3A_1380 = arith.addi %add3A_1379, %iota3A_1378 : vector<16xi32>
      %gather3A_1381 = tpu.vector_load_idx %arg7[%add3A_1380] : memref<8192xf32, #tpu.memory_space<vmem>>[vector<16xi32>], vector<16xf32>,
      %max3A_1382 = arith.maximumf %gather3A_1381, %get3A_1375 : vector<16xf32>
      tpu.vector_store_idx %arg7[%add3A_1380], %max3A_1382 : memref<8192xf32, #tpu.memory_space<vmem>>[vector<16xi32>], vector<16xf32>,
      %mul3A_1383 = arith.constant 128 : i32
      %mul3A_1384 = arith.muli %add3A_1369, %mul3A_1383 : i32
      %add3A_1385 = arith.constant 16 : i32
      %add3A_1386 = arith.addi %mul3A_1384, %add3A_1385 : i32
      %get3A_1387 = arith.index_cast %add3A_1386 : i32 to index
      %get3A_1388 = tpu.vector_load %arg5[%get3A_1387] {strides = array<i32>} : memref<40960xf32, #tpu.memory_space<vmem>>, vector<16xf32>,
      %add3A_1389 = arith.constant 16 : i32
      %add3A_1390 = arith.addi %mul3A_1365, %add3A_1389 : i32
      %iota3A_1391 = tpu.iota {dimensions = array<i32: 0>} : vector<16xi32>
      %add3A_1392 = vector.broadcast %add3A_1390 : i32 to vector<16xi32>
      %add3A_1393 = arith.addi %add3A_1392, %iota3A_1391 : vector<16xi32>
      %gather3A_1394 = tpu.vector_load_idx %arg7[%add3A_1393] : memref<8192xf32, #tpu.memory_space<vmem>>[vector<16xi32>], vector<16xf32>,
      %max3A_1395 = arith.maximumf %gather3A_1394, %get3A_1388 : vector<16xf32>
      tpu.vector_store_idx %arg7[%add3A_1393], %max3A_1395 : memref<8192xf32, #tpu.memory_space<vmem>>[vector<16xi32>], vector<16xf32>,
      %mul3A_1396 = arith.constant 128 : i32
      %mul3A_1397 = arith.muli %add3A_1369, %mul3A_1396 : i32
      %add3A_1398 = arith.constant 32 : i32
      %add3A_1399 = arith.addi %mul3A_1397, %add3A_1398 : i32
      %get3A_1400 = arith.index_cast %add3A_1399 : i32 to index
      %get3A_1401 = tpu.vector_load %arg5[%get3A_1400] {strides = array<i32>} : memref<40960xf32, #tpu.memory_space<vmem>>, vector<16xf32>,
      %add3A_1402 = arith.constant 32 : i32
      %add3A_1403 = arith.addi %mul3A_1365, %add3A_1402 : i32
      %iota3A_1404 = tpu.iota {dimensions = array<i32: 0>} : vector<16xi32>
      %add3A_1405 = vector.broadcast %add3A_1403 : i32 to vector<16xi32>
      %add3A_1406 = arith.addi %add3A_1405, %iota3A_1404 : vector<16xi32>
      %gather3A_1407 = tpu.vector_load_idx %arg7[%add3A_1406] : memref<8192xf32, #tpu.memory_space<vmem>>[vector<16xi32>], vector<16xf32>,
      %max3A_1408 = arith.maximumf %gather3A_1407, %get3A_1401 : vector<16xf32>
      tpu.vector_store_idx %arg7[%add3A_1406], %max3A_1408 : memref<8192xf32, #tpu.memory_space<vmem>>[vector<16xi32>], vector<16xf32>,
      %mul3A_1409 = arith.constant 128 : i32
      %mul3A_1410 = arith.muli %add3A_1369, %mul3A_1409 : i32
      %add3A_1411 = arith.constant 48 : i32
      %add3A_1412 = arith.addi %mul3A_1410, %add3A_1411 : i32
      %get3A_1413 = arith.index_cast %add3A_1412 : i32 to index
      %get3A_1414 = tpu.vector_load %arg5[%get3A_1413] {strides = array<i32>} : memref<40960xf32, #tpu.memory_space<vmem>>, vector<16xf32>,
      %add3A_1415 = arith.constant 48 : i32
      %add3A_1416 = arith.addi %mul3A_1365, %add3A_1415 : i32
      %iota3A_1417 = tpu.iota {dimensions = array<i32: 0>} : vector<16xi32>
      %add3A_1418 = vector.broadcast %add3A_1416 : i32 to vector<16xi32>
      %add3A_1419 = arith.addi %add3A_1418, %iota3A_1417 : vector<16xi32>
      %gather3A_1420 = tpu.vector_load_idx %arg7[%add3A_1419] : memref<8192xf32, #tpu.memory_space<vmem>>[vector<16xi32>], vector<16xf32>,
      %max3A_1421 = arith.maximumf %gather3A_1420, %get3A_1414 : vector<16xf32>
      tpu.vector_store_idx %arg7[%add3A_1419], %max3A_1421 : memref<8192xf32, #tpu.memory_space<vmem>>[vector<16xi32>], vector<16xf32>,
      %mul3A_1422 = arith.constant 128 : i32
      %mul3A_1423 = arith.muli %add3A_1369, %mul3A_1422 : i32
      %add3A_1424 = arith.constant 64 : i32
      %add3A_1425 = arith.addi %mul3A_1423, %add3A_1424 : i32
      %get3A_1426 = arith.index_cast %add3A_1425 : i32 to index
      %get3A_1427 = tpu.vector_load %arg5[%get3A_1426] {strides = array<i32>} : memref<40960xf32, #tpu.memory_space<vmem>>, vector<16xf32>,
      %add3A_1428 = arith.constant 64 : i32
      %add3A_1429 = arith.addi %mul3A_1365, %add3A_1428 : i32
      %iota3A_1430 = tpu.iota {dimensions = array<i32: 0>} : vector<16xi32>
      %add3A_1431 = vector.broadcast %add3A_1429 : i32 to vector<16xi32>
      %add3A_1432 = arith.addi %add3A_1431, %iota3A_1430 : vector<16xi32>
      %gather3A_1433 = tpu.vector_load_idx %arg7[%add3A_1432] : memref<8192xf32, #tpu.memory_space<vmem>>[vector<16xi32>], vector<16xf32>,
      %max3A_1434 = arith.maximumf %gather3A_1433, %get3A_1427 : vector<16xf32>
      tpu.vector_store_idx %arg7[%add3A_1432], %max3A_1434 : memref<8192xf32, #tpu.memory_space<vmem>>[vector<16xi32>], vector<16xf32>,
      %mul3A_1435 = arith.constant 128 : i32
      %mul3A_1436 = arith.muli %add3A_1369, %mul3A_1435 : i32
      %add3A_1437 = arith.constant 80 : i32
      %add3A_1438 = arith.addi %mul3A_1436, %add3A_1437 : i32
      %get3A_1439 = arith.index_cast %add3A_1438 : i32 to index
      %get3A_1440 = tpu.vector_load %arg5[%get3A_1439] {strides = array<i32>} : memref<40960xf32, #tpu.memory_space<vmem>>, vector<16xf32>,
      %add3A_1441 = arith.constant 80 : i32
      %add3A_1442 = arith.addi %mul3A_1365, %add3A_1441 : i32
      %iota3A_1443 = tpu.iota {dimensions = array<i32: 0>} : vector<16xi32>
      %add3A_1444 = vector.broadcast %add3A_1442 : i32 to vector<16xi32>
      %add3A_1445 = arith.addi %add3A_1444, %iota3A_1443 : vector<16xi32>
      %gather3A_1446 = tpu.vector_load_idx %arg7[%add3A_1445] : memref<8192xf32, #tpu.memory_space<vmem>>[vector<16xi32>], vector<16xf32>,
      %max3A_1447 = arith.maximumf %gather3A_1446, %get3A_1440 : vector<16xf32>
      tpu.vector_store_idx %arg7[%add3A_1445], %max3A_1447 : memref<8192xf32, #tpu.memory_space<vmem>>[vector<16xi32>], vector<16xf32>,
      %mul3A_1448 = arith.constant 128 : i32
      %mul3A_1449 = arith.muli %add3A_1369, %mul3A_1448 : i32
      %add3A_1450 = arith.constant 96 : i32
      %add3A_1451 = arith.addi %mul3A_1449, %add3A_1450 : i32
      %get3A_1452 = arith.index_cast %add3A_1451 : i32 to index
      %get3A_1453 = tpu.vector_load %arg5[%get3A_1452] {strides = array<i32>} : memref<40960xf32, #tpu.memory_space<vmem>>, vector<16xf32>,
      %add3A_1454 = arith.constant 96 : i32
      %add3A_1455 = arith.addi %mul3A_1365, %add3A_1454 : i32
      %iota3A_1456 = tpu.iota {dimensions = array<i32: 0>} : vector<16xi32>
      %add3A_1457 = vector.broadcast %add3A_1455 : i32 to vector<16xi32>
      %add3A_1458 = arith.addi %add3A_1457, %iota3A_1456 : vector<16xi32>
      %gather3A_1459 = tpu.vector_load_idx %arg7[%add3A_1458] : memref<8192xf32, #tpu.memory_space<vmem>>[vector<16xi32>], vector<16xf32>,
      %max3A_1460 = arith.maximumf %gather3A_1459, %get3A_1453 : vector<16xf32>
      tpu.vector_store_idx %arg7[%add3A_1458], %max3A_1460 : memref<8192xf32, #tpu.memory_space<vmem>>[vector<16xi32>], vector<16xf32>,
      %mul3A_1461 = arith.constant 128 : i32
      %mul3A_1462 = arith.muli %add3A_1369, %mul3A_1461 : i32
      %add3A_1463 = arith.constant 112 : i32
      %add3A_1464 = arith.addi %mul3A_1462, %add3A_1463 : i32
      %get3A_1465 = arith.index_cast %add3A_1464 : i32 to index
      %get3A_1466 = tpu.vector_load %arg5[%get3A_1465] {strides = array<i32>} : memref<40960xf32, #tpu.memory_space<vmem>>, vector<16xf32>,
      %add3A_1467 = arith.constant 112 : i32
      %add3A_1468 = arith.addi %mul3A_1365, %add3A_1467 : i32
      %iota3A_1469 = tpu.iota {dimensions = array<i32: 0>} : vector<16xi32>
      %add3A_1470 = vector.broadcast %add3A_1468 : i32 to vector<16xi32>
      %add3A_1471 = arith.addi %add3A_1470, %iota3A_1469 : vector<16xi32>
      %gather3A_1472 = tpu.vector_load_idx %arg7[%add3A_1471] : memref<8192xf32, #tpu.memory_space<vmem>>[vector<16xi32>], vector<16xf32>,
      %max3A_1473 = arith.maximumf %gather3A_1472, %get3A_1466 : vector<16xf32>
      tpu.vector_store_idx %arg7[%add3A_1471], %max3A_1473 : memref<8192xf32, #tpu.memory_space<vmem>>[vector<16xi32>], vector<16xf32>,
      %slice3A_1474 = vector.extract_strided_slice %get3A_22 {offsets = [13], sizes = [1], strides = [1]} : vector<16xi32> to vector<1xi32>
      %squeeze3A_1475 = vector.extract %slice3A_1474[0] : i32 from vector<1xi32>
      %mul3A_1476 = arith.constant 128 : i32
      %mul3A_1477 = arith.muli %squeeze3A_1475, %mul3A_1476 : i32
      %mul3A_1478 = arith.constant 16 : i32
      %mul3A_1479 = arith.muli %scan3A_18, %mul3A_1478 : i32
      %add3A_1480 = arith.constant 13 : i32
      %add3A_1481 = arith.addi %mul3A_1479, %add3A_1480 : i32
      %mul3A_1482 = arith.constant 128 : i32
      %mul3A_1483 = arith.muli %add3A_1481, %mul3A_1482 : i32
      %add3A_1484 = arith.constant 0 : i32
      %add3A_1485 = arith.addi %mul3A_1483, %add3A_1484 : i32
      %get3A_1486 = arith.index_cast %add3A_1485 : i32 to index
      %get3A_1487 = tpu.vector_load %arg5[%get3A_1486] {strides = array<i32>} : memref<40960xf32, #tpu.memory_space<vmem>>, vector<16xf32>,
      %add3A_1488 = arith.constant 0 : i32
      %add3A_1489 = arith.addi %mul3A_1477, %add3A_1488 : i32
      %iota3A_1490 = tpu.iota {dimensions = array<i32: 0>} : vector<16xi32>
      %add3A_1491 = vector.broadcast %add3A_1489 : i32 to vector<16xi32>
      %add3A_1492 = arith.addi %add3A_1491, %iota3A_1490 : vector<16xi32>
      %gather3A_1493 = tpu.vector_load_idx %arg7[%add3A_1492] : memref<8192xf32, #tpu.memory_space<vmem>>[vector<16xi32>], vector<16xf32>,
      %max3A_1494 = arith.maximumf %gather3A_1493, %get3A_1487 : vector<16xf32>
      tpu.vector_store_idx %arg7[%add3A_1492], %max3A_1494 : memref<8192xf32, #tpu.memory_space<vmem>>[vector<16xi32>], vector<16xf32>,
      %mul3A_1495 = arith.constant 128 : i32
      %mul3A_1496 = arith.muli %add3A_1481, %mul3A_1495 : i32
      %add3A_1497 = arith.constant 16 : i32
      %add3A_1498 = arith.addi %mul3A_1496, %add3A_1497 : i32
      %get3A_1499 = arith.index_cast %add3A_1498 : i32 to index
      %get3A_1500 = tpu.vector_load %arg5[%get3A_1499] {strides = array<i32>} : memref<40960xf32, #tpu.memory_space<vmem>>, vector<16xf32>,
      %add3A_1501 = arith.constant 16 : i32
      %add3A_1502 = arith.addi %mul3A_1477, %add3A_1501 : i32
      %iota3A_1503 = tpu.iota {dimensions = array<i32: 0>} : vector<16xi32>
      %add3A_1504 = vector.broadcast %add3A_1502 : i32 to vector<16xi32>
      %add3A_1505 = arith.addi %add3A_1504, %iota3A_1503 : vector<16xi32>
      %gather3A_1506 = tpu.vector_load_idx %arg7[%add3A_1505] : memref<8192xf32, #tpu.memory_space<vmem>>[vector<16xi32>], vector<16xf32>,
      %max3A_1507 = arith.maximumf %gather3A_1506, %get3A_1500 : vector<16xf32>
      tpu.vector_store_idx %arg7[%add3A_1505], %max3A_1507 : memref<8192xf32, #tpu.memory_space<vmem>>[vector<16xi32>], vector<16xf32>,
      %mul3A_1508 = arith.constant 128 : i32
      %mul3A_1509 = arith.muli %add3A_1481, %mul3A_1508 : i32
      %add3A_1510 = arith.constant 32 : i32
      %add3A_1511 = arith.addi %mul3A_1509, %add3A_1510 : i32
      %get3A_1512 = arith.index_cast %add3A_1511 : i32 to index
      %get3A_1513 = tpu.vector_load %arg5[%get3A_1512] {strides = array<i32>} : memref<40960xf32, #tpu.memory_space<vmem>>, vector<16xf32>,
      %add3A_1514 = arith.constant 32 : i32
      %add3A_1515 = arith.addi %mul3A_1477, %add3A_1514 : i32
      %iota3A_1516 = tpu.iota {dimensions = array<i32: 0>} : vector<16xi32>
      %add3A_1517 = vector.broadcast %add3A_1515 : i32 to vector<16xi32>
      %add3A_1518 = arith.addi %add3A_1517, %iota3A_1516 : vector<16xi32>
      %gather3A_1519 = tpu.vector_load_idx %arg7[%add3A_1518] : memref<8192xf32, #tpu.memory_space<vmem>>[vector<16xi32>], vector<16xf32>,
      %max3A_1520 = arith.maximumf %gather3A_1519, %get3A_1513 : vector<16xf32>
      tpu.vector_store_idx %arg7[%add3A_1518], %max3A_1520 : memref<8192xf32, #tpu.memory_space<vmem>>[vector<16xi32>], vector<16xf32>,
      %mul3A_1521 = arith.constant 128 : i32
      %mul3A_1522 = arith.muli %add3A_1481, %mul3A_1521 : i32
      %add3A_1523 = arith.constant 48 : i32
      %add3A_1524 = arith.addi %mul3A_1522, %add3A_1523 : i32
      %get3A_1525 = arith.index_cast %add3A_1524 : i32 to index
      %get3A_1526 = tpu.vector_load %arg5[%get3A_1525] {strides = array<i32>} : memref<40960xf32, #tpu.memory_space<vmem>>, vector<16xf32>,
      %add3A_1527 = arith.constant 48 : i32
      %add3A_1528 = arith.addi %mul3A_1477, %add3A_1527 : i32
      %iota3A_1529 = tpu.iota {dimensions = array<i32: 0>} : vector<16xi32>
      %add3A_1530 = vector.broadcast %add3A_1528 : i32 to vector<16xi32>
      %add3A_1531 = arith.addi %add3A_1530, %iota3A_1529 : vector<16xi32>
      %gather3A_1532 = tpu.vector_load_idx %arg7[%add3A_1531] : memref<8192xf32, #tpu.memory_space<vmem>>[vector<16xi32>], vector<16xf32>,
      %max3A_1533 = arith.maximumf %gather3A_1532, %get3A_1526 : vector<16xf32>
      tpu.vector_store_idx %arg7[%add3A_1531], %max3A_1533 : memref<8192xf32, #tpu.memory_space<vmem>>[vector<16xi32>], vector<16xf32>,
      %mul3A_1534 = arith.constant 128 : i32
      %mul3A_1535 = arith.muli %add3A_1481, %mul3A_1534 : i32
      %add3A_1536 = arith.constant 64 : i32
      %add3A_1537 = arith.addi %mul3A_1535, %add3A_1536 : i32
      %get3A_1538 = arith.index_cast %add3A_1537 : i32 to index
      %get3A_1539 = tpu.vector_load %arg5[%get3A_1538] {strides = array<i32>} : memref<40960xf32, #tpu.memory_space<vmem>>, vector<16xf32>,
      %add3A_1540 = arith.constant 64 : i32
      %add3A_1541 = arith.addi %mul3A_1477, %add3A_1540 : i32
      %iota3A_1542 = tpu.iota {dimensions = array<i32: 0>} : vector<16xi32>
      %add3A_1543 = vector.broadcast %add3A_1541 : i32 to vector<16xi32>
      %add3A_1544 = arith.addi %add3A_1543, %iota3A_1542 : vector<16xi32>
      %gather3A_1545 = tpu.vector_load_idx %arg7[%add3A_1544] : memref<8192xf32, #tpu.memory_space<vmem>>[vector<16xi32>], vector<16xf32>,
      %max3A_1546 = arith.maximumf %gather3A_1545, %get3A_1539 : vector<16xf32>
      tpu.vector_store_idx %arg7[%add3A_1544], %max3A_1546 : memref<8192xf32, #tpu.memory_space<vmem>>[vector<16xi32>], vector<16xf32>,
      %mul3A_1547 = arith.constant 128 : i32
      %mul3A_1548 = arith.muli %add3A_1481, %mul3A_1547 : i32
      %add3A_1549 = arith.constant 80 : i32
      %add3A_1550 = arith.addi %mul3A_1548, %add3A_1549 : i32
      %get3A_1551 = arith.index_cast %add3A_1550 : i32 to index
      %get3A_1552 = tpu.vector_load %arg5[%get3A_1551] {strides = array<i32>} : memref<40960xf32, #tpu.memory_space<vmem>>, vector<16xf32>,
      %add3A_1553 = arith.constant 80 : i32
      %add3A_1554 = arith.addi %mul3A_1477, %add3A_1553 : i32
      %iota3A_1555 = tpu.iota {dimensions = array<i32: 0>} : vector<16xi32>
      %add3A_1556 = vector.broadcast %add3A_1554 : i32 to vector<16xi32>
      %add3A_1557 = arith.addi %add3A_1556, %iota3A_1555 : vector<16xi32>
      %gather3A_1558 = tpu.vector_load_idx %arg7[%add3A_1557] : memref<8192xf32, #tpu.memory_space<vmem>>[vector<16xi32>], vector<16xf32>,
      %max3A_1559 = arith.maximumf %gather3A_1558, %get3A_1552 : vector<16xf32>
      tpu.vector_store_idx %arg7[%add3A_1557], %max3A_1559 : memref<8192xf32, #tpu.memory_space<vmem>>[vector<16xi32>], vector<16xf32>,
      %mul3A_1560 = arith.constant 128 : i32
      %mul3A_1561 = arith.muli %add3A_1481, %mul3A_1560 : i32
      %add3A_1562 = arith.constant 96 : i32
      %add3A_1563 = arith.addi %mul3A_1561, %add3A_1562 : i32
      %get3A_1564 = arith.index_cast %add3A_1563 : i32 to index
      %get3A_1565 = tpu.vector_load %arg5[%get3A_1564] {strides = array<i32>} : memref<40960xf32, #tpu.memory_space<vmem>>, vector<16xf32>,
      %add3A_1566 = arith.constant 96 : i32
      %add3A_1567 = arith.addi %mul3A_1477, %add3A_1566 : i32
      %iota3A_1568 = tpu.iota {dimensions = array<i32: 0>} : vector<16xi32>
      %add3A_1569 = vector.broadcast %add3A_1567 : i32 to vector<16xi32>
      %add3A_1570 = arith.addi %add3A_1569, %iota3A_1568 : vector<16xi32>
      %gather3A_1571 = tpu.vector_load_idx %arg7[%add3A_1570] : memref<8192xf32, #tpu.memory_space<vmem>>[vector<16xi32>], vector<16xf32>,
      %max3A_1572 = arith.maximumf %gather3A_1571, %get3A_1565 : vector<16xf32>
      tpu.vector_store_idx %arg7[%add3A_1570], %max3A_1572 : memref<8192xf32, #tpu.memory_space<vmem>>[vector<16xi32>], vector<16xf32>,
      %mul3A_1573 = arith.constant 128 : i32
      %mul3A_1574 = arith.muli %add3A_1481, %mul3A_1573 : i32
      %add3A_1575 = arith.constant 112 : i32
      %add3A_1576 = arith.addi %mul3A_1574, %add3A_1575 : i32
      %get3A_1577 = arith.index_cast %add3A_1576 : i32 to index
      %get3A_1578 = tpu.vector_load %arg5[%get3A_1577] {strides = array<i32>} : memref<40960xf32, #tpu.memory_space<vmem>>, vector<16xf32>,
      %add3A_1579 = arith.constant 112 : i32
      %add3A_1580 = arith.addi %mul3A_1477, %add3A_1579 : i32
      %iota3A_1581 = tpu.iota {dimensions = array<i32: 0>} : vector<16xi32>
      %add3A_1582 = vector.broadcast %add3A_1580 : i32 to vector<16xi32>
      %add3A_1583 = arith.addi %add3A_1582, %iota3A_1581 : vector<16xi32>
      %gather3A_1584 = tpu.vector_load_idx %arg7[%add3A_1583] : memref<8192xf32, #tpu.memory_space<vmem>>[vector<16xi32>], vector<16xf32>,
      %max3A_1585 = arith.maximumf %gather3A_1584, %get3A_1578 : vector<16xf32>
      tpu.vector_store_idx %arg7[%add3A_1583], %max3A_1585 : memref<8192xf32, #tpu.memory_space<vmem>>[vector<16xi32>], vector<16xf32>,
      %slice3A_1586 = vector.extract_strided_slice %get3A_22 {offsets = [14], sizes = [1], strides = [1]} : vector<16xi32> to vector<1xi32>
      %squeeze3A_1587 = vector.extract %slice3A_1586[0] : i32 from vector<1xi32>
      %mul3A_1588 = arith.constant 128 : i32
      %mul3A_1589 = arith.muli %squeeze3A_1587, %mul3A_1588 : i32
      %mul3A_1590 = arith.constant 16 : i32
      %mul3A_1591 = arith.muli %scan3A_18, %mul3A_1590 : i32
      %add3A_1592 = arith.constant 14 : i32
      %add3A_1593 = arith.addi %mul3A_1591, %add3A_1592 : i32
      %mul3A_1594 = arith.constant 128 : i32
      %mul3A_1595 = arith.muli %add3A_1593, %mul3A_1594 : i32
      %add3A_1596 = arith.constant 0 : i32
      %add3A_1597 = arith.addi %mul3A_1595, %add3A_1596 : i32
      %get3A_1598 = arith.index_cast %add3A_1597 : i32 to index
      %get3A_1599 = tpu.vector_load %arg5[%get3A_1598] {strides = array<i32>} : memref<40960xf32, #tpu.memory_space<vmem>>, vector<16xf32>,
      %add3A_1600 = arith.constant 0 : i32
      %add3A_1601 = arith.addi %mul3A_1589, %add3A_1600 : i32
      %iota3A_1602 = tpu.iota {dimensions = array<i32: 0>} : vector<16xi32>
      %add3A_1603 = vector.broadcast %add3A_1601 : i32 to vector<16xi32>
      %add3A_1604 = arith.addi %add3A_1603, %iota3A_1602 : vector<16xi32>
      %gather3A_1605 = tpu.vector_load_idx %arg7[%add3A_1604] : memref<8192xf32, #tpu.memory_space<vmem>>[vector<16xi32>], vector<16xf32>,
      %max3A_1606 = arith.maximumf %gather3A_1605, %get3A_1599 : vector<16xf32>
      tpu.vector_store_idx %arg7[%add3A_1604], %max3A_1606 : memref<8192xf32, #tpu.memory_space<vmem>>[vector<16xi32>], vector<16xf32>,
      %mul3A_1607 = arith.constant 128 : i32
      %mul3A_1608 = arith.muli %add3A_1593, %mul3A_1607 : i32
      %add3A_1609 = arith.constant 16 : i32
      %add3A_1610 = arith.addi %mul3A_1608, %add3A_1609 : i32
      %get3A_1611 = arith.index_cast %add3A_1610 : i32 to index
      %get3A_1612 = tpu.vector_load %arg5[%get3A_1611] {strides = array<i32>} : memref<40960xf32, #tpu.memory_space<vmem>>, vector<16xf32>,
      %add3A_1613 = arith.constant 16 : i32
      %add3A_1614 = arith.addi %mul3A_1589, %add3A_1613 : i32
      %iota3A_1615 = tpu.iota {dimensions = array<i32: 0>} : vector<16xi32>
      %add3A_1616 = vector.broadcast %add3A_1614 : i32 to vector<16xi32>
      %add3A_1617 = arith.addi %add3A_1616, %iota3A_1615 : vector<16xi32>
      %gather3A_1618 = tpu.vector_load_idx %arg7[%add3A_1617] : memref<8192xf32, #tpu.memory_space<vmem>>[vector<16xi32>], vector<16xf32>,
      %max3A_1619 = arith.maximumf %gather3A_1618, %get3A_1612 : vector<16xf32>
      tpu.vector_store_idx %arg7[%add3A_1617], %max3A_1619 : memref<8192xf32, #tpu.memory_space<vmem>>[vector<16xi32>], vector<16xf32>,
      %mul3A_1620 = arith.constant 128 : i32
      %mul3A_1621 = arith.muli %add3A_1593, %mul3A_1620 : i32
      %add3A_1622 = arith.constant 32 : i32
      %add3A_1623 = arith.addi %mul3A_1621, %add3A_1622 : i32
      %get3A_1624 = arith.index_cast %add3A_1623 : i32 to index
      %get3A_1625 = tpu.vector_load %arg5[%get3A_1624] {strides = array<i32>} : memref<40960xf32, #tpu.memory_space<vmem>>, vector<16xf32>,
      %add3A_1626 = arith.constant 32 : i32
      %add3A_1627 = arith.addi %mul3A_1589, %add3A_1626 : i32
      %iota3A_1628 = tpu.iota {dimensions = array<i32: 0>} : vector<16xi32>
      %add3A_1629 = vector.broadcast %add3A_1627 : i32 to vector<16xi32>
      %add3A_1630 = arith.addi %add3A_1629, %iota3A_1628 : vector<16xi32>
      %gather3A_1631 = tpu.vector_load_idx %arg7[%add3A_1630] : memref<8192xf32, #tpu.memory_space<vmem>>[vector<16xi32>], vector<16xf32>,
      %max3A_1632 = arith.maximumf %gather3A_1631, %get3A_1625 : vector<16xf32>
      tpu.vector_store_idx %arg7[%add3A_1630], %max3A_1632 : memref<8192xf32, #tpu.memory_space<vmem>>[vector<16xi32>], vector<16xf32>,
      %mul3A_1633 = arith.constant 128 : i32
      %mul3A_1634 = arith.muli %add3A_1593, %mul3A_1633 : i32
      %add3A_1635 = arith.constant 48 : i32
      %add3A_1636 = arith.addi %mul3A_1634, %add3A_1635 : i32
      %get3A_1637 = arith.index_cast %add3A_1636 : i32 to index
      %get3A_1638 = tpu.vector_load %arg5[%get3A_1637] {strides = array<i32>} : memref<40960xf32, #tpu.memory_space<vmem>>, vector<16xf32>,
      %add3A_1639 = arith.constant 48 : i32
      %add3A_1640 = arith.addi %mul3A_1589, %add3A_1639 : i32
      %iota3A_1641 = tpu.iota {dimensions = array<i32: 0>} : vector<16xi32>
      %add3A_1642 = vector.broadcast %add3A_1640 : i32 to vector<16xi32>
      %add3A_1643 = arith.addi %add3A_1642, %iota3A_1641 : vector<16xi32>
      %gather3A_1644 = tpu.vector_load_idx %arg7[%add3A_1643] : memref<8192xf32, #tpu.memory_space<vmem>>[vector<16xi32>], vector<16xf32>,
      %max3A_1645 = arith.maximumf %gather3A_1644, %get3A_1638 : vector<16xf32>
      tpu.vector_store_idx %arg7[%add3A_1643], %max3A_1645 : memref<8192xf32, #tpu.memory_space<vmem>>[vector<16xi32>], vector<16xf32>,
      %mul3A_1646 = arith.constant 128 : i32
      %mul3A_1647 = arith.muli %add3A_1593, %mul3A_1646 : i32
      %add3A_1648 = arith.constant 64 : i32
      %add3A_1649 = arith.addi %mul3A_1647, %add3A_1648 : i32
      %get3A_1650 = arith.index_cast %add3A_1649 : i32 to index
      %get3A_1651 = tpu.vector_load %arg5[%get3A_1650] {strides = array<i32>} : memref<40960xf32, #tpu.memory_space<vmem>>, vector<16xf32>,
      %add3A_1652 = arith.constant 64 : i32
      %add3A_1653 = arith.addi %mul3A_1589, %add3A_1652 : i32
      %iota3A_1654 = tpu.iota {dimensions = array<i32: 0>} : vector<16xi32>
      %add3A_1655 = vector.broadcast %add3A_1653 : i32 to vector<16xi32>
      %add3A_1656 = arith.addi %add3A_1655, %iota3A_1654 : vector<16xi32>
      %gather3A_1657 = tpu.vector_load_idx %arg7[%add3A_1656] : memref<8192xf32, #tpu.memory_space<vmem>>[vector<16xi32>], vector<16xf32>,
      %max3A_1658 = arith.maximumf %gather3A_1657, %get3A_1651 : vector<16xf32>
      tpu.vector_store_idx %arg7[%add3A_1656], %max3A_1658 : memref<8192xf32, #tpu.memory_space<vmem>>[vector<16xi32>], vector<16xf32>,
      %mul3A_1659 = arith.constant 128 : i32
      %mul3A_1660 = arith.muli %add3A_1593, %mul3A_1659 : i32
      %add3A_1661 = arith.constant 80 : i32
      %add3A_1662 = arith.addi %mul3A_1660, %add3A_1661 : i32
      %get3A_1663 = arith.index_cast %add3A_1662 : i32 to index
      %get3A_1664 = tpu.vector_load %arg5[%get3A_1663] {strides = array<i32>} : memref<40960xf32, #tpu.memory_space<vmem>>, vector<16xf32>,
      %add3A_1665 = arith.constant 80 : i32
      %add3A_1666 = arith.addi %mul3A_1589, %add3A_1665 : i32
      %iota3A_1667 = tpu.iota {dimensions = array<i32: 0>} : vector<16xi32>
      %add3A_1668 = vector.broadcast %add3A_1666 : i32 to vector<16xi32>
      %add3A_1669 = arith.addi %add3A_1668, %iota3A_1667 : vector<16xi32>
      %gather3A_1670 = tpu.vector_load_idx %arg7[%add3A_1669] : memref<8192xf32, #tpu.memory_space<vmem>>[vector<16xi32>], vector<16xf32>,
      %max3A_1671 = arith.maximumf %gather3A_1670, %get3A_1664 : vector<16xf32>
      tpu.vector_store_idx %arg7[%add3A_1669], %max3A_1671 : memref<8192xf32, #tpu.memory_space<vmem>>[vector<16xi32>], vector<16xf32>,
      %mul3A_1672 = arith.constant 128 : i32
      %mul3A_1673 = arith.muli %add3A_1593, %mul3A_1672 : i32
      %add3A_1674 = arith.constant 96 : i32
      %add3A_1675 = arith.addi %mul3A_1673, %add3A_1674 : i32
      %get3A_1676 = arith.index_cast %add3A_1675 : i32 to index
      %get3A_1677 = tpu.vector_load %arg5[%get3A_1676] {strides = array<i32>} : memref<40960xf32, #tpu.memory_space<vmem>>, vector<16xf32>,
      %add3A_1678 = arith.constant 96 : i32
      %add3A_1679 = arith.addi %mul3A_1589, %add3A_1678 : i32
      %iota3A_1680 = tpu.iota {dimensions = array<i32: 0>} : vector<16xi32>
      %add3A_1681 = vector.broadcast %add3A_1679 : i32 to vector<16xi32>
      %add3A_1682 = arith.addi %add3A_1681, %iota3A_1680 : vector<16xi32>
      %gather3A_1683 = tpu.vector_load_idx %arg7[%add3A_1682] : memref<8192xf32, #tpu.memory_space<vmem>>[vector<16xi32>], vector<16xf32>,
      %max3A_1684 = arith.maximumf %gather3A_1683, %get3A_1677 : vector<16xf32>
      tpu.vector_store_idx %arg7[%add3A_1682], %max3A_1684 : memref<8192xf32, #tpu.memory_space<vmem>>[vector<16xi32>], vector<16xf32>,
      %mul3A_1685 = arith.constant 128 : i32
      %mul3A_1686 = arith.muli %add3A_1593, %mul3A_1685 : i32
      %add3A_1687 = arith.constant 112 : i32
      %add3A_1688 = arith.addi %mul3A_1686, %add3A_1687 : i32
      %get3A_1689 = arith.index_cast %add3A_1688 : i32 to index
      %get3A_1690 = tpu.vector_load %arg5[%get3A_1689] {strides = array<i32>} : memref<40960xf32, #tpu.memory_space<vmem>>, vector<16xf32>,
      %add3A_1691 = arith.constant 112 : i32
      %add3A_1692 = arith.addi %mul3A_1589, %add3A_1691 : i32
      %iota3A_1693 = tpu.iota {dimensions = array<i32: 0>} : vector<16xi32>
      %add3A_1694 = vector.broadcast %add3A_1692 : i32 to vector<16xi32>
      %add3A_1695 = arith.addi %add3A_1694, %iota3A_1693 : vector<16xi32>
      %gather3A_1696 = tpu.vector_load_idx %arg7[%add3A_1695] : memref<8192xf32, #tpu.memory_space<vmem>>[vector<16xi32>], vector<16xf32>,
      %max3A_1697 = arith.maximumf %gather3A_1696, %get3A_1690 : vector<16xf32>
      tpu.vector_store_idx %arg7[%add3A_1695], %max3A_1697 : memref<8192xf32, #tpu.memory_space<vmem>>[vector<16xi32>], vector<16xf32>,
      %slice3A_1698 = vector.extract_strided_slice %get3A_22 {offsets = [15], sizes = [1], strides = [1]} : vector<16xi32> to vector<1xi32>
      %squeeze3A_1699 = vector.extract %slice3A_1698[0] : i32 from vector<1xi32>
      %mul3A_1700 = arith.constant 128 : i32
      %mul3A_1701 = arith.muli %squeeze3A_1699, %mul3A_1700 : i32
      %mul3A_1702 = arith.constant 16 : i32
      %mul3A_1703 = arith.muli %scan3A_18, %mul3A_1702 : i32
      %add3A_1704 = arith.constant 15 : i32
      %add3A_1705 = arith.addi %mul3A_1703, %add3A_1704 : i32
      %mul3A_1706 = arith.constant 128 : i32
      %mul3A_1707 = arith.muli %add3A_1705, %mul3A_1706 : i32
      %add3A_1708 = arith.constant 0 : i32
      %add3A_1709 = arith.addi %mul3A_1707, %add3A_1708 : i32
      %get3A_1710 = arith.index_cast %add3A_1709 : i32 to index
      %get3A_1711 = tpu.vector_load %arg5[%get3A_1710] {strides = array<i32>} : memref<40960xf32, #tpu.memory_space<vmem>>, vector<16xf32>,
      %add3A_1712 = arith.constant 0 : i32
      %add3A_1713 = arith.addi %mul3A_1701, %add3A_1712 : i32
      %iota3A_1714 = tpu.iota {dimensions = array<i32: 0>} : vector<16xi32>
      %add3A_1715 = vector.broadcast %add3A_1713 : i32 to vector<16xi32>
      %add3A_1716 = arith.addi %add3A_1715, %iota3A_1714 : vector<16xi32>
      %gather3A_1717 = tpu.vector_load_idx %arg7[%add3A_1716] : memref<8192xf32, #tpu.memory_space<vmem>>[vector<16xi32>], vector<16xf32>,
      %max3A_1718 = arith.maximumf %gather3A_1717, %get3A_1711 : vector<16xf32>
      tpu.vector_store_idx %arg7[%add3A_1716], %max3A_1718 : memref<8192xf32, #tpu.memory_space<vmem>>[vector<16xi32>], vector<16xf32>,
      %mul3A_1719 = arith.constant 128 : i32
      %mul3A_1720 = arith.muli %add3A_1705, %mul3A_1719 : i32
      %add3A_1721 = arith.constant 16 : i32
      %add3A_1722 = arith.addi %mul3A_1720, %add3A_1721 : i32
      %get3A_1723 = arith.index_cast %add3A_1722 : i32 to index
      %get3A_1724 = tpu.vector_load %arg5[%get3A_1723] {strides = array<i32>} : memref<40960xf32, #tpu.memory_space<vmem>>, vector<16xf32>,
      %add3A_1725 = arith.constant 16 : i32
      %add3A_1726 = arith.addi %mul3A_1701, %add3A_1725 : i32
      %iota3A_1727 = tpu.iota {dimensions = array<i32: 0>} : vector<16xi32>
      %add3A_1728 = vector.broadcast %add3A_1726 : i32 to vector<16xi32>
      %add3A_1729 = arith.addi %add3A_1728, %iota3A_1727 : vector<16xi32>
      %gather3A_1730 = tpu.vector_load_idx %arg7[%add3A_1729] : memref<8192xf32, #tpu.memory_space<vmem>>[vector<16xi32>], vector<16xf32>,
      %max3A_1731 = arith.maximumf %gather3A_1730, %get3A_1724 : vector<16xf32>
      tpu.vector_store_idx %arg7[%add3A_1729], %max3A_1731 : memref<8192xf32, #tpu.memory_space<vmem>>[vector<16xi32>], vector<16xf32>,
      %mul3A_1732 = arith.constant 128 : i32
      %mul3A_1733 = arith.muli %add3A_1705, %mul3A_1732 : i32
      %add3A_1734 = arith.constant 32 : i32
      %add3A_1735 = arith.addi %mul3A_1733, %add3A_1734 : i32
      %get3A_1736 = arith.index_cast %add3A_1735 : i32 to index
      %get3A_1737 = tpu.vector_load %arg5[%get3A_1736] {strides = array<i32>} : memref<40960xf32, #tpu.memory_space<vmem>>, vector<16xf32>,
      %add3A_1738 = arith.constant 32 : i32
      %add3A_1739 = arith.addi %mul3A_1701, %add3A_1738 : i32
      %iota3A_1740 = tpu.iota {dimensions = array<i32: 0>} : vector<16xi32>
      %add3A_1741 = vector.broadcast %add3A_1739 : i32 to vector<16xi32>
      %add3A_1742 = arith.addi %add3A_1741, %iota3A_1740 : vector<16xi32>
      %gather3A_1743 = tpu.vector_load_idx %arg7[%add3A_1742] : memref<8192xf32, #tpu.memory_space<vmem>>[vector<16xi32>], vector<16xf32>,
      %max3A_1744 = arith.maximumf %gather3A_1743, %get3A_1737 : vector<16xf32>
      tpu.vector_store_idx %arg7[%add3A_1742], %max3A_1744 : memref<8192xf32, #tpu.memory_space<vmem>>[vector<16xi32>], vector<16xf32>,
      %mul3A_1745 = arith.constant 128 : i32
      %mul3A_1746 = arith.muli %add3A_1705, %mul3A_1745 : i32
      %add3A_1747 = arith.constant 48 : i32
      %add3A_1748 = arith.addi %mul3A_1746, %add3A_1747 : i32
      %get3A_1749 = arith.index_cast %add3A_1748 : i32 to index
      %get3A_1750 = tpu.vector_load %arg5[%get3A_1749] {strides = array<i32>} : memref<40960xf32, #tpu.memory_space<vmem>>, vector<16xf32>,
      %add3A_1751 = arith.constant 48 : i32
      %add3A_1752 = arith.addi %mul3A_1701, %add3A_1751 : i32
      %iota3A_1753 = tpu.iota {dimensions = array<i32: 0>} : vector<16xi32>
      %add3A_1754 = vector.broadcast %add3A_1752 : i32 to vector<16xi32>
      %add3A_1755 = arith.addi %add3A_1754, %iota3A_1753 : vector<16xi32>
      %gather3A_1756 = tpu.vector_load_idx %arg7[%add3A_1755] : memref<8192xf32, #tpu.memory_space<vmem>>[vector<16xi32>], vector<16xf32>,
      %max3A_1757 = arith.maximumf %gather3A_1756, %get3A_1750 : vector<16xf32>
      tpu.vector_store_idx %arg7[%add3A_1755], %max3A_1757 : memref<8192xf32, #tpu.memory_space<vmem>>[vector<16xi32>], vector<16xf32>,
      %mul3A_1758 = arith.constant 128 : i32
      %mul3A_1759 = arith.muli %add3A_1705, %mul3A_1758 : i32
      %add3A_1760 = arith.constant 64 : i32
      %add3A_1761 = arith.addi %mul3A_1759, %add3A_1760 : i32
      %get3A_1762 = arith.index_cast %add3A_1761 : i32 to index
      %get3A_1763 = tpu.vector_load %arg5[%get3A_1762] {strides = array<i32>} : memref<40960xf32, #tpu.memory_space<vmem>>, vector<16xf32>,
      %add3A_1764 = arith.constant 64 : i32
      %add3A_1765 = arith.addi %mul3A_1701, %add3A_1764 : i32
      %iota3A_1766 = tpu.iota {dimensions = array<i32: 0>} : vector<16xi32>
      %add3A_1767 = vector.broadcast %add3A_1765 : i32 to vector<16xi32>
      %add3A_1768 = arith.addi %add3A_1767, %iota3A_1766 : vector<16xi32>
      %gather3A_1769 = tpu.vector_load_idx %arg7[%add3A_1768] : memref<8192xf32, #tpu.memory_space<vmem>>[vector<16xi32>], vector<16xf32>,
      %max3A_1770 = arith.maximumf %gather3A_1769, %get3A_1763 : vector<16xf32>
      tpu.vector_store_idx %arg7[%add3A_1768], %max3A_1770 : memref<8192xf32, #tpu.memory_space<vmem>>[vector<16xi32>], vector<16xf32>,
      %mul3A_1771 = arith.constant 128 : i32
      %mul3A_1772 = arith.muli %add3A_1705, %mul3A_1771 : i32
      %add3A_1773 = arith.constant 80 : i32
      %add3A_1774 = arith.addi %mul3A_1772, %add3A_1773 : i32
      %get3A_1775 = arith.index_cast %add3A_1774 : i32 to index
      %get3A_1776 = tpu.vector_load %arg5[%get3A_1775] {strides = array<i32>} : memref<40960xf32, #tpu.memory_space<vmem>>, vector<16xf32>,
      %add3A_1777 = arith.constant 80 : i32
      %add3A_1778 = arith.addi %mul3A_1701, %add3A_1777 : i32
      %iota3A_1779 = tpu.iota {dimensions = array<i32: 0>} : vector<16xi32>
      %add3A_1780 = vector.broadcast %add3A_1778 : i32 to vector<16xi32>
      %add3A_1781 = arith.addi %add3A_1780, %iota3A_1779 : vector<16xi32>
      %gather3A_1782 = tpu.vector_load_idx %arg7[%add3A_1781] : memref<8192xf32, #tpu.memory_space<vmem>>[vector<16xi32>], vector<16xf32>,
      %max3A_1783 = arith.maximumf %gather3A_1782, %get3A_1776 : vector<16xf32>
      tpu.vector_store_idx %arg7[%add3A_1781], %max3A_1783 : memref<8192xf32, #tpu.memory_space<vmem>>[vector<16xi32>], vector<16xf32>,
      %mul3A_1784 = arith.constant 128 : i32
      %mul3A_1785 = arith.muli %add3A_1705, %mul3A_1784 : i32
      %add3A_1786 = arith.constant 96 : i32
      %add3A_1787 = arith.addi %mul3A_1785, %add3A_1786 : i32
      %get3A_1788 = arith.index_cast %add3A_1787 : i32 to index
      %get3A_1789 = tpu.vector_load %arg5[%get3A_1788] {strides = array<i32>} : memref<40960xf32, #tpu.memory_space<vmem>>, vector<16xf32>,
      %add3A_1790 = arith.constant 96 : i32
      %add3A_1791 = arith.addi %mul3A_1701, %add3A_1790 : i32
      %iota3A_1792 = tpu.iota {dimensions = array<i32: 0>} : vector<16xi32>
      %add3A_1793 = vector.broadcast %add3A_1791 : i32 to vector<16xi32>
      %add3A_1794 = arith.addi %add3A_1793, %iota3A_1792 : vector<16xi32>
      %gather3A_1795 = tpu.vector_load_idx %arg7[%add3A_1794] : memref<8192xf32, #tpu.memory_space<vmem>>[vector<16xi32>], vector<16xf32>,
      %max3A_1796 = arith.maximumf %gather3A_1795, %get3A_1789 : vector<16xf32>
      tpu.vector_store_idx %arg7[%add3A_1794], %max3A_1796 : memref<8192xf32, #tpu.memory_space<vmem>>[vector<16xi32>], vector<16xf32>,
      %mul3A_1797 = arith.constant 128 : i32
      %mul3A_1798 = arith.muli %add3A_1705, %mul3A_1797 : i32
      %add3A_1799 = arith.constant 112 : i32
      %add3A_1800 = arith.addi %mul3A_1798, %add3A_1799 : i32
      %get3A_1801 = arith.index_cast %add3A_1800 : i32 to index
      %get3A_1802 = tpu.vector_load %arg5[%get3A_1801] {strides = array<i32>} : memref<40960xf32, #tpu.memory_space<vmem>>, vector<16xf32>,
      %add3A_1803 = arith.constant 112 : i32
      %add3A_1804 = arith.addi %mul3A_1701, %add3A_1803 : i32
      %iota3A_1805 = tpu.iota {dimensions = array<i32: 0>} : vector<16xi32>
      %add3A_1806 = vector.broadcast %add3A_1804 : i32 to vector<16xi32>
      %add3A_1807 = arith.addi %add3A_1806, %iota3A_1805 : vector<16xi32>
      %gather3A_1808 = tpu.vector_load_idx %arg7[%add3A_1807] : memref<8192xf32, #tpu.memory_space<vmem>>[vector<16xi32>], vector<16xf32>,
      %max3A_1809 = arith.maximumf %gather3A_1808, %get3A_1802 : vector<16xf32>
      tpu.vector_store_idx %arg7[%add3A_1807], %max3A_1809 : memref<8192xf32, #tpu.memory_space<vmem>>[vector<16xi32>], vector<16xf32>,
      %scan3A_1810 = arith.constant 0 : i32
      scf.yield %scan3A_1810 : i32
    }
    %scan3A_17 = arith.constant 20 : i32
    "tpu.region"() ({
      %run_scoped3A = tpu.sem_alloc : memref<!tpu.dma_semaphore, #tpu.memory_space<semaphore_mem>>
      %dma_start3A = arith.constant 0 : i32
      %dma_start3A_18 = tpu.memref_slice %arg4[%add3A, %dma_start3A] : memref<32x8192xf32, #tpu.memory_space<hbm>> -> memref<1x8192xf32, #tpu.memory_space<hbm>>
      %dma_start3A_19 = tpu.memref_squeeze %dma_start3A_18 : memref<1x8192xf32, #tpu.memory_space<hbm>> -> memref<8192xf32, #tpu.memory_space<hbm>>
      %dma_start3A_20 = arith.constant 0 : i32
      %dma_start3A_21 = tpu.memref_slice %arg4[%add3A, %dma_start3A_20] : memref<32x8192xf32, #tpu.memory_space<hbm>> -> memref<1x8192xf32, #tpu.memory_space<hbm>>
      %dma_start3A_22 = tpu.memref_squeeze %dma_start3A_21 : memref<1x8192xf32, #tpu.memory_space<hbm>> -> memref<8192xf32, #tpu.memory_space<hbm>>
      tpu.enqueue_dma source(%arg7 : memref<8192xf32, #tpu.memory_space<vmem>>) target(%dma_start3A_22 : memref<8192xf32, #tpu.memory_space<hbm>>) target_semaphore(%run_scoped3A : memref<!tpu.dma_semaphore, #tpu.memory_space<semaphore_mem>>)
      %dma_wait3A = arith.constant 0 : i32
      %dma_wait3A_23 = tpu.memref_slice %arg4[%add3A, %dma_wait3A] : memref<32x8192xf32, #tpu.memory_space<hbm>> -> memref<1x8192xf32, #tpu.memory_space<hbm>>
      %dma_wait3A_24 = tpu.memref_squeeze %dma_wait3A_23 : memref<1x8192xf32, #tpu.memory_space<hbm>> -> memref<8192xf32, #tpu.memory_space<hbm>>
      %dma_wait3A_25 = arith.constant 0 : i32
      %dma_wait3A_26 = tpu.memref_slice %arg4[%add3A, %dma_wait3A_25] : memref<32x8192xf32, #tpu.memory_space<hbm>> -> memref<1x8192xf32, #tpu.memory_space<hbm>>
      %dma_wait3A_27 = tpu.memref_squeeze %dma_wait3A_26 : memref<1x8192xf32, #tpu.memory_space<hbm>> -> memref<8192xf32, #tpu.memory_space<hbm>>
      tpu.wait_dma2 semaphore(%run_scoped3A : memref<!tpu.dma_semaphore, #tpu.memory_space<semaphore_mem>>) src(%arg7 : memref<8192xf32, #tpu.memory_space<vmem>>) dst(%dma_wait3A_27 : memref<8192xf32, #tpu.memory_space<hbm>>)
      tpu.yield
    }) : () -> ()
    return
  }
}

module attributes {stable_mosaic.version = 14 : i64} {
  func.func @_tc_pre(%arg0: memref<10240x32xf32, #tpu.memory_space<vmem>>, %arg1: memref<10240x128xf32, #tpu.memory_space<vmem>>, %arg2: memref<10240x1xf32, #tpu.memory_space<vmem>>, %arg3: memref<2x10240x64xf32, #tpu.memory_space<vmem>>) attributes {dimension_semantics = [], scalar_prefetch = 0 : i64, scratch_operands = 0 : i64, tpu.core_type = #tpu.core_type<tc>} {
    %get3A = arith.constant 0 : index
    %get3A_0 = arith.constant 0 : index
    %get3A_1 = vector.load %arg0[%get3A, %get3A_0] : memref<10240x32xf32, #tpu.memory_space<vmem>>, vector<10240x32xf32>
    %reduce_sum3A = arith.constant dense<0.000000e+00> : vector<10240xf32>
    %reduce_sum3A_2 = vector.multi_reduction <add>, %get3A_1, %reduce_sum3A [1] : vector<10240x32xf32> to vector<10240xf32>
    %broadcast_in_dim3A = vector.shape_cast %reduce_sum3A_2 : vector<10240xf32> to vector<10240x1xf32>
    %max3A = arith.constant 1.000000e+00 : f32
    %max3A_3 = vector.broadcast %max3A : f32 to vector<10240x1xf32>
    %max3A_4 = arith.maximumf %broadcast_in_dim3A, %max3A_3 : vector<10240x1xf32>
    %rsqrt3A = math.rsqrt %max3A_4 : vector<10240x1xf32>
    %swap3A = arith.constant 0 : index
    %swap3A_5 = arith.constant 0 : index
    %swap3A_6 = vector.load %arg2[%swap3A, %swap3A_5] : memref<10240x1xf32, #tpu.memory_space<vmem>>, vector<10240x1xf32>
    tpu.vector_store %arg2[%swap3A, %swap3A_5], %rsqrt3A {strides = array<i32>} : memref<10240x1xf32, #tpu.memory_space<vmem>>, vector<10240x1xf32>,
    %get3A_7 = arith.constant 0 : index
    %get3A_8 = arith.constant 0 : index
    %get3A_9 = vector.load %arg1[%get3A_7, %get3A_8] : memref<10240x128xf32, #tpu.memory_space<vmem>>, vector<10240x128xf32>
    %mul3A = vector.broadcast %rsqrt3A : vector<10240x1xf32> to vector<10240x128xf32>
    %mul3A_10 = arith.mulf %get3A_9, %mul3A : vector<10240x128xf32>
    %slice3A = vector.extract_strided_slice %mul3A_10 {offsets = [0, 0], sizes = [10240, 64], strides = [1, 1]} : vector<10240x128xf32> to vector<10240x64xf32>
    %swap3A_11 = arith.constant 0 : index
    %swap3A_12 = arith.constant 0 : index
    %swap3A_13 = arith.constant 0 : index
    %swap3A_14 = vector.load %arg3[%swap3A_11, %swap3A_12, %swap3A_13] : memref<2x10240x64xf32, #tpu.memory_space<vmem>>, vector<1x10240x64xf32>
    %swap3A_15 = vector.shape_cast %swap3A_14 : vector<1x10240x64xf32> to vector<10240x64xf32>
    %swap3A_16 = vector.shape_cast %slice3A : vector<10240x64xf32> to vector<1x10240x64xf32>
    tpu.vector_store %arg3[%swap3A_11, %swap3A_12, %swap3A_13], %swap3A_16 {strides = array<i32>} : memref<2x10240x64xf32, #tpu.memory_space<vmem>>, vector<1x10240x64xf32>,
    %slice3A_17 = vector.extract_strided_slice %mul3A_10 {offsets = [0, 64], sizes = [10240, 64], strides = [1, 1]} : vector<10240x128xf32> to vector<10240x64xf32>
    %swap3A_18 = arith.constant 1 : index
    %swap3A_19 = arith.constant 0 : index
    %swap3A_20 = arith.constant 0 : index
    %swap3A_21 = vector.load %arg3[%swap3A_18, %swap3A_19, %swap3A_20] : memref<2x10240x64xf32, #tpu.memory_space<vmem>>, vector<1x10240x64xf32>
    %swap3A_22 = vector.shape_cast %swap3A_21 : vector<1x10240x64xf32> to vector<10240x64xf32>
    %swap3A_23 = vector.shape_cast %slice3A_17 : vector<10240x64xf32> to vector<1x10240x64xf32>
    tpu.vector_store %arg3[%swap3A_18, %swap3A_19, %swap3A_20], %swap3A_23 {strides = array<i32>} : memref<2x10240x64xf32, #tpu.memory_space<vmem>>, vector<1x10240x64xf32>,
    return
  }
}

module attributes {stable_mosaic.version = 14 : i64} {
  func.func @_tc_conv(%arg0: memref<2x10240x64xf32, #tpu.memory_space<vmem>>, %arg1: memref<10240x1xf32, #tpu.memory_space<vmem>>, %arg2: memref<128x128xf32, #tpu.memory_space<vmem>>, %arg3: memref<1x128xf32, #tpu.memory_space<vmem>>, %arg4: memref<2x10240x64xf32, #tpu.memory_space<vmem>>) attributes {dimension_semantics = [], scalar_prefetch = 0 : i64, scratch_operands = 0 : i64, tpu.core_type = #tpu.core_type<tc>} {
    %get3A = arith.constant 0 : index
    %get3A_0 = arith.constant 0 : index
    %get3A_1 = arith.constant 0 : index
    %get3A_2 = vector.load %arg0[%get3A, %get3A_0, %get3A_1] : memref<2x10240x64xf32, #tpu.memory_space<vmem>>, vector<1x10240x64xf32>
    %get3A_3 = vector.shape_cast %get3A_2 : vector<1x10240x64xf32> to vector<10240x64xf32>
    %get3A_4 = arith.constant 1 : index
    %get3A_5 = arith.constant 0 : index
    %get3A_6 = arith.constant 0 : index
    %get3A_7 = vector.load %arg0[%get3A_4, %get3A_5, %get3A_6] : memref<2x10240x64xf32, #tpu.memory_space<vmem>>, vector<1x10240x64xf32>
    %get3A_8 = vector.shape_cast %get3A_7 : vector<1x10240x64xf32> to vector<10240x64xf32>
    %concatenate3A = tpu.concatenate %get3A_3, %get3A_8 in 1 : vector<10240x64xf32>, vector<10240x64xf32> -> vector<10240x128xf32>
    %get3A_9 = arith.constant 0 : index
    %get3A_10 = arith.constant 0 : index
    %get3A_11 = vector.load %arg1[%get3A_9, %get3A_10] : memref<10240x1xf32, #tpu.memory_space<vmem>>, vector<10240x1xf32>
    %mul3A = vector.broadcast %get3A_11 : vector<10240x1xf32> to vector<10240x128xf32>
    %mul3A_12 = arith.mulf %concatenate3A, %mul3A : vector<10240x128xf32>
    %get3A_13 = arith.constant 0 : index
    %get3A_14 = arith.constant 0 : index
    %get3A_15 = vector.load %arg2[%get3A_13, %get3A_14] : memref<128x128xf32, #tpu.memory_space<vmem>>, vector<128x128xf32>
    %dot_general3A = arith.constant dense<0.000000e+00> : vector<10240x128xf32>
    %dot_general3A_16 = tpu.matmul %mul3A_12, %get3A_15, %dot_general3A {dimension_numbers = #tpu.dot_dimension_numbers<[1], [0], [0], [1], [0, 0, 1, 1], [], []>, transpose_lhs_hint = false} : vector<10240x128xf32>, vector<128x128xf32>, vector<10240x128xf32> -> vector<10240x128xf32>
    %get3A_17 = arith.constant 0 : index
    %get3A_18 = arith.constant 0 : index
    %get3A_19 = vector.load %arg3[%get3A_17, %get3A_18] : memref<1x128xf32, #tpu.memory_space<vmem>>, vector<1x128xf32>
    %add3A = vector.broadcast %get3A_19 : vector<1x128xf32> to vector<10240x128xf32>
    %add3A_20 = arith.addf %dot_general3A_16, %add3A : vector<10240x128xf32>
    %max3A = arith.constant 0.000000e+00 : f32
    %max3A_21 = vector.broadcast %max3A : f32 to vector<10240x128xf32>
    %max3A_22 = arith.maximumf %add3A_20, %max3A_21 : vector<10240x128xf32>
    %get3A_23 = arith.constant 0 : index
    %get3A_24 = arith.constant 0 : index
    %get3A_25 = vector.load %arg1[%get3A_23, %get3A_24] : memref<10240x1xf32, #tpu.memory_space<vmem>>, vector<10240x1xf32>
    %mul3A_26 = vector.broadcast %get3A_25 : vector<10240x1xf32> to vector<10240x128xf32>
    %mul3A_27 = arith.mulf %max3A_22, %mul3A_26 : vector<10240x128xf32>
    %slice3A = vector.extract_strided_slice %mul3A_27 {offsets = [0, 0], sizes = [10240, 64], strides = [1, 1]} : vector<10240x128xf32> to vector<10240x64xf32>
    %swap3A = arith.constant 0 : index
    %swap3A_28 = arith.constant 0 : index
    %swap3A_29 = arith.constant 0 : index
    %swap3A_30 = vector.load %arg4[%swap3A, %swap3A_28, %swap3A_29] : memref<2x10240x64xf32, #tpu.memory_space<vmem>>, vector<1x10240x64xf32>
    %swap3A_31 = vector.shape_cast %swap3A_30 : vector<1x10240x64xf32> to vector<10240x64xf32>
    %swap3A_32 = vector.shape_cast %slice3A : vector<10240x64xf32> to vector<1x10240x64xf32>
    tpu.vector_store %arg4[%swap3A, %swap3A_28, %swap3A_29], %swap3A_32 {strides = array<i32>} : memref<2x10240x64xf32, #tpu.memory_space<vmem>>, vector<1x10240x64xf32>,
    %slice3A_33 = vector.extract_strided_slice %mul3A_27 {offsets = [0, 64], sizes = [10240, 64], strides = [1, 1]} : vector<10240x128xf32> to vector<10240x64xf32>
    %swap3A_34 = arith.constant 1 : index
    %swap3A_35 = arith.constant 0 : index
    %swap3A_36 = arith.constant 0 : index
    %swap3A_37 = vector.load %arg4[%swap3A_34, %swap3A_35, %swap3A_36] : memref<2x10240x64xf32, #tpu.memory_space<vmem>>, vector<1x10240x64xf32>
    %swap3A_38 = vector.shape_cast %swap3A_37 : vector<1x10240x64xf32> to vector<10240x64xf32>
    %swap3A_39 = vector.shape_cast %slice3A_33 : vector<10240x64xf32> to vector<1x10240x64xf32>
    tpu.vector_store %arg4[%swap3A_34, %swap3A_35, %swap3A_36], %swap3A_39 {strides = array<i32>} : memref<2x10240x64xf32, #tpu.memory_space<vmem>>, vector<1x10240x64xf32>,
    return
  }
}

module attributes {stable_mosaic.version = 14 : i64} {
  func.func @_tc_thresh(%arg0: memref<2x10240x64xf32, #tpu.memory_space<vmem>>, %arg1: memref<10240x1xf32, #tpu.memory_space<vmem>>, %arg2: memref<128x128xf32, #tpu.memory_space<vmem>>, %arg3: memref<1x128xf32, #tpu.memory_space<vmem>>, %arg4: memref<1x128xf32, #tpu.memory_space<vmem>>, %arg5: memref<1x10240xi32, #tpu.memory_space<vmem>>, %arg6: memref<10240x128xf32, #tpu.memory_space<vmem>>, %arg7: memref<64x128xf32, #tpu.memory_space<vmem>>, %arg8: memref<64x1xf32, #tpu.memory_space<vmem>>) attributes {dimension_semantics = [], scalar_prefetch = 0 : i64, scratch_operands = 0 : i64, tpu.core_type = #tpu.core_type<tc>} {
    %get3A = arith.constant 0 : index
    %get3A_0 = arith.constant 0 : index
    %get3A_1 = arith.constant 0 : index
    %get3A_2 = vector.load %arg0[%get3A, %get3A_0, %get3A_1] : memref<2x10240x64xf32, #tpu.memory_space<vmem>>, vector<1x10240x64xf32>
    %get3A_3 = vector.shape_cast %get3A_2 : vector<1x10240x64xf32> to vector<10240x64xf32>
    %get3A_4 = arith.constant 1 : index
    %get3A_5 = arith.constant 0 : index
    %get3A_6 = arith.constant 0 : index
    %get3A_7 = vector.load %arg0[%get3A_4, %get3A_5, %get3A_6] : memref<2x10240x64xf32, #tpu.memory_space<vmem>>, vector<1x10240x64xf32>
    %get3A_8 = vector.shape_cast %get3A_7 : vector<1x10240x64xf32> to vector<10240x64xf32>
    %concatenate3A = tpu.concatenate %get3A_3, %get3A_8 in 1 : vector<10240x64xf32>, vector<10240x64xf32> -> vector<10240x128xf32>
    %get3A_9 = arith.constant 0 : index
    %get3A_10 = arith.constant 0 : index
    %get3A_11 = vector.load %arg1[%get3A_9, %get3A_10] : memref<10240x1xf32, #tpu.memory_space<vmem>>, vector<10240x1xf32>
    %mul3A = vector.broadcast %get3A_11 : vector<10240x1xf32> to vector<10240x128xf32>
    %mul3A_12 = arith.mulf %concatenate3A, %mul3A : vector<10240x128xf32>
    %get3A_13 = arith.constant 0 : index
    %get3A_14 = arith.constant 0 : index
    %get3A_15 = vector.load %arg2[%get3A_13, %get3A_14] : memref<128x128xf32, #tpu.memory_space<vmem>>, vector<128x128xf32>
    %dot_general3A = arith.constant dense<0.000000e+00> : vector<10240x128xf32>
    %dot_general3A_16 = tpu.matmul %mul3A_12, %get3A_15, %dot_general3A {dimension_numbers = #tpu.dot_dimension_numbers<[1], [0], [0], [1], [0, 0, 1, 1], [], []>, transpose_lhs_hint = false} : vector<10240x128xf32>, vector<128x128xf32>, vector<10240x128xf32> -> vector<10240x128xf32>
    %get3A_17 = arith.constant 0 : index
    %get3A_18 = arith.constant 0 : index
    %get3A_19 = vector.load %arg3[%get3A_17, %get3A_18] : memref<1x128xf32, #tpu.memory_space<vmem>>, vector<1x128xf32>
    %add3A = vector.broadcast %get3A_19 : vector<1x128xf32> to vector<10240x128xf32>
    %add3A_20 = arith.addf %dot_general3A_16, %add3A : vector<10240x128xf32>
    %max3A = arith.constant 0.000000e+00 : f32
    %max3A_21 = vector.broadcast %max3A : f32 to vector<10240x128xf32>
    %max3A_22 = arith.maximumf %add3A_20, %max3A_21 : vector<10240x128xf32>
    %get3A_23 = arith.constant 0 : index
    %get3A_24 = arith.constant 0 : index
    %get3A_25 = vector.load %arg4[%get3A_23, %get3A_24] : memref<1x128xf32, #tpu.memory_space<vmem>>, vector<1x128xf32>
    %mul3A_26 = arith.mulf %get3A_25, %get3A_25 : vector<1x128xf32>
    %reduce_sum3A = vector.shape_cast %mul3A_26 : vector<1x128xf32> to vector<1x1x128xf32>
    %reduce_sum3A_27 = arith.constant dense<0.000000e+00> : vector<1xf32>
    %reduce_sum3A_28 = vector.multi_reduction <add>, %reduce_sum3A, %reduce_sum3A_27 [1, 2] : vector<1x1x128xf32> to vector<1xf32>
    %reduce_sum3A_29 = vector.shape_cast %reduce_sum3A_28 : vector<1xf32> to vector<1x1x1xf32>
    %reduce_sum3A_30 = vector.extract %reduce_sum3A_29[0, 0, 0] : f32 from vector<1x1x1xf32>
    %rsqrt3A = math.rsqrt %reduce_sum3A_30 : f32
    %mul3A_31 = vector.broadcast %rsqrt3A : f32 to vector<1x128xf32>
    %mul3A_32 = arith.mulf %get3A_25, %mul3A_31 : vector<1x128xf32>
    %mul3A_33 = vector.broadcast %mul3A_32 : vector<1x128xf32> to vector<10240x128xf32>
    %mul3A_34 = arith.mulf %max3A_22, %mul3A_33 : vector<10240x128xf32>
    %reduce_sum3A_35 = arith.constant dense<0.000000e+00> : vector<10240xf32>
    %reduce_sum3A_36 = vector.multi_reduction <add>, %mul3A_34, %reduce_sum3A_35 [1] : vector<10240x128xf32> to vector<10240xf32>
    %broadcast_in_dim3A = vector.shape_cast %reduce_sum3A_36 : vector<10240xf32> to vector<10240x1xf32>
    %bitcast_convert_type3A = tpu.bitcast %broadcast_in_dim3A : vector<10240x1xf32> -> vector<10240x1xi32>
    %ge3A = arith.constant 0 : i32
    %ge3A_37 = vector.broadcast %ge3A : i32 to vector<10240x1xi32>
    %ge3A_38 = arith.cmpi sge, %bitcast_convert_type3A, %ge3A_37 : vector<10240x1xi32>
    %xor3A = arith.constant 2147483647 : i32
    %xor3A_39 = vector.broadcast %xor3A : i32 to vector<10240x1xi32>
    %xor3A_40 = arith.xori %bitcast_convert_type3A, %xor3A_39 : vector<10240x1xi32>
    %select_n3A = arith.select %ge3A_38, %bitcast_convert_type3A, %xor3A_40 : vector<10240x1xi1>, vector<10240x1xi32>
    %iota3A = tpu.iota {dimensions = array<i32: 0>} : vector<10240x1xi32>
    %lt3A = arith.constant 10000 : i32
    %lt3A_41 = vector.broadcast %lt3A : i32 to vector<10240x1xi32>
    %lt3A_42 = arith.cmpi slt, %iota3A, %lt3A_41 : vector<10240x1xi32>
    %jit3A = arith.constant -2147483648 : i32
    %broadcast_in_dim3A_43 = vector.broadcast %jit3A : i32 to vector<10240x1xi32>
    %select_n3A_44 = arith.select %lt3A_42, %select_n3A, %broadcast_in_dim3A_43 : vector<10240x1xi1>, vector<10240x1xi32>
    %scan3A = arith.constant -2147483648 : i32
    %scan3A_45 = arith.constant 2139095040 : i32
    %scan3A_46 = arith.constant 0 : i32
    %scan3A_47 = arith.constant 32 : i32
    %scan3A_48 = arith.addi %scan3A_46, %scan3A_47 : i32
    %scan3A_49 = arith.constant 1 : i32
    %scan3A_50:2 = scf.for %scan3A_81 = %scan3A_46 to %scan3A_48 step %scan3A_49 iter_args(%scan3A_82 = %scan3A, %scan3A_83 = %scan3A_45) -> (i32, i32)  : i32 {
      %and3A_84 = arith.andi %scan3A_82, %scan3A_83 : i32
      %xor3A_85 = arith.xori %scan3A_82, %scan3A_83 : i32
      %shift_right_arithmetic3A = arith.constant 1 : i32
      %shift_right_arithmetic3A_86 = arith.shrsi %xor3A_85, %shift_right_arithmetic3A : i32
      %add3A_87 = arith.addi %and3A_84, %shift_right_arithmetic3A_86 : i32
      %ge3A_88 = vector.broadcast %add3A_87 : i32 to vector<10240x1xi32>
      %ge3A_89 = arith.cmpi sge, %select_n3A_44, %ge3A_88 : vector<10240x1xi32>
      %convert_element_type3A_90 = arith.extui %ge3A_89 : vector<10240x1xi1> to vector<10240x1xi32>
      %reduce_sum3A_91 = vector.shape_cast %convert_element_type3A_90 : vector<10240x1xi32> to vector<1x10240x1xi32>
      %reduce_sum3A_92 = arith.constant dense<0> : vector<1xi32>
      %reduce_sum3A_93 = vector.multi_reduction <add>, %reduce_sum3A_91, %reduce_sum3A_92 [1, 2] : vector<1x10240x1xi32> to vector<1xi32>
      %reduce_sum3A_94 = vector.shape_cast %reduce_sum3A_93 : vector<1xi32> to vector<1x1x1xi32>
      %reduce_sum3A_95 = vector.extract %reduce_sum3A_94[0, 0, 0] : i32 from vector<1x1x1xi32>
      %ge3A_96 = arith.constant 5000 : i32
      %ge3A_97 = arith.cmpi sge, %reduce_sum3A_95, %ge3A_96 : i32
      %select_n3A_98 = arith.select %ge3A_97, %add3A_87, %scan3A_82 : i32
      %select_n3A_99 = arith.select %ge3A_97, %scan3A_83, %add3A_87 : i32
      scf.yield %select_n3A_98, %select_n3A_99 : i32, i32
    }
    %ge3A_51 = vector.broadcast %scan3A_50#0 : i32 to vector<10240x1xi32>
    %ge3A_52 = arith.cmpi sge, %select_n3A_44, %ge3A_51 : vector<10240x1xi32>
    %and3A = arith.andi %lt3A_42, %ge3A_52 : vector<10240x1xi1>
    %max3A_53 = arith.constant 0.000000e+00 : f32
    %max3A_54 = vector.broadcast %max3A_53 : f32 to vector<10240x1xf32>
    %max3A_55 = arith.maximumf %broadcast_in_dim3A, %max3A_54 : vector<10240x1xf32>
    %jit3A_56 = arith.constant 0.000000e+00 : f32
    %broadcast_in_dim3A_57 = vector.broadcast %jit3A_56 : f32 to vector<10240x1xf32>
    %select_n3A_58 = arith.select %and3A, %max3A_55, %broadcast_in_dim3A_57 : vector<10240x1xi1>, vector<10240x1xf32>
    %mul3A_59 = vector.broadcast %select_n3A_58 : vector<10240x1xf32> to vector<10240x128xf32>
    %mul3A_60 = arith.mulf %max3A_22, %mul3A_59 : vector<10240x128xf32>
    %swap3A = arith.constant 0 : index
    %swap3A_61 = arith.constant 0 : index
    %swap3A_62 = vector.load %arg6[%swap3A, %swap3A_61] : memref<10240x128xf32, #tpu.memory_space<vmem>>, vector<10240x128xf32>
    tpu.vector_store %arg6[%swap3A, %swap3A_61], %mul3A_60 {strides = array<i32>} : memref<10240x128xf32, #tpu.memory_space<vmem>>, vector<10240x128xf32>,
    %iota3A_63 = tpu.iota {dimensions = array<i32: 0>} : vector<64x10240xi32>
    %get3A_64 = arith.constant 0 : index
    %get3A_65 = arith.constant 0 : index
    %get3A_66 = vector.load %arg5[%get3A_64, %get3A_65] : memref<1x10240xi32, #tpu.memory_space<vmem>>, vector<1x10240xi32>
    %eq3A = vector.broadcast %get3A_66 : vector<1x10240xi32> to vector<64x10240xi32>
    %eq3A_67 = arith.cmpi eq, %iota3A_63, %eq3A : vector<64x10240xi32>
    %convert_element_type3A = arith.extui %eq3A_67 : vector<64x10240xi1> to vector<64x10240xi32>
    %convert_element_type3A_68 = arith.sitofp %convert_element_type3A : vector<64x10240xi32> to vector<64x10240xf32>
    %dot_general3A_69 = arith.constant dense<0.000000e+00> : vector<64x128xf32>
    %dot_general3A_70 = tpu.matmul %convert_element_type3A_68, %mul3A_60, %dot_general3A_69 {dimension_numbers = #tpu.dot_dimension_numbers<[1], [0], [0], [1], [0, 0, 1, 1], [], []>, transpose_lhs_hint = false} : vector<64x10240xf32>, vector<10240x128xf32>, vector<64x128xf32> -> vector<64x128xf32>
    %swap3A_71 = arith.constant 0 : index
    %swap3A_72 = arith.constant 0 : index
    %swap3A_73 = vector.load %arg7[%swap3A_71, %swap3A_72] : memref<64x128xf32, #tpu.memory_space<vmem>>, vector<64x128xf32>
    tpu.vector_store %arg7[%swap3A_71, %swap3A_72], %dot_general3A_70 {strides = array<i32>} : memref<64x128xf32, #tpu.memory_space<vmem>>, vector<64x128xf32>,
    %convert_element_type3A_74 = arith.extui %and3A : vector<10240x1xi1> to vector<10240x1xi32>
    %convert_element_type3A_75 = arith.sitofp %convert_element_type3A_74 : vector<10240x1xi32> to vector<10240x1xf32>
    %dot_general3A_76 = arith.constant dense<0.000000e+00> : vector<64x1xf32>
    %dot_general3A_77 = tpu.matmul %convert_element_type3A_68, %convert_element_type3A_75, %dot_general3A_76 {dimension_numbers = #tpu.dot_dimension_numbers<[1], [0], [0], [1], [0, 0, 1, 1], [], []>, transpose_lhs_hint = false} : vector<64x10240xf32>, vector<10240x1xf32>, vector<64x1xf32> -> vector<64x1xf32>
    %swap3A_78 = arith.constant 0 : index
    %swap3A_79 = arith.constant 0 : index
    %swap3A_80 = vector.load %arg8[%swap3A_78, %swap3A_79] : memref<64x1xf32, #tpu.memory_space<vmem>>, vector<64x1xf32>
    tpu.vector_store %arg8[%swap3A_78, %swap3A_79], %dot_general3A_77 {strides = array<i32>} : memref<64x1xf32, #tpu.memory_space<vmem>>, vector<64x1xf32>,
    return
  }
}

module attributes {stable_mosaic.version = 14 : i64} {
  func.func @_tc_head(%arg0: memref<64x128xf32, #tpu.memory_space<vmem>>, %arg1: memref<64x1xf32, #tpu.memory_space<vmem>>, %arg2: memref<32x64x128xf32, #tpu.memory_space<vmem>>, %arg3: memref<256x128xf32, #tpu.memory_space<vmem>>, %arg4: memref<1x128xf32, #tpu.memory_space<vmem>>, %arg5: memref<128x10xf32, #tpu.memory_space<vmem>>, %arg6: memref<1x10xf32, #tpu.memory_space<vmem>>, %arg7: memref<64x10xf32, #tpu.memory_space<vmem>>) attributes {dimension_semantics = [], scalar_prefetch = 0 : i64, scratch_operands = 0 : i64, tpu.core_type = #tpu.core_type<tc>} {
    %get3A = arith.constant 0 : index
    %get3A_0 = arith.constant 0 : index
    %get3A_1 = arith.constant 0 : index
    %get3A_2 = vector.load %arg2[%get3A, %get3A_0, %get3A_1] : memref<32x64x128xf32, #tpu.memory_space<vmem>>, vector<1x64x128xf32>
    %get3A_3 = vector.shape_cast %get3A_2 : vector<1x64x128xf32> to vector<64x128xf32>
    %get3A_4 = arith.constant 1 : index
    %get3A_5 = arith.constant 0 : index
    %get3A_6 = arith.constant 0 : index
    %get3A_7 = vector.load %arg2[%get3A_4, %get3A_5, %get3A_6] : memref<32x64x128xf32, #tpu.memory_space<vmem>>, vector<1x64x128xf32>
    %get3A_8 = vector.shape_cast %get3A_7 : vector<1x64x128xf32> to vector<64x128xf32>
    %max3A = arith.maximumf %get3A_3, %get3A_8 : vector<64x128xf32>
    %get3A_9 = arith.constant 2 : index
    %get3A_10 = arith.constant 0 : index
    %get3A_11 = arith.constant 0 : index
    %get3A_12 = vector.load %arg2[%get3A_9, %get3A_10, %get3A_11] : memref<32x64x128xf32, #tpu.memory_space<vmem>>, vector<1x64x128xf32>
    %get3A_13 = vector.shape_cast %get3A_12 : vector<1x64x128xf32> to vector<64x128xf32>
    %max3A_14 = arith.maximumf %max3A, %get3A_13 : vector<64x128xf32>
    %get3A_15 = arith.constant 3 : index
    %get3A_16 = arith.constant 0 : index
    %get3A_17 = arith.constant 0 : index
    %get3A_18 = vector.load %arg2[%get3A_15, %get3A_16, %get3A_17] : memref<32x64x128xf32, #tpu.memory_space<vmem>>, vector<1x64x128xf32>
    %get3A_19 = vector.shape_cast %get3A_18 : vector<1x64x128xf32> to vector<64x128xf32>
    %max3A_20 = arith.maximumf %max3A_14, %get3A_19 : vector<64x128xf32>
    %get3A_21 = arith.constant 4 : index
    %get3A_22 = arith.constant 0 : index
    %get3A_23 = arith.constant 0 : index
    %get3A_24 = vector.load %arg2[%get3A_21, %get3A_22, %get3A_23] : memref<32x64x128xf32, #tpu.memory_space<vmem>>, vector<1x64x128xf32>
    %get3A_25 = vector.shape_cast %get3A_24 : vector<1x64x128xf32> to vector<64x128xf32>
    %max3A_26 = arith.maximumf %max3A_20, %get3A_25 : vector<64x128xf32>
    %get3A_27 = arith.constant 5 : index
    %get3A_28 = arith.constant 0 : index
    %get3A_29 = arith.constant 0 : index
    %get3A_30 = vector.load %arg2[%get3A_27, %get3A_28, %get3A_29] : memref<32x64x128xf32, #tpu.memory_space<vmem>>, vector<1x64x128xf32>
    %get3A_31 = vector.shape_cast %get3A_30 : vector<1x64x128xf32> to vector<64x128xf32>
    %max3A_32 = arith.maximumf %max3A_26, %get3A_31 : vector<64x128xf32>
    %get3A_33 = arith.constant 6 : index
    %get3A_34 = arith.constant 0 : index
    %get3A_35 = arith.constant 0 : index
    %get3A_36 = vector.load %arg2[%get3A_33, %get3A_34, %get3A_35] : memref<32x64x128xf32, #tpu.memory_space<vmem>>, vector<1x64x128xf32>
    %get3A_37 = vector.shape_cast %get3A_36 : vector<1x64x128xf32> to vector<64x128xf32>
    %max3A_38 = arith.maximumf %max3A_32, %get3A_37 : vector<64x128xf32>
    %get3A_39 = arith.constant 7 : index
    %get3A_40 = arith.constant 0 : index
    %get3A_41 = arith.constant 0 : index
    %get3A_42 = vector.load %arg2[%get3A_39, %get3A_40, %get3A_41] : memref<32x64x128xf32, #tpu.memory_space<vmem>>, vector<1x64x128xf32>
    %get3A_43 = vector.shape_cast %get3A_42 : vector<1x64x128xf32> to vector<64x128xf32>
    %max3A_44 = arith.maximumf %max3A_38, %get3A_43 : vector<64x128xf32>
    %get3A_45 = arith.constant 8 : index
    %get3A_46 = arith.constant 0 : index
    %get3A_47 = arith.constant 0 : index
    %get3A_48 = vector.load %arg2[%get3A_45, %get3A_46, %get3A_47] : memref<32x64x128xf32, #tpu.memory_space<vmem>>, vector<1x64x128xf32>
    %get3A_49 = vector.shape_cast %get3A_48 : vector<1x64x128xf32> to vector<64x128xf32>
    %max3A_50 = arith.maximumf %max3A_44, %get3A_49 : vector<64x128xf32>
    %get3A_51 = arith.constant 9 : index
    %get3A_52 = arith.constant 0 : index
    %get3A_53 = arith.constant 0 : index
    %get3A_54 = vector.load %arg2[%get3A_51, %get3A_52, %get3A_53] : memref<32x64x128xf32, #tpu.memory_space<vmem>>, vector<1x64x128xf32>
    %get3A_55 = vector.shape_cast %get3A_54 : vector<1x64x128xf32> to vector<64x128xf32>
    %max3A_56 = arith.maximumf %max3A_50, %get3A_55 : vector<64x128xf32>
    %get3A_57 = arith.constant 10 : index
    %get3A_58 = arith.constant 0 : index
    %get3A_59 = arith.constant 0 : index
    %get3A_60 = vector.load %arg2[%get3A_57, %get3A_58, %get3A_59] : memref<32x64x128xf32, #tpu.memory_space<vmem>>, vector<1x64x128xf32>
    %get3A_61 = vector.shape_cast %get3A_60 : vector<1x64x128xf32> to vector<64x128xf32>
    %max3A_62 = arith.maximumf %max3A_56, %get3A_61 : vector<64x128xf32>
    %get3A_63 = arith.constant 11 : index
    %get3A_64 = arith.constant 0 : index
    %get3A_65 = arith.constant 0 : index
    %get3A_66 = vector.load %arg2[%get3A_63, %get3A_64, %get3A_65] : memref<32x64x128xf32, #tpu.memory_space<vmem>>, vector<1x64x128xf32>
    %get3A_67 = vector.shape_cast %get3A_66 : vector<1x64x128xf32> to vector<64x128xf32>
    %max3A_68 = arith.maximumf %max3A_62, %get3A_67 : vector<64x128xf32>
    %get3A_69 = arith.constant 12 : index
    %get3A_70 = arith.constant 0 : index
    %get3A_71 = arith.constant 0 : index
    %get3A_72 = vector.load %arg2[%get3A_69, %get3A_70, %get3A_71] : memref<32x64x128xf32, #tpu.memory_space<vmem>>, vector<1x64x128xf32>
    %get3A_73 = vector.shape_cast %get3A_72 : vector<1x64x128xf32> to vector<64x128xf32>
    %max3A_74 = arith.maximumf %max3A_68, %get3A_73 : vector<64x128xf32>
    %get3A_75 = arith.constant 13 : index
    %get3A_76 = arith.constant 0 : index
    %get3A_77 = arith.constant 0 : index
    %get3A_78 = vector.load %arg2[%get3A_75, %get3A_76, %get3A_77] : memref<32x64x128xf32, #tpu.memory_space<vmem>>, vector<1x64x128xf32>
    %get3A_79 = vector.shape_cast %get3A_78 : vector<1x64x128xf32> to vector<64x128xf32>
    %max3A_80 = arith.maximumf %max3A_74, %get3A_79 : vector<64x128xf32>
    %get3A_81 = arith.constant 14 : index
    %get3A_82 = arith.constant 0 : index
    %get3A_83 = arith.constant 0 : index
    %get3A_84 = vector.load %arg2[%get3A_81, %get3A_82, %get3A_83] : memref<32x64x128xf32, #tpu.memory_space<vmem>>, vector<1x64x128xf32>
    %get3A_85 = vector.shape_cast %get3A_84 : vector<1x64x128xf32> to vector<64x128xf32>
    %max3A_86 = arith.maximumf %max3A_80, %get3A_85 : vector<64x128xf32>
    %get3A_87 = arith.constant 15 : index
    %get3A_88 = arith.constant 0 : index
    %get3A_89 = arith.constant 0 : index
    %get3A_90 = vector.load %arg2[%get3A_87, %get3A_88, %get3A_89] : memref<32x64x128xf32, #tpu.memory_space<vmem>>, vector<1x64x128xf32>
    %get3A_91 = vector.shape_cast %get3A_90 : vector<1x64x128xf32> to vector<64x128xf32>
    %max3A_92 = arith.maximumf %max3A_86, %get3A_91 : vector<64x128xf32>
    %get3A_93 = arith.constant 16 : index
    %get3A_94 = arith.constant 0 : index
    %get3A_95 = arith.constant 0 : index
    %get3A_96 = vector.load %arg2[%get3A_93, %get3A_94, %get3A_95] : memref<32x64x128xf32, #tpu.memory_space<vmem>>, vector<1x64x128xf32>
    %get3A_97 = vector.shape_cast %get3A_96 : vector<1x64x128xf32> to vector<64x128xf32>
    %max3A_98 = arith.maximumf %max3A_92, %get3A_97 : vector<64x128xf32>
    %get3A_99 = arith.constant 17 : index
    %get3A_100 = arith.constant 0 : index
    %get3A_101 = arith.constant 0 : index
    %get3A_102 = vector.load %arg2[%get3A_99, %get3A_100, %get3A_101] : memref<32x64x128xf32, #tpu.memory_space<vmem>>, vector<1x64x128xf32>
    %get3A_103 = vector.shape_cast %get3A_102 : vector<1x64x128xf32> to vector<64x128xf32>
    %max3A_104 = arith.maximumf %max3A_98, %get3A_103 : vector<64x128xf32>
    %get3A_105 = arith.constant 18 : index
    %get3A_106 = arith.constant 0 : index
    %get3A_107 = arith.constant 0 : index
    %get3A_108 = vector.load %arg2[%get3A_105, %get3A_106, %get3A_107] : memref<32x64x128xf32, #tpu.memory_space<vmem>>, vector<1x64x128xf32>
    %get3A_109 = vector.shape_cast %get3A_108 : vector<1x64x128xf32> to vector<64x128xf32>
    %max3A_110 = arith.maximumf %max3A_104, %get3A_109 : vector<64x128xf32>
    %get3A_111 = arith.constant 19 : index
    %get3A_112 = arith.constant 0 : index
    %get3A_113 = arith.constant 0 : index
    %get3A_114 = vector.load %arg2[%get3A_111, %get3A_112, %get3A_113] : memref<32x64x128xf32, #tpu.memory_space<vmem>>, vector<1x64x128xf32>
    %get3A_115 = vector.shape_cast %get3A_114 : vector<1x64x128xf32> to vector<64x128xf32>
    %max3A_116 = arith.maximumf %max3A_110, %get3A_115 : vector<64x128xf32>
    %get3A_117 = arith.constant 20 : index
    %get3A_118 = arith.constant 0 : index
    %get3A_119 = arith.constant 0 : index
    %get3A_120 = vector.load %arg2[%get3A_117, %get3A_118, %get3A_119] : memref<32x64x128xf32, #tpu.memory_space<vmem>>, vector<1x64x128xf32>
    %get3A_121 = vector.shape_cast %get3A_120 : vector<1x64x128xf32> to vector<64x128xf32>
    %max3A_122 = arith.maximumf %max3A_116, %get3A_121 : vector<64x128xf32>
    %get3A_123 = arith.constant 21 : index
    %get3A_124 = arith.constant 0 : index
    %get3A_125 = arith.constant 0 : index
    %get3A_126 = vector.load %arg2[%get3A_123, %get3A_124, %get3A_125] : memref<32x64x128xf32, #tpu.memory_space<vmem>>, vector<1x64x128xf32>
    %get3A_127 = vector.shape_cast %get3A_126 : vector<1x64x128xf32> to vector<64x128xf32>
    %max3A_128 = arith.maximumf %max3A_122, %get3A_127 : vector<64x128xf32>
    %get3A_129 = arith.constant 22 : index
    %get3A_130 = arith.constant 0 : index
    %get3A_131 = arith.constant 0 : index
    %get3A_132 = vector.load %arg2[%get3A_129, %get3A_130, %get3A_131] : memref<32x64x128xf32, #tpu.memory_space<vmem>>, vector<1x64x128xf32>
    %get3A_133 = vector.shape_cast %get3A_132 : vector<1x64x128xf32> to vector<64x128xf32>
    %max3A_134 = arith.maximumf %max3A_128, %get3A_133 : vector<64x128xf32>
    %get3A_135 = arith.constant 23 : index
    %get3A_136 = arith.constant 0 : index
    %get3A_137 = arith.constant 0 : index
    %get3A_138 = vector.load %arg2[%get3A_135, %get3A_136, %get3A_137] : memref<32x64x128xf32, #tpu.memory_space<vmem>>, vector<1x64x128xf32>
    %get3A_139 = vector.shape_cast %get3A_138 : vector<1x64x128xf32> to vector<64x128xf32>
    %max3A_140 = arith.maximumf %max3A_134, %get3A_139 : vector<64x128xf32>
    %get3A_141 = arith.constant 24 : index
    %get3A_142 = arith.constant 0 : index
    %get3A_143 = arith.constant 0 : index
    %get3A_144 = vector.load %arg2[%get3A_141, %get3A_142, %get3A_143] : memref<32x64x128xf32, #tpu.memory_space<vmem>>, vector<1x64x128xf32>
    %get3A_145 = vector.shape_cast %get3A_144 : vector<1x64x128xf32> to vector<64x128xf32>
    %max3A_146 = arith.maximumf %max3A_140, %get3A_145 : vector<64x128xf32>
    %get3A_147 = arith.constant 25 : index
    %get3A_148 = arith.constant 0 : index
    %get3A_149 = arith.constant 0 : index
    %get3A_150 = vector.load %arg2[%get3A_147, %get3A_148, %get3A_149] : memref<32x64x128xf32, #tpu.memory_space<vmem>>, vector<1x64x128xf32>
    %get3A_151 = vector.shape_cast %get3A_150 : vector<1x64x128xf32> to vector<64x128xf32>
    %max3A_152 = arith.maximumf %max3A_146, %get3A_151 : vector<64x128xf32>
    %get3A_153 = arith.constant 26 : index
    %get3A_154 = arith.constant 0 : index
    %get3A_155 = arith.constant 0 : index
    %get3A_156 = vector.load %arg2[%get3A_153, %get3A_154, %get3A_155] : memref<32x64x128xf32, #tpu.memory_space<vmem>>, vector<1x64x128xf32>
    %get3A_157 = vector.shape_cast %get3A_156 : vector<1x64x128xf32> to vector<64x128xf32>
    %max3A_158 = arith.maximumf %max3A_152, %get3A_157 : vector<64x128xf32>
    %get3A_159 = arith.constant 27 : index
    %get3A_160 = arith.constant 0 : index
    %get3A_161 = arith.constant 0 : index
    %get3A_162 = vector.load %arg2[%get3A_159, %get3A_160, %get3A_161] : memref<32x64x128xf32, #tpu.memory_space<vmem>>, vector<1x64x128xf32>
    %get3A_163 = vector.shape_cast %get3A_162 : vector<1x64x128xf32> to vector<64x128xf32>
    %max3A_164 = arith.maximumf %max3A_158, %get3A_163 : vector<64x128xf32>
    %get3A_165 = arith.constant 28 : index
    %get3A_166 = arith.constant 0 : index
    %get3A_167 = arith.constant 0 : index
    %get3A_168 = vector.load %arg2[%get3A_165, %get3A_166, %get3A_167] : memref<32x64x128xf32, #tpu.memory_space<vmem>>, vector<1x64x128xf32>
    %get3A_169 = vector.shape_cast %get3A_168 : vector<1x64x128xf32> to vector<64x128xf32>
    %max3A_170 = arith.maximumf %max3A_164, %get3A_169 : vector<64x128xf32>
    %get3A_171 = arith.constant 29 : index
    %get3A_172 = arith.constant 0 : index
    %get3A_173 = arith.constant 0 : index
    %get3A_174 = vector.load %arg2[%get3A_171, %get3A_172, %get3A_173] : memref<32x64x128xf32, #tpu.memory_space<vmem>>, vector<1x64x128xf32>
    %get3A_175 = vector.shape_cast %get3A_174 : vector<1x64x128xf32> to vector<64x128xf32>
    %max3A_176 = arith.maximumf %max3A_170, %get3A_175 : vector<64x128xf32>
    %get3A_177 = arith.constant 30 : index
    %get3A_178 = arith.constant 0 : index
    %get3A_179 = arith.constant 0 : index
    %get3A_180 = vector.load %arg2[%get3A_177, %get3A_178, %get3A_179] : memref<32x64x128xf32, #tpu.memory_space<vmem>>, vector<1x64x128xf32>
    %get3A_181 = vector.shape_cast %get3A_180 : vector<1x64x128xf32> to vector<64x128xf32>
    %max3A_182 = arith.maximumf %max3A_176, %get3A_181 : vector<64x128xf32>
    %get3A_183 = arith.constant 31 : index
    %get3A_184 = arith.constant 0 : index
    %get3A_185 = arith.constant 0 : index
    %get3A_186 = vector.load %arg2[%get3A_183, %get3A_184, %get3A_185] : memref<32x64x128xf32, #tpu.memory_space<vmem>>, vector<1x64x128xf32>
    %get3A_187 = vector.shape_cast %get3A_186 : vector<1x64x128xf32> to vector<64x128xf32>
    %max3A_188 = arith.maximumf %max3A_182, %get3A_187 : vector<64x128xf32>
    %max3A_189 = arith.constant 0.000000e+00 : f32
    %max3A_190 = vector.broadcast %max3A_189 : f32 to vector<64x128xf32>
    %max3A_191 = arith.maximumf %max3A_188, %max3A_190 : vector<64x128xf32>
    %get3A_192 = arith.constant 0 : index
    %get3A_193 = arith.constant 0 : index
    %get3A_194 = vector.load %arg1[%get3A_192, %get3A_193] : memref<64x1xf32, #tpu.memory_space<vmem>>, vector<64x1xf32>
    %max3A_195 = arith.constant 1.000000e+00 : f32
    %max3A_196 = vector.broadcast %max3A_195 : f32 to vector<64x1xf32>
    %max3A_197 = arith.maximumf %get3A_194, %max3A_196 : vector<64x1xf32>
    %get3A_198 = arith.constant 0 : index
    %get3A_199 = arith.constant 0 : index
    %get3A_200 = vector.load %arg0[%get3A_198, %get3A_199] : memref<64x128xf32, #tpu.memory_space<vmem>>, vector<64x128xf32>
    %div3A = vector.broadcast %max3A_197 : vector<64x1xf32> to vector<64x128xf32>
    %div3A_201 = arith.divf %get3A_200, %div3A : vector<64x128xf32>
    %max3A_202 = arith.constant 0.000000e+00 : f32
    %max3A_203 = vector.broadcast %max3A_202 : f32 to vector<64x128xf32>
    %max3A_204 = arith.maximumf %div3A_201, %max3A_203 : vector<64x128xf32>
    %concatenate3A = tpu.concatenate %max3A_204, %max3A_191 in 1 : vector<64x128xf32>, vector<64x128xf32> -> vector<64x256xf32>
    %get3A_205 = arith.constant 0 : index
    %get3A_206 = arith.constant 0 : index
    %get3A_207 = vector.load %arg3[%get3A_205, %get3A_206] : memref<256x128xf32, #tpu.memory_space<vmem>>, vector<256x128xf32>
    %dot_general3A = arith.constant dense<0.000000e+00> : vector<64x128xf32>
    %dot_general3A_208 = tpu.matmul %concatenate3A, %get3A_207, %dot_general3A {dimension_numbers = #tpu.dot_dimension_numbers<[1], [0], [0], [1], [0, 0, 1, 1], [], []>, transpose_lhs_hint = false} : vector<64x256xf32>, vector<256x128xf32>, vector<64x128xf32> -> vector<64x128xf32>
    %get3A_209 = arith.constant 0 : index
    %get3A_210 = arith.constant 0 : index
    %get3A_211 = vector.load %arg4[%get3A_209, %get3A_210] : memref<1x128xf32, #tpu.memory_space<vmem>>, vector<1x128xf32>
    %add3A = vector.broadcast %get3A_211 : vector<1x128xf32> to vector<64x128xf32>
    %add3A_212 = arith.addf %dot_general3A_208, %add3A : vector<64x128xf32>
    %max3A_213 = arith.constant 0.000000e+00 : f32
    %max3A_214 = vector.broadcast %max3A_213 : f32 to vector<64x128xf32>
    %max3A_215 = arith.maximumf %add3A_212, %max3A_214 : vector<64x128xf32>
    %get3A_216 = arith.constant 0 : index
    %get3A_217 = arith.constant 0 : index
    %get3A_218 = vector.load %arg5[%get3A_216, %get3A_217] : memref<128x10xf32, #tpu.memory_space<vmem>>, vector<128x10xf32>
    %dot_general3A_219 = arith.constant dense<0.000000e+00> : vector<64x10xf32>
    %dot_general3A_220 = tpu.matmul %max3A_215, %get3A_218, %dot_general3A_219 {dimension_numbers = #tpu.dot_dimension_numbers<[1], [0], [0], [1], [0, 0, 1, 1], [], []>, transpose_lhs_hint = false} : vector<64x128xf32>, vector<128x10xf32>, vector<64x10xf32> -> vector<64x10xf32>
    %get3A_221 = arith.constant 0 : index
    %get3A_222 = arith.constant 0 : index
    %get3A_223 = vector.load %arg6[%get3A_221, %get3A_222] : memref<1x10xf32, #tpu.memory_space<vmem>>, vector<1x10xf32>
    %add3A_224 = vector.broadcast %get3A_223 : vector<1x10xf32> to vector<64x10xf32>
    %add3A_225 = arith.addf %dot_general3A_220, %add3A_224 : vector<64x10xf32>
    %swap3A = arith.constant 0 : index
    %swap3A_226 = arith.constant 0 : index
    %swap3A_227 = vector.load %arg7[%swap3A, %swap3A_226] : memref<64x10xf32, #tpu.memory_space<vmem>>, vector<64x10xf32>
    tpu.vector_store %arg7[%swap3A, %swap3A_226], %add3A_225 {strides = array<i32>} : memref<64x10xf32, #tpu.memory_space<vmem>>, vector<64x10xf32>,
    return
  }
}

</mosaic_0001>

<sc_bundles>
// kernel: kernel.14.cloned.1.call-start
scs
__scs_entry_jumppad:
0x0: {  	(pc) =	sbr.rel $0x88, $3  }
0x1: {  	(tag) =	ssettag $0x0;
	lr =	simm.s32 $0x1  }
0x2: {  	[smem:$0x3F91] =	sst lr;
	_ =	strace $0xD0000000  }
0x3: {  	_ = 	snop  }
0x4: {  	_ = 	snop  }
0x5: {  	_ = 	snop  }
0x6: {  	_ = 	snop  }
0x7: {  	_ = 	snop  }
__scs_overlays_trampoline_lowered:
0x8: {  	[smem:$0x3FA0] =	sst s0  }
0x9: {  	[smem:$0x3FA1] =	sst s1  }
0xa: {  	[smem:$0x3FA2] =	sst s2  }
0xb: {  	[smem:$0x3FA3] =	sst s3  }
0xc: {  	[smem:$0x3FA4] =	sst s4  }
0xd: {  	[smem:$0x3FA5] =	sst s5  }
0xe: {  	[smem:$0x3FA6] =	sst s6  }
0xf: {  	[smem:$0x3FA7] =	sst s7  }
0x10: {  	[smem:$0x3FA8] =	sst s8  }
0x11: {  	[smem:$0x3FA9] =	sst s9;
	s0 =	simm.s32 @!p0 $0x0  }
0x12: {  	s1 =	sld [smem:$0x3F8F];
	s0 =	simm.s32 @p0 $0x1  }
0x13: {  	[smem:$0x3FAA] =	sst s0;
	s0 =	simm.s32 @!p1 $0x0  }
0x14: {  	s2 =	sld [smem:$0x3F8E];
	s0 =	simm.s32 @p1 $0x1  }
0x15: {  	[smem:$0x3FAB] =	sst s0;
	s0 =	simm.s32 @!p2 $0x0  }
0x16: {  	s3 =	sld [smem:$0x3FDB];
	s0 =	simm.s32 @p2 $0x1  }
0x17: {  	s4 =	simm.s32 $0x1BF5;
	[smem:$0x3FAD] =	sst s0  }
0x18: {  	s0 =	sld [smem:$0x3F90];
	_ =	swait.ge [sflag:s4], $0x0  }
0x19: {  	s7 =	sld [smem:$0x3F91]  }
0x1a: {  	s8 =	sadd.s32 $0xFFFFE003, lr  }
0x1b: {  	s9 =	sadd.s32 $0xFFFFFEF7, lr;
	s5 =	simm.s32 $0xFFFFFFFF;
	p2 =	slt.u32 s8, $0xFFFFF086  }
0x1c: {  	p1 =	slt.u32 s9, $0xF7A;
	s5 =	simm.s32 @!p2 $0x0  }
0x1d: {  	s5 =	simm.s32 @p1 $0x1;
	p0 =	seq.s32 s7, s2  }
0x1e: {  	s7 =	smul.u32 @!p0 $0xF7A, s2;
	p2 =	seq.s32 @!p0 s5, $0x0  }
0x1f: {  	s9 =	smul.u32 $0xF7A, s1;
	s8 =	simm.s32 @!p0 $0x1BF5;
	p2 =	por !p2, p0  }
0x20: {  	[sflag:s8] =	ssyncset.s32 @!p0 $0xFFFFF086;
	s6 =	sadd.s32 @!p0 s3, s7;
	s7 =	simm.s32 @!p0 $0x108  }
0x21: {  	s3 =	sadd.s32 s3, s9;
	s6 =	sadd.s32 @!p0 $0x88, s6;
	s7 =	simm.s32 @p2 $0x1082  }
0x22: {  	[simem:s7], [sflag:s8] =	dma.local @!p0 [hbm:s6], $0xF7A  }
0x23: {  	s9 =	sor.u32 $0xD0000000, s2;
	s6 =	simm.s32 $0x108;
	_ =	swait.ge @!p0 [sflag:s8], $0x0  }
0x24: {  	s3 =	sadd.s32 $0x88, s3;
	s6 =	simm.s32 @!p1 $0x1082;
	[sflag:s4] =	ssyncset.s32 $0xFFFFF086  }
0x25: {  	[simem:s6], [sflag:s4] =	dma.local [hbm:s3], $0xF7A  }
0x26: {  	[smem:$0x3F91] =	sst s1;
	(tag) =	ssettag s2;
	_ =	strace s9  }
0x27: {  	s1 =	sld [smem:$0x3FA1]  }
0x28: {  	s2 =	sld [smem:$0x3FA2]  }
0x29: {  	s4 =	sld [smem:$0x3FA4]  }
0x2a: {  	p0 =	seq.s32 s5, $0x0;
	s5 =	sld [smem:$0x3FA5]  }
0x2b: {  	s6 =	sld [smem:$0x3FA6]  }
0x2c: {  	s7 =	sld [smem:$0x3FA7]  }
0x2d: {  	s3 =	simm.s32 $0x108;
	s8 =	sld [smem:$0x3FA8]  }
0x2e: {  	s3 =	simm.s32 @!p0 $0x1082;
	s9 =	sld [smem:$0x3FA9]  }
0x2f: {  	lr =	sadd.s32 s0, s3;
	s0 =	sld [smem:$0x3FA0]  }
0x30: {  	s3 =	sld [smem:$0x3FA3]  }
0x31: {  	[smem:$0x3FAC] =	sst s10  }
0x32: {  	s10 =	sld [smem:$0x3FAA];
	_ =	sdelay $0x3  }
0x33: {  	p0 =	seq.s32 s10, $0x1;
	s10 =	sld [smem:$0x3FAC];
	_ =	sdelay $0x3  }
0x34: {  	[smem:$0x3FAC] =	sst s10  }
0x35: {  	s10 =	sld [smem:$0x3FAB];
	_ =	sdelay $0x3  }
0x36: {  	p1 =	seq.s32 s10, $0x1;
	s10 =	sld [smem:$0x3FAC];
	_ =	sdelay $0x3  }
0x37: {  	[smem:$0x3FAC] =	sst s10  }
0x38: {  	s10 =	sld [smem:$0x3FAD]  }
0x39: {  	_ = 	snop;
	(pc) =	sbr.ind lr, $3  }
0x3a: {  	_ = 	snop  }
0x3b: {  	_ = 	snop  }
0x3c: {  	p2 =	seq.s32 s10, $0x1;
	s10 =	sld [smem:$0x3FAC]  }
0x3d: {  	_ =	shalt  }
0x3e: {  	_ =	shalt  }
0x3f: {  	_ =	shalt  }
0x40: {  	_ =	shalt  }
0x41: {  	_ =	shalt  }
0x42: {  	_ =	shalt  }
0x43: {  	_ =	shalt  }
0x44: {  	_ =	shalt  }
0x45: {  	_ =	shalt  }
0x46: {  	_ =	shalt  }
0x47: {  	_ =	shalt  }
0x48: {  	_ =	shalt  }
0x49: {  	_ =	shalt  }
0x4a: {  	_ =	shalt  }
0x4b: {  	_ =	shalt  }
0x4c: {  	_ =	shalt  }
0x4d: {  	_ =	shalt  }
0x4e: {  	_ =	shalt  }
0x4f: {  	_ =	shalt  }
0x50: {  	_ =	shalt  }
0x51: {  	_ =	shalt  }
0x52: {  	_ =	shalt  }
0x53: {  	_ =	shalt  }
0x54: {  	_ =	shalt  }
0x55: {  	_ =	shalt  }
0x56: {  	_ =	shalt  }
0x57: {  	_ =	shalt  }
0x58: {  	_ =	shalt  }
0x59: {  	_ =	shalt  }
0x5a: {  	_ =	shalt  }
0x5b: {  	_ =	shalt  }
0x5c: {  	_ =	shalt  }
0x5d: {  	_ =	shalt  }
0x5e: {  	_ =	shalt  }
0x5f: {  	_ =	shalt  }
0x60: {  	_ =	shalt  }
0x61: {  	_ =	shalt  }
0x62: {  	_ =	shalt  }
0x63: {  	_ =	shalt  }
0x64: {  	_ =	shalt  }
0x65: {  	_ =	shalt  }
0x66: {  	_ =	shalt  }
0x67: {  	_ =	shalt  }
0x68: {  	_ =	shalt  }
0x69: {  	_ =	shalt  }
0x6a: {  	_ =	shalt  }
0x6b: {  	_ =	shalt  }
0x6c: {  	_ =	shalt  }
0x6d: {  	_ =	shalt  }
0x6e: {  	_ =	shalt  }
0x6f: {  	_ =	shalt  }
0x70: {  	_ =	shalt  }
0x71: {  	_ =	shalt  }
0x72: {  	_ =	shalt  }
0x73: {  	_ =	shalt  }
0x74: {  	_ =	shalt  }
0x75: {  	_ =	shalt  }
0x76: {  	_ =	shalt  }
0x77: {  	_ =	shalt  }
0x78: {  	_ =	shalt  }
0x79: {  	_ =	shalt  }
0x7a: {  	_ =	shalt  }
0x7b: {  	_ =	shalt  }
0x7c: {  	_ =	shalt  }
0x7d: {  	_ =	shalt  }
0x7e: {  	_ =	shalt  }
0x7f: {  	_ =	shalt  }
0x80: {  	_ =	shalt  }
0x81: {  	_ =	shalt  }
0x82: {  	_ =	shalt  }
0x83: {  	_ =	shalt  }
0x84: {  	_ =	shalt  }
0x85: {  	_ =	shalt  }
0x86: {  	_ =	shalt  }
0x87: {  	_ =	shalt  }
.Lfunc_end0:
.L_simem_size_0:
called_computation_lowered:
.L_overlay_start_0:
0x88: {  	s2 =	sld [smem:$0x3FD9]  }
0x89: {  	s3 =	sld [smem:$0x3FFE];
	_ =	sdelay $0x1  }
0x8a: {  	s1 =	srdreg.scid  }
0x8b: {  	s0 =	sand.u32 $0x1, s1  }
0x8c: {  	s16 =	sshll.u32 s0, $0xA;
	s2 =	sadd.s32 s3, s2  }
0x8d: {  	s2 =	sadd.s32 s2, s16  }
0x8e: {  	[smem:$0x3FB8] =	sst s2  }
0x8f: {  	_ = 	snop  }
0x90: {  	(tm) =	ssettm $0x1  }
0x91: {  	s17 =	sld [smem:$0x3FFB];
	_ =	sdelay $0x3  }
0x92: {  	_ =	strace s17  }
0x93: {  	s2 =	sld [smem:$0x3FFC];
	_ =	sdelay $0x3  }
0x94: {  	_ =	strace s2  }
0x95: {  	s2 =	sld [smem:$0x3FFD];
	_ =	sdelay $0x3  }
0x96: {  	_ =	strace s2  }
0x97: {  	_ =	strace $0x8FFFFFFF  }
0x98: {  	s18 =	sld [smem:$0x3FDB];
	_ =	sdelay $0x1  }
0x99: {  	s19 =	simm.s32 $_scs_section_size  }
0x9a: {  	s4 =	simm.s32 $_size__tile_overlayer_lowered;
	s5 =	simm.s32 $_tile_overlayer_lowered  }
0x9b: {  	s22 =	simm.s32 $0x1BFF;
	s21 =	sshll.u32 s5, $0x1;
	s2 =	sadd.s32 s19, s18  }
0x9c: {  	s6 =	simm.s32 $0x0;
	s20 =	sshll.u32 s4, $0x1;
	s4 =	sadd.s32 s21, s2  }
0x9d: {  	[timem:s6], [sflag:s22] =	dma.local [hbm:s4], s20  }
0x9e: {  	_ =	swait.ge [sflag:s22], s20  }
0x9f: {  	s3 =	ssub.s32 $0x0, s20;
	[sflag:s22] =	ssyncset.done $0x0  }
0xa0: {  	[sflag:s22] =	ssyncadd.s32 s3;
	_ =	sdelay $0x1  }
0xa1: {  	s23 =	simm.s32 $0x1B8B  }
0xa2: {  	_ =	swait.ge [sflag:s23], $0x1  }
0xa3: {  	[sflag:s23] =	ssyncset.done $0x0  }
0xa4: {  	s25 =	simm.s32 $0x1B8E;
	s24 =	sld [smem:$0x3FFE];
	[sflag:s23] =	ssyncadd.s32 $0xFFFFFFFF  }
0xa5: {  	s26 =	simm.s32 $execute0_lowered;
	[smem:$0x3FD2] =	sst s25  }
0xa6: {  	s4 =	sshll.u32 s26, $0x1;
	_ =	strace $0x80000046;
	[dreg:$0x1] =	wrdreg $0xFFFFFFFF  }
0xa7: {  	s28 =	simm.s32 $_size_execute0_lowered;
	s2 =	sadd.s32 s2, s4;
	[dreg:$0x0] =	wrdreg $0x0  }
0xa8: {  	s4 =	sshll.u32 s28, $0x1;
	[dreg:$0x2] =	wrdreg s2  }
0xa9: {  	[dreg:$0x3] =	wrdreg s4  }
0xaa: {  	[dreg:$0x4] =	wrdreg $0xC0  }
0xab: {  	_ =	task [dreg:s6], $0x5FFFF  }
0xac: {  	[dreg:$0x1] =	wrdreg $0xFFFFFFFF  }
0xad: {  	[dreg:$0x0] =	wrdreg $0x60  }
0xae: {  	[dreg:$0x2] =	wrdreg s24  }
0xaf: {  	[dreg:$0x3] =	wrdreg $0x9  }
0xb0: {  	_ =	task.clear_ibuf [dreg:s6], $0x4FFFF;
	_ =	strace $0x90000046  }
0xb1: {  	s29 =	simm.s32 $0x9;
	_ =	strace $0x80000048  }
0xb2: {  	_ =	swait.ge [sflag:s29], $0x1  }
0xb3: {  	[sflag:s29] =	ssyncadd.s32 $0xFFFFFFFF  }
0xb4: {  	_ =	strace $0x90000048  }
0xb5: {  	_ =	sfence  }
0xb6: {  	s30 =	sld [smem:$0x0];
	_ =	sdelay $0x2  }
0xb7: {  	s31 =	sshll.u32 s1, $0xD;
	s1 =	sshrl.u32 s1, $0x2  }
0xb8: {  	s3 =	sand.u32 $0x4000, s31;
	s1 =	sadd.s32 s1, s30  }
0xb9: {  	s0 =	sor.u32 s3, s0;
	s1 =	sshll.u32 s1, $0x11  }
0xba: {  	s0 =	sor.u32 s1, s0  }
0xbb: {  	s0 =	sadd.s32 $0x8F2B, s0  }
0xbc: {  	[sflag:s0] =	ssyncadd.remote.s32 $0x1  }
0xbd: {  	_ =	sfence.sel $0xFFFF  }
0xbe: {  	[dreg:$0x0] =	wrdreg $0xFFFFFFFF;
	(pc) =	sbr.abs _section_cstart, $3  }
0xbf: {  	[dreg:$0x1] =	wrdreg $0xFFFFFFFF  }
0xc0: {  	_ =	task.clear_ibuf [dreg:s6], $0x2FFFF;
	_ =	strace $0x9FFFFFFF  }
0xc1: {  	(tm) =	ssettm $0x7FFFFFFF  }
tec
execute0_lowered:
.L_overlay_start_1:
0x0: {  	(tag) =	ssettag $0x1  }
0x1: {  	s0 =	srdreg.scid  }
0x2: {  	s3 =	sand.u32 $0x1, s0  }
0x3: {  	s4 =	rddreg [dreg:$0x0];
	s0 =	stileid.u32;
	s1 =	sshll.u32 s3, $0x4  }
0x4: {  	s2 =	simm.s32 $0x0;
	s8 =	simm.s32 $0x1;
	s1 =	sor.u32 s0, s1  }
0x5: {  	s9 =	simm.s32 $0x2780;
	s10 =	simm.s32 $0x0;
	s5 =	sshrl.u32 s1, $0x3  }
0x6: {  	[smem:$0x7FF] =	sst s2;
	s7 =	sshll.u32 s0, $0x7;
	s6 =	smul.u32 $0x13C00, s5  }
0x7: {  	s3 =	ssub.s32 $0x2, s3;
	s7 =	sand.u32 $0x380, s7;
	s5 =	smul.u32 $0x14000, s5  }
0x8: {  	s31 =	sshrl.u32 s3, $0x1;
	s1 =	rddreg [dreg:$0x1];
	s6 =	sor.u32 s7, s6  }
0x9: {  	_ =	strace $0x80000047;
	s5 =	sor.u32 s7, s5;
	s6 =	sshrl.u32 s6, $0x3  }
0xa: {  	s7 =	simm.s32 $0x400;
	s5 =	sshrl.u32 s5, $0x3;
	s6 =	sadd.s32 s6, s4  }
0xb: {  	s4 =	sadd.s32 s5, s4;
	s5 =	ssub.s32 s3, s31;
	s3 =	sadd.s32 $0x3A00, s6  }
0xc: {  	v0 =	vimm.f32 $0.0e+00;
	v1 =	vimm.f32 $1.000000000e+00;
	s4 =	sadd.s32 $0xD800, s4;
	s5 =	smax.u32 s5, $0x1;
	s6 =	simm.s32 $0x80  }
.LBB2_1:
0xd: {  	[tilespmem:s2], [sflag:$0x1] =	stream.strided.gather [hbm4b:s3+s6], $0x2780, s7, s6, $0x38;
	[tilespmem:$0x4F80] =	vst v63  }
0xe: {  	_ =	swait.ge [sflag:s8], $0x2780  }
0xf: {  	[sflag:s8] =	ssyncset.done $0x0  }
0x10: {  	s11 =	simm.s32 $0x0;
	[sflag:s8] =	ssyncadd.s32 $0xFFFFD880  }
.LBB2_2:
0x11: {  	p0 =	sne.s32 s11, $0x9FC0  }
.Ltmp0:
0x12: {  	_ = 	snop;
	(pc) =	sbr.rel @p0 .LBB2_2-.Ltmp0, $3  }
0x13: {  	_ =	sdelay $0x1  }
0x14: {  	s12 =	sshra.s32 s11, $0x2  }
0x15: {  	s11 =	sadd.s32 $0x40, s11;
	[tilespmem:s12+$0x2780] =	vst v0  }
0x16: {  	s12 =	simm.s32 $0x0;
	s11 =	simm.s32 $0x40  }
.LBB2_4:
0x17: {  	p0 =	sne.s32 s11, $0x9DC0;
	v2 =	vld [tilespmem:s12+$0x0];
	_ =	sdelay $0x3  }
.Ltmp1:
0x18: {  	(pc) =	sbr.rel @p0 .LBB2_4-.Ltmp1, $2  }
0x19: {  	_ =	sdelay $0x2  }
0x1a: {  	s12 =	sshra.s32 s11, $0x2;
	s11 =	sadd.s32 $0x40, s11;
	[tilespmem:v2+s9+$0x0] =	vst.idx.add.f32.msk $0xffff, v1  }
0x1b: {  	v2 =	vld [tilespmem:s12+$0x0];
	_ =	sdelay $0x5  }
0x1c: {  	s10 =	sadd.s32 $0x1, s10  }
0x1d: {  	p0 =	sne.s32 s10, s5  }
.Ltmp2:
0x1e: {  	[tilespmem:v2+s9+$0x0] =	vst.idx.add.f32.msk $0xffff, v1;
	(pc) =	sbr.rel @p0 .LBB2_1-.Ltmp2, $4  }
0x1f: {  	[hbm4b:s4+s6] =	stream.strided.scatter [tilespmem:s9], [sflag:$0x1], $0x2800, s7, s6, $0x38;
	[tilespmem:$0x4F80] =	vst v63  }
0x20: {  	_ =	swait.ge [sflag:s8], $0x2800  }
0x21: {  	[sflag:s8] =	ssyncset.done $0x0  }
0x22: {  	[sflag:s8] =	ssyncadd.s32 $0xFFFFD800  }
0x23: {  	_ =	sfence.sel $0x180000  }
0x24: {  	[bflag:$0x0] =	sbarrier.arrive $0xFFFF  }
0x25: {  	p0 =	sne.s32 s0, $0x0;
	_ =	strace $0x90000047  }
0x26: {  	s0 =	sadd.s32 @!p0 $0x100000, s1;
	[bflag:$0x2] =	sbarrier.arrive $0xFFFF  }
0x27: {  	[sflag:s0] =	ssyncadd.tile.s32 @!p0 $0x1;
	_ =	shalt  }
.Lfunc_end2:
_tile_overlayer_lowered:
.L_overlay_start_2:
0x28: {  	(tag) =	ssettag $0x2  }
0x29: {  	s0 =	rddreg [dreg:$0x0];
	s2 =	stileid.u32  }
0x2a: {  	s1 =	rddreg [dreg:$0x1];
	p0 =	sne.s32 s2, $0x0  }
0x2b: {  	s3 =	rddreg [dreg:$0x2];
	[bflag:$0x3] =	sbarrier.arrive $0xFFFF;
	s2 =	simm.s32 @!p0 $0x1C01  }
0x2c: {  	[timem:s3], [sflag:s2] =	dma.local @!p0 [hbm:s0], s1  }
0x2d: {  	s0 =	simm.s32 @!p0 $0x1  }
0x2e: {  	_ =	swait.ge @!p0 [sflag:s0], s1  }
0x2f: {  	s1 =	ssub.s32 @!p0 $0x0, s1;
	[sflag:s0] =	ssyncset.done @!p0 $0x0  }
0x30: {  	[sflag:s0] =	ssyncadd.s32 @!p0 s1  }
0x31: {  	[bflag:$0x3] =	sbarrier.arrive $0xFFFF  }
0x32: {  	_ =	shalt  }

// kernel: kernel.17.cloned.1.call-start
scs
__scs_entry_jumppad:
0x0: {  	(pc) =	sbr.rel $0x88, $3  }
0x1: {  	(tag) =	ssettag $0x0;
	lr =	simm.s32 $0x1  }
0x2: {  	[smem:$0x3F91] =	sst lr;
	_ =	strace $0xD0000000  }
0x3: {  	_ = 	snop  }
0x4: {  	_ = 	snop  }
0x5: {  	_ = 	snop  }
0x6: {  	_ = 	snop  }
0x7: {  	_ = 	snop  }
__scs_overlays_trampoline_lowered:
0x8: {  	[smem:$0x3FA0] =	sst s0  }
0x9: {  	[smem:$0x3FA1] =	sst s1  }
0xa: {  	[smem:$0x3FA2] =	sst s2  }
0xb: {  	[smem:$0x3FA3] =	sst s3  }
0xc: {  	[smem:$0x3FA4] =	sst s4  }
0xd: {  	[smem:$0x3FA5] =	sst s5  }
0xe: {  	[smem:$0x3FA6] =	sst s6  }
0xf: {  	[smem:$0x3FA7] =	sst s7  }
0x10: {  	[smem:$0x3FA8] =	sst s8  }
0x11: {  	[smem:$0x3FA9] =	sst s9;
	s0 =	simm.s32 @!p0 $0x0  }
0x12: {  	s1 =	sld [smem:$0x3F8F];
	s0 =	simm.s32 @p0 $0x1  }
0x13: {  	[smem:$0x3FAA] =	sst s0;
	s0 =	simm.s32 @!p1 $0x0  }
0x14: {  	s2 =	sld [smem:$0x3F8E];
	s0 =	simm.s32 @p1 $0x1  }
0x15: {  	[smem:$0x3FAB] =	sst s0;
	s0 =	simm.s32 @!p2 $0x0  }
0x16: {  	s3 =	sld [smem:$0x3FDB];
	s0 =	simm.s32 @p2 $0x1  }
0x17: {  	s4 =	simm.s32 $0x1BF5;
	[smem:$0x3FAD] =	sst s0  }
0x18: {  	s0 =	sld [smem:$0x3F90];
	_ =	swait.ge [sflag:s4], $0x0  }
0x19: {  	s7 =	sld [smem:$0x3F91]  }
0x1a: {  	s8 =	sadd.s32 $0xFFFFE003, lr  }
0x1b: {  	s9 =	sadd.s32 $0xFFFFFEF7, lr;
	s5 =	simm.s32 $0xFFFFFFFF;
	p2 =	slt.u32 s8, $0xFFFFF086  }
0x1c: {  	p1 =	slt.u32 s9, $0xF7A;
	s5 =	simm.s32 @!p2 $0x0  }
0x1d: {  	s5 =	simm.s32 @p1 $0x1;
	p0 =	seq.s32 s7, s2  }
0x1e: {  	s7 =	smul.u32 @!p0 $0xF7A, s2;
	p2 =	seq.s32 @!p0 s5, $0x0  }
0x1f: {  	s9 =	smul.u32 $0xF7A, s1;
	s8 =	simm.s32 @!p0 $0x1BF5;
	p2 =	por !p2, p0  }
0x20: {  	[sflag:s8] =	ssyncset.s32 @!p0 $0xFFFFF086;
	s6 =	sadd.s32 @!p0 s3, s7;
	s7 =	simm.s32 @!p0 $0x108  }
0x21: {  	s3 =	sadd.s32 s3, s9;
	s6 =	sadd.s32 @!p0 $0x88, s6;
	s7 =	simm.s32 @p2 $0x1082  }
0x22: {  	[simem:s7], [sflag:s8] =	dma.local @!p0 [hbm:s6], $0xF7A  }
0x23: {  	s9 =	sor.u32 $0xD0000000, s2;
	s6 =	simm.s32 $0x108;
	_ =	swait.ge @!p0 [sflag:s8], $0x0  }
0x24: {  	s3 =	sadd.s32 $0x88, s3;
	s6 =	simm.s32 @!p1 $0x1082;
	[sflag:s4] =	ssyncset.s32 $0xFFFFF086  }
0x25: {  	[simem:s6], [sflag:s4] =	dma.local [hbm:s3], $0xF7A  }
0x26: {  	[smem:$0x3F91] =	sst s1;
	(tag) =	ssettag s2;
	_ =	strace s9  }
0x27: {  	s1 =	sld [smem:$0x3FA1]  }
0x28: {  	s2 =	sld [smem:$0x3FA2]  }
0x29: {  	s4 =	sld [smem:$0x3FA4]  }
0x2a: {  	p0 =	seq.s32 s5, $0x0;
	s5 =	sld [smem:$0x3FA5]  }
0x2b: {  	s6 =	sld [smem:$0x3FA6]  }
0x2c: {  	s7 =	sld [smem:$0x3FA7]  }
0x2d: {  	s3 =	simm.s32 $0x108;
	s8 =	sld [smem:$0x3FA8]  }
0x2e: {  	s3 =	simm.s32 @!p0 $0x1082;
	s9 =	sld [smem:$0x3FA9]  }
0x2f: {  	lr =	sadd.s32 s0, s3;
	s0 =	sld [smem:$0x3FA0]  }
0x30: {  	s3 =	sld [smem:$0x3FA3]  }
0x31: {  	[smem:$0x3FAC] =	sst s10  }
0x32: {  	s10 =	sld [smem:$0x3FAA];
	_ =	sdelay $0x3  }
0x33: {  	p0 =	seq.s32 s10, $0x1;
	s10 =	sld [smem:$0x3FAC];
	_ =	sdelay $0x3  }
0x34: {  	[smem:$0x3FAC] =	sst s10  }
0x35: {  	s10 =	sld [smem:$0x3FAB];
	_ =	sdelay $0x3  }
0x36: {  	p1 =	seq.s32 s10, $0x1;
	s10 =	sld [smem:$0x3FAC];
	_ =	sdelay $0x3  }
0x37: {  	[smem:$0x3FAC] =	sst s10  }
0x38: {  	s10 =	sld [smem:$0x3FAD]  }
0x39: {  	_ = 	snop;
	(pc) =	sbr.ind lr, $3  }
0x3a: {  	_ = 	snop  }
0x3b: {  	_ = 	snop  }
0x3c: {  	p2 =	seq.s32 s10, $0x1;
	s10 =	sld [smem:$0x3FAC]  }
0x3d: {  	_ =	shalt  }
0x3e: {  	_ =	shalt  }
0x3f: {  	_ =	shalt  }
0x40: {  	_ =	shalt  }
0x41: {  	_ =	shalt  }
0x42: {  	_ =	shalt  }
0x43: {  	_ =	shalt  }
0x44: {  	_ =	shalt  }
0x45: {  	_ =	shalt  }
0x46: {  	_ =	shalt  }
0x47: {  	_ =	shalt  }
0x48: {  	_ =	shalt  }
0x49: {  	_ =	shalt  }
0x4a: {  	_ =	shalt  }
0x4b: {  	_ =	shalt  }
0x4c: {  	_ =	shalt  }
0x4d: {  	_ =	shalt  }
0x4e: {  	_ =	shalt  }
0x4f: {  	_ =	shalt  }
0x50: {  	_ =	shalt  }
0x51: {  	_ =	shalt  }
0x52: {  	_ =	shalt  }
0x53: {  	_ =	shalt  }
0x54: {  	_ =	shalt  }
0x55: {  	_ =	shalt  }
0x56: {  	_ =	shalt  }
0x57: {  	_ =	shalt  }
0x58: {  	_ =	shalt  }
0x59: {  	_ =	shalt  }
0x5a: {  	_ =	shalt  }
0x5b: {  	_ =	shalt  }
0x5c: {  	_ =	shalt  }
0x5d: {  	_ =	shalt  }
0x5e: {  	_ =	shalt  }
0x5f: {  	_ =	shalt  }
0x60: {  	_ =	shalt  }
0x61: {  	_ =	shalt  }
0x62: {  	_ =	shalt  }
0x63: {  	_ =	shalt  }
0x64: {  	_ =	shalt  }
0x65: {  	_ =	shalt  }
0x66: {  	_ =	shalt  }
0x67: {  	_ =	shalt  }
0x68: {  	_ =	shalt  }
0x69: {  	_ =	shalt  }
0x6a: {  	_ =	shalt  }
0x6b: {  	_ =	shalt  }
0x6c: {  	_ =	shalt  }
0x6d: {  	_ =	shalt  }
0x6e: {  	_ =	shalt  }
0x6f: {  	_ =	shalt  }
0x70: {  	_ =	shalt  }
0x71: {  	_ =	shalt  }
0x72: {  	_ =	shalt  }
0x73: {  	_ =	shalt  }
0x74: {  	_ =	shalt  }
0x75: {  	_ =	shalt  }
0x76: {  	_ =	shalt  }
0x77: {  	_ =	shalt  }
0x78: {  	_ =	shalt  }
0x79: {  	_ =	shalt  }
0x7a: {  	_ =	shalt  }
0x7b: {  	_ =	shalt  }
0x7c: {  	_ =	shalt  }
0x7d: {  	_ =	shalt  }
0x7e: {  	_ =	shalt  }
0x7f: {  	_ =	shalt  }
0x80: {  	_ =	shalt  }
0x81: {  	_ =	shalt  }
0x82: {  	_ =	shalt  }
0x83: {  	_ =	shalt  }
0x84: {  	_ =	shalt  }
0x85: {  	_ =	shalt  }
0x86: {  	_ =	shalt  }
0x87: {  	_ =	shalt  }
.Lfunc_end0:
.L_simem_size_0:
called_computation.1_lowered:
.L_overlay_start_0:
0x88: {  	s2 =	sld [smem:$0x3FD9]  }
0x89: {  	s3 =	sld [smem:$0x3FFE];
	_ =	sdelay $0x1  }
0x8a: {  	s1 =	srdreg.scid  }
0x8b: {  	s0 =	sand.u32 $0x1, s1  }
0x8c: {  	s16 =	sshll.u32 s0, $0xA;
	s2 =	sadd.s32 s3, s2  }
0x8d: {  	s2 =	sadd.s32 s2, s16  }
0x8e: {  	[smem:$0x3FB8] =	sst s2  }
0x8f: {  	_ = 	snop  }
0x90: {  	(tm) =	ssettm $0x1  }
0x91: {  	s17 =	sld [smem:$0x3FFB];
	_ =	sdelay $0x3  }
0x92: {  	_ =	strace s17  }
0x93: {  	s2 =	sld [smem:$0x3FFC];
	_ =	sdelay $0x3  }
0x94: {  	_ =	strace s2  }
0x95: {  	s2 =	sld [smem:$0x3FFD];
	_ =	sdelay $0x3  }
0x96: {  	_ =	strace s2  }
0x97: {  	_ =	strace $0x8FFFFFFF  }
0x98: {  	s18 =	sld [smem:$0x3FDB];
	_ =	sdelay $0x1  }
0x99: {  	s19 =	simm.s32 $_scs_section_size  }
0x9a: {  	s4 =	simm.s32 $_size__tile_overlayer_lowered;
	s5 =	simm.s32 $_tile_overlayer_lowered  }
0x9b: {  	s22 =	simm.s32 $0x1BFF;
	s21 =	sshll.u32 s5, $0x1;
	s2 =	sadd.s32 s19, s18  }
0x9c: {  	s6 =	simm.s32 $0x0;
	s20 =	sshll.u32 s4, $0x1;
	s4 =	sadd.s32 s21, s2  }
0x9d: {  	[timem:s6], [sflag:s22] =	dma.local [hbm:s4], s20  }
0x9e: {  	_ =	swait.ge [sflag:s22], s20  }
0x9f: {  	s3 =	ssub.s32 $0x0, s20;
	[sflag:s22] =	ssyncset.done $0x0  }
0xa0: {  	[sflag:s22] =	ssyncadd.s32 s3;
	_ =	sdelay $0x1  }
0xa1: {  	s23 =	simm.s32 $0x1B8B  }
0xa2: {  	_ =	swait.ge [sflag:s23], $0x1  }
0xa3: {  	[sflag:s23] =	ssyncset.done $0x0  }
0xa4: {  	s25 =	simm.s32 $0x1B8E;
	s24 =	sld [smem:$0x3FFE];
	[sflag:s23] =	ssyncadd.s32 $0xFFFFFFFF  }
0xa5: {  	s26 =	simm.s32 $execute0_lowered;
	[smem:$0x3FD2] =	sst s25  }
0xa6: {  	s4 =	sshll.u32 s26, $0x1;
	_ =	strace $0x80000049;
	[dreg:$0x1] =	wrdreg $0xFFFFFFFF  }
0xa7: {  	s28 =	simm.s32 $_size_execute0_lowered;
	s2 =	sadd.s32 s2, s4;
	[dreg:$0x0] =	wrdreg $0x0  }
0xa8: {  	s4 =	sshll.u32 s28, $0x1;
	[dreg:$0x2] =	wrdreg s2  }
0xa9: {  	[dreg:$0x3] =	wrdreg s4  }
0xaa: {  	[dreg:$0x4] =	wrdreg $0xC0  }
0xab: {  	_ =	task [dreg:s6], $0x5FFFF  }
0xac: {  	[dreg:$0x1] =	wrdreg $0xFFFFFFFF  }
0xad: {  	[dreg:$0x0] =	wrdreg $0x60  }
0xae: {  	[dreg:$0x2] =	wrdreg s24  }
0xaf: {  	[dreg:$0x3] =	wrdreg $0xDE000  }
0xb0: {  	[dreg:$0x4] =	wrdreg $0x9  }
0xb1: {  	_ =	task.clear_ibuf [dreg:s6], $0x5FFFF;
	_ =	strace $0x90000049  }
0xb2: {  	s29 =	simm.s32 $0x9;
	_ =	strace $0x8000004B  }
0xb3: {  	_ =	swait.ge [sflag:s29], $0x1  }
0xb4: {  	[sflag:s29] =	ssyncadd.s32 $0xFFFFFFFF  }
0xb5: {  	_ =	strace $0x9000004B  }
0xb6: {  	_ =	sfence  }
0xb7: {  	s30 =	sld [smem:$0x0];
	_ =	sdelay $0x2  }
0xb8: {  	s31 =	sshll.u32 s1, $0xD;
	s1 =	sshrl.u32 s1, $0x2  }
0xb9: {  	s3 =	sand.u32 $0x4000, s31;
	s1 =	sadd.s32 s1, s30  }
0xba: {  	s0 =	sor.u32 s3, s0;
	s1 =	sshll.u32 s1, $0x11  }
0xbb: {  	s0 =	sor.u32 s1, s0  }
0xbc: {  	s0 =	sadd.s32 $0x8F2B, s0  }
0xbd: {  	[sflag:s0] =	ssyncadd.remote.s32 $0x1  }
0xbe: {  	_ =	sfence.sel $0xFFFF  }
0xbf: {  	[dreg:$0x0] =	wrdreg $0xFFFFFFFF;
	(pc) =	sbr.abs _section_cstart, $3  }
0xc0: {  	[dreg:$0x1] =	wrdreg $0xFFFFFFFF  }
0xc1: {  	_ =	task.clear_ibuf [dreg:s6], $0x2FFFF;
	_ =	strace $0x9FFFFFFF  }
0xc2: {  	(tm) =	ssettm $0x7FFFFFFF  }
0xc3: {  	_ =	shalt  }
tec
execute0_lowered:
.L_overlay_start_1:
0x0: {  	(tag) =	ssettag $0x1  }
0x1: {  	s5 =	rddreg [dreg:$0x0];
	s0 =	srdreg.scid  }
0x2: {  	s2 =	rddreg [dreg:$0x1];
	s1 =	stileid.u32;
	s3 =	simm.s32 $0x0  }
0x3: {  	s14 =	simm.s32 $0x80;
	s15 =	simm.s32 $0x9E00;
	s16 =	simm.s32 $0x2  }
0x4: {  	s17 =	simm.s32 $0x3;
	s18 =	simm.s32 $0xBE00;
	s19 =	simm.s32 $0x4  }
0x5: {  	s20 =	simm.s32 $0x9D00;
	s21 =	simm.s32 $0x4E80;
	s22 =	simm.s32 $0x9D80  }
0x6: {  	s4 =	sand.u32 $0x1, s0;
	s0 =	rddreg [dreg:$0x2];
	s7 =	smul.u32 $0x9E0, s1  }
0x7: {  	s24 =	simm.s32 $0x0;
	[smem:$0x7FF] =	sst s3;
	s9 =	smul.u32 $0xA000, s1  }
0x8: {  	s23 =	sshll.u32 s1, $0x6;
	s6 =	smul.u32 $0xA0000, s4;
	_ =	strace $0x8000004A  }
0x9: {  	s10 =	ssub.s32 $0x2, s4;
	s4 =	sadd.s32 $0x3A00, s5;
	s7 =	sadd.s32 s7, s5  }
0xa: {  	s11 =	sshrl.u32 s10, $0x1;
	s13 =	sadd.s32 s9, s2;
	s8 =	sshrl.u32 s6, $0x3  }
0xb: {  	s6 =	sadd.s32 s9, s6;
	s10 =	ssub.s32 s10, s11;
	s11 =	simm.s32 $0x4F00  }
0xc: {  	s8 =	sadd.s32 s8, s5;
	s6 =	sshrl.u32 s6, $0x3;
	s10 =	smax.u32 s10, $0x1  }
0xd: {  	s12 =	sadd.s32 s6, s5;
	s5 =	sadd.s32 $0x21600, s7;
	s6 =	sadd.s32 $0x17800, s7  }
0xe: {  	s7 =	sor.u32 $0x1C03, s23;
	s8 =	sadd.s32 $0x7B400, s8;
	s23 =	sor.u32 $0x1C04, s23  }
0xf: {  	s9 =	sadd.s32 $0x2B400, s12;
	s12 =	sshrl.u32 s13, $0x3;
	s13 =	simm.s32 $0x1  }
.LBB2_1:
0x10: {  	[tilespmem:s3], [sflag:$0x1] =	stream.linear.gather [hbm4b:s5+s3], $0x4F00, $0x38;
	[tilespmem:$0x17E00] =	vst v63  }
0x11: {  	_ = 	snop  }
0x12: {  	[tilespmem:s11], [sflag:$0x2] =	stream.linear.gather [hbm4b:s6+s3], $0x4F00, $0x38;
	[tilespmem:$0x17E00] =	vst v63  }
0x13: {  	[spmem:s12], [sflag:s7] =	dma.local [hbm:s4], $0x1400  }
0x14: {  	_ =	swait.ge [sflag:s13], $0x4F00  }
0x15: {  	[sflag:s13] =	ssyncset.done $0x0  }
0x16: {  	[sflag:s13] =	ssyncadd.s32 $0xFFFFB100  }
0x17: {  	[tilespmem:s15], [sflag:$0x1] =	stream.indirect.gather [hbm4b:s8+s14], $0x40, s3, s14, $0xb8;
	[tilespmem:$0x17E00] =	vst v63  }
0x18: {  	_ =	swait.ge [sflag:s16], $0x4F00  }
0x19: {  	[sflag:s16] =	ssyncset.done $0x0  }
0x1a: {  	[sflag:s16] =	ssyncadd.s32 $0xFFFFB100  }
0x1b: {  	_ =	swait.ge [sflag:s17], $0x1400  }
0x1c: {  	[sflag:s17] =	ssyncset.done $0x0  }
0x1d: {  	[sflag:s17] =	ssyncadd.s32 $0xFFFFEC00  }
0x1e: {  	s25 =	simm.s32 $0x80;
	[bflag:$0x0] =	sbarrier.arrive $0xFFFF  }
0x1f: {  	[tilespmem:s18], [sflag:$0x2] =	stream.indirect.gather [hbm4b:s8+s14], $0x40, s25, s14, $0xb8;
	[tilespmem:$0x17E00] =	vst v63  }
0x20: {  	_ =	swait.ge [sflag:s13], $0x2000  }
0x21: {  	[sflag:s13] =	ssyncset.done $0x0  }
0x22: {  	s29 =	simm.s32 $0x4F00;
	[sflag:s13] =	ssyncadd.s32 $0xFFFFE000  }
0x23: {  	[spmem:s2] =	stream.indirect.scatter.add.f32 [tilespmem:s15], [sflag:$0x4], $0x40, s29, s14, $0xb8;
	[tilespmem:$0x17E00] =	vst v63  }
0x24: {  	_ =	swait.ge [sflag:s19], $0x2000  }
0x25: {  	[sflag:s19] =	ssyncset.done $0x0  }
0x26: {  	s30 =	simm.s32 $0x100;
	[sflag:s19] =	ssyncadd.s32 $0xFFFFE000  }
0x27: {  	[tilespmem:s15], [sflag:$0x1] =	stream.indirect.gather [hbm4b:s8+s14], $0x40, s30, s14, $0xb8;
	[tilespmem:$0x17E00] =	vst v63  }
0x28: {  	_ =	swait.ge [sflag:s16], $0x2000  }
0x29: {  	[sflag:s16] =	ssyncset.done $0x0  }
0x2a: {  	s31 =	simm.s32 $0x4F80;
	[sflag:s16] =	ssyncadd.s32 $0xFFFFE000  }
0x2b: {  	[spmem:s2] =	stream.indirect.scatter.add.f32 [tilespmem:s18], [sflag:$0x4], $0x40, s31, s14, $0xb8;
	[tilespmem:$0x17E00] =	vst v63  }
0x2c: {  	_ =	swait.ge [sflag:s19], $0x2000  }
0x2d: {  	s26 =	simm.s32 $0x800;
	s25 =	simm.s32 $0x100;
	[sflag:s19] =	ssyncset.done $0x0  }
.LBB2_2:
0x2e: {  	s28 =	sadd.s32 $0x80, s25  }
0x2f: {  	[sflag:s19] =	ssyncadd.s32 $0xFFFFE000;
	s29 =	smov.u32 s26;
	s30 =	sadd.s32 $0x400, s26  }
0x30: {  	[tilespmem:s18], [sflag:$0x2] =	stream.indirect.gather [hbm4b:s8+s14], $0x40, s28, s14, $0xb8;
	[tilespmem:$0x17E00] =	vst v63  }
0x31: {  	p0 =	sne.s32 s26, $0x13400;
	_ =	swait.ge [sflag:s13], $0x2000  }
0x32: {  	[sflag:s13] =	ssyncset.done $0x0  }
0x33: {  	s26 =	sadd.s32 $0x4F00, s25;
	[sflag:s13] =	ssyncadd.s32 $0xFFFFE000  }
0x34: {  	[spmem:s2] =	stream.indirect.scatter.add.f32 [tilespmem:s15], [sflag:$0x4], $0x40, s26, s14, $0xb8;
	[tilespmem:$0x17E00] =	vst v63  }
0x35: {  	_ =	swait.ge [sflag:s19], $0x2000  }
0x36: {  	[sflag:s19] =	ssyncset.done $0x0  }
0x37: {  	s26 =	sadd.s32 $0x100, s25;
	[sflag:s19] =	ssyncadd.s32 $0xFFFFE000  }
0x38: {  	[tilespmem:s15], [sflag:$0x1] =	stream.indirect.gather [hbm4b:s8+s14], $0x40, s26, s14, $0xb8;
	[tilespmem:$0x17E00] =	vst v63  }
0x39: {  	_ =	swait.ge [sflag:s16], $0x2000  }
.Ltmp0:
0x3a: {  	[sflag:s16] =	ssyncset.done $0x0;
	(pc) =	sbr.rel @p0 .LBB2_2-.Ltmp0, $4  }
0x3b: {  	s25 =	sadd.s32 $0x4F80, s25;
	[sflag:s16] =	ssyncadd.s32 $0xFFFFE000  }
0x3c: {  	[spmem:s2] =	stream.indirect.scatter.add.f32 [tilespmem:s18], [sflag:$0x4], $0x40, s25, s14, $0xb8;
	[tilespmem:$0x17E00] =	vst v63  }
0x3d: {  	_ =	swait.ge [sflag:s19], $0x2000  }
0x3e: {  	s26 =	smov.u32 s30;
	s25 =	sshra.s32 s29, $0x2;
	[sflag:s19] =	ssyncset.done $0x0  }
0x3f: {  	s26 =	sadd.s32 $0x80, s25;
	[sflag:s19] =	ssyncadd.s32 $0xFFFFE000  }
0x40: {  	[tilespmem:s18], [sflag:$0x2] =	stream.indirect.gather [hbm4b:s8+s14], $0x40, s26, s14, $0xb8;
	[tilespmem:$0x17E00] =	vst v63  }
0x41: {  	_ =	swait.ge [sflag:s13], $0x2000  }
0x42: {  	[sflag:s13] =	ssyncset.done $0x0  }
0x43: {  	s29 =	sadd.s32 $0x4F00, s25;
	[sflag:s13] =	ssyncadd.s32 $0xFFFFE000  }
0x44: {  	[spmem:s2] =	stream.indirect.scatter.add.f32 [tilespmem:s15], [sflag:$0x4], $0x40, s29, s14, $0xb8;
	[tilespmem:$0x17E00] =	vst v63  }
0x45: {  	_ =	swait.ge [sflag:s19], $0x2000  }
0x46: {  	[sflag:s19] =	ssyncset.done $0x0  }
0x47: {  	s30 =	sadd.s32 $0x100, s25;
	[sflag:s19] =	ssyncadd.s32 $0xFFFFE000  }
0x48: {  	[tilespmem:s15], [sflag:$0x1] =	stream.indirect.gather [hbm4b:s8+s14], $0x40, s30, s14, $0xb8;
	[tilespmem:$0x17E00] =	vst v63  }
0x49: {  	_ =	swait.ge [sflag:s16], $0x2000  }
0x4a: {  	[sflag:s16] =	ssyncset.done $0x0  }
0x4b: {  	s31 =	sadd.s32 $0x4F80, s25;
	[sflag:s16] =	ssyncadd.s32 $0xFFFFE000  }
0x4c: {  	[spmem:s2] =	stream.indirect.scatter.add.f32 [tilespmem:s18], [sflag:$0x4], $0x40, s31, s14, $0xb8;
	[tilespmem:$0x17E00] =	vst v63  }
0x4d: {  	_ =	swait.ge [sflag:s19], $0x2000  }
0x4e: {  	[sflag:s19] =	ssyncset.done $0x0  }
0x4f: {  	[sflag:s19] =	ssyncadd.s32 $0xFFFFE000  }
0x50: {  	_ =	swait.ge [sflag:s13], $0x2000  }
0x51: {  	[sflag:s13] =	ssyncset.done $0x0  }
0x52: {  	[sflag:s13] =	ssyncadd.s32 $0xFFFFE000  }
0x53: {  	[spmem:s2] =	stream.indirect.scatter.add.f32 [tilespmem:s15], [sflag:$0x4], $0x40, s20, s14, $0xb8;
	[tilespmem:$0x17E00] =	vst v63  }
0x54: {  	_ =	swait.ge [sflag:s19], $0x2000  }
0x55: {  	[sflag:s19] =	ssyncset.done $0x0  }
0x56: {  	[sflag:s19] =	ssyncadd.s32 $0xFFFFE000  }
0x57: {  	[tilespmem:s18], [sflag:$0x2] =	stream.indirect.gather [hbm4b:s8+s14], $0x40, s21, s14, $0xb8;
	[tilespmem:$0x17E00] =	vst v63  }
0x58: {  	_ =	swait.ge [sflag:s16], $0x2000  }
0x59: {  	[sflag:s16] =	ssyncset.done $0x0  }
0x5a: {  	[sflag:s16] =	ssyncadd.s32 $0xFFFFE000  }
0x5b: {  	[spmem:s2] =	stream.indirect.scatter.add.f32 [tilespmem:s18], [sflag:$0x4], $0x40, s22, s14, $0xb8;
	[tilespmem:$0x17E00] =	vst v63  }
0x5c: {  	_ =	swait.ge [sflag:s19], $0x2000  }
0x5d: {  	s24 =	sadd.s32 $0x1, s24;
	[sflag:s19] =	ssyncset.done $0x0  }
0x5e: {  	p0 =	sne.s32 s24, s10;
	[sflag:s19] =	ssyncadd.s32 $0xFFFFE000  }
.Ltmp1:
0x5f: {  	[bflag:$0x0] =	sbarrier.arrive $0xFFFF;
	(pc) =	sbr.rel @p0 .LBB2_1-.Ltmp1, $4  }
0x60: {  	[hbm:s9], [sflag:s23] =	dma.local [spmem:s12], $0x1400  }
0x61: {  	_ =	swait.ge [sflag:s19], $0x1400  }
0x62: {  	[sflag:s19] =	ssyncset.done $0x0  }
0x63: {  	[sflag:s19] =	ssyncadd.s32 $0xFFFFEC00  }
0x64: {  	_ =	sfence.sel $0x180000  }
0x65: {  	[bflag:$0x0] =	sbarrier.arrive $0xFFFF  }
0x66: {  	p0 =	sne.s32 s1, $0x0;
	_ =	strace $0x9000004A  }
0x67: {  	s0 =	sadd.s32 @!p0 $0x100000, s0;
	[bflag:$0x2] =	sbarrier.arrive $0xFFFF  }
0x68: {  	[sflag:s0] =	ssyncadd.tile.s32 @!p0 $0x1;
	_ =	shalt  }
.Lfunc_end2:
_tile_overlayer_lowered:
.L_overlay_start_2:
0x69: {  	(tag) =	ssettag $0x2  }
0x6a: {  	s0 =	rddreg [dreg:$0x0];
	s2 =	stileid.u32  }
0x6b: {  	s1 =	rddreg [dreg:$0x1];
	p0 =	sne.s32 s2, $0x0  }
0x6c: {  	s3 =	rddreg [dreg:$0x2];
	[bflag:$0x3] =	sbarrier.arrive $0xFFFF;
	s2 =	simm.s32 @!p0 $0x1C04  }
0x6d: {  	[timem:s3], [sflag:s2] =	dma.local @!p0 [hbm:s0], s1  }
0x6e: {  	s0 =	simm.s32 @!p0 $0x4  }
0x6f: {  	_ =	swait.ge @!p0 [sflag:s0], s1  }
0x70: {  	s1 =	ssub.s32 @!p0 $0x0, s1;
	[sflag:s0] =	ssyncset.done @!p0 $0x0  }
0x71: {  	[sflag:s0] =	ssyncadd.s32 @!p0 s1  }
0x72: {  	[bflag:$0x3] =	sbarrier.arrive $0xFFFF  }
0x73: {  	_ =	shalt  }

// kernel: kernel.20.cloned.1.call-start
scs
__scs_entry_jumppad:
0x0: {  	(pc) =	sbr.rel $0x88, $3  }
0x1: {  	(tag) =	ssettag $0x0;
	lr =	simm.s32 $0x1  }
0x2: {  	[smem:$0x3F91] =	sst lr;
	_ =	strace $0xD0000000  }
0x3: {  	_ = 	snop  }
0x4: {  	_ = 	snop  }
0x5: {  	_ = 	snop  }
0x6: {  	_ = 	snop  }
0x7: {  	_ = 	snop  }
__scs_overlays_trampoline_lowered:
0x8: {  	[smem:$0x3FA0] =	sst s0  }
0x9: {  	[smem:$0x3FA1] =	sst s1  }
0xa: {  	[smem:$0x3FA2] =	sst s2  }
0xb: {  	[smem:$0x3FA3] =	sst s3  }
0xc: {  	[smem:$0x3FA4] =	sst s4  }
0xd: {  	[smem:$0x3FA5] =	sst s5  }
0xe: {  	[smem:$0x3FA6] =	sst s6  }
0xf: {  	[smem:$0x3FA7] =	sst s7  }
0x10: {  	[smem:$0x3FA8] =	sst s8  }
0x11: {  	[smem:$0x3FA9] =	sst s9;
	s0 =	simm.s32 @!p0 $0x0  }
0x12: {  	s1 =	sld [smem:$0x3F8F];
	s0 =	simm.s32 @p0 $0x1  }
0x13: {  	[smem:$0x3FAA] =	sst s0;
	s0 =	simm.s32 @!p1 $0x0  }
0x14: {  	s2 =	sld [smem:$0x3F8E];
	s0 =	simm.s32 @p1 $0x1  }
0x15: {  	[smem:$0x3FAB] =	sst s0;
	s0 =	simm.s32 @!p2 $0x0  }
0x16: {  	s3 =	sld [smem:$0x3FDB];
	s0 =	simm.s32 @p2 $0x1  }
0x17: {  	s4 =	simm.s32 $0x1BF5;
	[smem:$0x3FAD] =	sst s0  }
0x18: {  	s0 =	sld [smem:$0x3F90];
	_ =	swait.ge [sflag:s4], $0x0  }
0x19: {  	s7 =	sld [smem:$0x3F91]  }
0x1a: {  	s8 =	sadd.s32 $0xFFFFE003, lr  }
0x1b: {  	s9 =	sadd.s32 $0xFFFFFEF7, lr;
	s5 =	simm.s32 $0xFFFFFFFF;
	p2 =	slt.u32 s8, $0xFFFFF086  }
0x1c: {  	p1 =	slt.u32 s9, $0xF7A;
	s5 =	simm.s32 @!p2 $0x0  }
0x1d: {  	s5 =	simm.s32 @p1 $0x1;
	p0 =	seq.s32 s7, s2  }
0x1e: {  	s7 =	smul.u32 @!p0 $0xF7A, s2;
	p2 =	seq.s32 @!p0 s5, $0x0  }
0x1f: {  	s9 =	smul.u32 $0xF7A, s1;
	s8 =	simm.s32 @!p0 $0x1BF5;
	p2 =	por !p2, p0  }
0x20: {  	[sflag:s8] =	ssyncset.s32 @!p0 $0xFFFFF086;
	s6 =	sadd.s32 @!p0 s3, s7;
	s7 =	simm.s32 @!p0 $0x108  }
0x21: {  	s3 =	sadd.s32 s3, s9;
	s6 =	sadd.s32 @!p0 $0x88, s6;
	s7 =	simm.s32 @p2 $0x1082  }
0x22: {  	[simem:s7], [sflag:s8] =	dma.local @!p0 [hbm:s6], $0xF7A  }
0x23: {  	s9 =	sor.u32 $0xD0000000, s2;
	s6 =	simm.s32 $0x108;
	_ =	swait.ge @!p0 [sflag:s8], $0x0  }
0x24: {  	s3 =	sadd.s32 $0x88, s3;
	s6 =	simm.s32 @!p1 $0x1082;
	[sflag:s4] =	ssyncset.s32 $0xFFFFF086  }
0x25: {  	[simem:s6], [sflag:s4] =	dma.local [hbm:s3], $0xF7A  }
0x26: {  	[smem:$0x3F91] =	sst s1;
	(tag) =	ssettag s2;
	_ =	strace s9  }
0x27: {  	s1 =	sld [smem:$0x3FA1]  }
0x28: {  	s2 =	sld [smem:$0x3FA2]  }
0x29: {  	s4 =	sld [smem:$0x3FA4]  }
0x2a: {  	p0 =	seq.s32 s5, $0x0;
	s5 =	sld [smem:$0x3FA5]  }
0x2b: {  	s6 =	sld [smem:$0x3FA6]  }
0x2c: {  	s7 =	sld [smem:$0x3FA7]  }
0x2d: {  	s3 =	simm.s32 $0x108;
	s8 =	sld [smem:$0x3FA8]  }
0x2e: {  	s3 =	simm.s32 @!p0 $0x1082;
	s9 =	sld [smem:$0x3FA9]  }
0x2f: {  	lr =	sadd.s32 s0, s3;
	s0 =	sld [smem:$0x3FA0]  }
0x30: {  	s3 =	sld [smem:$0x3FA3]  }
0x31: {  	[smem:$0x3FAC] =	sst s10  }
0x32: {  	s10 =	sld [smem:$0x3FAA];
	_ =	sdelay $0x3  }
0x33: {  	p0 =	seq.s32 s10, $0x1;
	s10 =	sld [smem:$0x3FAC];
	_ =	sdelay $0x3  }
0x34: {  	[smem:$0x3FAC] =	sst s10  }
0x35: {  	s10 =	sld [smem:$0x3FAB];
	_ =	sdelay $0x3  }
0x36: {  	p1 =	seq.s32 s10, $0x1;
	s10 =	sld [smem:$0x3FAC];
	_ =	sdelay $0x3  }
0x37: {  	[smem:$0x3FAC] =	sst s10  }
0x38: {  	s10 =	sld [smem:$0x3FAD]  }
0x39: {  	_ = 	snop;
	(pc) =	sbr.ind lr, $3  }
0x3a: {  	_ = 	snop  }
0x3b: {  	_ = 	snop  }
0x3c: {  	p2 =	seq.s32 s10, $0x1;
	s10 =	sld [smem:$0x3FAC]  }
0x3d: {  	_ =	shalt  }
0x3e: {  	_ =	shalt  }
0x3f: {  	_ =	shalt  }
0x40: {  	_ =	shalt  }
0x41: {  	_ =	shalt  }
0x42: {  	_ =	shalt  }
0x43: {  	_ =	shalt  }
0x44: {  	_ =	shalt  }
0x45: {  	_ =	shalt  }
0x46: {  	_ =	shalt  }
0x47: {  	_ =	shalt  }
0x48: {  	_ =	shalt  }
0x49: {  	_ =	shalt  }
0x4a: {  	_ =	shalt  }
0x4b: {  	_ =	shalt  }
0x4c: {  	_ =	shalt  }
0x4d: {  	_ =	shalt  }
0x4e: {  	_ =	shalt  }
0x4f: {  	_ =	shalt  }
0x50: {  	_ =	shalt  }
0x51: {  	_ =	shalt  }
0x52: {  	_ =	shalt  }
0x53: {  	_ =	shalt  }
0x54: {  	_ =	shalt  }
0x55: {  	_ =	shalt  }
0x56: {  	_ =	shalt  }
0x57: {  	_ =	shalt  }
0x58: {  	_ =	shalt  }
0x59: {  	_ =	shalt  }
0x5a: {  	_ =	shalt  }
0x5b: {  	_ =	shalt  }
0x5c: {  	_ =	shalt  }
0x5d: {  	_ =	shalt  }
0x5e: {  	_ =	shalt  }
0x5f: {  	_ =	shalt  }
0x60: {  	_ =	shalt  }
0x61: {  	_ =	shalt  }
0x62: {  	_ =	shalt  }
0x63: {  	_ =	shalt  }
0x64: {  	_ =	shalt  }
0x65: {  	_ =	shalt  }
0x66: {  	_ =	shalt  }
0x67: {  	_ =	shalt  }
0x68: {  	_ =	shalt  }
0x69: {  	_ =	shalt  }
0x6a: {  	_ =	shalt  }
0x6b: {  	_ =	shalt  }
0x6c: {  	_ =	shalt  }
0x6d: {  	_ =	shalt  }
0x6e: {  	_ =	shalt  }
0x6f: {  	_ =	shalt  }
0x70: {  	_ =	shalt  }
0x71: {  	_ =	shalt  }
0x72: {  	_ =	shalt  }
0x73: {  	_ =	shalt  }
0x74: {  	_ =	shalt  }
0x75: {  	_ =	shalt  }
0x76: {  	_ =	shalt  }
0x77: {  	_ =	shalt  }
0x78: {  	_ =	shalt  }
0x79: {  	_ =	shalt  }
0x7a: {  	_ =	shalt  }
0x7b: {  	_ =	shalt  }
0x7c: {  	_ =	shalt  }
0x7d: {  	_ =	shalt  }
0x7e: {  	_ =	shalt  }
0x7f: {  	_ =	shalt  }
0x80: {  	_ =	shalt  }
0x81: {  	_ =	shalt  }
0x82: {  	_ =	shalt  }
0x83: {  	_ =	shalt  }
0x84: {  	_ =	shalt  }
0x85: {  	_ =	shalt  }
0x86: {  	_ =	shalt  }
0x87: {  	_ =	shalt  }
.Lfunc_end0:
.L_simem_size_0:
called_computation.2_lowered:
.L_overlay_start_0:
0x88: {  	s2 =	sld [smem:$0x3FD9]  }
0x89: {  	s3 =	sld [smem:$0x3FFE];
	_ =	sdelay $0x1  }
0x8a: {  	s1 =	srdreg.scid  }
0x8b: {  	s0 =	sand.u32 $0x1, s1  }
0x8c: {  	s16 =	sshll.u32 s0, $0xA;
	s2 =	sadd.s32 s3, s2  }
0x8d: {  	s2 =	sadd.s32 s2, s16  }
0x8e: {  	[smem:$0x3FB8] =	sst s2  }
0x8f: {  	_ = 	snop  }
0x90: {  	(tm) =	ssettm $0x1  }
0x91: {  	s17 =	sld [smem:$0x3FFB];
	_ =	sdelay $0x3  }
0x92: {  	_ =	strace s17  }
0x93: {  	s2 =	sld [smem:$0x3FFC];
	_ =	sdelay $0x3  }
0x94: {  	_ =	strace s2  }
0x95: {  	s2 =	sld [smem:$0x3FFD];
	_ =	sdelay $0x3  }
0x96: {  	_ =	strace s2  }
0x97: {  	_ =	strace $0x8FFFFFFF  }
0x98: {  	s18 =	sld [smem:$0x3FDB];
	_ =	sdelay $0x1  }
0x99: {  	s19 =	simm.s32 $_scs_section_size  }
0x9a: {  	s4 =	simm.s32 $_size__tile_overlayer_lowered;
	s5 =	simm.s32 $_tile_overlayer_lowered  }
0x9b: {  	s22 =	simm.s32 $0x1BFF;
	s21 =	sshll.u32 s5, $0x1;
	s2 =	sadd.s32 s19, s18  }
0x9c: {  	s6 =	simm.s32 $0x0;
	s20 =	sshll.u32 s4, $0x1;
	s4 =	sadd.s32 s21, s2  }
0x9d: {  	[timem:s6], [sflag:s22] =	dma.local [hbm:s4], s20  }
0x9e: {  	_ =	swait.ge [sflag:s22], s20  }
0x9f: {  	s3 =	ssub.s32 $0x0, s20;
	[sflag:s22] =	ssyncset.done $0x0  }
0xa0: {  	[sflag:s22] =	ssyncadd.s32 s3;
	_ =	sdelay $0x1  }
0xa1: {  	s23 =	simm.s32 $0x1B8B  }
0xa2: {  	_ =	swait.ge [sflag:s23], $0x1  }
0xa3: {  	[sflag:s23] =	ssyncset.done $0x0  }
0xa4: {  	s25 =	simm.s32 $0x1B8E;
	s24 =	sld [smem:$0x3FFE];
	[sflag:s23] =	ssyncadd.s32 $0xFFFFFFFF  }
0xa5: {  	s26 =	simm.s32 $execute0_lowered;
	[smem:$0x3FD2] =	sst s25  }
0xa6: {  	s4 =	sshll.u32 s26, $0x1;
	_ =	strace $0x8000004C;
	[dreg:$0x1] =	wrdreg $0xFFFFFFFF  }
0xa7: {  	s28 =	simm.s32 $_size_execute0_lowered;
	s2 =	sadd.s32 s2, s4;
	[dreg:$0x0] =	wrdreg $0x0  }
0xa8: {  	s4 =	sshll.u32 s28, $0x1;
	[dreg:$0x2] =	wrdreg s2  }
0xa9: {  	[dreg:$0x3] =	wrdreg s4  }
0xaa: {  	[dreg:$0x4] =	wrdreg $0xC0  }
0xab: {  	_ =	task [dreg:s6], $0x5FFFF  }
0xac: {  	[dreg:$0x1] =	wrdreg $0xFFFFFFFF  }
0xad: {  	[dreg:$0x0] =	wrdreg $0x60  }
0xae: {  	[dreg:$0x2] =	wrdreg s24  }
0xaf: {  	[dreg:$0x3] =	wrdreg $0xDE000  }
0xb0: {  	[dreg:$0x4] =	wrdreg $0x9  }
0xb1: {  	_ =	task.clear_ibuf [dreg:s6], $0x5FFFF;
	_ =	strace $0x9000004C  }
0xb2: {  	s29 =	simm.s32 $0x9;
	_ =	strace $0x8000004E  }
0xb3: {  	_ =	swait.ge [sflag:s29], $0x1  }
0xb4: {  	[sflag:s29] =	ssyncadd.s32 $0xFFFFFFFF  }
0xb5: {  	_ =	strace $0x9000004E  }
0xb6: {  	_ =	sfence  }
0xb7: {  	s30 =	sld [smem:$0x0];
	_ =	sdelay $0x2  }
0xb8: {  	s31 =	sshll.u32 s1, $0xD;
	s1 =	sshrl.u32 s1, $0x2  }
0xb9: {  	s3 =	sand.u32 $0x4000, s31;
	s1 =	sadd.s32 s1, s30  }
0xba: {  	s0 =	sor.u32 s3, s0;
	s1 =	sshll.u32 s1, $0x11  }
0xbb: {  	s0 =	sor.u32 s1, s0  }
0xbc: {  	s0 =	sadd.s32 $0x8F2B, s0  }
0xbd: {  	[sflag:s0] =	ssyncadd.remote.s32 $0x1  }
0xbe: {  	_ =	sfence.sel $0xFFFF  }
0xbf: {  	[dreg:$0x0] =	wrdreg $0xFFFFFFFF;
	(pc) =	sbr.abs _section_cstart, $3  }
0xc0: {  	[dreg:$0x1] =	wrdreg $0xFFFFFFFF  }
0xc1: {  	_ =	task.clear_ibuf [dreg:s6], $0x2FFFF;
	_ =	strace $0x9FFFFFFF  }
0xc2: {  	(tm) =	ssettm $0x7FFFFFFF  }
0xc3: {  	_ =	shalt  }
tec
execute0_lowered:
.L_overlay_start_1:
0x0: {  	(tag) =	ssettag $0x1  }
0x1: {  	s5 =	rddreg [dreg:$0x0];
	s0 =	srdreg.scid  }
0x2: {  	s2 =	rddreg [dreg:$0x1];
	s1 =	stileid.u32;
	s3 =	simm.s32 $0x0  }
0x3: {  	s14 =	simm.s32 $0x80;
	s15 =	simm.s32 $0x9E00;
	s16 =	simm.s32 $0x2  }
0x4: {  	s17 =	simm.s32 $0x3;
	s18 =	simm.s32 $0xBE00;
	s19 =	simm.s32 $0x4  }
0x5: {  	s20 =	simm.s32 $0x9D00;
	s21 =	simm.s32 $0x4E80;
	s22 =	simm.s32 $0x9D80  }
0x6: {  	s4 =	sand.u32 $0x1, s0;
	s0 =	rddreg [dreg:$0x2];
	s7 =	smul.u32 $0x9E0, s1  }
0x7: {  	s24 =	simm.s32 $0x0;
	[smem:$0x7FF] =	sst s3;
	s9 =	smul.u32 $0xA000, s1  }
0x8: {  	s23 =	sshll.u32 s1, $0x6;
	s6 =	smul.u32 $0xA0000, s4;
	_ =	strace $0x8000004D  }
0x9: {  	s10 =	ssub.s32 $0x2, s4;
	s4 =	sadd.s32 $0x3A00, s5;
	s7 =	sadd.s32 s7, s5  }
0xa: {  	s11 =	sshrl.u32 s10, $0x1;
	s13 =	sadd.s32 s9, s2;
	s8 =	sshrl.u32 s6, $0x3  }
0xb: {  	s6 =	sadd.s32 s9, s6;
	s10 =	ssub.s32 s10, s11;
	s11 =	simm.s32 $0x4F00  }
0xc: {  	s8 =	sadd.s32 s8, s5;
	s6 =	sshrl.u32 s6, $0x3;
	s10 =	smax.u32 s10, $0x1  }
0xd: {  	s12 =	sadd.s32 s6, s5;
	s5 =	sadd.s32 $0x21600, s7;
	s6 =	sadd.s32 $0x17800, s7  }
0xe: {  	s7 =	sor.u32 $0x1C03, s23;
	s8 =	sadd.s32 $0x2B400, s8;
	s23 =	sor.u32 $0x1C04, s23  }
0xf: {  	s9 =	sadd.s32 $0x53400, s12;
	s12 =	sshrl.u32 s13, $0x3;
	s13 =	simm.s32 $0x1  }
.LBB2_1:
0x10: {  	[tilespmem:s3], [sflag:$0x1] =	stream.linear.gather [hbm4b:s5+s3], $0x4F00, $0x38;
	[tilespmem:$0x17E00] =	vst v63  }
0x11: {  	_ = 	snop  }
0x12: {  	[tilespmem:s11], [sflag:$0x2] =	stream.linear.gather [hbm4b:s6+s3], $0x4F00, $0x38;
	[tilespmem:$0x17E00] =	vst v63  }
0x13: {  	[spmem:s12], [sflag:s7] =	dma.local [hbm:s4], $0x1400  }
0x14: {  	_ =	swait.ge [sflag:s13], $0x4F00  }
0x15: {  	[sflag:s13] =	ssyncset.done $0x0  }
0x16: {  	[sflag:s13] =	ssyncadd.s32 $0xFFFFB100  }
0x17: {  	[tilespmem:s15], [sflag:$0x1] =	stream.indirect.gather [hbm4b:s8+s14], $0x40, s3, s14, $0xb8;
	[tilespmem:$0x17E00] =	vst v63  }
0x18: {  	_ =	swait.ge [sflag:s16], $0x4F00  }
0x19: {  	[sflag:s16] =	ssyncset.done $0x0  }
0x1a: {  	[sflag:s16] =	ssyncadd.s32 $0xFFFFB100  }
0x1b: {  	_ =	swait.ge [sflag:s17], $0x1400  }
0x1c: {  	[sflag:s17] =	ssyncset.done $0x0  }
0x1d: {  	[sflag:s17] =	ssyncadd.s32 $0xFFFFEC00  }
0x1e: {  	s25 =	simm.s32 $0x80;
	[bflag:$0x0] =	sbarrier.arrive $0xFFFF  }
0x1f: {  	[tilespmem:s18], [sflag:$0x2] =	stream.indirect.gather [hbm4b:s8+s14], $0x40, s25, s14, $0xb8;
	[tilespmem:$0x17E00] =	vst v63  }
0x20: {  	_ =	swait.ge [sflag:s13], $0x2000  }
0x21: {  	[sflag:s13] =	ssyncset.done $0x0  }
0x22: {  	s29 =	simm.s32 $0x4F00;
	[sflag:s13] =	ssyncadd.s32 $0xFFFFE000  }
0x23: {  	[spmem:s2] =	stream.indirect.scatter.add.f32 [tilespmem:s15], [sflag:$0x4], $0x40, s29, s14, $0xb8;
	[tilespmem:$0x17E00] =	vst v63  }
0x24: {  	_ =	swait.ge [sflag:s19], $0x2000  }
0x25: {  	[sflag:s19] =	ssyncset.done $0x0  }
0x26: {  	s30 =	simm.s32 $0x100;
	[sflag:s19] =	ssyncadd.s32 $0xFFFFE000  }
0x27: {  	[tilespmem:s15], [sflag:$0x1] =	stream.indirect.gather [hbm4b:s8+s14], $0x40, s30, s14, $0xb8;
	[tilespmem:$0x17E00] =	vst v63  }
0x28: {  	_ =	swait.ge [sflag:s16], $0x2000  }
0x29: {  	[sflag:s16] =	ssyncset.done $0x0  }
0x2a: {  	s31 =	simm.s32 $0x4F80;
	[sflag:s16] =	ssyncadd.s32 $0xFFFFE000  }
0x2b: {  	[spmem:s2] =	stream.indirect.scatter.add.f32 [tilespmem:s18], [sflag:$0x4], $0x40, s31, s14, $0xb8;
	[tilespmem:$0x17E00] =	vst v63  }
0x2c: {  	_ =	swait.ge [sflag:s19], $0x2000  }
0x2d: {  	s26 =	simm.s32 $0x800;
	s25 =	simm.s32 $0x100;
	[sflag:s19] =	ssyncset.done $0x0  }
.LBB2_2:
0x2e: {  	s28 =	sadd.s32 $0x80, s25  }
0x2f: {  	[sflag:s19] =	ssyncadd.s32 $0xFFFFE000;
	s29 =	smov.u32 s26;
	s30 =	sadd.s32 $0x400, s26  }
0x30: {  	[tilespmem:s18], [sflag:$0x2] =	stream.indirect.gather [hbm4b:s8+s14], $0x40, s28, s14, $0xb8;
	[tilespmem:$0x17E00] =	vst v63  }
0x31: {  	p0 =	sne.s32 s26, $0x13400;
	_ =	swait.ge [sflag:s13], $0x2000  }
0x32: {  	[sflag:s13] =	ssyncset.done $0x0  }
0x33: {  	s26 =	sadd.s32 $0x4F00, s25;
	[sflag:s13] =	ssyncadd.s32 $0xFFFFE000  }
0x34: {  	[spmem:s2] =	stream.indirect.scatter.add.f32 [tilespmem:s15], [sflag:$0x4], $0x40, s26, s14, $0xb8;
	[tilespmem:$0x17E00] =	vst v63  }
0x35: {  	_ =	swait.ge [sflag:s19], $0x2000  }
0x36: {  	[sflag:s19] =	ssyncset.done $0x0  }
0x37: {  	s26 =	sadd.s32 $0x100, s25;
	[sflag:s19] =	ssyncadd.s32 $0xFFFFE000  }
0x38: {  	[tilespmem:s15], [sflag:$0x1] =	stream.indirect.gather [hbm4b:s8+s14], $0x40, s26, s14, $0xb8;
	[tilespmem:$0x17E00] =	vst v63  }
0x39: {  	_ =	swait.ge [sflag:s16], $0x2000  }
.Ltmp0:
0x3a: {  	[sflag:s16] =	ssyncset.done $0x0;
	(pc) =	sbr.rel @p0 .LBB2_2-.Ltmp0, $4  }
0x3b: {  	s25 =	sadd.s32 $0x4F80, s25;
	[sflag:s16] =	ssyncadd.s32 $0xFFFFE000  }
0x3c: {  	[spmem:s2] =	stream.indirect.scatter.add.f32 [tilespmem:s18], [sflag:$0x4], $0x40, s25, s14, $0xb8;
	[tilespmem:$0x17E00] =	vst v63  }
0x3d: {  	_ =	swait.ge [sflag:s19], $0x2000  }
0x3e: {  	s26 =	smov.u32 s30;
	s25 =	sshra.s32 s29, $0x2;
	[sflag:s19] =	ssyncset.done $0x0  }
0x3f: {  	s26 =	sadd.s32 $0x80, s25;
	[sflag:s19] =	ssyncadd.s32 $0xFFFFE000  }
0x40: {  	[tilespmem:s18], [sflag:$0x2] =	stream.indirect.gather [hbm4b:s8+s14], $0x40, s26, s14, $0xb8;
	[tilespmem:$0x17E00] =	vst v63  }
0x41: {  	_ =	swait.ge [sflag:s13], $0x2000  }
0x42: {  	[sflag:s13] =	ssyncset.done $0x0  }
0x43: {  	s29 =	sadd.s32 $0x4F00, s25;
	[sflag:s13] =	ssyncadd.s32 $0xFFFFE000  }
0x44: {  	[spmem:s2] =	stream.indirect.scatter.add.f32 [tilespmem:s15], [sflag:$0x4], $0x40, s29, s14, $0xb8;
	[tilespmem:$0x17E00] =	vst v63  }
0x45: {  	_ =	swait.ge [sflag:s19], $0x2000  }
0x46: {  	[sflag:s19] =	ssyncset.done $0x0  }
0x47: {  	s30 =	sadd.s32 $0x100, s25;
	[sflag:s19] =	ssyncadd.s32 $0xFFFFE000  }
0x48: {  	[tilespmem:s15], [sflag:$0x1] =	stream.indirect.gather [hbm4b:s8+s14], $0x40, s30, s14, $0xb8;
	[tilespmem:$0x17E00] =	vst v63  }
0x49: {  	_ =	swait.ge [sflag:s16], $0x2000  }
0x4a: {  	[sflag:s16] =	ssyncset.done $0x0  }
0x4b: {  	s31 =	sadd.s32 $0x4F80, s25;
	[sflag:s16] =	ssyncadd.s32 $0xFFFFE000  }
0x4c: {  	[spmem:s2] =	stream.indirect.scatter.add.f32 [tilespmem:s18], [sflag:$0x4], $0x40, s31, s14, $0xb8;
	[tilespmem:$0x17E00] =	vst v63  }
0x4d: {  	_ =	swait.ge [sflag:s19], $0x2000  }
0x4e: {  	[sflag:s19] =	ssyncset.done $0x0  }
0x4f: {  	[sflag:s19] =	ssyncadd.s32 $0xFFFFE000  }
0x50: {  	_ =	swait.ge [sflag:s13], $0x2000  }
0x51: {  	[sflag:s13] =	ssyncset.done $0x0  }
0x52: {  	[sflag:s13] =	ssyncadd.s32 $0xFFFFE000  }
0x53: {  	[spmem:s2] =	stream.indirect.scatter.add.f32 [tilespmem:s15], [sflag:$0x4], $0x40, s20, s14, $0xb8;
	[tilespmem:$0x17E00] =	vst v63  }
0x54: {  	_ =	swait.ge [sflag:s19], $0x2000  }
0x55: {  	[sflag:s19] =	ssyncset.done $0x0  }
0x56: {  	[sflag:s19] =	ssyncadd.s32 $0xFFFFE000  }
0x57: {  	[tilespmem:s18], [sflag:$0x2] =	stream.indirect.gather [hbm4b:s8+s14], $0x40, s21, s14, $0xb8;
	[tilespmem:$0x17E00] =	vst v63  }
0x58: {  	_ =	swait.ge [sflag:s16], $0x2000  }
0x59: {  	[sflag:s16] =	ssyncset.done $0x0  }
0x5a: {  	[sflag:s16] =	ssyncadd.s32 $0xFFFFE000  }
0x5b: {  	[spmem:s2] =	stream.indirect.scatter.add.f32 [tilespmem:s18], [sflag:$0x4], $0x40, s22, s14, $0xb8;
	[tilespmem:$0x17E00] =	vst v63  }
0x5c: {  	_ =	swait.ge [sflag:s19], $0x2000  }
0x5d: {  	s24 =	sadd.s32 $0x1, s24;
	[sflag:s19] =	ssyncset.done $0x0  }
0x5e: {  	p0 =	sne.s32 s24, s10;
	[sflag:s19] =	ssyncadd.s32 $0xFFFFE000  }
.Ltmp1:
0x5f: {  	[bflag:$0x0] =	sbarrier.arrive $0xFFFF;
	(pc) =	sbr.rel @p0 .LBB2_1-.Ltmp1, $4  }
0x60: {  	[hbm:s9], [sflag:s23] =	dma.local [spmem:s12], $0x1400  }
0x61: {  	_ =	swait.ge [sflag:s19], $0x1400  }
0x62: {  	[sflag:s19] =	ssyncset.done $0x0  }
0x63: {  	[sflag:s19] =	ssyncadd.s32 $0xFFFFEC00  }
0x64: {  	_ =	sfence.sel $0x180000  }
0x65: {  	[bflag:$0x0] =	sbarrier.arrive $0xFFFF  }
0x66: {  	p0 =	sne.s32 s1, $0x0;
	_ =	strace $0x9000004D  }
0x67: {  	s0 =	sadd.s32 @!p0 $0x100000, s0;
	[bflag:$0x2] =	sbarrier.arrive $0xFFFF  }
0x68: {  	[sflag:s0] =	ssyncadd.tile.s32 @!p0 $0x1;
	_ =	shalt  }
.Lfunc_end2:
_tile_overlayer_lowered:
.L_overlay_start_2:
0x69: {  	(tag) =	ssettag $0x2  }
0x6a: {  	s0 =	rddreg [dreg:$0x0];
	s2 =	stileid.u32  }
0x6b: {  	s1 =	rddreg [dreg:$0x1];
	p0 =	sne.s32 s2, $0x0  }
0x6c: {  	s3 =	rddreg [dreg:$0x2];
	[bflag:$0x3] =	sbarrier.arrive $0xFFFF;
	s2 =	simm.s32 @!p0 $0x1C04  }
0x6d: {  	[timem:s3], [sflag:s2] =	dma.local @!p0 [hbm:s0], s1  }
0x6e: {  	s0 =	simm.s32 @!p0 $0x4  }
0x6f: {  	_ =	swait.ge @!p0 [sflag:s0], s1  }
0x70: {  	s1 =	ssub.s32 @!p0 $0x0, s1;
	[sflag:s0] =	ssyncset.done @!p0 $0x0  }
0x71: {  	[sflag:s0] =	ssyncadd.s32 @!p0 s1  }
0x72: {  	[bflag:$0x3] =	sbarrier.arrive $0xFFFF  }
0x73: {  	_ =	shalt  }

// kernel: kernel.23.cloned.1.call-start
scs
__scs_entry_jumppad:
0x0: {  	(pc) =	sbr.rel $0x88, $3  }
0x1: {  	(tag) =	ssettag $0x0;
	lr =	simm.s32 $0x1  }
0x2: {  	[smem:$0x3F91] =	sst lr;
	_ =	strace $0xD0000000  }
0x3: {  	_ = 	snop  }
0x4: {  	_ = 	snop  }
0x5: {  	_ = 	snop  }
0x6: {  	_ = 	snop  }
0x7: {  	_ = 	snop  }
__scs_overlays_trampoline_lowered:
0x8: {  	[smem:$0x3FA0] =	sst s0  }
0x9: {  	[smem:$0x3FA1] =	sst s1  }
0xa: {  	[smem:$0x3FA2] =	sst s2  }
0xb: {  	[smem:$0x3FA3] =	sst s3  }
0xc: {  	[smem:$0x3FA4] =	sst s4  }
0xd: {  	[smem:$0x3FA5] =	sst s5  }
0xe: {  	[smem:$0x3FA6] =	sst s6  }
0xf: {  	[smem:$0x3FA7] =	sst s7  }
0x10: {  	[smem:$0x3FA8] =	sst s8  }
0x11: {  	[smem:$0x3FA9] =	sst s9;
	s0 =	simm.s32 @!p0 $0x0  }
0x12: {  	s1 =	sld [smem:$0x3F8F];
	s0 =	simm.s32 @p0 $0x1  }
0x13: {  	[smem:$0x3FAA] =	sst s0;
	s0 =	simm.s32 @!p1 $0x0  }
0x14: {  	s2 =	sld [smem:$0x3F8E];
	s0 =	simm.s32 @p1 $0x1  }
0x15: {  	[smem:$0x3FAB] =	sst s0;
	s0 =	simm.s32 @!p2 $0x0  }
0x16: {  	s3 =	sld [smem:$0x3FDB];
	s0 =	simm.s32 @p2 $0x1  }
0x17: {  	s4 =	simm.s32 $0x1BF5;
	[smem:$0x3FAD] =	sst s0  }
0x18: {  	s0 =	sld [smem:$0x3F90];
	_ =	swait.ge [sflag:s4], $0x0  }
0x19: {  	s7 =	sld [smem:$0x3F91]  }
0x1a: {  	s8 =	sadd.s32 $0xFFFFE003, lr  }
0x1b: {  	s9 =	sadd.s32 $0xFFFFFEF7, lr;
	s5 =	simm.s32 $0xFFFFFFFF;
	p2 =	slt.u32 s8, $0xFFFFF086  }
0x1c: {  	p1 =	slt.u32 s9, $0xF7A;
	s5 =	simm.s32 @!p2 $0x0  }
0x1d: {  	s5 =	simm.s32 @p1 $0x1;
	p0 =	seq.s32 s7, s2  }
0x1e: {  	s7 =	smul.u32 @!p0 $0xF7A, s2;
	p2 =	seq.s32 @!p0 s5, $0x0  }
0x1f: {  	s9 =	smul.u32 $0xF7A, s1;
	s8 =	simm.s32 @!p0 $0x1BF5;
	p2 =	por !p2, p0  }
0x20: {  	[sflag:s8] =	ssyncset.s32 @!p0 $0xFFFFF086;
	s6 =	sadd.s32 @!p0 s3, s7;
	s7 =	simm.s32 @!p0 $0x108  }
0x21: {  	s3 =	sadd.s32 s3, s9;
	s6 =	sadd.s32 @!p0 $0x88, s6;
	s7 =	simm.s32 @p2 $0x1082  }
0x22: {  	[simem:s7], [sflag:s8] =	dma.local @!p0 [hbm:s6], $0xF7A  }
0x23: {  	s9 =	sor.u32 $0xD0000000, s2;
	s6 =	simm.s32 $0x108;
	_ =	swait.ge @!p0 [sflag:s8], $0x0  }
0x24: {  	s3 =	sadd.s32 $0x88, s3;
	s6 =	simm.s32 @!p1 $0x1082;
	[sflag:s4] =	ssyncset.s32 $0xFFFFF086  }
0x25: {  	[simem:s6], [sflag:s4] =	dma.local [hbm:s3], $0xF7A  }
0x26: {  	[smem:$0x3F91] =	sst s1;
	(tag) =	ssettag s2;
	_ =	strace s9  }
0x27: {  	s1 =	sld [smem:$0x3FA1]  }
0x28: {  	s2 =	sld [smem:$0x3FA2]  }
0x29: {  	s4 =	sld [smem:$0x3FA4]  }
0x2a: {  	p0 =	seq.s32 s5, $0x0;
	s5 =	sld [smem:$0x3FA5]  }
0x2b: {  	s6 =	sld [smem:$0x3FA6]  }
0x2c: {  	s7 =	sld [smem:$0x3FA7]  }
0x2d: {  	s3 =	simm.s32 $0x108;
	s8 =	sld [smem:$0x3FA8]  }
0x2e: {  	s3 =	simm.s32 @!p0 $0x1082;
	s9 =	sld [smem:$0x3FA9]  }
0x2f: {  	lr =	sadd.s32 s0, s3;
	s0 =	sld [smem:$0x3FA0]  }
0x30: {  	s3 =	sld [smem:$0x3FA3]  }
0x31: {  	[smem:$0x3FAC] =	sst s10  }
0x32: {  	s10 =	sld [smem:$0x3FAA];
	_ =	sdelay $0x3  }
0x33: {  	p0 =	seq.s32 s10, $0x1;
	s10 =	sld [smem:$0x3FAC];
	_ =	sdelay $0x3  }
0x34: {  	[smem:$0x3FAC] =	sst s10  }
0x35: {  	s10 =	sld [smem:$0x3FAB];
	_ =	sdelay $0x3  }
0x36: {  	p1 =	seq.s32 s10, $0x1;
	s10 =	sld [smem:$0x3FAC];
	_ =	sdelay $0x3  }
0x37: {  	[smem:$0x3FAC] =	sst s10  }
0x38: {  	s10 =	sld [smem:$0x3FAD]  }
0x39: {  	_ = 	snop;
	(pc) =	sbr.ind lr, $3  }
0x3a: {  	_ = 	snop  }
0x3b: {  	_ = 	snop  }
0x3c: {  	p2 =	seq.s32 s10, $0x1;
	s10 =	sld [smem:$0x3FAC]  }
0x3d: {  	_ =	shalt  }
0x3e: {  	_ =	shalt  }
0x3f: {  	_ =	shalt  }
0x40: {  	_ =	shalt  }
0x41: {  	_ =	shalt  }
0x42: {  	_ =	shalt  }
0x43: {  	_ =	shalt  }
0x44: {  	_ =	shalt  }
0x45: {  	_ =	shalt  }
0x46: {  	_ =	shalt  }
0x47: {  	_ =	shalt  }
0x48: {  	_ =	shalt  }
0x49: {  	_ =	shalt  }
0x4a: {  	_ =	shalt  }
0x4b: {  	_ =	shalt  }
0x4c: {  	_ =	shalt  }
0x4d: {  	_ =	shalt  }
0x4e: {  	_ =	shalt  }
0x4f: {  	_ =	shalt  }
0x50: {  	_ =	shalt  }
0x51: {  	_ =	shalt  }
0x52: {  	_ =	shalt  }
0x53: {  	_ =	shalt  }
0x54: {  	_ =	shalt  }
0x55: {  	_ =	shalt  }
0x56: {  	_ =	shalt  }
0x57: {  	_ =	shalt  }
0x58: {  	_ =	shalt  }
0x59: {  	_ =	shalt  }
0x5a: {  	_ =	shalt  }
0x5b: {  	_ =	shalt  }
0x5c: {  	_ =	shalt  }
0x5d: {  	_ =	shalt  }
0x5e: {  	_ =	shalt  }
0x5f: {  	_ =	shalt  }
0x60: {  	_ =	shalt  }
0x61: {  	_ =	shalt  }
0x62: {  	_ =	shalt  }
0x63: {  	_ =	shalt  }
0x64: {  	_ =	shalt  }
0x65: {  	_ =	shalt  }
0x66: {  	_ =	shalt  }
0x67: {  	_ =	shalt  }
0x68: {  	_ =	shalt  }
0x69: {  	_ =	shalt  }
0x6a: {  	_ =	shalt  }
0x6b: {  	_ =	shalt  }
0x6c: {  	_ =	shalt  }
0x6d: {  	_ =	shalt  }
0x6e: {  	_ =	shalt  }
0x6f: {  	_ =	shalt  }
0x70: {  	_ =	shalt  }
0x71: {  	_ =	shalt  }
0x72: {  	_ =	shalt  }
0x73: {  	_ =	shalt  }
0x74: {  	_ =	shalt  }
0x75: {  	_ =	shalt  }
0x76: {  	_ =	shalt  }
0x77: {  	_ =	shalt  }
0x78: {  	_ =	shalt  }
0x79: {  	_ =	shalt  }
0x7a: {  	_ =	shalt  }
0x7b: {  	_ =	shalt  }
0x7c: {  	_ =	shalt  }
0x7d: {  	_ =	shalt  }
0x7e: {  	_ =	shalt  }
0x7f: {  	_ =	shalt  }
0x80: {  	_ =	shalt  }
0x81: {  	_ =	shalt  }
0x82: {  	_ =	shalt  }
0x83: {  	_ =	shalt  }
0x84: {  	_ =	shalt  }
0x85: {  	_ =	shalt  }
0x86: {  	_ =	shalt  }
0x87: {  	_ =	shalt  }
.Lfunc_end0:
.L_simem_size_0:
called_computation.3_lowered:
.L_overlay_start_0:
0x88: {  	s2 =	sld [smem:$0x3FD9]  }
0x89: {  	s3 =	sld [smem:$0x3FFE];
	_ =	sdelay $0x1  }
0x8a: {  	s1 =	srdreg.scid  }
0x8b: {  	s0 =	sand.u32 $0x1, s1  }
0x8c: {  	s16 =	sshll.u32 s0, $0xA;
	s2 =	sadd.s32 s3, s2  }
0x8d: {  	s2 =	sadd.s32 s2, s16  }
0x8e: {  	[smem:$0x3FB8] =	sst s2  }
0x8f: {  	_ = 	snop  }
0x90: {  	(tm) =	ssettm $0x1  }
0x91: {  	s17 =	sld [smem:$0x3FFB];
	_ =	sdelay $0x3  }
0x92: {  	_ =	strace s17  }
0x93: {  	s2 =	sld [smem:$0x3FFC];
	_ =	sdelay $0x3  }
0x94: {  	_ =	strace s2  }
0x95: {  	s2 =	sld [smem:$0x3FFD];
	_ =	sdelay $0x3  }
0x96: {  	_ =	strace s2  }
0x97: {  	_ =	strace $0x8FFFFFFF  }
0x98: {  	s18 =	sld [smem:$0x3FDB];
	_ =	sdelay $0x1  }
0x99: {  	s19 =	simm.s32 $_scs_section_size  }
0x9a: {  	s4 =	simm.s32 $_size__tile_overlayer_lowered;
	s5 =	simm.s32 $_tile_overlayer_lowered  }
0x9b: {  	s22 =	simm.s32 $0x1BFF;
	s21 =	sshll.u32 s5, $0x1;
	s2 =	sadd.s32 s19, s18  }
0x9c: {  	s6 =	simm.s32 $0x0;
	s20 =	sshll.u32 s4, $0x1;
	s4 =	sadd.s32 s21, s2  }
0x9d: {  	[timem:s6], [sflag:s22] =	dma.local [hbm:s4], s20  }
0x9e: {  	_ =	swait.ge [sflag:s22], s20  }
0x9f: {  	s3 =	ssub.s32 $0x0, s20;
	[sflag:s22] =	ssyncset.done $0x0  }
0xa0: {  	[sflag:s22] =	ssyncadd.s32 s3;
	_ =	sdelay $0x1  }
0xa1: {  	s23 =	simm.s32 $0x1B8B  }
0xa2: {  	_ =	swait.ge [sflag:s23], $0x1  }
0xa3: {  	[sflag:s23] =	ssyncset.done $0x0  }
0xa4: {  	s25 =	simm.s32 $0x1B8E;
	s24 =	sld [smem:$0x3FFE];
	[sflag:s23] =	ssyncadd.s32 $0xFFFFFFFF  }
0xa5: {  	s26 =	simm.s32 $execute0_lowered;
	[smem:$0x3FD2] =	sst s25  }
0xa6: {  	s4 =	sshll.u32 s26, $0x1;
	_ =	strace $0x8000004F;
	[dreg:$0x1] =	wrdreg $0xFFFFFFFF  }
0xa7: {  	s28 =	simm.s32 $_size_execute0_lowered;
	s2 =	sadd.s32 s2, s4;
	[dreg:$0x0] =	wrdreg $0x0  }
0xa8: {  	s4 =	sshll.u32 s28, $0x1;
	[dreg:$0x2] =	wrdreg s2  }
0xa9: {  	[dreg:$0x3] =	wrdreg s4  }
0xaa: {  	[dreg:$0x4] =	wrdreg $0xC0  }
0xab: {  	_ =	task [dreg:s6], $0x5FFFF  }
0xac: {  	[dreg:$0x1] =	wrdreg $0xFFFFFFFF  }
0xad: {  	[dreg:$0x0] =	wrdreg $0x60  }
0xae: {  	[dreg:$0x2] =	wrdreg s24  }
0xaf: {  	[dreg:$0x3] =	wrdreg $0xDE000  }
0xb0: {  	[dreg:$0x4] =	wrdreg $0x9  }
0xb1: {  	_ =	task.clear_ibuf [dreg:s6], $0x5FFFF;
	_ =	strace $0x9000004F  }
0xb2: {  	s29 =	simm.s32 $0x9;
	_ =	strace $0x80000051  }
0xb3: {  	_ =	swait.ge [sflag:s29], $0x1  }
0xb4: {  	[sflag:s29] =	ssyncadd.s32 $0xFFFFFFFF  }
0xb5: {  	_ =	strace $0x90000051  }
0xb6: {  	_ =	sfence  }
0xb7: {  	s30 =	sld [smem:$0x0];
	_ =	sdelay $0x2  }
0xb8: {  	s31 =	sshll.u32 s1, $0xD;
	s1 =	sshrl.u32 s1, $0x2  }
0xb9: {  	s3 =	sand.u32 $0x4000, s31;
	s1 =	sadd.s32 s1, s30  }
0xba: {  	s0 =	sor.u32 s3, s0;
	s1 =	sshll.u32 s1, $0x11  }
0xbb: {  	s0 =	sor.u32 s1, s0  }
0xbc: {  	s0 =	sadd.s32 $0x8F2B, s0  }
0xbd: {  	[sflag:s0] =	ssyncadd.remote.s32 $0x1  }
0xbe: {  	_ =	sfence.sel $0xFFFF  }
0xbf: {  	[dreg:$0x0] =	wrdreg $0xFFFFFFFF;
	(pc) =	sbr.abs _section_cstart, $3  }
0xc0: {  	[dreg:$0x1] =	wrdreg $0xFFFFFFFF  }
0xc1: {  	_ =	task.clear_ibuf [dreg:s6], $0x2FFFF;
	_ =	strace $0x9FFFFFFF  }
0xc2: {  	(tm) =	ssettm $0x7FFFFFFF  }
0xc3: {  	_ =	shalt  }
tec
execute0_lowered:
.L_overlay_start_1:
0x0: {  	(tag) =	ssettag $0x1  }
0x1: {  	s5 =	rddreg [dreg:$0x0];
	s0 =	srdreg.scid  }
0x2: {  	s2 =	rddreg [dreg:$0x1];
	s1 =	stileid.u32;
	s3 =	simm.s32 $0x0  }
0x3: {  	s14 =	simm.s32 $0x80;
	s15 =	simm.s32 $0x9E00;
	s16 =	simm.s32 $0x2  }
0x4: {  	s17 =	simm.s32 $0x3;
	s18 =	simm.s32 $0xBE00;
	s19 =	simm.s32 $0x4  }
0x5: {  	s20 =	simm.s32 $0x9D00;
	s21 =	simm.s32 $0x4E80;
	s22 =	simm.s32 $0x9D80  }
0x6: {  	s4 =	sand.u32 $0x1, s0;
	s0 =	rddreg [dreg:$0x2];
	s7 =	smul.u32 $0x9E0, s1  }
0x7: {  	s24 =	simm.s32 $0x0;
	[smem:$0x7FF] =	sst s3;
	s9 =	smul.u32 $0xA000, s1  }
0x8: {  	s23 =	sshll.u32 s1, $0x6;
	s6 =	smul.u32 $0xA0000, s4;
	_ =	strace $0x80000050  }
0x9: {  	s10 =	ssub.s32 $0x2, s4;
	s4 =	sadd.s32 $0x3A00, s5;
	s7 =	sadd.s32 s7, s5  }
0xa: {  	s11 =	sshrl.u32 s10, $0x1;
	s13 =	sadd.s32 s9, s2;
	s8 =	sshrl.u32 s6, $0x3  }
0xb: {  	s6 =	sadd.s32 s9, s6;
	s10 =	ssub.s32 s10, s11;
	s11 =	simm.s32 $0x4F00  }
0xc: {  	s8 =	sadd.s32 s8, s5;
	s6 =	sshrl.u32 s6, $0x3;
	s10 =	smax.u32 s10, $0x1  }
0xd: {  	s12 =	sadd.s32 s6, s5;
	s5 =	sadd.s32 $0x21600, s7;
	s6 =	sadd.s32 $0x17800, s7  }
0xe: {  	s7 =	sor.u32 $0x1C03, s23;
	s8 =	sadd.s32 $0x2B400, s8;
	s23 =	sor.u32 $0x1C04, s23  }
0xf: {  	s9 =	sadd.s32 $0x53400, s12;
	s12 =	sshrl.u32 s13, $0x3;
	s13 =	simm.s32 $0x1  }
.LBB2_1:
0x10: {  	[tilespmem:s3], [sflag:$0x1] =	stream.linear.gather [hbm4b:s5+s3], $0x4F00, $0x38;
	[tilespmem:$0x17E00] =	vst v63  }
0x11: {  	_ = 	snop  }
0x12: {  	[tilespmem:s11], [sflag:$0x2] =	stream.linear.gather [hbm4b:s6+s3], $0x4F00, $0x38;
	[tilespmem:$0x17E00] =	vst v63  }
0x13: {  	[spmem:s12], [sflag:s7] =	dma.local [hbm:s4], $0x1400  }
0x14: {  	_ =	swait.ge [sflag:s13], $0x4F00  }
0x15: {  	[sflag:s13] =	ssyncset.done $0x0  }
0x16: {  	[sflag:s13] =	ssyncadd.s32 $0xFFFFB100  }
0x17: {  	[tilespmem:s15], [sflag:$0x1] =	stream.indirect.gather [hbm4b:s8+s14], $0x40, s3, s14, $0xb8;
	[tilespmem:$0x17E00] =	vst v63  }
0x18: {  	_ =	swait.ge [sflag:s16], $0x4F00  }
0x19: {  	[sflag:s16] =	ssyncset.done $0x0  }
0x1a: {  	[sflag:s16] =	ssyncadd.s32 $0xFFFFB100  }
0x1b: {  	_ =	swait.ge [sflag:s17], $0x1400  }
0x1c: {  	[sflag:s17] =	ssyncset.done $0x0  }
0x1d: {  	[sflag:s17] =	ssyncadd.s32 $0xFFFFEC00  }
0x1e: {  	s25 =	simm.s32 $0x80;
	[bflag:$0x0] =	sbarrier.arrive $0xFFFF  }
0x1f: {  	[tilespmem:s18], [sflag:$0x2] =	stream.indirect.gather [hbm4b:s8+s14], $0x40, s25, s14, $0xb8;
	[tilespmem:$0x17E00] =	vst v63  }
0x20: {  	_ =	swait.ge [sflag:s13], $0x2000  }
0x21: {  	[sflag:s13] =	ssyncset.done $0x0  }
0x22: {  	s29 =	simm.s32 $0x4F00;
	[sflag:s13] =	ssyncadd.s32 $0xFFFFE000  }
0x23: {  	[spmem:s2] =	stream.indirect.scatter.add.f32 [tilespmem:s15], [sflag:$0x4], $0x40, s29, s14, $0xb8;
	[tilespmem:$0x17E00] =	vst v63  }
0x24: {  	_ =	swait.ge [sflag:s19], $0x2000  }
0x25: {  	[sflag:s19] =	ssyncset.done $0x0  }
0x26: {  	s30 =	simm.s32 $0x100;
	[sflag:s19] =	ssyncadd.s32 $0xFFFFE000  }
0x27: {  	[tilespmem:s15], [sflag:$0x1] =	stream.indirect.gather [hbm4b:s8+s14], $0x40, s30, s14, $0xb8;
	[tilespmem:$0x17E00] =	vst v63  }
0x28: {  	_ =	swait.ge [sflag:s16], $0x2000  }
0x29: {  	[sflag:s16] =	ssyncset.done $0x0  }
0x2a: {  	s31 =	simm.s32 $0x4F80;
	[sflag:s16] =	ssyncadd.s32 $0xFFFFE000  }
0x2b: {  	[spmem:s2] =	stream.indirect.scatter.add.f32 [tilespmem:s18], [sflag:$0x4], $0x40, s31, s14, $0xb8;
	[tilespmem:$0x17E00] =	vst v63  }
0x2c: {  	_ =	swait.ge [sflag:s19], $0x2000  }
0x2d: {  	s26 =	simm.s32 $0x800;
	s25 =	simm.s32 $0x100;
	[sflag:s19] =	ssyncset.done $0x0  }
.LBB2_2:
0x2e: {  	s28 =	sadd.s32 $0x80, s25  }
0x2f: {  	[sflag:s19] =	ssyncadd.s32 $0xFFFFE000;
	s29 =	smov.u32 s26;
	s30 =	sadd.s32 $0x400, s26  }
0x30: {  	[tilespmem:s18], [sflag:$0x2] =	stream.indirect.gather [hbm4b:s8+s14], $0x40, s28, s14, $0xb8;
	[tilespmem:$0x17E00] =	vst v63  }
0x31: {  	p0 =	sne.s32 s26, $0x13400;
	_ =	swait.ge [sflag:s13], $0x2000  }
0x32: {  	[sflag:s13] =	ssyncset.done $0x0  }
0x33: {  	s26 =	sadd.s32 $0x4F00, s25;
	[sflag:s13] =	ssyncadd.s32 $0xFFFFE000  }
0x34: {  	[spmem:s2] =	stream.indirect.scatter.add.f32 [tilespmem:s15], [sflag:$0x4], $0x40, s26, s14, $0xb8;
	[tilespmem:$0x17E00] =	vst v63  }
0x35: {  	_ =	swait.ge [sflag:s19], $0x2000  }
0x36: {  	[sflag:s19] =	ssyncset.done $0x0  }
0x37: {  	s26 =	sadd.s32 $0x100, s25;
	[sflag:s19] =	ssyncadd.s32 $0xFFFFE000  }
0x38: {  	[tilespmem:s15], [sflag:$0x1] =	stream.indirect.gather [hbm4b:s8+s14], $0x40, s26, s14, $0xb8;
	[tilespmem:$0x17E00] =	vst v63  }
0x39: {  	_ =	swait.ge [sflag:s16], $0x2000  }
.Ltmp0:
0x3a: {  	[sflag:s16] =	ssyncset.done $0x0;
	(pc) =	sbr.rel @p0 .LBB2_2-.Ltmp0, $4  }
0x3b: {  	s25 =	sadd.s32 $0x4F80, s25;
	[sflag:s16] =	ssyncadd.s32 $0xFFFFE000  }
0x3c: {  	[spmem:s2] =	stream.indirect.scatter.add.f32 [tilespmem:s18], [sflag:$0x4], $0x40, s25, s14, $0xb8;
	[tilespmem:$0x17E00] =	vst v63  }
0x3d: {  	_ =	swait.ge [sflag:s19], $0x2000  }
0x3e: {  	s26 =	smov.u32 s30;
	s25 =	sshra.s32 s29, $0x2;
	[sflag:s19] =	ssyncset.done $0x0  }
0x3f: {  	s26 =	sadd.s32 $0x80, s25;
	[sflag:s19] =	ssyncadd.s32 $0xFFFFE000  }
0x40: {  	[tilespmem:s18], [sflag:$0x2] =	stream.indirect.gather [hbm4b:s8+s14], $0x40, s26, s14, $0xb8;
	[tilespmem:$0x17E00] =	vst v63  }
0x41: {  	_ =	swait.ge [sflag:s13], $0x2000  }
0x42: {  	[sflag:s13] =	ssyncset.done $0x0  }
0x43: {  	s29 =	sadd.s32 $0x4F00, s25;
	[sflag:s13] =	ssyncadd.s32 $0xFFFFE000  }
0x44: {  	[spmem:s2] =	stream.indirect.scatter.add.f32 [tilespmem:s15], [sflag:$0x4], $0x40, s29, s14, $0xb8;
	[tilespmem:$0x17E00] =	vst v63  }
0x45: {  	_ =	swait.ge [sflag:s19], $0x2000  }
0x46: {  	[sflag:s19] =	ssyncset.done $0x0  }
0x47: {  	s30 =	sadd.s32 $0x100, s25;
	[sflag:s19] =	ssyncadd.s32 $0xFFFFE000  }
0x48: {  	[tilespmem:s15], [sflag:$0x1] =	stream.indirect.gather [hbm4b:s8+s14], $0x40, s30, s14, $0xb8;
	[tilespmem:$0x17E00] =	vst v63  }
0x49: {  	_ =	swait.ge [sflag:s16], $0x2000  }
0x4a: {  	[sflag:s16] =	ssyncset.done $0x0  }
0x4b: {  	s31 =	sadd.s32 $0x4F80, s25;
	[sflag:s16] =	ssyncadd.s32 $0xFFFFE000  }
0x4c: {  	[spmem:s2] =	stream.indirect.scatter.add.f32 [tilespmem:s18], [sflag:$0x4], $0x40, s31, s14, $0xb8;
	[tilespmem:$0x17E00] =	vst v63  }
0x4d: {  	_ =	swait.ge [sflag:s19], $0x2000  }
0x4e: {  	[sflag:s19] =	ssyncset.done $0x0  }
0x4f: {  	[sflag:s19] =	ssyncadd.s32 $0xFFFFE000  }
0x50: {  	_ =	swait.ge [sflag:s13], $0x2000  }
0x51: {  	[sflag:s13] =	ssyncset.done $0x0  }
0x52: {  	[sflag:s13] =	ssyncadd.s32 $0xFFFFE000  }
0x53: {  	[spmem:s2] =	stream.indirect.scatter.add.f32 [tilespmem:s15], [sflag:$0x4], $0x40, s20, s14, $0xb8;
	[tilespmem:$0x17E00] =	vst v63  }
0x54: {  	_ =	swait.ge [sflag:s19], $0x2000  }
0x55: {  	[sflag:s19] =	ssyncset.done $0x0  }
0x56: {  	[sflag:s19] =	ssyncadd.s32 $0xFFFFE000  }
0x57: {  	[tilespmem:s18], [sflag:$0x2] =	stream.indirect.gather [hbm4b:s8+s14], $0x40, s21, s14, $0xb8;
	[tilespmem:$0x17E00] =	vst v63  }
0x58: {  	_ =	swait.ge [sflag:s16], $0x2000  }
0x59: {  	[sflag:s16] =	ssyncset.done $0x0  }
0x5a: {  	[sflag:s16] =	ssyncadd.s32 $0xFFFFE000  }
0x5b: {  	[spmem:s2] =	stream.indirect.scatter.add.f32 [tilespmem:s18], [sflag:$0x4], $0x40, s22, s14, $0xb8;
	[tilespmem:$0x17E00] =	vst v63  }
0x5c: {  	_ =	swait.ge [sflag:s19], $0x2000  }
0x5d: {  	s24 =	sadd.s32 $0x1, s24;
	[sflag:s19] =	ssyncset.done $0x0  }
0x5e: {  	p0 =	sne.s32 s24, s10;
	[sflag:s19] =	ssyncadd.s32 $0xFFFFE000  }
.Ltmp1:
0x5f: {  	[bflag:$0x0] =	sbarrier.arrive $0xFFFF;
	(pc) =	sbr.rel @p0 .LBB2_1-.Ltmp1, $4  }
0x60: {  	[hbm:s9], [sflag:s23] =	dma.local [spmem:s12], $0x1400  }
0x61: {  	_ =	swait.ge [sflag:s19], $0x1400  }
0x62: {  	[sflag:s19] =	ssyncset.done $0x0  }
0x63: {  	[sflag:s19] =	ssyncadd.s32 $0xFFFFEC00  }
0x64: {  	_ =	sfence.sel $0x180000  }
0x65: {  	[bflag:$0x0] =	sbarrier.arrive $0xFFFF  }
0x66: {  	p0 =	sne.s32 s1, $0x0;
	_ =	strace $0x90000050  }
0x67: {  	s0 =	sadd.s32 @!p0 $0x100000, s0;
	[bflag:$0x2] =	sbarrier.arrive $0xFFFF  }
0x68: {  	[sflag:s0] =	ssyncadd.tile.s32 @!p0 $0x1;
	_ =	shalt  }
.Lfunc_end2:
_tile_overlayer_lowered:
.L_overlay_start_2:
0x69: {  	(tag) =	ssettag $0x2  }
0x6a: {  	s0 =	rddreg [dreg:$0x0];
	s2 =	stileid.u32  }
0x6b: {  	s1 =	rddreg [dreg:$0x1];
	p0 =	sne.s32 s2, $0x0  }
0x6c: {  	s3 =	rddreg [dreg:$0x2];
	[bflag:$0x3] =	sbarrier.arrive $0xFFFF;
	s2 =	simm.s32 @!p0 $0x1C04  }
0x6d: {  	[timem:s3], [sflag:s2] =	dma.local @!p0 [hbm:s0], s1  }
0x6e: {  	s0 =	simm.s32 @!p0 $0x4  }
0x6f: {  	_ =	swait.ge @!p0 [sflag:s0], s1  }
0x70: {  	s1 =	ssub.s32 @!p0 $0x0, s1;
	[sflag:s0] =	ssyncset.done @!p0 $0x0  }
0x71: {  	[sflag:s0] =	ssyncadd.s32 @!p0 s1  }
0x72: {  	[bflag:$0x3] =	sbarrier.arrive $0xFFFF  }
0x73: {  	_ =	shalt  }

// kernel: kernel.26.cloned.1.call-start
scs
__scs_entry_jumppad:
0x0: {  	(pc) =	sbr.rel $0x88, $3  }
0x1: {  	(tag) =	ssettag $0x0;
	lr =	simm.s32 $0x1  }
0x2: {  	[smem:$0x3F91] =	sst lr;
	_ =	strace $0xD0000000  }
0x3: {  	_ = 	snop  }
0x4: {  	_ = 	snop  }
0x5: {  	_ = 	snop  }
0x6: {  	_ = 	snop  }
0x7: {  	_ = 	snop  }
__scs_overlays_trampoline_lowered:
0x8: {  	[smem:$0x3FA0] =	sst s0  }
0x9: {  	[smem:$0x3FA1] =	sst s1  }
0xa: {  	[smem:$0x3FA2] =	sst s2  }
0xb: {  	[smem:$0x3FA3] =	sst s3  }
0xc: {  	[smem:$0x3FA4] =	sst s4  }
0xd: {  	[smem:$0x3FA5] =	sst s5  }
0xe: {  	[smem:$0x3FA6] =	sst s6  }
0xf: {  	[smem:$0x3FA7] =	sst s7  }
0x10: {  	[smem:$0x3FA8] =	sst s8  }
0x11: {  	[smem:$0x3FA9] =	sst s9;
	s0 =	simm.s32 @!p0 $0x0  }
0x12: {  	s1 =	sld [smem:$0x3F8F];
	s0 =	simm.s32 @p0 $0x1  }
0x13: {  	[smem:$0x3FAA] =	sst s0;
	s0 =	simm.s32 @!p1 $0x0  }
0x14: {  	s2 =	sld [smem:$0x3F8E];
	s0 =	simm.s32 @p1 $0x1  }
0x15: {  	[smem:$0x3FAB] =	sst s0;
	s0 =	simm.s32 @!p2 $0x0  }
0x16: {  	s3 =	sld [smem:$0x3FDB];
	s0 =	simm.s32 @p2 $0x1  }
0x17: {  	s4 =	simm.s32 $0x1BF5;
	[smem:$0x3FAD] =	sst s0  }
0x18: {  	s0 =	sld [smem:$0x3F90];
	_ =	swait.ge [sflag:s4], $0x0  }
0x19: {  	s7 =	sld [smem:$0x3F91]  }
0x1a: {  	s8 =	sadd.s32 $0xFFFFE003, lr  }
0x1b: {  	s9 =	sadd.s32 $0xFFFFFEF7, lr;
	s5 =	simm.s32 $0xFFFFFFFF;
	p2 =	slt.u32 s8, $0xFFFFF086  }
0x1c: {  	p1 =	slt.u32 s9, $0xF7A;
	s5 =	simm.s32 @!p2 $0x0  }
0x1d: {  	s5 =	simm.s32 @p1 $0x1;
	p0 =	seq.s32 s7, s2  }
0x1e: {  	s7 =	smul.u32 @!p0 $0xF7A, s2;
	p2 =	seq.s32 @!p0 s5, $0x0  }
0x1f: {  	s9 =	smul.u32 $0xF7A, s1;
	s8 =	simm.s32 @!p0 $0x1BF5;
	p2 =	por !p2, p0  }
0x20: {  	[sflag:s8] =	ssyncset.s32 @!p0 $0xFFFFF086;
	s6 =	sadd.s32 @!p0 s3, s7;
	s7 =	simm.s32 @!p0 $0x108  }
0x21: {  	s3 =	sadd.s32 s3, s9;
	s6 =	sadd.s32 @!p0 $0x88, s6;
	s7 =	simm.s32 @p2 $0x1082  }
0x22: {  	[simem:s7], [sflag:s8] =	dma.local @!p0 [hbm:s6], $0xF7A  }
0x23: {  	s9 =	sor.u32 $0xD0000000, s2;
	s6 =	simm.s32 $0x108;
	_ =	swait.ge @!p0 [sflag:s8], $0x0  }
0x24: {  	s3 =	sadd.s32 $0x88, s3;
	s6 =	simm.s32 @!p1 $0x1082;
	[sflag:s4] =	ssyncset.s32 $0xFFFFF086  }
0x25: {  	[simem:s6], [sflag:s4] =	dma.local [hbm:s3], $0xF7A  }
0x26: {  	[smem:$0x3F91] =	sst s1;
	(tag) =	ssettag s2;
	_ =	strace s9  }
0x27: {  	s1 =	sld [smem:$0x3FA1]  }
0x28: {  	s2 =	sld [smem:$0x3FA2]  }
0x29: {  	s4 =	sld [smem:$0x3FA4]  }
0x2a: {  	p0 =	seq.s32 s5, $0x0;
	s5 =	sld [smem:$0x3FA5]  }
0x2b: {  	s6 =	sld [smem:$0x3FA6]  }
0x2c: {  	s7 =	sld [smem:$0x3FA7]  }
0x2d: {  	s3 =	simm.s32 $0x108;
	s8 =	sld [smem:$0x3FA8]  }
0x2e: {  	s3 =	simm.s32 @!p0 $0x1082;
	s9 =	sld [smem:$0x3FA9]  }
0x2f: {  	lr =	sadd.s32 s0, s3;
	s0 =	sld [smem:$0x3FA0]  }
0x30: {  	s3 =	sld [smem:$0x3FA3]  }
0x31: {  	[smem:$0x3FAC] =	sst s10  }
0x32: {  	s10 =	sld [smem:$0x3FAA];
	_ =	sdelay $0x3  }
0x33: {  	p0 =	seq.s32 s10, $0x1;
	s10 =	sld [smem:$0x3FAC];
	_ =	sdelay $0x3  }
0x34: {  	[smem:$0x3FAC] =	sst s10  }
0x35: {  	s10 =	sld [smem:$0x3FAB];
	_ =	sdelay $0x3  }
0x36: {  	p1 =	seq.s32 s10, $0x1;
	s10 =	sld [smem:$0x3FAC];
	_ =	sdelay $0x3  }
0x37: {  	[smem:$0x3FAC] =	sst s10  }
0x38: {  	s10 =	sld [smem:$0x3FAD]  }
0x39: {  	_ = 	snop;
	(pc) =	sbr.ind lr, $3  }
0x3a: {  	_ = 	snop  }
0x3b: {  	_ = 	snop  }
0x3c: {  	p2 =	seq.s32 s10, $0x1;
	s10 =	sld [smem:$0x3FAC]  }
0x3d: {  	_ =	shalt  }
0x3e: {  	_ =	shalt  }
0x3f: {  	_ =	shalt  }
0x40: {  	_ =	shalt  }
0x41: {  	_ =	shalt  }
0x42: {  	_ =	shalt  }
0x43: {  	_ =	shalt  }
0x44: {  	_ =	shalt  }
0x45: {  	_ =	shalt  }
0x46: {  	_ =	shalt  }
0x47: {  	_ =	shalt  }
0x48: {  	_ =	shalt  }
0x49: {  	_ =	shalt  }
0x4a: {  	_ =	shalt  }
0x4b: {  	_ =	shalt  }
0x4c: {  	_ =	shalt  }
0x4d: {  	_ =	shalt  }
0x4e: {  	_ =	shalt  }
0x4f: {  	_ =	shalt  }
0x50: {  	_ =	shalt  }
0x51: {  	_ =	shalt  }
0x52: {  	_ =	shalt  }
0x53: {  	_ =	shalt  }
0x54: {  	_ =	shalt  }
0x55: {  	_ =	shalt  }
0x56: {  	_ =	shalt  }
0x57: {  	_ =	shalt  }
0x58: {  	_ =	shalt  }
0x59: {  	_ =	shalt  }
0x5a: {  	_ =	shalt  }
0x5b: {  	_ =	shalt  }
0x5c: {  	_ =	shalt  }
0x5d: {  	_ =	shalt  }
0x5e: {  	_ =	shalt  }
0x5f: {  	_ =	shalt  }
0x60: {  	_ =	shalt  }
0x61: {  	_ =	shalt  }
0x62: {  	_ =	shalt  }
0x63: {  	_ =	shalt  }
0x64: {  	_ =	shalt  }
0x65: {  	_ =	shalt  }
0x66: {  	_ =	shalt  }
0x67: {  	_ =	shalt  }
0x68: {  	_ =	shalt  }
0x69: {  	_ =	shalt  }
0x6a: {  	_ =	shalt  }
0x6b: {  	_ =	shalt  }
0x6c: {  	_ =	shalt  }
0x6d: {  	_ =	shalt  }
0x6e: {  	_ =	shalt  }
0x6f: {  	_ =	shalt  }
0x70: {  	_ =	shalt  }
0x71: {  	_ =	shalt  }
0x72: {  	_ =	shalt  }
0x73: {  	_ =	shalt  }
0x74: {  	_ =	shalt  }
0x75: {  	_ =	shalt  }
0x76: {  	_ =	shalt  }
0x77: {  	_ =	shalt  }
0x78: {  	_ =	shalt  }
0x79: {  	_ =	shalt  }
0x7a: {  	_ =	shalt  }
0x7b: {  	_ =	shalt  }
0x7c: {  	_ =	shalt  }
0x7d: {  	_ =	shalt  }
0x7e: {  	_ =	shalt  }
0x7f: {  	_ =	shalt  }
0x80: {  	_ =	shalt  }
0x81: {  	_ =	shalt  }
0x82: {  	_ =	shalt  }
0x83: {  	_ =	shalt  }
0x84: {  	_ =	shalt  }
0x85: {  	_ =	shalt  }
0x86: {  	_ =	shalt  }
0x87: {  	_ =	shalt  }
.Lfunc_end0:
.L_simem_size_0:
called_computation.4_lowered:
.L_overlay_start_0:
0x88: {  	s2 =	sld [smem:$0x3FD9]  }
0x89: {  	s3 =	sld [smem:$0x3FFE];
	_ =	sdelay $0x1  }
0x8a: {  	s1 =	srdreg.scid  }
0x8b: {  	s0 =	sand.u32 $0x1, s1  }
0x8c: {  	s16 =	sshll.u32 s0, $0xA;
	s2 =	sadd.s32 s3, s2  }
0x8d: {  	s2 =	sadd.s32 s2, s16  }
0x8e: {  	[smem:$0x3FB8] =	sst s2  }
0x8f: {  	_ = 	snop  }
0x90: {  	(tm) =	ssettm $0x1  }
0x91: {  	s17 =	sld [smem:$0x3FFB];
	_ =	sdelay $0x3  }
0x92: {  	_ =	strace s17  }
0x93: {  	s2 =	sld [smem:$0x3FFC];
	_ =	sdelay $0x3  }
0x94: {  	_ =	strace s2  }
0x95: {  	s2 =	sld [smem:$0x3FFD];
	_ =	sdelay $0x3  }
0x96: {  	_ =	strace s2  }
0x97: {  	_ =	strace $0x8FFFFFFF  }
0x98: {  	s18 =	sld [smem:$0x3FDB];
	_ =	sdelay $0x1  }
0x99: {  	s19 =	simm.s32 $_scs_section_size  }
0x9a: {  	s4 =	simm.s32 $_size__tile_overlayer_lowered;
	s5 =	simm.s32 $_tile_overlayer_lowered  }
0x9b: {  	s22 =	simm.s32 $0x1BFF;
	s21 =	sshll.u32 s5, $0x1;
	s2 =	sadd.s32 s19, s18  }
0x9c: {  	s6 =	simm.s32 $0x0;
	s20 =	sshll.u32 s4, $0x1;
	s4 =	sadd.s32 s21, s2  }
0x9d: {  	[timem:s6], [sflag:s22] =	dma.local [hbm:s4], s20  }
0x9e: {  	_ =	swait.ge [sflag:s22], s20  }
0x9f: {  	s3 =	ssub.s32 $0x0, s20;
	[sflag:s22] =	ssyncset.done $0x0  }
0xa0: {  	[sflag:s22] =	ssyncadd.s32 s3;
	_ =	sdelay $0x1  }
0xa1: {  	s23 =	simm.s32 $0x1B8B  }
0xa2: {  	_ =	swait.ge [sflag:s23], $0x1  }
0xa3: {  	[sflag:s23] =	ssyncset.done $0x0  }
0xa4: {  	s25 =	simm.s32 $0x1B8E;
	s24 =	sld [smem:$0x3FFE];
	[sflag:s23] =	ssyncadd.s32 $0xFFFFFFFF  }
0xa5: {  	s26 =	simm.s32 $execute0_lowered;
	[smem:$0x3FD2] =	sst s25  }
0xa6: {  	s4 =	sshll.u32 s26, $0x1;
	_ =	strace $0x80000052;
	[dreg:$0x1] =	wrdreg $0xFFFFFFFF  }
0xa7: {  	s28 =	simm.s32 $_size_execute0_lowered;
	s2 =	sadd.s32 s2, s4;
	[dreg:$0x0] =	wrdreg $0x0  }
0xa8: {  	s4 =	sshll.u32 s28, $0x1;
	[dreg:$0x2] =	wrdreg s2  }
0xa9: {  	[dreg:$0x3] =	wrdreg s4  }
0xaa: {  	[dreg:$0x4] =	wrdreg $0xC0  }
0xab: {  	_ =	task [dreg:s6], $0x5FFFF  }
0xac: {  	[dreg:$0x1] =	wrdreg $0xFFFFFFFF  }
0xad: {  	[dreg:$0x0] =	wrdreg $0x60  }
0xae: {  	[dreg:$0x2] =	wrdreg s24  }
0xaf: {  	[dreg:$0x3] =	wrdreg $0xDE000  }
0xb0: {  	[dreg:$0x4] =	wrdreg $0x9  }
0xb1: {  	_ =	task.clear_ibuf [dreg:s6], $0x5FFFF;
	_ =	strace $0x90000052  }
0xb2: {  	s29 =	simm.s32 $0x9;
	_ =	strace $0x80000054  }
0xb3: {  	_ =	swait.ge [sflag:s29], $0x1  }
0xb4: {  	[sflag:s29] =	ssyncadd.s32 $0xFFFFFFFF  }
0xb5: {  	_ =	strace $0x90000054  }
0xb6: {  	_ =	sfence  }
0xb7: {  	s30 =	sld [smem:$0x0];
	_ =	sdelay $0x2  }
0xb8: {  	s31 =	sshll.u32 s1, $0xD;
	s1 =	sshrl.u32 s1, $0x2  }
0xb9: {  	s3 =	sand.u32 $0x4000, s31;
	s1 =	sadd.s32 s1, s30  }
0xba: {  	s0 =	sor.u32 s3, s0;
	s1 =	sshll.u32 s1, $0x11  }
0xbb: {  	s0 =	sor.u32 s1, s0  }
0xbc: {  	s0 =	sadd.s32 $0x8F2B, s0  }
0xbd: {  	[sflag:s0] =	ssyncadd.remote.s32 $0x1  }
0xbe: {  	_ =	sfence.sel $0xFFFF  }
0xbf: {  	[dreg:$0x0] =	wrdreg $0xFFFFFFFF;
	(pc) =	sbr.abs _section_cstart, $3  }
0xc0: {  	[dreg:$0x1] =	wrdreg $0xFFFFFFFF  }
0xc1: {  	_ =	task.clear_ibuf [dreg:s6], $0x2FFFF;
	_ =	strace $0x9FFFFFFF  }
0xc2: {  	(tm) =	ssettm $0x7FFFFFFF  }
0xc3: {  	_ =	shalt  }
tec
execute0_lowered:
.L_overlay_start_1:
0x0: {  	(tag) =	ssettag $0x1  }
0x1: {  	s5 =	rddreg [dreg:$0x0];
	s0 =	srdreg.scid  }
0x2: {  	s2 =	rddreg [dreg:$0x1];
	s1 =	stileid.u32;
	s3 =	simm.s32 $0x0  }
0x3: {  	s14 =	simm.s32 $0x80;
	s15 =	simm.s32 $0x9E00;
	s16 =	simm.s32 $0x2  }
0x4: {  	s17 =	simm.s32 $0x3;
	s18 =	simm.s32 $0xBE00;
	s19 =	simm.s32 $0x4  }
0x5: {  	s20 =	simm.s32 $0x9D00;
	s21 =	simm.s32 $0x4E80;
	s22 =	simm.s32 $0x9D80  }
0x6: {  	s4 =	sand.u32 $0x1, s0;
	s0 =	rddreg [dreg:$0x2];
	s7 =	smul.u32 $0x9E0, s1  }
0x7: {  	s24 =	simm.s32 $0x0;
	[smem:$0x7FF] =	sst s3;
	s9 =	smul.u32 $0xA000, s1  }
0x8: {  	s23 =	sshll.u32 s1, $0x6;
	s6 =	smul.u32 $0xA0000, s4;
	_ =	strace $0x80000053  }
0x9: {  	s10 =	ssub.s32 $0x2, s4;
	s4 =	sadd.s32 $0x3A00, s5;
	s7 =	sadd.s32 s7, s5  }
0xa: {  	s11 =	sshrl.u32 s10, $0x1;
	s13 =	sadd.s32 s9, s2;
	s8 =	sshrl.u32 s6, $0x3  }
0xb: {  	s6 =	sadd.s32 s9, s6;
	s10 =	ssub.s32 s10, s11;
	s11 =	simm.s32 $0x4F00  }
0xc: {  	s8 =	sadd.s32 s8, s5;
	s6 =	sshrl.u32 s6, $0x3;
	s10 =	smax.u32 s10, $0x1  }
0xd: {  	s12 =	sadd.s32 s6, s5;
	s5 =	sadd.s32 $0x21600, s7;
	s6 =	sadd.s32 $0x17800, s7  }
0xe: {  	s7 =	sor.u32 $0x1C03, s23;
	s8 =	sadd.s32 $0x2B400, s8;
	s23 =	sor.u32 $0x1C04, s23  }
0xf: {  	s9 =	sadd.s32 $0x53400, s12;
	s12 =	sshrl.u32 s13, $0x3;
	s13 =	simm.s32 $0x1  }
.LBB2_1:
0x10: {  	[tilespmem:s3], [sflag:$0x1] =	stream.linear.gather [hbm4b:s5+s3], $0x4F00, $0x38;
	[tilespmem:$0x17E00] =	vst v63  }
0x11: {  	_ = 	snop  }
0x12: {  	[tilespmem:s11], [sflag:$0x2] =	stream.linear.gather [hbm4b:s6+s3], $0x4F00, $0x38;
	[tilespmem:$0x17E00] =	vst v63  }
0x13: {  	[spmem:s12], [sflag:s7] =	dma.local [hbm:s4], $0x1400  }
0x14: {  	_ =	swait.ge [sflag:s13], $0x4F00  }
0x15: {  	[sflag:s13] =	ssyncset.done $0x0  }
0x16: {  	[sflag:s13] =	ssyncadd.s32 $0xFFFFB100  }
0x17: {  	[tilespmem:s15], [sflag:$0x1] =	stream.indirect.gather [hbm4b:s8+s14], $0x40, s3, s14, $0xb8;
	[tilespmem:$0x17E00] =	vst v63  }
0x18: {  	_ =	swait.ge [sflag:s16], $0x4F00  }
0x19: {  	[sflag:s16] =	ssyncset.done $0x0  }
0x1a: {  	[sflag:s16] =	ssyncadd.s32 $0xFFFFB100  }
0x1b: {  	_ =	swait.ge [sflag:s17], $0x1400  }
0x1c: {  	[sflag:s17] =	ssyncset.done $0x0  }
0x1d: {  	[sflag:s17] =	ssyncadd.s32 $0xFFFFEC00  }
0x1e: {  	s25 =	simm.s32 $0x80;
	[bflag:$0x0] =	sbarrier.arrive $0xFFFF  }
0x1f: {  	[tilespmem:s18], [sflag:$0x2] =	stream.indirect.gather [hbm4b:s8+s14], $0x40, s25, s14, $0xb8;
	[tilespmem:$0x17E00] =	vst v63  }
0x20: {  	_ =	swait.ge [sflag:s13], $0x2000  }
0x21: {  	[sflag:s13] =	ssyncset.done $0x0  }
0x22: {  	s29 =	simm.s32 $0x4F00;
	[sflag:s13] =	ssyncadd.s32 $0xFFFFE000  }
0x23: {  	[spmem:s2] =	stream.indirect.scatter.add.f32 [tilespmem:s15], [sflag:$0x4], $0x40, s29, s14, $0xb8;
	[tilespmem:$0x17E00] =	vst v63  }
0x24: {  	_ =	swait.ge [sflag:s19], $0x2000  }
0x25: {  	[sflag:s19] =	ssyncset.done $0x0  }
0x26: {  	s30 =	simm.s32 $0x100;
	[sflag:s19] =	ssyncadd.s32 $0xFFFFE000  }
0x27: {  	[tilespmem:s15], [sflag:$0x1] =	stream.indirect.gather [hbm4b:s8+s14], $0x40, s30, s14, $0xb8;
	[tilespmem:$0x17E00] =	vst v63  }
0x28: {  	_ =	swait.ge [sflag:s16], $0x2000  }
0x29: {  	[sflag:s16] =	ssyncset.done $0x0  }
0x2a: {  	s31 =	simm.s32 $0x4F80;
	[sflag:s16] =	ssyncadd.s32 $0xFFFFE000  }
0x2b: {  	[spmem:s2] =	stream.indirect.scatter.add.f32 [tilespmem:s18], [sflag:$0x4], $0x40, s31, s14, $0xb8;
	[tilespmem:$0x17E00] =	vst v63  }
0x2c: {  	_ =	swait.ge [sflag:s19], $0x2000  }
0x2d: {  	s26 =	simm.s32 $0x800;
	s25 =	simm.s32 $0x100;
	[sflag:s19] =	ssyncset.done $0x0  }
.LBB2_2:
0x2e: {  	s28 =	sadd.s32 $0x80, s25  }
0x2f: {  	[sflag:s19] =	ssyncadd.s32 $0xFFFFE000;
	s29 =	smov.u32 s26;
	s30 =	sadd.s32 $0x400, s26  }
0x30: {  	[tilespmem:s18], [sflag:$0x2] =	stream.indirect.gather [hbm4b:s8+s14], $0x40, s28, s14, $0xb8;
	[tilespmem:$0x17E00] =	vst v63  }
0x31: {  	p0 =	sne.s32 s26, $0x13400;
	_ =	swait.ge [sflag:s13], $0x2000  }
0x32: {  	[sflag:s13] =	ssyncset.done $0x0  }
0x33: {  	s26 =	sadd.s32 $0x4F00, s25;
	[sflag:s13] =	ssyncadd.s32 $0xFFFFE000  }
0x34: {  	[spmem:s2] =	stream.indirect.scatter.add.f32 [tilespmem:s15], [sflag:$0x4], $0x40, s26, s14, $0xb8;
	[tilespmem:$0x17E00] =	vst v63  }
0x35: {  	_ =	swait.ge [sflag:s19], $0x2000  }
0x36: {  	[sflag:s19] =	ssyncset.done $0x0  }
0x37: {  	s26 =	sadd.s32 $0x100, s25;
	[sflag:s19] =	ssyncadd.s32 $0xFFFFE000  }
0x38: {  	[tilespmem:s15], [sflag:$0x1] =	stream.indirect.gather [hbm4b:s8+s14], $0x40, s26, s14, $0xb8;
	[tilespmem:$0x17E00] =	vst v63  }
0x39: {  	_ =	swait.ge [sflag:s16], $0x2000  }
.Ltmp0:
0x3a: {  	[sflag:s16] =	ssyncset.done $0x0;
	(pc) =	sbr.rel @p0 .LBB2_2-.Ltmp0, $4  }
0x3b: {  	s25 =	sadd.s32 $0x4F80, s25;
	[sflag:s16] =	ssyncadd.s32 $0xFFFFE000  }
0x3c: {  	[spmem:s2] =	stream.indirect.scatter.add.f32 [tilespmem:s18], [sflag:$0x4], $0x40, s25, s14, $0xb8;
	[tilespmem:$0x17E00] =	vst v63  }
0x3d: {  	_ =	swait.ge [sflag:s19], $0x2000  }
0x3e: {  	s26 =	smov.u32 s30;
	s25 =	sshra.s32 s29, $0x2;
	[sflag:s19] =	ssyncset.done $0x0  }
0x3f: {  	s26 =	sadd.s32 $0x80, s25;
	[sflag:s19] =	ssyncadd.s32 $0xFFFFE000  }
0x40: {  	[tilespmem:s18], [sflag:$0x2] =	stream.indirect.gather [hbm4b:s8+s14], $0x40, s26, s14, $0xb8;
	[tilespmem:$0x17E00] =	vst v63  }
0x41: {  	_ =	swait.ge [sflag:s13], $0x2000  }
0x42: {  	[sflag:s13] =	ssyncset.done $0x0  }
0x43: {  	s29 =	sadd.s32 $0x4F00, s25;
	[sflag:s13] =	ssyncadd.s32 $0xFFFFE000  }
0x44: {  	[spmem:s2] =	stream.indirect.scatter.add.f32 [tilespmem:s15], [sflag:$0x4], $0x40, s29, s14, $0xb8;
	[tilespmem:$0x17E00] =	vst v63  }
0x45: {  	_ =	swait.ge [sflag:s19], $0x2000  }
0x46: {  	[sflag:s19] =	ssyncset.done $0x0  }
0x47: {  	s30 =	sadd.s32 $0x100, s25;
	[sflag:s19] =	ssyncadd.s32 $0xFFFFE000  }
0x48: {  	[tilespmem:s15], [sflag:$0x1] =	stream.indirect.gather [hbm4b:s8+s14], $0x40, s30, s14, $0xb8;
	[tilespmem:$0x17E00] =	vst v63  }
0x49: {  	_ =	swait.ge [sflag:s16], $0x2000  }
0x4a: {  	[sflag:s16] =	ssyncset.done $0x0  }
0x4b: {  	s31 =	sadd.s32 $0x4F80, s25;
	[sflag:s16] =	ssyncadd.s32 $0xFFFFE000  }
0x4c: {  	[spmem:s2] =	stream.indirect.scatter.add.f32 [tilespmem:s18], [sflag:$0x4], $0x40, s31, s14, $0xb8;
	[tilespmem:$0x17E00] =	vst v63  }
0x4d: {  	_ =	swait.ge [sflag:s19], $0x2000  }
0x4e: {  	[sflag:s19] =	ssyncset.done $0x0  }
0x4f: {  	[sflag:s19] =	ssyncadd.s32 $0xFFFFE000  }
0x50: {  	_ =	swait.ge [sflag:s13], $0x2000  }
0x51: {  	[sflag:s13] =	ssyncset.done $0x0  }
0x52: {  	[sflag:s13] =	ssyncadd.s32 $0xFFFFE000  }
0x53: {  	[spmem:s2] =	stream.indirect.scatter.add.f32 [tilespmem:s15], [sflag:$0x4], $0x40, s20, s14, $0xb8;
	[tilespmem:$0x17E00] =	vst v63  }
0x54: {  	_ =	swait.ge [sflag:s19], $0x2000  }
0x55: {  	[sflag:s19] =	ssyncset.done $0x0  }
0x56: {  	[sflag:s19] =	ssyncadd.s32 $0xFFFFE000  }
0x57: {  	[tilespmem:s18], [sflag:$0x2] =	stream.indirect.gather [hbm4b:s8+s14], $0x40, s21, s14, $0xb8;
	[tilespmem:$0x17E00] =	vst v63  }
0x58: {  	_ =	swait.ge [sflag:s16], $0x2000  }
0x59: {  	[sflag:s16] =	ssyncset.done $0x0  }
0x5a: {  	[sflag:s16] =	ssyncadd.s32 $0xFFFFE000  }
0x5b: {  	[spmem:s2] =	stream.indirect.scatter.add.f32 [tilespmem:s18], [sflag:$0x4], $0x40, s22, s14, $0xb8;
	[tilespmem:$0x17E00] =	vst v63  }
0x5c: {  	_ =	swait.ge [sflag:s19], $0x2000  }
0x5d: {  	s24 =	sadd.s32 $0x1, s24;
	[sflag:s19] =	ssyncset.done $0x0  }
0x5e: {  	p0 =	sne.s32 s24, s10;
	[sflag:s19] =	ssyncadd.s32 $0xFFFFE000  }
.Ltmp1:
0x5f: {  	[bflag:$0x0] =	sbarrier.arrive $0xFFFF;
	(pc) =	sbr.rel @p0 .LBB2_1-.Ltmp1, $4  }
0x60: {  	[hbm:s9], [sflag:s23] =	dma.local [spmem:s12], $0x1400  }
0x61: {  	_ =	swait.ge [sflag:s19], $0x1400  }
0x62: {  	[sflag:s19] =	ssyncset.done $0x0  }
0x63: {  	[sflag:s19] =	ssyncadd.s32 $0xFFFFEC00  }
0x64: {  	_ =	sfence.sel $0x180000  }
0x65: {  	[bflag:$0x0] =	sbarrier.arrive $0xFFFF  }
0x66: {  	p0 =	sne.s32 s1, $0x0;
	_ =	strace $0x90000053  }
0x67: {  	s0 =	sadd.s32 @!p0 $0x100000, s0;
	[bflag:$0x2] =	sbarrier.arrive $0xFFFF  }
0x68: {  	[sflag:s0] =	ssyncadd.tile.s32 @!p0 $0x1;
	_ =	shalt  }
.Lfunc_end2:
_tile_overlayer_lowered:
.L_overlay_start_2:
0x69: {  	(tag) =	ssettag $0x2  }
0x6a: {  	s0 =	rddreg [dreg:$0x0];
	s2 =	stileid.u32  }
0x6b: {  	s1 =	rddreg [dreg:$0x1];
	p0 =	sne.s32 s2, $0x0  }
0x6c: {  	s3 =	rddreg [dreg:$0x2];
	[bflag:$0x3] =	sbarrier.arrive $0xFFFF;
	s2 =	simm.s32 @!p0 $0x1C04  }
0x6d: {  	[timem:s3], [sflag:s2] =	dma.local @!p0 [hbm:s0], s1  }
0x6e: {  	s0 =	simm.s32 @!p0 $0x4  }
0x6f: {  	_ =	swait.ge @!p0 [sflag:s0], s1  }
0x70: {  	s1 =	ssub.s32 @!p0 $0x0, s1;
	[sflag:s0] =	ssyncset.done @!p0 $0x0  }
0x71: {  	[sflag:s0] =	ssyncadd.s32 @!p0 s1  }
0x72: {  	[bflag:$0x3] =	sbarrier.arrive $0xFFFF  }
0x73: {  	_ =	shalt  }

// kernel: kernel.29.cloned.1.call-start
scs
__scs_entry_jumppad:
0x0: {  	(pc) =	sbr.rel $0x88, $3  }
0x1: {  	(tag) =	ssettag $0x0;
	lr =	simm.s32 $0x1  }
0x2: {  	[smem:$0x3F91] =	sst lr;
	_ =	strace $0xD0000000  }
0x3: {  	_ = 	snop  }
0x4: {  	_ = 	snop  }
0x5: {  	_ = 	snop  }
0x6: {  	_ = 	snop  }
0x7: {  	_ = 	snop  }
__scs_overlays_trampoline_lowered:
0x8: {  	[smem:$0x3FA0] =	sst s0  }
0x9: {  	[smem:$0x3FA1] =	sst s1  }
0xa: {  	[smem:$0x3FA2] =	sst s2  }
0xb: {  	[smem:$0x3FA3] =	sst s3  }
0xc: {  	[smem:$0x3FA4] =	sst s4  }
0xd: {  	[smem:$0x3FA5] =	sst s5  }
0xe: {  	[smem:$0x3FA6] =	sst s6  }
0xf: {  	[smem:$0x3FA7] =	sst s7  }
0x10: {  	[smem:$0x3FA8] =	sst s8  }
0x11: {  	[smem:$0x3FA9] =	sst s9;
	s0 =	simm.s32 @!p0 $0x0  }
0x12: {  	s1 =	sld [smem:$0x3F8F];
	s0 =	simm.s32 @p0 $0x1  }
0x13: {  	[smem:$0x3FAA] =	sst s0;
	s0 =	simm.s32 @!p1 $0x0  }
0x14: {  	s2 =	sld [smem:$0x3F8E];
	s0 =	simm.s32 @p1 $0x1  }
0x15: {  	[smem:$0x3FAB] =	sst s0;
	s0 =	simm.s32 @!p2 $0x0  }
0x16: {  	s3 =	sld [smem:$0x3FDB];
	s0 =	simm.s32 @p2 $0x1  }
0x17: {  	s4 =	simm.s32 $0x1BF5;
	[smem:$0x3FAD] =	sst s0  }
0x18: {  	s0 =	sld [smem:$0x3F90];
	_ =	swait.ge [sflag:s4], $0x0  }
0x19: {  	s7 =	sld [smem:$0x3F91]  }
0x1a: {  	s8 =	sadd.s32 $0xFFFFE003, lr  }
0x1b: {  	s9 =	sadd.s32 $0xFFFFFEF7, lr;
	s5 =	simm.s32 $0xFFFFFFFF;
	p2 =	slt.u32 s8, $0xFFFFF086  }
0x1c: {  	p1 =	slt.u32 s9, $0xF7A;
	s5 =	simm.s32 @!p2 $0x0  }
0x1d: {  	s5 =	simm.s32 @p1 $0x1;
	p0 =	seq.s32 s7, s2  }
0x1e: {  	s7 =	smul.u32 @!p0 $0xF7A, s2;
	p2 =	seq.s32 @!p0 s5, $0x0  }
0x1f: {  	s9 =	smul.u32 $0xF7A, s1;
	s8 =	simm.s32 @!p0 $0x1BF5;
	p2 =	por !p2, p0  }
0x20: {  	[sflag:s8] =	ssyncset.s32 @!p0 $0xFFFFF086;
	s6 =	sadd.s32 @!p0 s3, s7;
	s7 =	simm.s32 @!p0 $0x108  }
0x21: {  	s3 =	sadd.s32 s3, s9;
	s6 =	sadd.s32 @!p0 $0x88, s6;
	s7 =	simm.s32 @p2 $0x1082  }
0x22: {  	[simem:s7], [sflag:s8] =	dma.local @!p0 [hbm:s6], $0xF7A  }
0x23: {  	s9 =	sor.u32 $0xD0000000, s2;
	s6 =	simm.s32 $0x108;
	_ =	swait.ge @!p0 [sflag:s8], $0x0  }
0x24: {  	s3 =	sadd.s32 $0x88, s3;
	s6 =	simm.s32 @!p1 $0x1082;
	[sflag:s4] =	ssyncset.s32 $0xFFFFF086  }
0x25: {  	[simem:s6], [sflag:s4] =	dma.local [hbm:s3], $0xF7A  }
0x26: {  	[smem:$0x3F91] =	sst s1;
	(tag) =	ssettag s2;
	_ =	strace s9  }
0x27: {  	s1 =	sld [smem:$0x3FA1]  }
0x28: {  	s2 =	sld [smem:$0x3FA2]  }
0x29: {  	s4 =	sld [smem:$0x3FA4]  }
0x2a: {  	p0 =	seq.s32 s5, $0x0;
	s5 =	sld [smem:$0x3FA5]  }
0x2b: {  	s6 =	sld [smem:$0x3FA6]  }
0x2c: {  	s7 =	sld [smem:$0x3FA7]  }
0x2d: {  	s3 =	simm.s32 $0x108;
	s8 =	sld [smem:$0x3FA8]  }
0x2e: {  	s3 =	simm.s32 @!p0 $0x1082;
	s9 =	sld [smem:$0x3FA9]  }
0x2f: {  	lr =	sadd.s32 s0, s3;
	s0 =	sld [smem:$0x3FA0]  }
0x30: {  	s3 =	sld [smem:$0x3FA3]  }
0x31: {  	[smem:$0x3FAC] =	sst s10  }
0x32: {  	s10 =	sld [smem:$0x3FAA];
	_ =	sdelay $0x3  }
0x33: {  	p0 =	seq.s32 s10, $0x1;
	s10 =	sld [smem:$0x3FAC];
	_ =	sdelay $0x3  }
0x34: {  	[smem:$0x3FAC] =	sst s10  }
0x35: {  	s10 =	sld [smem:$0x3FAB];
	_ =	sdelay $0x3  }
0x36: {  	p1 =	seq.s32 s10, $0x1;
	s10 =	sld [smem:$0x3FAC];
	_ =	sdelay $0x3  }
0x37: {  	[smem:$0x3FAC] =	sst s10  }
0x38: {  	s10 =	sld [smem:$0x3FAD]  }
0x39: {  	_ = 	snop;
	(pc) =	sbr.ind lr, $3  }
0x3a: {  	_ = 	snop  }
0x3b: {  	_ = 	snop  }
0x3c: {  	p2 =	seq.s32 s10, $0x1;
	s10 =	sld [smem:$0x3FAC]  }
0x3d: {  	_ =	shalt  }
0x3e: {  	_ =	shalt  }
0x3f: {  	_ =	shalt  }
0x40: {  	_ =	shalt  }
0x41: {  	_ =	shalt  }
0x42: {  	_ =	shalt  }
0x43: {  	_ =	shalt  }
0x44: {  	_ =	shalt  }
0x45: {  	_ =	shalt  }
0x46: {  	_ =	shalt  }
0x47: {  	_ =	shalt  }
0x48: {  	_ =	shalt  }
0x49: {  	_ =	shalt  }
0x4a: {  	_ =	shalt  }
0x4b: {  	_ =	shalt  }
0x4c: {  	_ =	shalt  }
0x4d: {  	_ =	shalt  }
0x4e: {  	_ =	shalt  }
0x4f: {  	_ =	shalt  }
0x50: {  	_ =	shalt  }
0x51: {  	_ =	shalt  }
0x52: {  	_ =	shalt  }
0x53: {  	_ =	shalt  }
0x54: {  	_ =	shalt  }
0x55: {  	_ =	shalt  }
0x56: {  	_ =	shalt  }
0x57: {  	_ =	shalt  }
0x58: {  	_ =	shalt  }
0x59: {  	_ =	shalt  }
0x5a: {  	_ =	shalt  }
0x5b: {  	_ =	shalt  }
0x5c: {  	_ =	shalt  }
0x5d: {  	_ =	shalt  }
0x5e: {  	_ =	shalt  }
0x5f: {  	_ =	shalt  }
0x60: {  	_ =	shalt  }
0x61: {  	_ =	shalt  }
0x62: {  	_ =	shalt  }
0x63: {  	_ =	shalt  }
0x64: {  	_ =	shalt  }
0x65: {  	_ =	shalt  }
0x66: {  	_ =	shalt  }
0x67: {  	_ =	shalt  }
0x68: {  	_ =	shalt  }
0x69: {  	_ =	shalt  }
0x6a: {  	_ =	shalt  }
0x6b: {  	_ =	shalt  }
0x6c: {  	_ =	shalt  }
0x6d: {  	_ =	shalt  }
0x6e: {  	_ =	shalt  }
0x6f: {  	_ =	shalt  }
0x70: {  	_ =	shalt  }
0x71: {  	_ =	shalt  }
0x72: {  	_ =	shalt  }
0x73: {  	_ =	shalt  }
0x74: {  	_ =	shalt  }
0x75: {  	_ =	shalt  }
0x76: {  	_ =	shalt  }
0x77: {  	_ =	shalt  }
0x78: {  	_ =	shalt  }
0x79: {  	_ =	shalt  }
0x7a: {  	_ =	shalt  }
0x7b: {  	_ =	shalt  }
0x7c: {  	_ =	shalt  }
0x7d: {  	_ =	shalt  }
0x7e: {  	_ =	shalt  }
0x7f: {  	_ =	shalt  }
0x80: {  	_ =	shalt  }
0x81: {  	_ =	shalt  }
0x82: {  	_ =	shalt  }
0x83: {  	_ =	shalt  }
0x84: {  	_ =	shalt  }
0x85: {  	_ =	shalt  }
0x86: {  	_ =	shalt  }
0x87: {  	_ =	shalt  }
.Lfunc_end0:
.L_simem_size_0:
called_computation.5_lowered:
.L_overlay_start_0:
0x88: {  	s2 =	sld [smem:$0x3FD9]  }
0x89: {  	s3 =	sld [smem:$0x3FFE];
	_ =	sdelay $0x1  }
0x8a: {  	s1 =	srdreg.scid  }
0x8b: {  	s0 =	sand.u32 $0x1, s1  }
0x8c: {  	s16 =	sshll.u32 s0, $0xA;
	s2 =	sadd.s32 s3, s2  }
0x8d: {  	s2 =	sadd.s32 s2, s16  }
0x8e: {  	[smem:$0x3FB8] =	sst s2  }
0x8f: {  	_ = 	snop  }
0x90: {  	(tm) =	ssettm $0x1  }
0x91: {  	s17 =	sld [smem:$0x3FFB];
	_ =	sdelay $0x3  }
0x92: {  	_ =	strace s17  }
0x93: {  	s2 =	sld [smem:$0x3FFC];
	_ =	sdelay $0x3  }
0x94: {  	_ =	strace s2  }
0x95: {  	s2 =	sld [smem:$0x3FFD];
	_ =	sdelay $0x3  }
0x96: {  	_ =	strace s2  }
0x97: {  	_ =	strace $0x8FFFFFFF  }
0x98: {  	s18 =	sld [smem:$0x3FDB];
	_ =	sdelay $0x1  }
0x99: {  	s19 =	simm.s32 $_scs_section_size  }
0x9a: {  	s4 =	simm.s32 $_size__tile_overlayer_lowered;
	s5 =	simm.s32 $_tile_overlayer_lowered  }
0x9b: {  	s22 =	simm.s32 $0x1BFF;
	s21 =	sshll.u32 s5, $0x1;
	s2 =	sadd.s32 s19, s18  }
0x9c: {  	s6 =	simm.s32 $0x0;
	s20 =	sshll.u32 s4, $0x1;
	s4 =	sadd.s32 s21, s2  }
0x9d: {  	[timem:s6], [sflag:s22] =	dma.local [hbm:s4], s20  }
0x9e: {  	_ =	swait.ge [sflag:s22], s20  }
0x9f: {  	s3 =	ssub.s32 $0x0, s20;
	[sflag:s22] =	ssyncset.done $0x0  }
0xa0: {  	[sflag:s22] =	ssyncadd.s32 s3;
	_ =	sdelay $0x1  }
0xa1: {  	s23 =	simm.s32 $0x1B8B  }
0xa2: {  	_ =	swait.ge [sflag:s23], $0x1  }
0xa3: {  	[sflag:s23] =	ssyncset.done $0x0  }
0xa4: {  	s25 =	simm.s32 $0x1B8E;
	s24 =	sld [smem:$0x3FFE];
	[sflag:s23] =	ssyncadd.s32 $0xFFFFFFFF  }
0xa5: {  	s26 =	simm.s32 $execute0_lowered;
	[smem:$0x3FD2] =	sst s25  }
0xa6: {  	s4 =	sshll.u32 s26, $0x1;
	_ =	strace $0x80000055;
	[dreg:$0x1] =	wrdreg $0xFFFFFFFF  }
0xa7: {  	s28 =	simm.s32 $_size_execute0_lowered;
	s2 =	sadd.s32 s2, s4;
	[dreg:$0x0] =	wrdreg $0x0  }
0xa8: {  	s4 =	sshll.u32 s28, $0x1;
	[dreg:$0x2] =	wrdreg s2  }
0xa9: {  	[dreg:$0x3] =	wrdreg s4  }
0xaa: {  	[dreg:$0x4] =	wrdreg $0xC0  }
0xab: {  	_ =	task [dreg:s6], $0x5FFFF  }
0xac: {  	[dreg:$0x1] =	wrdreg $0xFFFFFFFF  }
0xad: {  	[dreg:$0x0] =	wrdreg $0x60  }
0xae: {  	[dreg:$0x2] =	wrdreg s24  }
0xaf: {  	[dreg:$0x3] =	wrdreg $0x9  }
0xb0: {  	_ =	task.clear_ibuf [dreg:s6], $0x4FFFF;
	_ =	strace $0x90000055  }
0xb1: {  	s29 =	simm.s32 $0x9;
	_ =	strace $0x80000057  }
0xb2: {  	_ =	swait.ge [sflag:s29], $0x1  }
0xb3: {  	[sflag:s29] =	ssyncadd.s32 $0xFFFFFFFF  }
0xb4: {  	_ =	strace $0x90000057  }
0xb5: {  	_ =	sfence  }
0xb6: {  	s30 =	sld [smem:$0x0];
	_ =	sdelay $0x2  }
0xb7: {  	s31 =	sshll.u32 s1, $0xD;
	s1 =	sshrl.u32 s1, $0x2  }
0xb8: {  	s3 =	sand.u32 $0x4000, s31;
	s1 =	sadd.s32 s1, s30  }
0xb9: {  	s0 =	sor.u32 s3, s0;
	s1 =	sshll.u32 s1, $0x11  }
0xba: {  	s0 =	sor.u32 s1, s0  }
0xbb: {  	s0 =	sadd.s32 $0x8F2B, s0  }
0xbc: {  	[sflag:s0] =	ssyncadd.remote.s32 $0x1  }
0xbd: {  	_ =	sfence.sel $0xFFFF  }
0xbe: {  	[dreg:$0x0] =	wrdreg $0xFFFFFFFF;
	(pc) =	sbr.abs _section_cstart, $3  }
0xbf: {  	[dreg:$0x1] =	wrdreg $0xFFFFFFFF  }
0xc0: {  	_ =	task.clear_ibuf [dreg:s6], $0x2FFFF;
	_ =	strace $0x9FFFFFFF  }
0xc1: {  	(tm) =	ssettm $0x7FFFFFFF  }
tec
execute0_lowered:
.L_overlay_start_1:
0x0: {  	(tag) =	ssettag $0x1  }
0x1: {  	s0 =	srdreg.scid  }
0x2: {  	s4 =	rddreg [dreg:$0x0];
	s1 =	stileid.u32  }
0x3: {  	s9 =	simm.s32 $0x400;
	s10 =	simm.s32 $0xA000;
	s3 =	sand.u32 $0x1, s0  }
0x4: {  	s11 =	simm.s32 $0xA180;
	s12 =	simm.s32 $0x0;
	s2 =	sshll.u32 s3, $0x4  }
0x5: {  	s0 =	rddreg [dreg:$0x1];
	s7 =	sshll.u32 s1, $0x7;
	s5 =	sor.u32 s1, s2  }
0x6: {  	s7 =	sand.u32 $0x380, s7;
	s6 =	smul.u32 $0x1400, s5;
	s5 =	sshrl.u32 s5, $0x3  }
0x7: {  	s3 =	ssub.s32 $0x2, s3;
	s2 =	simm.s32 $0x0;
	s8 =	smul.u32 $0xC00, s5  }
0x8: {  	s31 =	sshrl.u32 s3, $0x1;
	[smem:$0x7FF] =	sst s2;
	s5 =	sshll.u32 s5, $0x10  }
0x9: {  	_ =	strace $0x80000056;
	s5 =	sor.u32 s7, s5;
	s8 =	sor.u32 s7, s8  }
0xa: {  	v2 =	vimm.s32 $0x0;
	vm0 =	vcmask $0x300;
	v0 =	vlaneseq.u32;
	s6 =	sadd.s32 s6, s4;
	s5 =	sshrl.u32 s5, $0x3;
	s8 =	sshrl.u32 s8, $0x3  }
0xb: {  	v1 =	vimm.f32 $0.0e+00;
	v2 =	vsel vm0, $0x7, v2;
	v3 =	vor.u32 $0x10, v0;
	s7 =	simm.s32 $0x1;
	s5 =	sadd.s32 s5, s4;
	s30 =	sadd.s32 s8, s4  }
0xc: {  	v4 =	vor.u32 $0x20, v0;
	v5 =	vor.u32 $0x30, v0;
	v6 =	vor.u32 $0x40, v0;
	s8 =	ssub.s32 s3, s31;
	s3 =	sadd.s32 $0x5400, s6;
	s5 =	sadd.s32 $0x2D400, s5  }
0xd: {  	v7 =	vor.u32 $0x50, v0;
	v8 =	vor.u32 $0x60, v0;
	v9 =	vor.u32 $0x70, v0;
	s4 =	sadd.s32 $0x4E00, s30;
	s6 =	smax.u32 s8, $0x1;
	s8 =	simm.s32 $0x80  }
.LBB2_1:
0xe: {  	[tilespmem:s2], [sflag:$0x1] =	stream.linear.gather [hbm4b:s3+s2], $0xA000, $0x38;
	[tilespmem:$0xC180] =	vst v63  }
0xf: {  	_ =	swait.ge [sflag:s7], $0xA000  }
0x10: {  	[sflag:s7] =	ssyncset.done $0x0  }
0x11: {  	[sflag:s7] =	ssyncadd.s32 $0xFFFF6000  }
0x12: {  	[tilespmem:s10], [sflag:$0x1] =	stream.strided.gather [hbm4b:s4+s8], $0x180, s9, s8, $0x38;
	[tilespmem:$0xC180] =	vst v63  }
0x13: {  	_ =	swait.ge [sflag:s7], $0x180  }
0x14: {  	[sflag:s7] =	ssyncset.done $0x0  }
0x15: {  	s13 =	simm.s32 $0x0;
	[sflag:s7] =	ssyncadd.s32 $0xFFFFFE80  }
.LBB2_2:
0x16: {  	p0 =	sne.s32 s13, $0x7FC0  }
.Ltmp0:
0x17: {  	_ = 	snop;
	(pc) =	sbr.rel @p0 .LBB2_2-.Ltmp0, $3  }
0x18: {  	_ =	sdelay $0x1  }
0x19: {  	s14 =	sshra.s32 s13, $0x2  }
0x1a: {  	s13 =	sadd.s32 $0x40, s13;
	[tilespmem:s14+$0xA180] =	vst v1  }
0x1b: {  	s13 =	simm.s32 $0x0;
	s14 =	simm.s32 $0x400  }
.LBB2_4:
0x1c: {  	s15 =	sshra.s32 s13, $0x2  }
0x1d: {  	v10 =	vld [tilespmem:s15+$0xA000];
	_ =	sdelay $0x4  }
0x1e: {  	v10 =	vshll.u32 v10, $0x7  }
0x1f: {  	v11 =	vshrl.u32 v10, $0x7  }
0x20: {  	v11 =	vshll.u32 v11, v2  }
0x21: {  	v11 =	vbroadcast v11, $0x0;
	_ =	sdelay $0x1  }
0x22: {  	v12 =	vor.u32 v0, v11;
	_ =	sdelay $0x3  }
0x23: {  	v13 =	vld [tilespmem:s14+$0xFFFFFC00]  }
0x24: {  	v14 =	vld.idx.msk [tilespmem:v12+s11+$0x0], $0xffff;
	_ =	sdelay $0x2  }
0x25: {  	v15 =	vor.u32 v3, v11;
	_ =	sdelay $0x1  }
0x26: {  	v13 =	vmax.f32 v14, v13  }
0x27: {  	[tilespmem:v12+s11+$0x0] =	vst.idx.msk $0xffff, v13  }
0x28: {  	v12 =	vld [tilespmem:s14+$0xFFFFFC10]  }
0x29: {  	v13 =	vld.idx.msk [tilespmem:v15+s11+$0x0], $0xffff;
	_ =	sdelay $0x2  }
0x2a: {  	v27 =	vor.u32 v4, v11;
	_ =	sdelay $0x1  }
0x2b: {  	v12 =	vmax.f32 v13, v12  }
0x2c: {  	[tilespmem:v15+s11+$0x0] =	vst.idx.msk $0xffff, v12  }
0x2d: {  	v12 =	vld [tilespmem:s14+$0xFFFFFC20]  }
0x2e: {  	v28 =	vld.idx.msk [tilespmem:v27+s11+$0x0], $0xffff;
	_ =	sdelay $0x2  }
0x2f: {  	v29 =	vor.u32 v5, v11;
	_ =	sdelay $0x1  }
0x30: {  	v12 =	vmax.f32 v28, v12  }
0x31: {  	[tilespmem:v27+s11+$0x0] =	vst.idx.msk $0xffff, v12  }
0x32: {  	v12 =	vld [tilespmem:s14+$0xFFFFFC30]  }
0x33: {  	v30 =	vld.idx.msk [tilespmem:v29+s11+$0x0], $0xffff;
	_ =	sdelay $0x2  }
0x34: {  	v31 =	vor.u32 v6, v11;
	_ =	sdelay $0x1  }
0x35: {  	v12 =	vmax.f32 v30, v12  }
0x36: {  	[tilespmem:v29+s11+$0x0] =	vst.idx.msk $0xffff, v12  }
0x37: {  	v12 =	vld [tilespmem:s14+$0xFFFFFC40]  }
0x38: {  	v32 =	vld.idx.msk [tilespmem:v31+s11+$0x0], $0xffff;
	_ =	sdelay $0x2  }
0x39: {  	v33 =	vor.u32 v7, v11;
	_ =	sdelay $0x1  }
0x3a: {  	v12 =	vmax.f32 v32, v12  }
0x3b: {  	[tilespmem:v31+s11+$0x0] =	vst.idx.msk $0xffff, v12  }
0x3c: {  	v12 =	vld [tilespmem:s14+$0xFFFFFC50]  }
0x3d: {  	v34 =	vld.idx.msk [tilespmem:v33+s11+$0x0], $0xffff;
	_ =	sdelay $0x2  }
0x3e: {  	v35 =	vor.u32 v8, v11;
	_ =	sdelay $0x1  }
0x3f: {  	v12 =	vmax.f32 v34, v12  }
0x40: {  	[tilespmem:v33+s11+$0x0] =	vst.idx.msk $0xffff, v12  }
0x41: {  	v12 =	vld [tilespmem:s14+$0xFFFFFC60]  }
0x42: {  	v36 =	vld.idx.msk [tilespmem:v35+s11+$0x0], $0xffff;
	_ =	sdelay $0x2  }
0x43: {  	v11 =	vor.u32 v9, v11;
	_ =	sdelay $0x1  }
0x44: {  	v37 =	vbroadcast v10, $0x1;
	v12 =	vmax.f32 v36, v12  }
0x45: {  	[tilespmem:v35+s11+$0x0] =	vst.idx.msk $0xffff, v12  }
0x46: {  	v13 =	vshrl.u32 v37, $0x7;
	v12 =	vld [tilespmem:s14+$0xFFFFFC70]  }
0x47: {  	v13 =	vshll.u32 v13, v2;
	v14 =	vld.idx.msk [tilespmem:v11+s11+$0x0], $0xffff  }
0x48: {  	v13 =	vbroadcast v13, $0x0;
	_ =	sdelay $0x1  }
0x49: {  	v38 =	vor.u32 v0, v13;
	_ =	sdelay $0x1  }
0x4a: {  	v12 =	vmax.f32 v14, v12  }
0x4b: {  	[tilespmem:v11+s11+$0x0] =	vst.idx.msk $0xffff, v12  }
0x4c: {  	v11 =	vld [tilespmem:s14+$0xFFFFFC80]  }
0x4d: {  	v12 =	vld.idx.msk [tilespmem:v38+s11+$0x0], $0xffff;
	_ =	sdelay $0x2  }
0x4e: {  	v39 =	vor.u32 v3, v13;
	_ =	sdelay $0x1  }
0x4f: {  	v11 =	vmax.f32 v12, v11  }
0x50: {  	[tilespmem:v38+s11+$0x0] =	vst.idx.msk $0xffff, v11  }
0x51: {  	v11 =	vld [tilespmem:s14+$0xFFFFFC90]  }
0x52: {  	v40 =	vld.idx.msk [tilespmem:v39+s11+$0x0], $0xffff;
	_ =	sdelay $0x2  }
0x53: {  	v41 =	vor.u32 v4, v13;
	_ =	sdelay $0x1  }
0x54: {  	v11 =	vmax.f32 v40, v11  }
0x55: {  	[tilespmem:v39+s11+$0x0] =	vst.idx.msk $0xffff, v11  }
0x56: {  	v11 =	vld [tilespmem:s14+$0xFFFFFCA0]  }
0x57: {  	v42 =	vld.idx.msk [tilespmem:v41+s11+$0x0], $0xffff;
	_ =	sdelay $0x2  }
0x58: {  	v43 =	vor.u32 v5, v13;
	_ =	sdelay $0x1  }
0x59: {  	v11 =	vmax.f32 v42, v11  }
0x5a: {  	[tilespmem:v41+s11+$0x0] =	vst.idx.msk $0xffff, v11  }
0x5b: {  	v11 =	vld [tilespmem:s14+$0xFFFFFCB0]  }
0x5c: {  	v44 =	vld.idx.msk [tilespmem:v43+s11+$0x0], $0xffff;
	_ =	sdelay $0x2  }
0x5d: {  	v45 =	vor.u32 v6, v13;
	_ =	sdelay $0x1  }
0x5e: {  	v11 =	vmax.f32 v44, v11  }
0x5f: {  	[tilespmem:v43+s11+$0x0] =	vst.idx.msk $0xffff, v11  }
0x60: {  	v11 =	vld [tilespmem:s14+$0xFFFFFCC0]  }
0x61: {  	v46 =	vld.idx.msk [tilespmem:v45+s11+$0x0], $0xffff;
	_ =	sdelay $0x2  }
0x62: {  	v47 =	vor.u32 v7, v13;
	_ =	sdelay $0x1  }
0x63: {  	v11 =	vmax.f32 v46, v11  }
0x64: {  	[tilespmem:v45+s11+$0x0] =	vst.idx.msk $0xffff, v11  }
0x65: {  	v11 =	vld [tilespmem:s14+$0xFFFFFCD0]  }
0x66: {  	v48 =	vld.idx.msk [tilespmem:v47+s11+$0x0], $0xffff;
	_ =	sdelay $0x2  }
0x67: {  	v49 =	vor.u32 v8, v13;
	_ =	sdelay $0x1  }
0x68: {  	v11 =	vmax.f32 v48, v11  }
0x69: {  	[tilespmem:v47+s11+$0x0] =	vst.idx.msk $0xffff, v11  }
0x6a: {  	v11 =	vld [tilespmem:s14+$0xFFFFFCE0]  }
0x6b: {  	v50 =	vld.idx.msk [tilespmem:v49+s11+$0x0], $0xffff;
	_ =	sdelay $0x2  }
0x6c: {  	v13 =	vor.u32 v9, v13;
	_ =	sdelay $0x1  }
0x6d: {  	v51 =	vbroadcast v10, $0x2;
	v11 =	vmax.f32 v50, v11  }
0x6e: {  	[tilespmem:v49+s11+$0x0] =	vst.idx.msk $0xffff, v11  }
0x6f: {  	v12 =	vshrl.u32 v51, $0x7;
	v11 =	vld [tilespmem:s14+$0xFFFFFCF0]  }
0x70: {  	v12 =	vshll.u32 v12, v2;
	v14 =	vld.idx.msk [tilespmem:v13+s11+$0x0], $0xffff  }
0x71: {  	v12 =	vbroadcast v12, $0x0;
	_ =	sdelay $0x1  }
0x72: {  	v52 =	vor.u32 v0, v12;
	_ =	sdelay $0x1  }
0x73: {  	v11 =	vmax.f32 v14, v11  }
0x74: {  	[tilespmem:v13+s11+$0x0] =	vst.idx.msk $0xffff, v11  }
0x75: {  	v11 =	vld [tilespmem:s14+$0xFFFFFD00]  }
0x76: {  	v13 =	vld.idx.msk [tilespmem:v52+s11+$0x0], $0xffff;
	_ =	sdelay $0x2  }
0x77: {  	v53 =	vor.u32 v3, v12;
	_ =	sdelay $0x1  }
0x78: {  	v11 =	vmax.f32 v13, v11  }
0x79: {  	[tilespmem:v52+s11+$0x0] =	vst.idx.msk $0xffff, v11  }
0x7a: {  	v11 =	vld [tilespmem:s14+$0xFFFFFD10]  }
0x7b: {  	v54 =	vld.idx.msk [tilespmem:v53+s11+$0x0], $0xffff;
	_ =	sdelay $0x2  }
0x7c: {  	v55 =	vor.u32 v4, v12;
	_ =	sdelay $0x1  }
0x7d: {  	v11 =	vmax.f32 v54, v11  }
0x7e: {  	[tilespmem:v53+s11+$0x0] =	vst.idx.msk $0xffff, v11  }
0x7f: {  	v11 =	vld [tilespmem:s14+$0xFFFFFD20]  }
0x80: {  	v56 =	vld.idx.msk [tilespmem:v55+s11+$0x0], $0xffff;
	_ =	sdelay $0x2  }
0x81: {  	v57 =	vor.u32 v5, v12;
	_ =	sdelay $0x1  }
0x82: {  	v11 =	vmax.f32 v56, v11  }
0x83: {  	[tilespmem:v55+s11+$0x0] =	vst.idx.msk $0xffff, v11  }
0x84: {  	v11 =	vld [tilespmem:s14+$0xFFFFFD30]  }
0x85: {  	v58 =	vld.idx.msk [tilespmem:v57+s11+$0x0], $0xffff;
	_ =	sdelay $0x2  }
0x86: {  	v59 =	vor.u32 v6, v12;
	_ =	sdelay $0x1  }
0x87: {  	v11 =	vmax.f32 v58, v11  }
0x88: {  	[tilespmem:v57+s11+$0x0] =	vst.idx.msk $0xffff, v11  }
0x89: {  	v11 =	vld [tilespmem:s14+$0xFFFFFD40]  }
0x8a: {  	v60 =	vld.idx.msk [tilespmem:v59+s11+$0x0], $0xffff;
	_ =	sdelay $0x2  }
0x8b: {  	v61 =	vor.u32 v7, v12;
	_ =	sdelay $0x1  }
0x8c: {  	v11 =	vmax.f32 v60, v11  }
0x8d: {  	[tilespmem:v59+s11+$0x0] =	vst.idx.msk $0xffff, v11  }
0x8e: {  	v11 =	vld [tilespmem:s14+$0xFFFFFD50]  }
0x8f: {  	v62 =	vld.idx.msk [tilespmem:v61+s11+$0x0], $0xffff;
	_ =	sdelay $0x2  }
0x90: {  	v63 =	vor.u32 v8, v12;
	_ =	sdelay $0x1  }
0x91: {  	v11 =	vmax.f32 v62, v11  }
0x92: {  	[tilespmem:v61+s11+$0x0] =	vst.idx.msk $0xffff, v11  }
0x93: {  	v11 =	vld [tilespmem:s14+$0xFFFFFD60]  }
0x94: {  	v18 =	vld.idx.msk [tilespmem:v63+s11+$0x0], $0xffff;
	_ =	sdelay $0x2  }
0x95: {  	v12 =	vor.u32 v9, v12;
	_ =	sdelay $0x1  }
0x96: {  	v19 =	vbroadcast v10, $0x3;
	v11 =	vmax.f32 v18, v11  }
0x97: {  	[tilespmem:v63+s11+$0x0] =	vst.idx.msk $0xffff, v11  }
0x98: {  	v13 =	vshrl.u32 v19, $0x7;
	v11 =	vld [tilespmem:s14+$0xFFFFFD70]  }
0x99: {  	v13 =	vshll.u32 v13, v2;
	v14 =	vld.idx.msk [tilespmem:v12+s11+$0x0], $0xffff  }
0x9a: {  	v13 =	vbroadcast v13, $0x0;
	_ =	sdelay $0x1  }
0x9b: {  	v20 =	vor.u32 v0, v13;
	_ =	sdelay $0x1  }
0x9c: {  	v11 =	vmax.f32 v14, v11  }
0x9d: {  	[tilespmem:v12+s11+$0x0] =	vst.idx.msk $0xffff, v11  }
0x9e: {  	v11 =	vld [tilespmem:s14+$0xFFFFFD80]  }
0x9f: {  	v12 =	vld.idx.msk [tilespmem:v20+s11+$0x0], $0xffff;
	_ =	sdelay $0x2  }
0xa0: {  	v21 =	vor.u32 v3, v13;
	_ =	sdelay $0x1  }
0xa1: {  	v11 =	vmax.f32 v12, v11  }
0xa2: {  	[tilespmem:v20+s11+$0x0] =	vst.idx.msk $0xffff, v11  }
0xa3: {  	v11 =	vld [tilespmem:s14+$0xFFFFFD90]  }
0xa4: {  	v22 =	vld.idx.msk [tilespmem:v21+s11+$0x0], $0xffff;
	_ =	sdelay $0x2  }
0xa5: {  	v23 =	vor.u32 v4, v13;
	_ =	sdelay $0x1  }
0xa6: {  	v11 =	vmax.f32 v22, v11  }
0xa7: {  	[tilespmem:v21+s11+$0x0] =	vst.idx.msk $0xffff, v11  }
0xa8: {  	v11 =	vld [tilespmem:s14+$0xFFFFFDA0]  }
0xa9: {  	v24 =	vld.idx.msk [tilespmem:v23+s11+$0x0], $0xffff;
	_ =	sdelay $0x2  }
0xaa: {  	v25 =	vor.u32 v5, v13;
	_ =	sdelay $0x1  }
0xab: {  	v11 =	vmax.f32 v24, v11  }
0xac: {  	[tilespmem:v23+s11+$0x0] =	vst.idx.msk $0xffff, v11  }
0xad: {  	v11 =	vld [tilespmem:s14+$0xFFFFFDB0]  }
0xae: {  	v26 =	vld.idx.msk [tilespmem:v25+s11+$0x0], $0xffff;
	_ =	sdelay $0x2  }
0xaf: {  	v27 =	vor.u32 v6, v13;
	_ =	sdelay $0x1  }
0xb0: {  	v11 =	vmax.f32 v26, v11  }
0xb1: {  	[tilespmem:v25+s11+$0x0] =	vst.idx.msk $0xffff, v11  }
0xb2: {  	v11 =	vld [tilespmem:s14+$0xFFFFFDC0]  }
0xb3: {  	v28 =	vld.idx.msk [tilespmem:v27+s11+$0x0], $0xffff;
	_ =	sdelay $0x2  }
0xb4: {  	v29 =	vor.u32 v7, v13;
	_ =	sdelay $0x1  }
0xb5: {  	v11 =	vmax.f32 v28, v11  }
0xb6: {  	[tilespmem:v27+s11+$0x0] =	vst.idx.msk $0xffff, v11  }
0xb7: {  	v11 =	vld [tilespmem:s14+$0xFFFFFDD0]  }
0xb8: {  	v30 =	vld.idx.msk [tilespmem:v29+s11+$0x0], $0xffff;
	_ =	sdelay $0x2  }
0xb9: {  	v31 =	vor.u32 v8, v13;
	_ =	sdelay $0x1  }
0xba: {  	v11 =	vmax.f32 v30, v11  }
0xbb: {  	[tilespmem:v29+s11+$0x0] =	vst.idx.msk $0xffff, v11  }
0xbc: {  	v11 =	vld [tilespmem:s14+$0xFFFFFDE0]  }
0xbd: {  	v32 =	vld.idx.msk [tilespmem:v31+s11+$0x0], $0xffff;
	_ =	sdelay $0x2  }
0xbe: {  	v13 =	vor.u32 v9, v13;
	_ =	sdelay $0x1  }
0xbf: {  	v33 =	vbroadcast v10, $0x4;
	v11 =	vmax.f32 v32, v11  }
0xc0: {  	[tilespmem:v31+s11+$0x0] =	vst.idx.msk $0xffff, v11  }
0xc1: {  	v12 =	vshrl.u32 v33, $0x7;
	v11 =	vld [tilespmem:s14+$0xFFFFFDF0]  }
0xc2: {  	v12 =	vshll.u32 v12, v2;
	v14 =	vld.idx.msk [tilespmem:v13+s11+$0x0], $0xffff  }
0xc3: {  	v12 =	vbroadcast v12, $0x0;
	_ =	sdelay $0x1  }
0xc4: {  	v34 =	vor.u32 v0, v12;
	_ =	sdelay $0x1  }
0xc5: {  	v11 =	vmax.f32 v14, v11  }
0xc6: {  	[tilespmem:v13+s11+$0x0] =	vst.idx.msk $0xffff, v11  }
0xc7: {  	v11 =	vld [tilespmem:s14+$0xFFFFFE00]  }
0xc8: {  	v13 =	vld.idx.msk [tilespmem:v34+s11+$0x0], $0xffff;
	_ =	sdelay $0x2  }
0xc9: {  	v35 =	vor.u32 v3, v12;
	_ =	sdelay $0x1  }
0xca: {  	v11 =	vmax.f32 v13, v11  }
0xcb: {  	[tilespmem:v34+s11+$0x0] =	vst.idx.msk $0xffff, v11  }
0xcc: {  	v11 =	vld [tilespmem:s14+$0xFFFFFE10]  }
0xcd: {  	v36 =	vld.idx.msk [tilespmem:v35+s11+$0x0], $0xffff;
	_ =	sdelay $0x2  }
0xce: {  	v37 =	vor.u32 v4, v12;
	_ =	sdelay $0x1  }
0xcf: {  	v11 =	vmax.f32 v36, v11  }
0xd0: {  	[tilespmem:v35+s11+$0x0] =	vst.idx.msk $0xffff, v11  }
0xd1: {  	v11 =	vld [tilespmem:s14+$0xFFFFFE20]  }
0xd2: {  	v38 =	vld.idx.msk [tilespmem:v37+s11+$0x0], $0xffff;
	_ =	sdelay $0x2  }
0xd3: {  	v39 =	vor.u32 v5, v12;
	_ =	sdelay $0x1  }
0xd4: {  	v11 =	vmax.f32 v38, v11  }
0xd5: {  	[tilespmem:v37+s11+$0x0] =	vst.idx.msk $0xffff, v11  }
0xd6: {  	v11 =	vld [tilespmem:s14+$0xFFFFFE30]  }
0xd7: {  	v40 =	vld.idx.msk [tilespmem:v39+s11+$0x0], $0xffff;
	_ =	sdelay $0x2  }
0xd8: {  	v41 =	vor.u32 v6, v12;
	_ =	sdelay $0x1  }
0xd9: {  	v11 =	vmax.f32 v40, v11  }
0xda: {  	[tilespmem:v39+s11+$0x0] =	vst.idx.msk $0xffff, v11  }
0xdb: {  	v11 =	vld [tilespmem:s14+$0xFFFFFE40]  }
0xdc: {  	v42 =	vld.idx.msk [tilespmem:v41+s11+$0x0], $0xffff;
	_ =	sdelay $0x2  }
0xdd: {  	v43 =	vor.u32 v7, v12;
	_ =	sdelay $0x1  }
0xde: {  	v11 =	vmax.f32 v42, v11  }
0xdf: {  	[tilespmem:v41+s11+$0x0] =	vst.idx.msk $0xffff, v11  }
0xe0: {  	v11 =	vld [tilespmem:s14+$0xFFFFFE50]  }
0xe1: {  	v44 =	vld.idx.msk [tilespmem:v43+s11+$0x0], $0xffff;
	_ =	sdelay $0x2  }
0xe2: {  	v45 =	vor.u32 v8, v12;
	_ =	sdelay $0x1  }
0xe3: {  	v11 =	vmax.f32 v44, v11  }
0xe4: {  	[tilespmem:v43+s11+$0x0] =	vst.idx.msk $0xffff, v11  }
0xe5: {  	v11 =	vld [tilespmem:s14+$0xFFFFFE60]  }
0xe6: {  	v46 =	vld.idx.msk [tilespmem:v45+s11+$0x0], $0xffff;
	_ =	sdelay $0x2  }
0xe7: {  	v12 =	vor.u32 v9, v12;
	_ =	sdelay $0x1  }
0xe8: {  	v47 =	vbroadcast v10, $0x5;
	v11 =	vmax.f32 v46, v11  }
0xe9: {  	[tilespmem:v45+s11+$0x0] =	vst.idx.msk $0xffff, v11  }
0xea: {  	v13 =	vshrl.u32 v47, $0x7;
	v11 =	vld [tilespmem:s14+$0xFFFFFE70]  }
0xeb: {  	v13 =	vshll.u32 v13, v2;
	v14 =	vld.idx.msk [tilespmem:v12+s11+$0x0], $0xffff  }
0xec: {  	v13 =	vbroadcast v13, $0x0;
	_ =	sdelay $0x1  }
0xed: {  	v48 =	vor.u32 v0, v13;
	_ =	sdelay $0x1  }
0xee: {  	v11 =	vmax.f32 v14, v11  }
0xef: {  	[tilespmem:v12+s11+$0x0] =	vst.idx.msk $0xffff, v11  }
0xf0: {  	v11 =	vld [tilespmem:s14+$0xFFFFFE80]  }
0xf1: {  	v12 =	vld.idx.msk [tilespmem:v48+s11+$0x0], $0xffff;
	_ =	sdelay $0x2  }
0xf2: {  	v49 =	vor.u32 v3, v13;
	_ =	sdelay $0x1  }
0xf3: {  	v11 =	vmax.f32 v12, v11  }
0xf4: {  	[tilespmem:v48+s11+$0x0] =	vst.idx.msk $0xffff, v11  }
0xf5: {  	v11 =	vld [tilespmem:s14+$0xFFFFFE90]  }
0xf6: {  	v50 =	vld.idx.msk [tilespmem:v49+s11+$0x0], $0xffff;
	_ =	sdelay $0x2  }
0xf7: {  	v51 =	vor.u32 v4, v13;
	_ =	sdelay $0x1  }
0xf8: {  	v11 =	vmax.f32 v50, v11  }
0xf9: {  	[tilespmem:v49+s11+$0x0] =	vst.idx.msk $0xffff, v11  }
0xfa: {  	v11 =	vld [tilespmem:s14+$0xFFFFFEA0]  }
0xfb: {  	v52 =	vld.idx.msk [tilespmem:v51+s11+$0x0], $0xffff;
	_ =	sdelay $0x2  }
0xfc: {  	v53 =	vor.u32 v5, v13;
	_ =	sdelay $0x1  }
0xfd: {  	v11 =	vmax.f32 v52, v11  }
0xfe: {  	[tilespmem:v51+s11+$0x0] =	vst.idx.msk $0xffff, v11  }
0xff: {  	v11 =	vld [tilespmem:s14+$0xFFFFFEB0]  }
0x100: {  	v54 =	vld.idx.msk [tilespmem:v53+s11+$0x0], $0xffff;
	_ =	sdelay $0x2  }
0x101: {  	v55 =	vor.u32 v6, v13;
	_ =	sdelay $0x1  }
0x102: {  	v11 =	vmax.f32 v54, v11  }
0x103: {  	[tilespmem:v53+s11+$0x0] =	vst.idx.msk $0xffff, v11  }
0x104: {  	v11 =	vld [tilespmem:s14+$0xFFFFFEC0]  }
0x105: {  	v56 =	vld.idx.msk [tilespmem:v55+s11+$0x0], $0xffff;
	_ =	sdelay $0x2  }
0x106: {  	v57 =	vor.u32 v7, v13;
	_ =	sdelay $0x1  }
0x107: {  	v11 =	vmax.f32 v56, v11  }
0x108: {  	[tilespmem:v55+s11+$0x0] =	vst.idx.msk $0xffff, v11  }
0x109: {  	v11 =	vld [tilespmem:s14+$0xFFFFFED0]  }
0x10a: {  	v58 =	vld.idx.msk [tilespmem:v57+s11+$0x0], $0xffff;
	_ =	sdelay $0x2  }
0x10b: {  	v59 =	vor.u32 v8, v13;
	_ =	sdelay $0x1  }
0x10c: {  	v11 =	vmax.f32 v58, v11  }
0x10d: {  	[tilespmem:v57+s11+$0x0] =	vst.idx.msk $0xffff, v11  }
0x10e: {  	v11 =	vld [tilespmem:s14+$0xFFFFFEE0]  }
0x10f: {  	v60 =	vld.idx.msk [tilespmem:v59+s11+$0x0], $0xffff;
	_ =	sdelay $0x2  }
0x110: {  	v13 =	vor.u32 v9, v13;
	_ =	sdelay $0x1  }
0x111: {  	v61 =	vbroadcast v10, $0x6;
	v11 =	vmax.f32 v60, v11  }
0x112: {  	[tilespmem:v59+s11+$0x0] =	vst.idx.msk $0xffff, v11  }
0x113: {  	v12 =	vshrl.u32 v61, $0x7;
	v11 =	vld [tilespmem:s14+$0xFFFFFEF0]  }
0x114: {  	v12 =	vshll.u32 v12, v2;
	v14 =	vld.idx.msk [tilespmem:v13+s11+$0x0], $0xffff  }
0x115: {  	v12 =	vbroadcast v12, $0x0;
	_ =	sdelay $0x1  }
0x116: {  	v62 =	vor.u32 v0, v12;
	_ =	sdelay $0x1  }
0x117: {  	v11 =	vmax.f32 v14, v11  }
0x118: {  	[tilespmem:v13+s11+$0x0] =	vst.idx.msk $0xffff, v11  }
0x119: {  	v11 =	vld [tilespmem:s14+$0xFFFFFF00]  }
0x11a: {  	v13 =	vld.idx.msk [tilespmem:v62+s11+$0x0], $0xffff;
	_ =	sdelay $0x2  }
0x11b: {  	v63 =	vor.u32 v3, v12;
	_ =	sdelay $0x1  }
0x11c: {  	v11 =	vmax.f32 v13, v11  }
0x11d: {  	[tilespmem:v62+s11+$0x0] =	vst.idx.msk $0xffff, v11  }
0x11e: {  	v11 =	vld [tilespmem:s14+$0xFFFFFF10]  }
0x11f: {  	v18 =	vld.idx.msk [tilespmem:v63+s11+$0x0], $0xffff;
	_ =	sdelay $0x2  }
0x120: {  	v19 =	vor.u32 v4, v12;
	_ =	sdelay $0x1  }
0x121: {  	v11 =	vmax.f32 v18, v11  }
0x122: {  	[tilespmem:v63+s11+$0x0] =	vst.idx.msk $0xffff, v11  }
0x123: {  	v11 =	vld [tilespmem:s14+$0xFFFFFF20]  }
0x124: {  	v20 =	vld.idx.msk [tilespmem:v19+s11+$0x0], $0xffff;
	_ =	sdelay $0x2  }
0x125: {  	v21 =	vor.u32 v5, v12;
	_ =	sdelay $0x1  }
0x126: {  	v11 =	vmax.f32 v20, v11  }
0x127: {  	[tilespmem:v19+s11+$0x0] =	vst.idx.msk $0xffff, v11  }
0x128: {  	v11 =	vld [tilespmem:s14+$0xFFFFFF30]  }
0x129: {  	v22 =	vld.idx.msk [tilespmem:v21+s11+$0x0], $0xffff;
	_ =	sdelay $0x2  }
0x12a: {  	v23 =	vor.u32 v6, v12;
	_ =	sdelay $0x1  }
0x12b: {  	v11 =	vmax.f32 v22, v11  }
0x12c: {  	[tilespmem:v21+s11+$0x0] =	vst.idx.msk $0xffff, v11  }
0x12d: {  	v11 =	vld [tilespmem:s14+$0xFFFFFF40]  }
0x12e: {  	v24 =	vld.idx.msk [tilespmem:v23+s11+$0x0], $0xffff;
	_ =	sdelay $0x2  }
0x12f: {  	v25 =	vor.u32 v7, v12;
	_ =	sdelay $0x1  }
0x130: {  	v11 =	vmax.f32 v24, v11  }
0x131: {  	[tilespmem:v23+s11+$0x0] =	vst.idx.msk $0xffff, v11  }
0x132: {  	v11 =	vld [tilespmem:s14+$0xFFFFFF50]  }
0x133: {  	v26 =	vld.idx.msk [tilespmem:v25+s11+$0x0], $0xffff;
	_ =	sdelay $0x2  }
0x134: {  	v27 =	vor.u32 v8, v12;
	_ =	sdelay $0x1  }
0x135: {  	v11 =	vmax.f32 v26, v11  }
0x136: {  	[tilespmem:v25+s11+$0x0] =	vst.idx.msk $0xffff, v11  }
0x137: {  	v11 =	vld [tilespmem:s14+$0xFFFFFF60]  }
0x138: {  	v28 =	vld.idx.msk [tilespmem:v27+s11+$0x0], $0xffff;
	_ =	sdelay $0x2  }
0x139: {  	v12 =	vor.u32 v9, v12;
	_ =	sdelay $0x1  }
0x13a: {  	v29 =	vbroadcast v10, $0x7;
	v11 =	vmax.f32 v28, v11  }
0x13b: {  	[tilespmem:v27+s11+$0x0] =	vst.idx.msk $0xffff, v11  }
0x13c: {  	v13 =	vshrl.u32 v29, $0x7;
	v11 =	vld [tilespmem:s14+$0xFFFFFF70]  }
0x13d: {  	v13 =	vshll.u32 v13, v2;
	v14 =	vld.idx.msk [tilespmem:v12+s11+$0x0], $0xffff  }
0x13e: {  	v13 =	vbroadcast v13, $0x0;
	_ =	sdelay $0x1  }
0x13f: {  	v30 =	vor.u32 v0, v13;
	_ =	sdelay $0x1  }
0x140: {  	v11 =	vmax.f32 v14, v11  }
0x141: {  	[tilespmem:v12+s11+$0x0] =	vst.idx.msk $0xffff, v11  }
0x142: {  	v11 =	vld [tilespmem:s14+$0xFFFFFF80]  }
0x143: {  	v12 =	vld.idx.msk [tilespmem:v30+s11+$0x0], $0xffff;
	_ =	sdelay $0x2  }
0x144: {  	v31 =	vor.u32 v3, v13;
	_ =	sdelay $0x1  }
0x145: {  	v11 =	vmax.f32 v12, v11  }
0x146: {  	[tilespmem:v30+s11+$0x0] =	vst.idx.msk $0xffff, v11  }
0x147: {  	v11 =	vld [tilespmem:s14+$0xFFFFFF90]  }
0x148: {  	v32 =	vld.idx.msk [tilespmem:v31+s11+$0x0], $0xffff;
	_ =	sdelay $0x2  }
0x149: {  	v33 =	vor.u32 v4, v13;
	_ =	sdelay $0x1  }
0x14a: {  	v11 =	vmax.f32 v32, v11  }
0x14b: {  	[tilespmem:v31+s11+$0x0] =	vst.idx.msk $0xffff, v11  }
0x14c: {  	v11 =	vld [tilespmem:s14+$0xFFFFFFA0]  }
0x14d: {  	v34 =	vld.idx.msk [tilespmem:v33+s11+$0x0], $0xffff;
	_ =	sdelay $0x2  }
0x14e: {  	v35 =	vor.u32 v5, v13;
	_ =	sdelay $0x1  }
0x14f: {  	v11 =	vmax.f32 v34, v11  }
0x150: {  	[tilespmem:v33+s11+$0x0] =	vst.idx.msk $0xffff, v11  }
0x151: {  	v11 =	vld [tilespmem:s14+$0xFFFFFFB0]  }
0x152: {  	v36 =	vld.idx.msk [tilespmem:v35+s11+$0x0], $0xffff;
	_ =	sdelay $0x2  }
0x153: {  	v37 =	vor.u32 v6, v13;
	_ =	sdelay $0x1  }
0x154: {  	v11 =	vmax.f32 v36, v11  }
0x155: {  	[tilespmem:v35+s11+$0x0] =	vst.idx.msk $0xffff, v11  }
0x156: {  	v11 =	vld [tilespmem:s14+$0xFFFFFFC0]  }
0x157: {  	v38 =	vld.idx.msk [tilespmem:v37+s11+$0x0], $0xffff;
	_ =	sdelay $0x2  }
0x158: {  	v39 =	vor.u32 v7, v13;
	_ =	sdelay $0x1  }
0x159: {  	v11 =	vmax.f32 v38, v11  }
0x15a: {  	[tilespmem:v37+s11+$0x0] =	vst.idx.msk $0xffff, v11  }
0x15b: {  	v11 =	vld [tilespmem:s14+$0xFFFFFFD0]  }
0x15c: {  	v40 =	vld.idx.msk [tilespmem:v39+s11+$0x0], $0xffff;
	_ =	sdelay $0x2  }
0x15d: {  	v41 =	vor.u32 v8, v13;
	_ =	sdelay $0x1  }
0x15e: {  	v11 =	vmax.f32 v40, v11  }
0x15f: {  	[tilespmem:v39+s11+$0x0] =	vst.idx.msk $0xffff, v11  }
0x160: {  	v11 =	vld [tilespmem:s14+$0xFFFFFFE0]  }
0x161: {  	v42 =	vld.idx.msk [tilespmem:v41+s11+$0x0], $0xffff;
	_ =	sdelay $0x2  }
0x162: {  	v13 =	vor.u32 v9, v13;
	_ =	sdelay $0x1  }
0x163: {  	v43 =	vbroadcast v10, $0x8;
	v11 =	vmax.f32 v42, v11  }
0x164: {  	[tilespmem:v41+s11+$0x0] =	vst.idx.msk $0xffff, v11  }
0x165: {  	v12 =	vshrl.u32 v43, $0x7;
	v11 =	vld [tilespmem:s14+$0xFFFFFFF0]  }
0x166: {  	v12 =	vshll.u32 v12, v2;
	v14 =	vld.idx.msk [tilespmem:v13+s11+$0x0], $0xffff  }
0x167: {  	v12 =	vbroadcast v12, $0x0;
	_ =	sdelay $0x1  }
0x168: {  	v44 =	vor.u32 v0, v12;
	_ =	sdelay $0x1  }
0x169: {  	v11 =	vmax.f32 v14, v11  }
0x16a: {  	[tilespmem:v13+s11+$0x0] =	vst.idx.msk $0xffff, v11  }
0x16b: {  	v11 =	vld [tilespmem:s14+$0x0]  }
0x16c: {  	v13 =	vld.idx.msk [tilespmem:v44+s11+$0x0], $0xffff;
	_ =	sdelay $0x2  }
0x16d: {  	v45 =	vor.u32 v3, v12;
	_ =	sdelay $0x1  }
0x16e: {  	v11 =	vmax.f32 v13, v11  }
0x16f: {  	[tilespmem:v44+s11+$0x0] =	vst.idx.msk $0xffff, v11  }
0x170: {  	v11 =	vld [tilespmem:s14+$0x10]  }
0x171: {  	v46 =	vld.idx.msk [tilespmem:v45+s11+$0x0], $0xffff;
	_ =	sdelay $0x2  }
0x172: {  	v47 =	vor.u32 v4, v12;
	_ =	sdelay $0x1  }
0x173: {  	v11 =	vmax.f32 v46, v11  }
0x174: {  	[tilespmem:v45+s11+$0x0] =	vst.idx.msk $0xffff, v11  }
0x175: {  	v11 =	vld [tilespmem:s14+$0x20]  }
0x176: {  	v48 =	vld.idx.msk [tilespmem:v47+s11+$0x0], $0xffff;
	_ =	sdelay $0x2  }
0x177: {  	v49 =	vor.u32 v5, v12;
	_ =	sdelay $0x1  }
0x178: {  	v11 =	vmax.f32 v48, v11  }
0x179: {  	[tilespmem:v47+s11+$0x0] =	vst.idx.msk $0xffff, v11  }
0x17a: {  	v11 =	vld [tilespmem:s14+$0x30]  }
0x17b: {  	v50 =	vld.idx.msk [tilespmem:v49+s11+$0x0], $0xffff;
	_ =	sdelay $0x2  }
0x17c: {  	v51 =	vor.u32 v6, v12;
	_ =	sdelay $0x1  }
0x17d: {  	v11 =	vmax.f32 v50, v11  }
0x17e: {  	[tilespmem:v49+s11+$0x0] =	vst.idx.msk $0xffff, v11  }
0x17f: {  	v11 =	vld [tilespmem:s14+$0x40]  }
0x180: {  	v52 =	vld.idx.msk [tilespmem:v51+s11+$0x0], $0xffff;
	_ =	sdelay $0x2  }
0x181: {  	v53 =	vor.u32 v7, v12;
	_ =	sdelay $0x1  }
0x182: {  	v11 =	vmax.f32 v52, v11  }
0x183: {  	[tilespmem:v51+s11+$0x0] =	vst.idx.msk $0xffff, v11  }
0x184: {  	v11 =	vld [tilespmem:s14+$0x50]  }
0x185: {  	v54 =	vld.idx.msk [tilespmem:v53+s11+$0x0], $0xffff;
	_ =	sdelay $0x2  }
0x186: {  	v55 =	vor.u32 v8, v12;
	_ =	sdelay $0x1  }
0x187: {  	v11 =	vmax.f32 v54, v11  }
0x188: {  	[tilespmem:v53+s11+$0x0] =	vst.idx.msk $0xffff, v11  }
0x189: {  	v11 =	vld [tilespmem:s14+$0x60]  }
0x18a: {  	v56 =	vld.idx.msk [tilespmem:v55+s11+$0x0], $0xffff;
	_ =	sdelay $0x2  }
0x18b: {  	v12 =	vor.u32 v9, v12;
	_ =	sdelay $0x1  }
0x18c: {  	v57 =	vbroadcast v10, $0x9;
	v11 =	vmax.f32 v56, v11  }
0x18d: {  	[tilespmem:v55+s11+$0x0] =	vst.idx.msk $0xffff, v11  }
0x18e: {  	v13 =	vshrl.u32 v57, $0x7;
	v11 =	vld [tilespmem:s14+$0x70]  }
0x18f: {  	v13 =	vshll.u32 v13, v2;
	v14 =	vld.idx.msk [tilespmem:v12+s11+$0x0], $0xffff  }
0x190: {  	v13 =	vbroadcast v13, $0x0;
	_ =	sdelay $0x1  }
0x191: {  	v58 =	vor.u32 v0, v13;
	_ =	sdelay $0x1  }
0x192: {  	v11 =	vmax.f32 v14, v11  }
0x193: {  	[tilespmem:v12+s11+$0x0] =	vst.idx.msk $0xffff, v11  }
0x194: {  	v11 =	vld [tilespmem:s14+$0x80]  }
0x195: {  	v12 =	vld.idx.msk [tilespmem:v58+s11+$0x0], $0xffff;
	_ =	sdelay $0x2  }
0x196: {  	v59 =	vor.u32 v3, v13;
	_ =	sdelay $0x1  }
0x197: {  	v11 =	vmax.f32 v12, v11  }
0x198: {  	[tilespmem:v58+s11+$0x0] =	vst.idx.msk $0xffff, v11  }
0x199: {  	v11 =	vld [tilespmem:s14+$0x90]  }
0x19a: {  	v60 =	vld.idx.msk [tilespmem:v59+s11+$0x0], $0xffff;
	_ =	sdelay $0x2  }
0x19b: {  	v61 =	vor.u32 v4, v13;
	_ =	sdelay $0x1  }
0x19c: {  	v11 =	vmax.f32 v60, v11  }
0x19d: {  	[tilespmem:v59+s11+$0x0] =	vst.idx.msk $0xffff, v11  }
0x19e: {  	v11 =	vld [tilespmem:s14+$0xA0]  }
0x19f: {  	v62 =	vld.idx.msk [tilespmem:v61+s11+$0x0], $0xffff;
	_ =	sdelay $0x2  }
0x1a0: {  	v63 =	vor.u32 v5, v13;
	_ =	sdelay $0x1  }
0x1a1: {  	v11 =	vmax.f32 v62, v11  }
0x1a2: {  	[tilespmem:v61+s11+$0x0] =	vst.idx.msk $0xffff, v11  }
0x1a3: {  	v11 =	vld [tilespmem:s14+$0xB0]  }
0x1a4: {  	v18 =	vld.idx.msk [tilespmem:v63+s11+$0x0], $0xffff;
	_ =	sdelay $0x2  }
0x1a5: {  	v19 =	vor.u32 v6, v13;
	_ =	sdelay $0x1  }
0x1a6: {  	v11 =	vmax.f32 v18, v11  }
0x1a7: {  	[tilespmem:v63+s11+$0x0] =	vst.idx.msk $0xffff, v11  }
0x1a8: {  	v11 =	vld [tilespmem:s14+$0xC0]  }
0x1a9: {  	v20 =	vld.idx.msk [tilespmem:v19+s11+$0x0], $0xffff;
	_ =	sdelay $0x2  }
0x1aa: {  	v21 =	vor.u32 v7, v13;
	_ =	sdelay $0x1  }
0x1ab: {  	v11 =	vmax.f32 v20, v11  }
0x1ac: {  	[tilespmem:v19+s11+$0x0] =	vst.idx.msk $0xffff, v11  }
0x1ad: {  	v11 =	vld [tilespmem:s14+$0xD0]  }
0x1ae: {  	v22 =	vld.idx.msk [tilespmem:v21+s11+$0x0], $0xffff;
	_ =	sdelay $0x2  }
0x1af: {  	v23 =	vor.u32 v8, v13;
	_ =	sdelay $0x1  }
0x1b0: {  	v11 =	vmax.f32 v22, v11  }
0x1b1: {  	[tilespmem:v21+s11+$0x0] =	vst.idx.msk $0xffff, v11  }
0x1b2: {  	v11 =	vld [tilespmem:s14+$0xE0]  }
0x1b3: {  	v24 =	vld.idx.msk [tilespmem:v23+s11+$0x0], $0xffff;
	_ =	sdelay $0x2  }
0x1b4: {  	v13 =	vor.u32 v9, v13;
	_ =	sdelay $0x1  }
0x1b5: {  	v25 =	vbroadcast v10, $0xA;
	v11 =	vmax.f32 v24, v11  }
0x1b6: {  	[tilespmem:v23+s11+$0x0] =	vst.idx.msk $0xffff, v11  }
0x1b7: {  	v12 =	vshrl.u32 v25, $0x7;
	v11 =	vld [tilespmem:s14+$0xF0]  }
0x1b8: {  	v12 =	vshll.u32 v12, v2;
	v14 =	vld.idx.msk [tilespmem:v13+s11+$0x0], $0xffff  }
0x1b9: {  	v12 =	vbroadcast v12, $0x0;
	_ =	sdelay $0x1  }
0x1ba: {  	v26 =	vor.u32 v0, v12;
	_ =	sdelay $0x1  }
0x1bb: {  	v11 =	vmax.f32 v14, v11  }
0x1bc: {  	[tilespmem:v13+s11+$0x0] =	vst.idx.msk $0xffff, v11  }
0x1bd: {  	v11 =	vld [tilespmem:s14+$0x100]  }
0x1be: {  	v13 =	vld.idx.msk [tilespmem:v26+s11+$0x0], $0xffff;
	_ =	sdelay $0x2  }
0x1bf: {  	v27 =	vor.u32 v3, v12;
	_ =	sdelay $0x1  }
0x1c0: {  	v11 =	vmax.f32 v13, v11  }
0x1c1: {  	[tilespmem:v26+s11+$0x0] =	vst.idx.msk $0xffff, v11  }
0x1c2: {  	v11 =	vld [tilespmem:s14+$0x110]  }
0x1c3: {  	v28 =	vld.idx.msk [tilespmem:v27+s11+$0x0], $0xffff;
	_ =	sdelay $0x2  }
0x1c4: {  	v29 =	vor.u32 v4, v12;
	_ =	sdelay $0x1  }
0x1c5: {  	v11 =	vmax.f32 v28, v11  }
0x1c6: {  	[tilespmem:v27+s11+$0x0] =	vst.idx.msk $0xffff, v11  }
0x1c7: {  	v11 =	vld [tilespmem:s14+$0x120]  }
0x1c8: {  	v30 =	vld.idx.msk [tilespmem:v29+s11+$0x0], $0xffff;
	_ =	sdelay $0x2  }
0x1c9: {  	v31 =	vor.u32 v5, v12;
	_ =	sdelay $0x1  }
0x1ca: {  	v11 =	vmax.f32 v30, v11  }
0x1cb: {  	[tilespmem:v29+s11+$0x0] =	vst.idx.msk $0xffff, v11  }
0x1cc: {  	v11 =	vld [tilespmem:s14+$0x130]  }
0x1cd: {  	v32 =	vld.idx.msk [tilespmem:v31+s11+$0x0], $0xffff;
	_ =	sdelay $0x2  }
0x1ce: {  	v33 =	vor.u32 v6, v12;
	_ =	sdelay $0x1  }
0x1cf: {  	v11 =	vmax.f32 v32, v11  }
0x1d0: {  	[tilespmem:v31+s11+$0x0] =	vst.idx.msk $0xffff, v11  }
0x1d1: {  	v11 =	vld [tilespmem:s14+$0x140]  }
0x1d2: {  	v34 =	vld.idx.msk [tilespmem:v33+s11+$0x0], $0xffff;
	_ =	sdelay $0x2  }
0x1d3: {  	v35 =	vor.u32 v7, v12;
	_ =	sdelay $0x1  }
0x1d4: {  	v11 =	vmax.f32 v34, v11  }
0x1d5: {  	[tilespmem:v33+s11+$0x0] =	vst.idx.msk $0xffff, v11  }
0x1d6: {  	v11 =	vld [tilespmem:s14+$0x150]  }
0x1d7: {  	v36 =	vld.idx.msk [tilespmem:v35+s11+$0x0], $0xffff;
	_ =	sdelay $0x2  }
0x1d8: {  	v37 =	vor.u32 v8, v12;
	_ =	sdelay $0x1  }
0x1d9: {  	v11 =	vmax.f32 v36, v11  }
0x1da: {  	[tilespmem:v35+s11+$0x0] =	vst.idx.msk $0xffff, v11  }
0x1db: {  	v11 =	vld [tilespmem:s14+$0x160]  }
0x1dc: {  	v38 =	vld.idx.msk [tilespmem:v37+s11+$0x0], $0xffff;
	_ =	sdelay $0x2  }
0x1dd: {  	v12 =	vor.u32 v9, v12;
	_ =	sdelay $0x1  }
0x1de: {  	v39 =	vbroadcast v10, $0xB;
	v11 =	vmax.f32 v38, v11  }
0x1df: {  	[tilespmem:v37+s11+$0x0] =	vst.idx.msk $0xffff, v11  }
0x1e0: {  	v13 =	vshrl.u32 v39, $0x7;
	v11 =	vld [tilespmem:s14+$0x170]  }
0x1e1: {  	v13 =	vshll.u32 v13, v2;
	v14 =	vld.idx.msk [tilespmem:v12+s11+$0x0], $0xffff  }
0x1e2: {  	v13 =	vbroadcast v13, $0x0;
	_ =	sdelay $0x1  }
0x1e3: {  	v40 =	vor.u32 v0, v13;
	_ =	sdelay $0x1  }
0x1e4: {  	v11 =	vmax.f32 v14, v11  }
0x1e5: {  	[tilespmem:v12+s11+$0x0] =	vst.idx.msk $0xffff, v11  }
0x1e6: {  	v11 =	vld [tilespmem:s14+$0x180]  }
0x1e7: {  	v12 =	vld.idx.msk [tilespmem:v40+s11+$0x0], $0xffff;
	_ =	sdelay $0x2  }
0x1e8: {  	v41 =	vor.u32 v3, v13;
	_ =	sdelay $0x1  }
0x1e9: {  	v11 =	vmax.f32 v12, v11  }
0x1ea: {  	[tilespmem:v40+s11+$0x0] =	vst.idx.msk $0xffff, v11  }
0x1eb: {  	v11 =	vld [tilespmem:s14+$0x190]  }
0x1ec: {  	v42 =	vld.idx.msk [tilespmem:v41+s11+$0x0], $0xffff;
	_ =	sdelay $0x2  }
0x1ed: {  	v43 =	vor.u32 v4, v13;
	_ =	sdelay $0x1  }
0x1ee: {  	v11 =	vmax.f32 v42, v11  }
0x1ef: {  	[tilespmem:v41+s11+$0x0] =	vst.idx.msk $0xffff, v11  }
0x1f0: {  	v11 =	vld [tilespmem:s14+$0x1A0]  }
0x1f1: {  	v44 =	vld.idx.msk [tilespmem:v43+s11+$0x0], $0xffff;
	_ =	sdelay $0x2  }
0x1f2: {  	v45 =	vor.u32 v5, v13;
	_ =	sdelay $0x1  }
0x1f3: {  	v11 =	vmax.f32 v44, v11  }
0x1f4: {  	[tilespmem:v43+s11+$0x0] =	vst.idx.msk $0xffff, v11  }
0x1f5: {  	v11 =	vld [tilespmem:s14+$0x1B0]  }
0x1f6: {  	v46 =	vld.idx.msk [tilespmem:v45+s11+$0x0], $0xffff;
	_ =	sdelay $0x2  }
0x1f7: {  	v47 =	vor.u32 v6, v13;
	_ =	sdelay $0x1  }
0x1f8: {  	v11 =	vmax.f32 v46, v11  }
0x1f9: {  	[tilespmem:v45+s11+$0x0] =	vst.idx.msk $0xffff, v11  }
0x1fa: {  	v11 =	vld [tilespmem:s14+$0x1C0]  }
0x1fb: {  	v48 =	vld.idx.msk [tilespmem:v47+s11+$0x0], $0xffff;
	_ =	sdelay $0x2  }
0x1fc: {  	v49 =	vor.u32 v7, v13;
	_ =	sdelay $0x1  }
0x1fd: {  	v11 =	vmax.f32 v48, v11  }
0x1fe: {  	[tilespmem:v47+s11+$0x0] =	vst.idx.msk $0xffff, v11  }
0x1ff: {  	v11 =	vld [tilespmem:s14+$0x1D0]  }
0x200: {  	v50 =	vld.idx.msk [tilespmem:v49+s11+$0x0], $0xffff;
	_ =	sdelay $0x2  }
0x201: {  	v51 =	vor.u32 v8, v13;
	_ =	sdelay $0x1  }
0x202: {  	v11 =	vmax.f32 v50, v11  }
0x203: {  	[tilespmem:v49+s11+$0x0] =	vst.idx.msk $0xffff, v11  }
0x204: {  	v11 =	vld [tilespmem:s14+$0x1E0]  }
0x205: {  	v52 =	vld.idx.msk [tilespmem:v51+s11+$0x0], $0xffff;
	_ =	sdelay $0x2  }
0x206: {  	v13 =	vor.u32 v9, v13;
	_ =	sdelay $0x1  }
0x207: {  	v53 =	vbroadcast v10, $0xC;
	v11 =	vmax.f32 v52, v11  }
0x208: {  	[tilespmem:v51+s11+$0x0] =	vst.idx.msk $0xffff, v11  }
0x209: {  	v12 =	vshrl.u32 v53, $0x7;
	v11 =	vld [tilespmem:s14+$0x1F0]  }
0x20a: {  	v12 =	vshll.u32 v12, v2;
	v14 =	vld.idx.msk [tilespmem:v13+s11+$0x0], $0xffff  }
0x20b: {  	v12 =	vbroadcast v12, $0x0;
	_ =	sdelay $0x1  }
0x20c: {  	v54 =	vor.u32 v0, v12;
	_ =	sdelay $0x1  }
0x20d: {  	v11 =	vmax.f32 v14, v11  }
0x20e: {  	[tilespmem:v13+s11+$0x0] =	vst.idx.msk $0xffff, v11  }
0x20f: {  	v11 =	vld [tilespmem:s14+$0x200]  }
0x210: {  	v13 =	vld.idx.msk [tilespmem:v54+s11+$0x0], $0xffff;
	_ =	sdelay $0x2  }
0x211: {  	v55 =	vor.u32 v3, v12;
	_ =	sdelay $0x1  }
0x212: {  	v11 =	vmax.f32 v13, v11  }
0x213: {  	[tilespmem:v54+s11+$0x0] =	vst.idx.msk $0xffff, v11  }
0x214: {  	v11 =	vld [tilespmem:s14+$0x210]  }
0x215: {  	v56 =	vld.idx.msk [tilespmem:v55+s11+$0x0], $0xffff;
	_ =	sdelay $0x2  }
0x216: {  	v57 =	vor.u32 v4, v12;
	_ =	sdelay $0x1  }
0x217: {  	v11 =	vmax.f32 v56, v11  }
0x218: {  	[tilespmem:v55+s11+$0x0] =	vst.idx.msk $0xffff, v11  }
0x219: {  	v11 =	vld [tilespmem:s14+$0x220]  }
0x21a: {  	v58 =	vld.idx.msk [tilespmem:v57+s11+$0x0], $0xffff;
	_ =	sdelay $0x2  }
0x21b: {  	v59 =	vor.u32 v5, v12;
	_ =	sdelay $0x1  }
0x21c: {  	v11 =	vmax.f32 v58, v11  }
0x21d: {  	[tilespmem:v57+s11+$0x0] =	vst.idx.msk $0xffff, v11  }
0x21e: {  	v11 =	vld [tilespmem:s14+$0x230]  }
0x21f: {  	v60 =	vld.idx.msk [tilespmem:v59+s11+$0x0], $0xffff;
	_ =	sdelay $0x2  }
0x220: {  	v61 =	vor.u32 v6, v12;
	_ =	sdelay $0x1  }
0x221: {  	v11 =	vmax.f32 v60, v11  }
0x222: {  	[tilespmem:v59+s11+$0x0] =	vst.idx.msk $0xffff, v11  }
0x223: {  	v11 =	vld [tilespmem:s14+$0x240]  }
0x224: {  	v62 =	vld.idx.msk [tilespmem:v61+s11+$0x0], $0xffff;
	_ =	sdelay $0x2  }
0x225: {  	v63 =	vor.u32 v7, v12;
	_ =	sdelay $0x1  }
0x226: {  	v11 =	vmax.f32 v62, v11  }
0x227: {  	[tilespmem:v61+s11+$0x0] =	vst.idx.msk $0xffff, v11  }
0x228: {  	v11 =	vld [tilespmem:s14+$0x250]  }
0x229: {  	v18 =	vld.idx.msk [tilespmem:v63+s11+$0x0], $0xffff;
	_ =	sdelay $0x2  }
0x22a: {  	v19 =	vor.u32 v8, v12;
	_ =	sdelay $0x1  }
0x22b: {  	v11 =	vmax.f32 v18, v11  }
0x22c: {  	[tilespmem:v63+s11+$0x0] =	vst.idx.msk $0xffff, v11  }
0x22d: {  	v11 =	vld [tilespmem:s14+$0x260]  }
0x22e: {  	v20 =	vld.idx.msk [tilespmem:v19+s11+$0x0], $0xffff;
	_ =	sdelay $0x2  }
0x22f: {  	v12 =	vor.u32 v9, v12;
	_ =	sdelay $0x1  }
0x230: {  	v21 =	vbroadcast v10, $0xD;
	v11 =	vmax.f32 v20, v11  }
0x231: {  	[tilespmem:v19+s11+$0x0] =	vst.idx.msk $0xffff, v11  }
0x232: {  	v13 =	vshrl.u32 v21, $0x7;
	v11 =	vld [tilespmem:s14+$0x270]  }
0x233: {  	v13 =	vshll.u32 v13, v2;
	v14 =	vld.idx.msk [tilespmem:v12+s11+$0x0], $0xffff  }
0x234: {  	v13 =	vbroadcast v13, $0x0;
	_ =	sdelay $0x1  }
0x235: {  	v22 =	vor.u32 v0, v13;
	_ =	sdelay $0x1  }
0x236: {  	v11 =	vmax.f32 v14, v11  }
0x237: {  	[tilespmem:v12+s11+$0x0] =	vst.idx.msk $0xffff, v11  }
0x238: {  	v11 =	vld [tilespmem:s14+$0x280]  }
0x239: {  	v12 =	vld.idx.msk [tilespmem:v22+s11+$0x0], $0xffff;
	_ =	sdelay $0x2  }
0x23a: {  	v23 =	vor.u32 v3, v13;
	_ =	sdelay $0x1  }
0x23b: {  	v11 =	vmax.f32 v12, v11  }
0x23c: {  	[tilespmem:v22+s11+$0x0] =	vst.idx.msk $0xffff, v11  }
0x23d: {  	v11 =	vld [tilespmem:s14+$0x290]  }
0x23e: {  	v24 =	vld.idx.msk [tilespmem:v23+s11+$0x0], $0xffff;
	_ =	sdelay $0x2  }
0x23f: {  	v25 =	vor.u32 v4, v13;
	_ =	sdelay $0x1  }
0x240: {  	v11 =	vmax.f32 v24, v11  }
0x241: {  	[tilespmem:v23+s11+$0x0] =	vst.idx.msk $0xffff, v11  }
0x242: {  	v11 =	vld [tilespmem:s14+$0x2A0]  }
0x243: {  	v26 =	vld.idx.msk [tilespmem:v25+s11+$0x0], $0xffff;
	_ =	sdelay $0x2  }
0x244: {  	v27 =	vor.u32 v5, v13;
	_ =	sdelay $0x1  }
0x245: {  	v11 =	vmax.f32 v26, v11  }
0x246: {  	[tilespmem:v25+s11+$0x0] =	vst.idx.msk $0xffff, v11  }
0x247: {  	v11 =	vld [tilespmem:s14+$0x2B0]  }
0x248: {  	v28 =	vld.idx.msk [tilespmem:v27+s11+$0x0], $0xffff;
	_ =	sdelay $0x2  }
0x249: {  	v29 =	vor.u32 v6, v13;
	_ =	sdelay $0x1  }
0x24a: {  	v11 =	vmax.f32 v28, v11  }
0x24b: {  	[tilespmem:v27+s11+$0x0] =	vst.idx.msk $0xffff, v11  }
0x24c: {  	v11 =	vld [tilespmem:s14+$0x2C0]  }
0x24d: {  	v30 =	vld.idx.msk [tilespmem:v29+s11+$0x0], $0xffff;
	_ =	sdelay $0x2  }
0x24e: {  	v31 =	vor.u32 v7, v13;
	_ =	sdelay $0x1  }
0x24f: {  	v11 =	vmax.f32 v30, v11  }
0x250: {  	[tilespmem:v29+s11+$0x0] =	vst.idx.msk $0xffff, v11  }
0x251: {  	v11 =	vld [tilespmem:s14+$0x2D0]  }
0x252: {  	v32 =	vld.idx.msk [tilespmem:v31+s11+$0x0], $0xffff;
	_ =	sdelay $0x2  }
0x253: {  	v33 =	vor.u32 v8, v13;
	_ =	sdelay $0x1  }
0x254: {  	v11 =	vmax.f32 v32, v11  }
0x255: {  	[tilespmem:v31+s11+$0x0] =	vst.idx.msk $0xffff, v11  }
0x256: {  	v11 =	vld [tilespmem:s14+$0x2E0]  }
0x257: {  	v34 =	vld.idx.msk [tilespmem:v33+s11+$0x0], $0xffff;
	_ =	sdelay $0x2  }
0x258: {  	v13 =	vor.u32 v9, v13;
	_ =	sdelay $0x1  }
0x259: {  	v35 =	vbroadcast v10, $0xE;
	v11 =	vmax.f32 v34, v11  }
0x25a: {  	[tilespmem:v33+s11+$0x0] =	vst.idx.msk $0xffff, v11  }
0x25b: {  	v12 =	vshrl.u32 v35, $0x7;
	v11 =	vld [tilespmem:s14+$0x2F0]  }
0x25c: {  	v12 =	vshll.u32 v12, v2;
	v14 =	vld.idx.msk [tilespmem:v13+s11+$0x0], $0xffff  }
0x25d: {  	v12 =	vbroadcast v12, $0x0;
	_ =	sdelay $0x1  }
0x25e: {  	v36 =	vor.u32 v0, v12;
	_ =	sdelay $0x1  }
0x25f: {  	v11 =	vmax.f32 v14, v11  }
0x260: {  	[tilespmem:v13+s11+$0x0] =	vst.idx.msk $0xffff, v11  }
0x261: {  	v11 =	vld [tilespmem:s14+$0x300]  }
0x262: {  	v13 =	vld.idx.msk [tilespmem:v36+s11+$0x0], $0xffff;
	_ =	sdelay $0x2  }
0x263: {  	v37 =	vor.u32 v3, v12;
	_ =	sdelay $0x1  }
0x264: {  	v11 =	vmax.f32 v13, v11  }
0x265: {  	[tilespmem:v36+s11+$0x0] =	vst.idx.msk $0xffff, v11  }
0x266: {  	v11 =	vld [tilespmem:s14+$0x310]  }
0x267: {  	v38 =	vld.idx.msk [tilespmem:v37+s11+$0x0], $0xffff;
	_ =	sdelay $0x2  }
0x268: {  	v39 =	vor.u32 v4, v12;
	_ =	sdelay $0x1  }
0x269: {  	v11 =	vmax.f32 v38, v11  }
0x26a: {  	[tilespmem:v37+s11+$0x0] =	vst.idx.msk $0xffff, v11  }
0x26b: {  	v11 =	vld [tilespmem:s14+$0x320]  }
0x26c: {  	v40 =	vld.idx.msk [tilespmem:v39+s11+$0x0], $0xffff;
	_ =	sdelay $0x2  }
0x26d: {  	v41 =	vor.u32 v5, v12;
	_ =	sdelay $0x1  }
0x26e: {  	v11 =	vmax.f32 v40, v11  }
0x26f: {  	[tilespmem:v39+s11+$0x0] =	vst.idx.msk $0xffff, v11  }
0x270: {  	v11 =	vld [tilespmem:s14+$0x330]  }
0x271: {  	v42 =	vld.idx.msk [tilespmem:v41+s11+$0x0], $0xffff;
	_ =	sdelay $0x2  }
0x272: {  	v43 =	vor.u32 v6, v12;
	_ =	sdelay $0x1  }
0x273: {  	v11 =	vmax.f32 v42, v11  }
0x274: {  	[tilespmem:v41+s11+$0x0] =	vst.idx.msk $0xffff, v11  }
0x275: {  	v11 =	vld [tilespmem:s14+$0x340]  }
0x276: {  	v44 =	vld.idx.msk [tilespmem:v43+s11+$0x0], $0xffff;
	_ =	sdelay $0x2  }
0x277: {  	v45 =	vor.u32 v7, v12;
	_ =	sdelay $0x1  }
0x278: {  	v11 =	vmax.f32 v44, v11  }
0x279: {  	[tilespmem:v43+s11+$0x0] =	vst.idx.msk $0xffff, v11  }
0x27a: {  	v11 =	vld [tilespmem:s14+$0x350]  }
0x27b: {  	v46 =	vld.idx.msk [tilespmem:v45+s11+$0x0], $0xffff;
	_ =	sdelay $0x2  }
0x27c: {  	v47 =	vor.u32 v8, v12;
	_ =	sdelay $0x1  }
0x27d: {  	v11 =	vmax.f32 v46, v11  }
0x27e: {  	[tilespmem:v45+s11+$0x0] =	vst.idx.msk $0xffff, v11  }
0x27f: {  	v11 =	vld [tilespmem:s14+$0x360]  }
0x280: {  	v48 =	vld.idx.msk [tilespmem:v47+s11+$0x0], $0xffff;
	_ =	sdelay $0x2  }
0x281: {  	v12 =	vor.u32 v9, v12;
	_ =	sdelay $0x1  }
0x282: {  	v10 =	vbroadcast v10, $0xF;
	v11 =	vmax.f32 v48, v11  }
0x283: {  	[tilespmem:v47+s11+$0x0] =	vst.idx.msk $0xffff, v11  }
0x284: {  	v10 =	vshrl.u32 v10, $0x7;
	v11 =	vld [tilespmem:s14+$0x370]  }
0x285: {  	v10 =	vshll.u32 v10, v2;
	v49 =	vld.idx.msk [tilespmem:v12+s11+$0x0], $0xffff  }
0x286: {  	v10 =	vbroadcast v10, $0x0;
	_ =	sdelay $0x1  }
0x287: {  	v50 =	vor.u32 v0, v10;
	_ =	sdelay $0x1  }
0x288: {  	v11 =	vmax.f32 v49, v11  }
0x289: {  	[tilespmem:v12+s11+$0x0] =	vst.idx.msk $0xffff, v11  }
0x28a: {  	v11 =	vld [tilespmem:s14+$0x380]  }
0x28b: {  	v12 =	vld.idx.msk [tilespmem:v50+s11+$0x0], $0xffff;
	_ =	sdelay $0x2  }
0x28c: {  	v51 =	vor.u32 v3, v10;
	_ =	sdelay $0x1  }
0x28d: {  	v11 =	vmax.f32 v12, v11  }
0x28e: {  	[tilespmem:v50+s11+$0x0] =	vst.idx.msk $0xffff, v11  }
0x28f: {  	v11 =	vld [tilespmem:s14+$0x390]  }
0x290: {  	v52 =	vld.idx.msk [tilespmem:v51+s11+$0x0], $0xffff;
	_ =	sdelay $0x2  }
0x291: {  	v53 =	vor.u32 v4, v10;
	_ =	sdelay $0x1  }
0x292: {  	v11 =	vmax.f32 v52, v11  }
0x293: {  	[tilespmem:v51+s11+$0x0] =	vst.idx.msk $0xffff, v11  }
0x294: {  	v11 =	vld [tilespmem:s14+$0x3A0]  }
0x295: {  	v54 =	vld.idx.msk [tilespmem:v53+s11+$0x0], $0xffff;
	_ =	sdelay $0x2  }
0x296: {  	v55 =	vor.u32 v5, v10;
	_ =	sdelay $0x1  }
0x297: {  	v11 =	vmax.f32 v54, v11  }
0x298: {  	[tilespmem:v53+s11+$0x0] =	vst.idx.msk $0xffff, v11  }
0x299: {  	v11 =	vld [tilespmem:s14+$0x3B0]  }
0x29a: {  	v56 =	vld.idx.msk [tilespmem:v55+s11+$0x0], $0xffff;
	_ =	sdelay $0x2  }
0x29b: {  	v57 =	vor.u32 v6, v10;
	_ =	sdelay $0x1  }
0x29c: {  	v11 =	vmax.f32 v56, v11  }
0x29d: {  	[tilespmem:v55+s11+$0x0] =	vst.idx.msk $0xffff, v11  }
0x29e: {  	v11 =	vld [tilespmem:s14+$0x3C0]  }
0x29f: {  	v58 =	vld.idx.msk [tilespmem:v57+s11+$0x0], $0xffff;
	_ =	sdelay $0x2  }
0x2a0: {  	v59 =	vor.u32 v7, v10;
	_ =	sdelay $0x1  }
0x2a1: {  	v11 =	vmax.f32 v58, v11  }
0x2a2: {  	[tilespmem:v57+s11+$0x0] =	vst.idx.msk $0xffff, v11  }
0x2a3: {  	v11 =	vld [tilespmem:s14+$0x3D0]  }
0x2a4: {  	v60 =	vld.idx.msk [tilespmem:v59+s11+$0x0], $0xffff;
	_ =	sdelay $0x2  }
0x2a5: {  	v61 =	vor.u32 v8, v10;
	_ =	sdelay $0x1  }
0x2a6: {  	v11 =	vmax.f32 v60, v11  }
0x2a7: {  	[tilespmem:v59+s11+$0x0] =	vst.idx.msk $0xffff, v11  }
0x2a8: {  	v11 =	vld [tilespmem:s14+$0x3E0]  }
0x2a9: {  	v62 =	vld.idx.msk [tilespmem:v61+s11+$0x0], $0xffff;
	_ =	sdelay $0x2  }
0x2aa: {  	v10 =	vor.u32 v9, v10;
	_ =	sdelay $0x1  }
0x2ab: {  	v11 =	vmax.f32 v62, v11  }
0x2ac: {  	[tilespmem:v61+s11+$0x0] =	vst.idx.msk $0xffff, v11  }
0x2ad: {  	v11 =	vld [tilespmem:s14+$0x3F0]  }
0x2ae: {  	v63 =	vld.idx.msk [tilespmem:v10+s11+$0x0], $0xffff  }
0x2af: {  	p0 =	sne.s32 s13, $0x4C0  }
.Ltmp1:
0x2b0: {  	_ = 	snop;
	(pc) =	sbr.rel @p0 .LBB2_4-.Ltmp1, $3  }
0x2b1: {  	_ =	sdelay $0x1  }
0x2b2: {  	v11 =	vmax.f32 v63, v11  }
0x2b3: {  	s13 =	sadd.s32 $0x40, s13;
	s14 =	sadd.s32 $0x800, s14;
	[tilespmem:v10+s11+$0x0] =	vst.idx.msk $0xffff, v11  }
0x2b4: {  	s12 =	sadd.s32 $0x1, s12  }
0x2b5: {  	p0 =	sne.s32 s12, s6  }
.Ltmp2:
0x2b6: {  	_ = 	snop;
	(pc) =	sbr.rel @p0 .LBB2_1-.Ltmp2, $4  }
0x2b7: {  	[hbm4b:s5+s8] =	stream.strided.scatter [tilespmem:s11], [sflag:$0x1], $0x2000, s9, s8, $0x38;
	[tilespmem:$0xC180] =	vst v63  }
0x2b8: {  	_ =	swait.ge [sflag:s7], $0x2000  }
0x2b9: {  	[sflag:s7] =	ssyncset.done $0x0  }
0x2ba: {  	[sflag:s7] =	ssyncadd.s32 $0xFFFFE000  }
0x2bb: {  	_ =	sfence.sel $0x180000  }
0x2bc: {  	[bflag:$0x0] =	sbarrier.arrive $0xFFFF  }
0x2bd: {  	p0 =	sne.s32 s1, $0x0;
	_ =	strace $0x90000056  }
0x2be: {  	s0 =	sadd.s32 @!p0 $0x100000, s0;
	[bflag:$0x2] =	sbarrier.arrive $0xFFFF  }
0x2bf: {  	[sflag:s0] =	ssyncadd.tile.s32 @!p0 $0x1;
	_ =	shalt  }
.Lfunc_end2:
_tile_overlayer_lowered:
.L_overlay_start_2:
0x2c0: {  	(tag) =	ssettag $0x2  }
0x2c1: {  	s0 =	rddreg [dreg:$0x0];
	s2 =	stileid.u32  }
0x2c2: {  	s1 =	rddreg [dreg:$0x1];
	p0 =	sne.s32 s2, $0x0  }
0x2c3: {  	s3 =	rddreg [dreg:$0x2];
	[bflag:$0x3] =	sbarrier.arrive $0xFFFF;
	s2 =	simm.s32 @!p0 $0x1C01  }
0x2c4: {  	[timem:s3], [sflag:s2] =	dma.local @!p0 [hbm:s0], s1  }
0x2c5: {  	s0 =	simm.s32 @!p0 $0x1  }
0x2c6: {  	_ =	swait.ge @!p0 [sflag:s0], s1  }
0x2c7: {  	s1 =	ssub.s32 @!p0 $0x0, s1;
	[sflag:s0] =	ssyncset.done @!p0 $0x0  }
0x2c8: {  	[sflag:s0] =	ssyncadd.s32 @!p0 s1  }
0x2c9: {  	[bflag:$0x3] =	sbarrier.arrive $0xFFFF  }
0x2ca: {  	_ =	shalt  }

</sc_bundles>
